<compile_context>
chip_gen: v7x
topology: tpu7x:2x2x1
jax: 0.10.2.dev20260603
libtpu: 0.0.44.dev20260713+nightly
codegen_flags: <defaults>
</compile_context>

<pallas_src>
import functools

import jax
import jax.numpy as jnp
from jax import lax
from jax.experimental import pallas as pl
from jax.experimental.pallas import tpu as pltpu
from jax.experimental.pallas import tpu_sc as plsc

N = 10000
E = 320000
D = 128
H = 16
C = 2
G = 64

NC = 2
NS = 16
NW = NC * NS
CHUNK = 128
NCHUNKS = E // CHUNK
KMAIN = NCHUNKS // NW
EXTRA = NCHUNKS - KMAIN * NW
NB = 6
NBUF = 2 * NB
ROWS_PT = 632
N_PAD = NS * ROWS_PT
NPK = N // 8
NPK_PAD = N_PAD // 8


def _sc_scatter_body(p_hbm, ei_hbm, out_hbm,
                     src_v, dst_v, rows_v, zbuf_v, agg_sh,
                     sem_i, sem_g, sem_s):
  c = lax.axis_index("c")
  s = lax.axis_index("s")
  w = c * NS + s
  base = w * KMAIN

  cp_src = pltpu.async_copy(ei_hbm.at[0, pl.ds(base, KMAIN)],
                            src_v.at[pl.ds(0, KMAIN)], sem_i)
  cp_dst = pltpu.async_copy(ei_hbm.at[1, pl.ds(base, KMAIN)],
                            dst_v.at[pl.ds(0, KMAIN)], sem_i)

  @pl.when(w < EXTRA)
  def _():
    pltpu.async_copy(ei_hbm.at[0, NW * KMAIN + w], src_v.at[KMAIN], sem_i)
    pltpu.async_copy(ei_hbm.at[1, NW * KMAIN + w], dst_v.at[KMAIN], sem_i)

  def zero_row(i, carry):
    zbuf_v[i] = jnp.zeros((16,), jnp.float32)
    return carry
  lax.fori_loop(0, ROWS_PT, zero_row, 0, unroll=8)
  pltpu.sync_copy(zbuf_v, agg_sh.at[pl.ds(s * ROWS_PT, ROWS_PT)])
  cp_src.wait()
  cp_dst.wait()

  @pl.when(w < EXTRA)
  def _():
    pltpu.make_async_copy(ei_hbm.at[0, NW * KMAIN + w], src_v.at[KMAIN],
                          sem_i).wait()
    pltpu.make_async_copy(ei_hbm.at[1, NW * KMAIN + w], dst_v.at[KMAIN],
                          sem_i).wait()
  plsc.subcore_barrier()

  def start_gather(j, b):
    pltpu.async_copy(p_hbm.at[src_v.at[j]], rows_v.at[b], sem_g.at[b])

  def wait_gather(j, b):
    pltpu.make_async_copy(p_hbm.at[src_v.at[j]], rows_v.at[b],
                          sem_g.at[b]).wait()

  def start_scatter(j, b):
    pltpu.async_copy(rows_v.at[b], agg_sh.at[dst_v.at[j]], sem_s.at[b],
                     add=True)

  def wait_scatter(j, b):
    pltpu.make_async_copy(rows_v.at[b], agg_sh.at[dst_v.at[j]],
                          sem_s.at[b]).wait()

  for b in range(NB):
    start_gather(b, b)

  def body(j, carry):
    b = j % NBUF
    wait_gather(j, b)
    start_scatter(j, b)

    @pl.when(j + NB < KMAIN)
    def _():
      b2 = (j + NB) % NBUF

      @pl.when(j + NB >= NBUF)
      def _():
        wait_scatter(j + NB - NBUF, b2)
      start_gather(j + NB, b2)
    return carry
  lax.fori_loop(0, KMAIN, body, 0)

  for d in range(NBUF):
    j = KMAIN - NBUF + d
    wait_scatter(j, j % NBUF)

  @pl.when(w < EXTRA)
  def _():
    pltpu.async_copy(p_hbm.at[src_v.at[KMAIN]], rows_v.at[0],
                     sem_g.at[0]).wait()
    pltpu.async_copy(rows_v.at[0], agg_sh.at[dst_v.at[KMAIN]],
                     sem_s.at[0], add=True).wait()
  plsc.subcore_barrier()

  pltpu.sync_copy(agg_sh.at[pl.ds(s * ROWS_PT, ROWS_PT)],
                  out_hbm.at[c, pl.ds(s * ROWS_PT, ROWS_PT)])


_sc_scatter = functools.partial(
    pl.kernel,
    out_type=jax.ShapeDtypeStruct((NC, N_PAD, H), jnp.float32),
    mesh=plsc.VectorSubcoreMesh(core_axis_name="c", subcore_axis_name="s",
                                num_cores=NC, num_subcores=NS),
    compiler_params=pltpu.CompilerParams(use_tc_tiling_on_sc=False),
    scratch_types=[
        pltpu.VMEM((KMAIN + 1, CHUNK), jnp.int32),
        pltpu.VMEM((KMAIN + 1, CHUNK), jnp.int32),
        pltpu.VMEM((NBUF, CHUNK, H), jnp.float32),
        pltpu.VMEM((ROWS_PT, H), jnp.float32),
        pltpu.VMEM_SHARED((N_PAD, H), jnp.float32),
        pltpu.SemaphoreType.DMA,
        pltpu.SemaphoreType.DMA((NBUF,)),
        pltpu.SemaphoreType.DMA((NBUF,)),
    ],
)(_sc_scatter_body)


_HI = lax.Precision.HIGHEST


def _proj1_body(xp_ref, ka_ref, kb_ref, p_ref, r_ref):
  xp = xp_ref[...]
  p = jnp.dot(xp, ka_ref[...], preferred_element_type=jnp.float32)
  r = jnp.dot(xp, kb_ref[...], preferred_element_type=jnp.float32)
  zpad = jnp.zeros((NPK_PAD - NPK, 128), jnp.float32)
  p_ref[...] = jnp.concatenate([p, zpad])
  r_ref[...] = jnp.concatenate([r, zpad])


def _proj1(xp, ka, kb):
  return pl.pallas_call(
      _proj1_body,
      out_shape=(jax.ShapeDtypeStruct((NPK_PAD, 128), jnp.float32),
                 jax.ShapeDtypeStruct((NPK_PAD, 128), jnp.float32)),
  )(xp, ka, kb)


def _fuse_body(agg_ref, r_ref, b_ref, ka_ref, kb_ref, p_ref, r2_ref):
  tot = agg_ref[0] + agg_ref[1] + r_ref[...] + b_ref[...]
  h = jnp.where(tot >= 0, tot, 0.01 * tot)
  p_ref[...] = jnp.dot(h, ka_ref[...], preferred_element_type=jnp.float32)
  r2_ref[...] = jnp.dot(h, kb_ref[...], preferred_element_type=jnp.float32)


def _fuse(agg, r, b, ka, kb):
  return pl.pallas_call(
      _fuse_body,
      out_shape=(jax.ShapeDtypeStruct((NPK_PAD, 128), jnp.float32),
                 jax.ShapeDtypeStruct((NPK_PAD, 128), jnp.float32)),
  )(agg, r, b, ka, kb)


def _final_body(agg_ref, r_ref, b_ref, batchT_ref, wcT_ref, bc_ref,
                out_ref):
  h3 = agg_ref[0] + agg_ref[1] + r_ref[...] + b_ref[...]
  h3r = h3[:NPK, :]
  segs = lax.broadcasted_iota(jnp.int32, (G, NPK), 0)
  pooled = jnp.zeros((G, H), jnp.float32)
  for k in range(8):
    onehot_k = (batchT_ref[k:k + 1, :] == segs).astype(jnp.float32)
    dk = lax.dot_general(onehot_k, h3r, (((1,), (0,)), ((), ())),
                         preferred_element_type=jnp.float32, precision=_HI)
    pooled = pooled + dk[:, 16 * k:16 * (k + 1)]
  out_ref[...] = jnp.dot(pooled, wcT_ref[...],
                         preferred_element_type=jnp.float32) + bc_ref[...]


def _final(agg, r, b, batchT, wcT, bc):
  return pl.pallas_call(
      _final_body,
      out_shape=jax.ShapeDtypeStruct((G, C), jnp.float32),
  )(agg, r, b, batchT, wcT, bc)


def kernel(x, edge_index, batch, Wrel1, brel1, Wroot1, Wrel2, brel2, Wroot2,
           Wrel3, brel3, Wroot3, Wc, bc):
  ei3 = edge_index.reshape(2, NCHUNKS, CHUNK)
  xp = x.reshape(NPK, 8 * D)

  eye8 = jnp.eye(8, dtype=jnp.float32)
  k1a = jnp.kron(eye8, Wrel1.T)
  k1b = jnp.kron(eye8, Wroot1.T)
  k2a = jnp.kron(eye8, Wrel2.T)
  k2b = jnp.kron(eye8, Wroot2.T)
  k3a = jnp.kron(eye8, Wrel3.T)
  k3b = jnp.kron(eye8, Wroot3.T)
  b1t = jnp.tile(brel1, 8).reshape(1, 128)
  b2t = jnp.tile(brel2, 8).reshape(1, 128)
  b3t = jnp.tile(brel3, 8).reshape(1, 128)
  batchT = batch.reshape(NPK, 8).T
  bc2 = bc.reshape(1, C)

  p1, r1 = _proj1(xp, k1a, k1b)
  agg1 = _sc_scatter(p1.reshape(N_PAD, H), ei3)
  p2, r2 = _fuse(agg1.reshape(NC, NPK_PAD, 128), r1, b1t, k2a, k2b)
  agg2 = _sc_scatter(p2.reshape(N_PAD, H), ei3)
  p3, r3 = _fuse(agg2.reshape(NC, NPK_PAD, 128), r2, b2t, k3a, k3b)
  agg3 = _sc_scatter(p3.reshape(N_PAD, H), ei3)
  return _final(agg3.reshape(NC, NPK_PAD, 128), r3, b3t, batchT, Wc.T, bc2)

# --- scband reference (transcript-rebuilt; emitter-appended) ---
"""Pipeline reference for scband-hetero-gcn-75505525064540 (READ-ONLY COPY).

The authoritative reference and input builder live on the scoring server;
editing this copy changes nothing except your own understanding.
"""

import jax, jax.numpy as jnp
import numpy as np

N = 10000
E = 320000
D = 128
H = 16
C = 2
G = 64


def setup_inputs(seed: int = 0) -> dict:
    key = jax.random.key(seed)
    ks = jax.random.split(key, 16)
    x = jax.random.normal(ks[0], (N, D), dtype=jnp.float32)
    edge_index = jax.random.randint(ks[1], (2, E), 0, N, dtype=jnp.int32)
    batch = jnp.sort(jax.random.randint(ks[2], (N,), 0, G, dtype=jnp.int32))
    # GraphConv params: lin_rel (Linear with bias), lin_root (Linear without bias)
    Wrel1 = jax.random.normal(ks[3], (H, D), dtype=jnp.float32) / np.sqrt(D)
    brel1 = jnp.zeros((H,), dtype=jnp.float32)
    Wroot1 = jax.random.normal(ks[4], (H, D), dtype=jnp.float32) / np.sqrt(D)
    Wrel2 = jax.random.normal(ks[5], (H, H), dtype=jnp.float32) / np.sqrt(H)
    brel2 = jnp.zeros((H,), dtype=jnp.float32)
    Wroot2 = jax.random.normal(ks[6], (H, H), dtype=jnp.float32) / np.sqrt(H)
    Wrel3 = jax.random.normal(ks[7], (H, H), dtype=jnp.float32) / np.sqrt(H)
    brel3 = jnp.zeros((H,), dtype=jnp.float32)
    Wroot3 = jax.random.normal(ks[8], (H, H), dtype=jnp.float32) / np.sqrt(H)
    Wc = jax.random.normal(ks[9], (C, H), dtype=jnp.float32) / np.sqrt(H)
    bc = jnp.zeros((C,), dtype=jnp.float32)
    return {
        "x": x, "edge_index": edge_index, "batch": batch,
        "Wrel1": Wrel1, "brel1": brel1, "Wroot1": Wroot1,
        "Wrel2": Wrel2, "brel2": brel2, "Wroot2": Wroot2,
        "Wrel3": Wrel3, "brel3": brel3, "Wroot3": Wroot3,
        "Wc": Wc, "bc": bc,
    }


def reference(x, edge_index, batch, Wrel1, brel1, Wroot1, Wrel2, brel2, Wroot2, Wrel3, brel3, Wroot3, Wc, bc):
    src = edge_index[0]
    dst = edge_index[1]

    def graph_conv(h, Wrel, brel, Wroot):
        # PyG GraphConv (aggr='add'): out = lin_rel(sum_{j in N(i)} x_j) + lin_root(x_i)
        msg = h[src]  # gather source node features
        agg = jax.ops.segment_sum(msg, dst, num_segments=N)  # scatter-add to dst
        return agg @ Wrel.T + brel + h @ Wroot.T

    h = graph_conv(x, Wrel1, brel1, Wroot1)
    h = jax.nn.leaky_relu(h, negative_slope=0.01)
    h = graph_conv(h, Wrel2, brel2, Wroot2)
    h = jax.nn.leaky_relu(h, negative_slope=0.01)
    h = graph_conv(h, Wrel3, brel3, Wroot3)
    # dropout with training=False is identity (eval mode)
    pooled = jax.ops.segment_sum(h, batch, num_segments=G)  # SumAggregation per graph
    out = pooled @ Wc.T + bc
    return out

if __name__ == "__main__":
    import jax
    _d = setup_inputs()
    print(jax.jit(kernel)(*tuple(_d.values())))

</pallas_src>

<mosaic_0001>
#map = affine_map<(d0, d1) -> (0, 0)>
#map1 = affine_map<(d0, d1) -> (0, 0, 0)>
module attributes {stable_mosaic.version = 14 : i64} {
  func.func @_sc_scatter_body(%arg0: i32, %arg1: i32, %arg2: memref<10112x16xf32, #tpu.memory_space<hbm>>, %arg3: memref<2x2500x128xi32, #tpu.memory_space<hbm>>, %arg4: memref<2x10112x16xf32, #tpu.memory_space<hbm>>, %arg5: memref<79x128xi32, #tpu.memory_space<vmem>>, %arg6: memref<79x128xi32, #tpu.memory_space<vmem>>, %arg7: memref<12x128x16xf32, #tpu.memory_space<vmem>>, %arg8: memref<632x16xf32, #tpu.memory_space<vmem>>, %arg9: memref<10112x16xf32, #tpu.memory_space<vmem_shared>>, %arg10: memref<!tpu.dma_semaphore, #tpu.memory_space<semaphore_mem>>, %arg11: memref<12x!tpu.dma_semaphore, #tpu.memory_space<semaphore_mem>>, %arg12: memref<12x!tpu.dma_semaphore, #tpu.memory_space<semaphore_mem>>) attributes {dimension_semantics = [#tpu.dimension_semantics<core_parallel>, #tpu.dimension_semantics<subcore_parallel>], iteration_bounds = array<i64: 2, 16>, scalar_prefetch = 0 : i64, scratch_operands = 8 : i64, tpu.core_type = #tpu.core_type<sc_vector_subcore>, window_params = [{transform_indices = #map}, {transform_indices = #map1}, {transform_indices = #map1}]} {
    %mul3A = arith.constant 16 : i32
    %mul3A_0 = arith.muli %arg0, %mul3A : i32
    %add3A = arith.addi %mul3A_0, %arg1 : i32
    %mul3A_1 = arith.constant 78 : i32
    %mul3A_2 = arith.muli %add3A, %mul3A_1 : i32
    %dma_start3A = arith.constant 0 : i32
    %dma_start3A_3 = arith.constant 0 : i32
    %dma_start3A_4 = arith.constant 0 : i32
    %dma_start3A_5 = tpu.memref_slice %arg5[%dma_start3A_3, %dma_start3A_4] : memref<79x128xi32, #tpu.memory_space<vmem>> -> memref<78x128xi32, #tpu.memory_space<vmem>>
    %dma_start3A_6 = arith.constant 0 : i32
    %dma_start3A_7 = tpu.memref_slice %arg3[%dma_start3A, %mul3A_2, %dma_start3A_6] : memref<2x2500x128xi32, #tpu.memory_space<hbm>> -> memref<1x78x128xi32, #tpu.memory_space<hbm>>
    %dma_start3A_8 = tpu.memref_squeeze %dma_start3A_7 : memref<1x78x128xi32, #tpu.memory_space<hbm>> -> memref<78x128xi32, #tpu.memory_space<hbm>>
    %dma_start3A_9 = arith.constant 0 : i32
    %dma_start3A_10 = arith.constant 0 : i32
    %dma_start3A_11 = tpu.memref_slice %arg5[%dma_start3A_9, %dma_start3A_10] : memref<79x128xi32, #tpu.memory_space<vmem>> -> memref<78x128xi32, #tpu.memory_space<vmem>>
    %dma_start3A_12 = arith.constant 0 : i32
    %dma_start3A_13 = tpu.memref_slice %arg3[%dma_start3A, %mul3A_2, %dma_start3A_12] : memref<2x2500x128xi32, #tpu.memory_space<hbm>> -> memref<1x78x128xi32, #tpu.memory_space<hbm>>
    %dma_start3A_14 = tpu.memref_squeeze %dma_start3A_13 : memref<1x78x128xi32, #tpu.memory_space<hbm>> -> memref<78x128xi32, #tpu.memory_space<hbm>>
    tpu.enqueue_dma source(%dma_start3A_14 : memref<78x128xi32, #tpu.memory_space<hbm>>) target(%dma_start3A_11 : memref<78x128xi32, #tpu.memory_space<vmem>>) target_semaphore(%arg10 : memref<!tpu.dma_semaphore, #tpu.memory_space<semaphore_mem>>)
    %dma_start3A_15 = arith.constant 1 : i32
    %dma_start3A_16 = arith.constant 0 : i32
    %dma_start3A_17 = arith.constant 0 : i32
    %dma_start3A_18 = tpu.memref_slice %arg6[%dma_start3A_16, %dma_start3A_17] : memref<79x128xi32, #tpu.memory_space<vmem>> -> memref<78x128xi32, #tpu.memory_space<vmem>>
    %dma_start3A_19 = arith.constant 0 : i32
    %dma_start3A_20 = tpu.memref_slice %arg3[%dma_start3A_15, %mul3A_2, %dma_start3A_19] : memref<2x2500x128xi32, #tpu.memory_space<hbm>> -> memref<1x78x128xi32, #tpu.memory_space<hbm>>
    %dma_start3A_21 = tpu.memref_squeeze %dma_start3A_20 : memref<1x78x128xi32, #tpu.memory_space<hbm>> -> memref<78x128xi32, #tpu.memory_space<hbm>>
    %dma_start3A_22 = arith.constant 0 : i32
    %dma_start3A_23 = arith.constant 0 : i32
    %dma_start3A_24 = tpu.memref_slice %arg6[%dma_start3A_22, %dma_start3A_23] : memref<79x128xi32, #tpu.memory_space<vmem>> -> memref<78x128xi32, #tpu.memory_space<vmem>>
    %dma_start3A_25 = arith.constant 0 : i32
    %dma_start3A_26 = tpu.memref_slice %arg3[%dma_start3A_15, %mul3A_2, %dma_start3A_25] : memref<2x2500x128xi32, #tpu.memory_space<hbm>> -> memref<1x78x128xi32, #tpu.memory_space<hbm>>
    %dma_start3A_27 = tpu.memref_squeeze %dma_start3A_26 : memref<1x78x128xi32, #tpu.memory_space<hbm>> -> memref<78x128xi32, #tpu.memory_space<hbm>>
    tpu.enqueue_dma source(%dma_start3A_27 : memref<78x128xi32, #tpu.memory_space<hbm>>) target(%dma_start3A_24 : memref<78x128xi32, #tpu.memory_space<vmem>>) target_semaphore(%arg10 : memref<!tpu.dma_semaphore, #tpu.memory_space<semaphore_mem>>)
    %lt3A = arith.constant 4 : i32
    %lt3A_28 = arith.cmpi slt, %add3A, %lt3A : i32
    %convert_element_type3A = arith.extui %lt3A_28 : i1 to i32
    %cond3A = arith.constant 0 : i32
    %cond3A_29 = arith.cmpi ne, %convert_element_type3A, %cond3A : i32
    scf.if %cond3A_29 {
      %add3A_353 = arith.constant 2496 : i32
      %add3A_354 = arith.addi %add3A_353, %add3A : i32
      %dma_start3A_355 = arith.constant 0 : i32
      %dma_start3A_356 = arith.constant 78 : i32
      %dma_start3A_357 = arith.constant 0 : i32
      %dma_start3A_358 = tpu.memref_slice %arg5[%dma_start3A_356, %dma_start3A_357] : memref<79x128xi32, #tpu.memory_space<vmem>> -> memref<1x128xi32, #tpu.memory_space<vmem>>
      %dma_start3A_359 = tpu.memref_squeeze %dma_start3A_358 : memref<1x128xi32, #tpu.memory_space<vmem>> -> memref<128xi32, #tpu.memory_space<vmem>>
      %dma_start3A_360 = arith.constant 0 : i32
      %dma_start3A_361 = tpu.memref_slice %arg3[%dma_start3A_355, %add3A_354, %dma_start3A_360] : memref<2x2500x128xi32, #tpu.memory_space<hbm>> -> memref<1x1x128xi32, #tpu.memory_space<hbm>>
      %dma_start3A_362 = tpu.memref_squeeze %dma_start3A_361 : memref<1x1x128xi32, #tpu.memory_space<hbm>> -> memref<128xi32, #tpu.memory_space<hbm>>
      %dma_start3A_363 = arith.constant 0 : i32
      %dma_start3A_364 = tpu.memref_slice %arg5[%dma_start3A_356, %dma_start3A_363] : memref<79x128xi32, #tpu.memory_space<vmem>> -> memref<1x128xi32, #tpu.memory_space<vmem>>
      %dma_start3A_365 = tpu.memref_squeeze %dma_start3A_364 : memref<1x128xi32, #tpu.memory_space<vmem>> -> memref<128xi32, #tpu.memory_space<vmem>>
      %dma_start3A_366 = arith.constant 0 : i32
      %dma_start3A_367 = tpu.memref_slice %arg3[%dma_start3A_355, %add3A_354, %dma_start3A_366] : memref<2x2500x128xi32, #tpu.memory_space<hbm>> -> memref<1x1x128xi32, #tpu.memory_space<hbm>>
      %dma_start3A_368 = tpu.memref_squeeze %dma_start3A_367 : memref<1x1x128xi32, #tpu.memory_space<hbm>> -> memref<128xi32, #tpu.memory_space<hbm>>
      tpu.enqueue_dma source(%dma_start3A_368 : memref<128xi32, #tpu.memory_space<hbm>>) target(%dma_start3A_365 : memref<128xi32, #tpu.memory_space<vmem>>) target_semaphore(%arg10 : memref<!tpu.dma_semaphore, #tpu.memory_space<semaphore_mem>>)
      %add3A_369 = arith.constant 2496 : i32
      %add3A_370 = arith.addi %add3A_369, %add3A : i32
      %dma_start3A_371 = arith.constant 1 : i32
      %dma_start3A_372 = arith.constant 78 : i32
      %dma_start3A_373 = arith.constant 0 : i32
      %dma_start3A_374 = tpu.memref_slice %arg6[%dma_start3A_372, %dma_start3A_373] : memref<79x128xi32, #tpu.memory_space<vmem>> -> memref<1x128xi32, #tpu.memory_space<vmem>>
      %dma_start3A_375 = tpu.memref_squeeze %dma_start3A_374 : memref<1x128xi32, #tpu.memory_space<vmem>> -> memref<128xi32, #tpu.memory_space<vmem>>
      %dma_start3A_376 = arith.constant 0 : i32
      %dma_start3A_377 = tpu.memref_slice %arg3[%dma_start3A_371, %add3A_370, %dma_start3A_376] : memref<2x2500x128xi32, #tpu.memory_space<hbm>> -> memref<1x1x128xi32, #tpu.memory_space<hbm>>
      %dma_start3A_378 = tpu.memref_squeeze %dma_start3A_377 : memref<1x1x128xi32, #tpu.memory_space<hbm>> -> memref<128xi32, #tpu.memory_space<hbm>>
      %dma_start3A_379 = arith.constant 0 : i32
      %dma_start3A_380 = tpu.memref_slice %arg6[%dma_start3A_372, %dma_start3A_379] : memref<79x128xi32, #tpu.memory_space<vmem>> -> memref<1x128xi32, #tpu.memory_space<vmem>>
      %dma_start3A_381 = tpu.memref_squeeze %dma_start3A_380 : memref<1x128xi32, #tpu.memory_space<vmem>> -> memref<128xi32, #tpu.memory_space<vmem>>
      %dma_start3A_382 = arith.constant 0 : i32
      %dma_start3A_383 = tpu.memref_slice %arg3[%dma_start3A_371, %add3A_370, %dma_start3A_382] : memref<2x2500x128xi32, #tpu.memory_space<hbm>> -> memref<1x1x128xi32, #tpu.memory_space<hbm>>
      %dma_start3A_384 = tpu.memref_squeeze %dma_start3A_383 : memref<1x1x128xi32, #tpu.memory_space<hbm>> -> memref<128xi32, #tpu.memory_space<hbm>>
      tpu.enqueue_dma source(%dma_start3A_384 : memref<128xi32, #tpu.memory_space<hbm>>) target(%dma_start3A_381 : memref<128xi32, #tpu.memory_space<vmem>>) target_semaphore(%arg10 : memref<!tpu.dma_semaphore, #tpu.memory_space<semaphore_mem>>)
    } else {
    }
    %scan3A = arith.constant 0 : i32
    %scan3A_30 = arith.constant 0 : i32
    %scan3A_31 = arith.constant 632 : i32
    %scan3A_32 = arith.addi %scan3A_30, %scan3A_31 : i32
    %scan3A_33 = arith.constant 8 : i32
    scf.for %scan3A_353 = %scan3A_30 to %scan3A_32 step %scan3A_33  : i32 {
      %broadcast_in_dim3A = arith.constant 0.000000e+00 : f32
      %broadcast_in_dim3A_354 = vector.broadcast %broadcast_in_dim3A : f32 to vector<16xf32>
      %swap3A = arith.index_cast %scan3A_353 : i32 to index
      %swap3A_355 = arith.constant 0 : index
      %swap3A_356 = tpu.vector_load %arg8[%swap3A, %swap3A_355] {strides = array<i32>} : memref<632x16xf32, #tpu.memory_space<vmem>>, vector<1x16xf32>,
      %swap3A_357 = vector.shape_cast %swap3A_356 : vector<1x16xf32> to vector<16xf32>
      %swap3A_358 = vector.shape_cast %broadcast_in_dim3A_354 : vector<16xf32> to vector<1x16xf32>
      tpu.vector_store %arg8[%swap3A, %swap3A_355], %swap3A_358 {strides = array<i32>} : memref<632x16xf32, #tpu.memory_space<vmem>>, vector<1x16xf32>,
      %scan3A_359 = arith.constant 1 : i32
      %scan3A_360 = arith.addi %scan3A_353, %scan3A_359 : i32
      %broadcast_in_dim3A_361 = arith.constant 0.000000e+00 : f32
      %broadcast_in_dim3A_362 = vector.broadcast %broadcast_in_dim3A_361 : f32 to vector<16xf32>
      %swap3A_363 = arith.index_cast %scan3A_360 : i32 to index
      %swap3A_364 = arith.constant 0 : index
      %swap3A_365 = tpu.vector_load %arg8[%swap3A_363, %swap3A_364] {strides = array<i32>} : memref<632x16xf32, #tpu.memory_space<vmem>>, vector<1x16xf32>,
      %swap3A_366 = vector.shape_cast %swap3A_365 : vector<1x16xf32> to vector<16xf32>
      %swap3A_367 = vector.shape_cast %broadcast_in_dim3A_362 : vector<16xf32> to vector<1x16xf32>
      tpu.vector_store %arg8[%swap3A_363, %swap3A_364], %swap3A_367 {strides = array<i32>} : memref<632x16xf32, #tpu.memory_space<vmem>>, vector<1x16xf32>,
      %scan3A_368 = arith.constant 2 : i32
      %scan3A_369 = arith.addi %scan3A_353, %scan3A_368 : i32
      %broadcast_in_dim3A_370 = arith.constant 0.000000e+00 : f32
      %broadcast_in_dim3A_371 = vector.broadcast %broadcast_in_dim3A_370 : f32 to vector<16xf32>
      %swap3A_372 = arith.index_cast %scan3A_369 : i32 to index
      %swap3A_373 = arith.constant 0 : index
      %swap3A_374 = tpu.vector_load %arg8[%swap3A_372, %swap3A_373] {strides = array<i32>} : memref<632x16xf32, #tpu.memory_space<vmem>>, vector<1x16xf32>,
      %swap3A_375 = vector.shape_cast %swap3A_374 : vector<1x16xf32> to vector<16xf32>
      %swap3A_376 = vector.shape_cast %broadcast_in_dim3A_371 : vector<16xf32> to vector<1x16xf32>
      tpu.vector_store %arg8[%swap3A_372, %swap3A_373], %swap3A_376 {strides = array<i32>} : memref<632x16xf32, #tpu.memory_space<vmem>>, vector<1x16xf32>,
      %scan3A_377 = arith.constant 3 : i32
      %scan3A_378 = arith.addi %scan3A_353, %scan3A_377 : i32
      %broadcast_in_dim3A_379 = arith.constant 0.000000e+00 : f32
      %broadcast_in_dim3A_380 = vector.broadcast %broadcast_in_dim3A_379 : f32 to vector<16xf32>
      %swap3A_381 = arith.index_cast %scan3A_378 : i32 to index
      %swap3A_382 = arith.constant 0 : index
      %swap3A_383 = tpu.vector_load %arg8[%swap3A_381, %swap3A_382] {strides = array<i32>} : memref<632x16xf32, #tpu.memory_space<vmem>>, vector<1x16xf32>,
      %swap3A_384 = vector.shape_cast %swap3A_383 : vector<1x16xf32> to vector<16xf32>
      %swap3A_385 = vector.shape_cast %broadcast_in_dim3A_380 : vector<16xf32> to vector<1x16xf32>
      tpu.vector_store %arg8[%swap3A_381, %swap3A_382], %swap3A_385 {strides = array<i32>} : memref<632x16xf32, #tpu.memory_space<vmem>>, vector<1x16xf32>,
      %scan3A_386 = arith.constant 4 : i32
      %scan3A_387 = arith.addi %scan3A_353, %scan3A_386 : i32
      %broadcast_in_dim3A_388 = arith.constant 0.000000e+00 : f32
      %broadcast_in_dim3A_389 = vector.broadcast %broadcast_in_dim3A_388 : f32 to vector<16xf32>
      %swap3A_390 = arith.index_cast %scan3A_387 : i32 to index
      %swap3A_391 = arith.constant 0 : index
      %swap3A_392 = tpu.vector_load %arg8[%swap3A_390, %swap3A_391] {strides = array<i32>} : memref<632x16xf32, #tpu.memory_space<vmem>>, vector<1x16xf32>,
      %swap3A_393 = vector.shape_cast %swap3A_392 : vector<1x16xf32> to vector<16xf32>
      %swap3A_394 = vector.shape_cast %broadcast_in_dim3A_389 : vector<16xf32> to vector<1x16xf32>
      tpu.vector_store %arg8[%swap3A_390, %swap3A_391], %swap3A_394 {strides = array<i32>} : memref<632x16xf32, #tpu.memory_space<vmem>>, vector<1x16xf32>,
      %scan3A_395 = arith.constant 5 : i32
      %scan3A_396 = arith.addi %scan3A_353, %scan3A_395 : i32
      %broadcast_in_dim3A_397 = arith.constant 0.000000e+00 : f32
      %broadcast_in_dim3A_398 = vector.broadcast %broadcast_in_dim3A_397 : f32 to vector<16xf32>
      %swap3A_399 = arith.index_cast %scan3A_396 : i32 to index
      %swap3A_400 = arith.constant 0 : index
      %swap3A_401 = tpu.vector_load %arg8[%swap3A_399, %swap3A_400] {strides = array<i32>} : memref<632x16xf32, #tpu.memory_space<vmem>>, vector<1x16xf32>,
      %swap3A_402 = vector.shape_cast %swap3A_401 : vector<1x16xf32> to vector<16xf32>
      %swap3A_403 = vector.shape_cast %broadcast_in_dim3A_398 : vector<16xf32> to vector<1x16xf32>
      tpu.vector_store %arg8[%swap3A_399, %swap3A_400], %swap3A_403 {strides = array<i32>} : memref<632x16xf32, #tpu.memory_space<vmem>>, vector<1x16xf32>,
      %scan3A_404 = arith.constant 6 : i32
      %scan3A_405 = arith.addi %scan3A_353, %scan3A_404 : i32
      %broadcast_in_dim3A_406 = arith.constant 0.000000e+00 : f32
      %broadcast_in_dim3A_407 = vector.broadcast %broadcast_in_dim3A_406 : f32 to vector<16xf32>
      %swap3A_408 = arith.index_cast %scan3A_405 : i32 to index
      %swap3A_409 = arith.constant 0 : index
      %swap3A_410 = tpu.vector_load %arg8[%swap3A_408, %swap3A_409] {strides = array<i32>} : memref<632x16xf32, #tpu.memory_space<vmem>>, vector<1x16xf32>,
      %swap3A_411 = vector.shape_cast %swap3A_410 : vector<1x16xf32> to vector<16xf32>
      %swap3A_412 = vector.shape_cast %broadcast_in_dim3A_407 : vector<16xf32> to vector<1x16xf32>
      tpu.vector_store %arg8[%swap3A_408, %swap3A_409], %swap3A_412 {strides = array<i32>} : memref<632x16xf32, #tpu.memory_space<vmem>>, vector<1x16xf32>,
      %scan3A_413 = arith.constant 7 : i32
      %scan3A_414 = arith.addi %scan3A_353, %scan3A_413 : i32
      %broadcast_in_dim3A_415 = arith.constant 0.000000e+00 : f32
      %broadcast_in_dim3A_416 = vector.broadcast %broadcast_in_dim3A_415 : f32 to vector<16xf32>
      %swap3A_417 = arith.index_cast %scan3A_414 : i32 to index
      %swap3A_418 = arith.constant 0 : index
      %swap3A_419 = tpu.vector_load %arg8[%swap3A_417, %swap3A_418] {strides = array<i32>} : memref<632x16xf32, #tpu.memory_space<vmem>>, vector<1x16xf32>,
      %swap3A_420 = vector.shape_cast %swap3A_419 : vector<1x16xf32> to vector<16xf32>
      %swap3A_421 = vector.shape_cast %broadcast_in_dim3A_416 : vector<16xf32> to vector<1x16xf32>
      tpu.vector_store %arg8[%swap3A_417, %swap3A_418], %swap3A_421 {strides = array<i32>} : memref<632x16xf32, #tpu.memory_space<vmem>>, vector<1x16xf32>,
    }
    %scan3A_34 = arith.constant 632 : i32
    %mul3A_35 = arith.constant 632 : i32
    %mul3A_36 = arith.muli %arg1, %mul3A_35 : i32
    "tpu.region"() ({
      %run_scoped3A = tpu.sem_alloc : memref<!tpu.dma_semaphore, #tpu.memory_space<semaphore_mem>>
      %dma_start3A_353 = arith.constant 0 : i32
      %dma_start3A_354 = tpu.memref_slice %arg9[%mul3A_36, %dma_start3A_353] : memref<10112x16xf32, #tpu.memory_space<vmem_shared>> -> memref<632x16xf32, #tpu.memory_space<vmem_shared>>
      %dma_start3A_355 = arith.constant 0 : i32
      %dma_start3A_356 = tpu.memref_slice %arg9[%mul3A_36, %dma_start3A_355] : memref<10112x16xf32, #tpu.memory_space<vmem_shared>> -> memref<632x16xf32, #tpu.memory_space<vmem_shared>>
      tpu.enqueue_dma source(%arg8 : memref<632x16xf32, #tpu.memory_space<vmem>>) target(%dma_start3A_356 : memref<632x16xf32, #tpu.memory_space<vmem_shared>>) target_semaphore(%run_scoped3A : memref<!tpu.dma_semaphore, #tpu.memory_space<semaphore_mem>>)
      %dma_wait3A_357 = arith.constant 0 : i32
      %dma_wait3A_358 = tpu.memref_slice %arg9[%mul3A_36, %dma_wait3A_357] : memref<10112x16xf32, #tpu.memory_space<vmem_shared>> -> memref<632x16xf32, #tpu.memory_space<vmem_shared>>
      %dma_wait3A_359 = arith.constant 0 : i32
      %dma_wait3A_360 = tpu.memref_slice %arg9[%mul3A_36, %dma_wait3A_359] : memref<10112x16xf32, #tpu.memory_space<vmem_shared>> -> memref<632x16xf32, #tpu.memory_space<vmem_shared>>
      tpu.wait_dma2 semaphore(%run_scoped3A : memref<!tpu.dma_semaphore, #tpu.memory_space<semaphore_mem>>) src(%arg8 : memref<632x16xf32, #tpu.memory_space<vmem>>) dst(%dma_wait3A_360 : memref<632x16xf32, #tpu.memory_space<vmem_shared>>)
      tpu.yield
    }) : () -> ()
    %dma_wait3A = arith.constant 0 : i32
    %dma_wait3A_37 = arith.constant 0 : i32
    %dma_wait3A_38 = arith.constant 0 : i32
    %dma_wait3A_39 = tpu.memref_slice %arg5[%dma_wait3A_37, %dma_wait3A_38] : memref<79x128xi32, #tpu.memory_space<vmem>> -> memref<78x128xi32, #tpu.memory_space<vmem>>
    %dma_wait3A_40 = arith.constant 0 : i32
    %dma_wait3A_41 = tpu.memref_slice %arg3[%dma_wait3A, %mul3A_2, %dma_wait3A_40] : memref<2x2500x128xi32, #tpu.memory_space<hbm>> -> memref<1x78x128xi32, #tpu.memory_space<hbm>>
    %dma_wait3A_42 = tpu.memref_squeeze %dma_wait3A_41 : memref<1x78x128xi32, #tpu.memory_space<hbm>> -> memref<78x128xi32, #tpu.memory_space<hbm>>
    %dma_wait3A_43 = arith.constant 0 : i32
    %dma_wait3A_44 = arith.constant 0 : i32
    %dma_wait3A_45 = tpu.memref_slice %arg5[%dma_wait3A_43, %dma_wait3A_44] : memref<79x128xi32, #tpu.memory_space<vmem>> -> memref<78x128xi32, #tpu.memory_space<vmem>>
    %dma_wait3A_46 = arith.constant 0 : i32
    %dma_wait3A_47 = tpu.memref_slice %arg3[%dma_wait3A, %mul3A_2, %dma_wait3A_46] : memref<2x2500x128xi32, #tpu.memory_space<hbm>> -> memref<1x78x128xi32, #tpu.memory_space<hbm>>
    %dma_wait3A_48 = tpu.memref_squeeze %dma_wait3A_47 : memref<1x78x128xi32, #tpu.memory_space<hbm>> -> memref<78x128xi32, #tpu.memory_space<hbm>>
    tpu.wait_dma2 semaphore(%arg10 : memref<!tpu.dma_semaphore, #tpu.memory_space<semaphore_mem>>) src(%dma_wait3A_48 : memref<78x128xi32, #tpu.memory_space<hbm>>) dst(%dma_wait3A_45 : memref<78x128xi32, #tpu.memory_space<vmem>>)
    %dma_wait3A_49 = arith.constant 1 : i32
    %dma_wait3A_50 = arith.constant 0 : i32
    %dma_wait3A_51 = arith.constant 0 : i32
    %dma_wait3A_52 = tpu.memref_slice %arg6[%dma_wait3A_50, %dma_wait3A_51] : memref<79x128xi32, #tpu.memory_space<vmem>> -> memref<78x128xi32, #tpu.memory_space<vmem>>
    %dma_wait3A_53 = arith.constant 0 : i32
    %dma_wait3A_54 = tpu.memref_slice %arg3[%dma_wait3A_49, %mul3A_2, %dma_wait3A_53] : memref<2x2500x128xi32, #tpu.memory_space<hbm>> -> memref<1x78x128xi32, #tpu.memory_space<hbm>>
    %dma_wait3A_55 = tpu.memref_squeeze %dma_wait3A_54 : memref<1x78x128xi32, #tpu.memory_space<hbm>> -> memref<78x128xi32, #tpu.memory_space<hbm>>
    %dma_wait3A_56 = arith.constant 0 : i32
    %dma_wait3A_57 = arith.constant 0 : i32
    %dma_wait3A_58 = tpu.memref_slice %arg6[%dma_wait3A_56, %dma_wait3A_57] : memref<79x128xi32, #tpu.memory_space<vmem>> -> memref<78x128xi32, #tpu.memory_space<vmem>>
    %dma_wait3A_59 = arith.constant 0 : i32
    %dma_wait3A_60 = tpu.memref_slice %arg3[%dma_wait3A_49, %mul3A_2, %dma_wait3A_59] : memref<2x2500x128xi32, #tpu.memory_space<hbm>> -> memref<1x78x128xi32, #tpu.memory_space<hbm>>
    %dma_wait3A_61 = tpu.memref_squeeze %dma_wait3A_60 : memref<1x78x128xi32, #tpu.memory_space<hbm>> -> memref<78x128xi32, #tpu.memory_space<hbm>>
    tpu.wait_dma2 semaphore(%arg10 : memref<!tpu.dma_semaphore, #tpu.memory_space<semaphore_mem>>) src(%dma_wait3A_61 : memref<78x128xi32, #tpu.memory_space<hbm>>) dst(%dma_wait3A_58 : memref<78x128xi32, #tpu.memory_space<vmem>>)
    %lt3A_62 = arith.constant 4 : i32
    %lt3A_63 = arith.cmpi slt, %add3A, %lt3A_62 : i32
    %convert_element_type3A_64 = arith.extui %lt3A_63 : i1 to i32
    %cond3A_65 = arith.constant 0 : i32
    %cond3A_66 = arith.cmpi ne, %convert_element_type3A_64, %cond3A_65 : i32
    scf.if %cond3A_66 {
      %add3A_353 = arith.constant 2496 : i32
      %add3A_354 = arith.addi %add3A_353, %add3A : i32
      %dma_wait3A_355 = arith.constant 0 : i32
      %dma_wait3A_356 = arith.constant 78 : i32
      %dma_wait3A_357 = arith.constant 0 : i32
      %dma_wait3A_358 = tpu.memref_slice %arg5[%dma_wait3A_356, %dma_wait3A_357] : memref<79x128xi32, #tpu.memory_space<vmem>> -> memref<1x128xi32, #tpu.memory_space<vmem>>
      %dma_wait3A_359 = tpu.memref_squeeze %dma_wait3A_358 : memref<1x128xi32, #tpu.memory_space<vmem>> -> memref<128xi32, #tpu.memory_space<vmem>>
      %dma_wait3A_360 = arith.constant 0 : i32
      %dma_wait3A_361 = tpu.memref_slice %arg3[%dma_wait3A_355, %add3A_354, %dma_wait3A_360] : memref<2x2500x128xi32, #tpu.memory_space<hbm>> -> memref<1x1x128xi32, #tpu.memory_space<hbm>>
      %dma_wait3A_362 = tpu.memref_squeeze %dma_wait3A_361 : memref<1x1x128xi32, #tpu.memory_space<hbm>> -> memref<128xi32, #tpu.memory_space<hbm>>
      %dma_wait3A_363 = arith.constant 0 : i32
      %dma_wait3A_364 = tpu.memref_slice %arg5[%dma_wait3A_356, %dma_wait3A_363] : memref<79x128xi32, #tpu.memory_space<vmem>> -> memref<1x128xi32, #tpu.memory_space<vmem>>
      %dma_wait3A_365 = tpu.memref_squeeze %dma_wait3A_364 : memref<1x128xi32, #tpu.memory_space<vmem>> -> memref<128xi32, #tpu.memory_space<vmem>>
      %dma_wait3A_366 = arith.constant 0 : i32
      %dma_wait3A_367 = tpu.memref_slice %arg3[%dma_wait3A_355, %add3A_354, %dma_wait3A_366] : memref<2x2500x128xi32, #tpu.memory_space<hbm>> -> memref<1x1x128xi32, #tpu.memory_space<hbm>>
      %dma_wait3A_368 = tpu.memref_squeeze %dma_wait3A_367 : memref<1x1x128xi32, #tpu.memory_space<hbm>> -> memref<128xi32, #tpu.memory_space<hbm>>
      tpu.wait_dma2 semaphore(%arg10 : memref<!tpu.dma_semaphore, #tpu.memory_space<semaphore_mem>>) src(%dma_wait3A_368 : memref<128xi32, #tpu.memory_space<hbm>>) dst(%dma_wait3A_365 : memref<128xi32, #tpu.memory_space<vmem>>)
      %add3A_369 = arith.constant 2496 : i32
      %add3A_370 = arith.addi %add3A_369, %add3A : i32
      %dma_wait3A_371 = arith.constant 1 : i32
      %dma_wait3A_372 = arith.constant 78 : i32
      %dma_wait3A_373 = arith.constant 0 : i32
      %dma_wait3A_374 = tpu.memref_slice %arg6[%dma_wait3A_372, %dma_wait3A_373] : memref<79x128xi32, #tpu.memory_space<vmem>> -> memref<1x128xi32, #tpu.memory_space<vmem>>
      %dma_wait3A_375 = tpu.memref_squeeze %dma_wait3A_374 : memref<1x128xi32, #tpu.memory_space<vmem>> -> memref<128xi32, #tpu.memory_space<vmem>>
      %dma_wait3A_376 = arith.constant 0 : i32
      %dma_wait3A_377 = tpu.memref_slice %arg3[%dma_wait3A_371, %add3A_370, %dma_wait3A_376] : memref<2x2500x128xi32, #tpu.memory_space<hbm>> -> memref<1x1x128xi32, #tpu.memory_space<hbm>>
      %dma_wait3A_378 = tpu.memref_squeeze %dma_wait3A_377 : memref<1x1x128xi32, #tpu.memory_space<hbm>> -> memref<128xi32, #tpu.memory_space<hbm>>
      %dma_wait3A_379 = arith.constant 0 : i32
      %dma_wait3A_380 = tpu.memref_slice %arg6[%dma_wait3A_372, %dma_wait3A_379] : memref<79x128xi32, #tpu.memory_space<vmem>> -> memref<1x128xi32, #tpu.memory_space<vmem>>
      %dma_wait3A_381 = tpu.memref_squeeze %dma_wait3A_380 : memref<1x128xi32, #tpu.memory_space<vmem>> -> memref<128xi32, #tpu.memory_space<vmem>>
      %dma_wait3A_382 = arith.constant 0 : i32
      %dma_wait3A_383 = tpu.memref_slice %arg3[%dma_wait3A_371, %add3A_370, %dma_wait3A_382] : memref<2x2500x128xi32, #tpu.memory_space<hbm>> -> memref<1x1x128xi32, #tpu.memory_space<hbm>>
      %dma_wait3A_384 = tpu.memref_squeeze %dma_wait3A_383 : memref<1x1x128xi32, #tpu.memory_space<hbm>> -> memref<128xi32, #tpu.memory_space<hbm>>
      tpu.wait_dma2 semaphore(%arg10 : memref<!tpu.dma_semaphore, #tpu.memory_space<semaphore_mem>>) src(%dma_wait3A_384 : memref<128xi32, #tpu.memory_space<hbm>>) dst(%dma_wait3A_381 : memref<128xi32, #tpu.memory_space<vmem>>)
    } else {
    }
    %barrier3A = arith.constant 0 : index
    tpu.barrier barrier_id(%barrier3A)
    %dma_start3A_67 = arith.constant 0 : i32
    %dma_start3A_68 = arith.constant 0 : i32
    %dma_start3A_69 = arith.constant 0 : i32
    %dma_start3A_70 = arith.constant 0 : i32
    %dma_start3A_71 = arith.constant 0 : i32
    %dma_start3A_72 = tpu.memref_slice %arg7[%dma_start3A_68, %dma_start3A_70, %dma_start3A_71] : memref<12x128x16xf32, #tpu.memory_space<vmem>> -> memref<1x128x16xf32, #tpu.memory_space<vmem>>
    %dma_start3A_73 = tpu.memref_squeeze %dma_start3A_72 : memref<1x128x16xf32, #tpu.memory_space<vmem>> -> memref<128x16xf32, #tpu.memory_space<vmem>>
    %dma_start3A_74 = arith.constant 0 : i32
    %dma_start3A_75 = tpu.memref_slice %arg5[%dma_start3A_67, %dma_start3A_74] : memref<79x128xi32, #tpu.memory_space<vmem>> -> memref<1x128xi32, #tpu.memory_space<vmem>>
    %dma_start3A_76 = tpu.memref_squeeze %dma_start3A_75 : memref<1x128xi32, #tpu.memory_space<vmem>> -> memref<128xi32, #tpu.memory_space<vmem>>
    %dma_start3A_77 = arith.constant 0 : i32
    %dma_start3A_78 = arith.constant 0 : i32
    %dma_start3A_79 = tpu.memref_slice %arg2[%dma_start3A_77, %dma_start3A_78] : memref<10112x16xf32, #tpu.memory_space<hbm>> -> memref<10112x16xf32, #tpu.memory_space<hbm>>
    %dma_start3A_80 = tpu.memref_slice %arg11[%dma_start3A_69] : memref<12x!tpu.dma_semaphore, #tpu.memory_space<semaphore_mem>> -> memref<1x!tpu.dma_semaphore, #tpu.memory_space<semaphore_mem>>
    %dma_start3A_81 = tpu.memref_squeeze %dma_start3A_80 : memref<1x!tpu.dma_semaphore, #tpu.memory_space<semaphore_mem>> -> memref<!tpu.dma_semaphore, #tpu.memory_space<semaphore_mem>>
    tpu.enqueue_indirect_dma source(%dma_start3A_79 : memref<10112x16xf32, #tpu.memory_space<hbm>>) target(%dma_start3A_73 : memref<128x16xf32, #tpu.memory_space<vmem>>) offsets(%dma_start3A_76 : memref<128xi32, #tpu.memory_space<vmem>>) semaphore(%dma_start3A_81 : memref<!tpu.dma_semaphore, #tpu.memory_space<semaphore_mem>>)
    %dma_start3A_82 = arith.constant 1 : i32
    %dma_start3A_83 = arith.constant 1 : i32
    %dma_start3A_84 = arith.constant 1 : i32
    %dma_start3A_85 = arith.constant 0 : i32
    %dma_start3A_86 = arith.constant 0 : i32
    %dma_start3A_87 = tpu.memref_slice %arg7[%dma_start3A_83, %dma_start3A_85, %dma_start3A_86] : memref<12x128x16xf32, #tpu.memory_space<vmem>> -> memref<1x128x16xf32, #tpu.memory_space<vmem>>
    %dma_start3A_88 = tpu.memref_squeeze %dma_start3A_87 : memref<1x128x16xf32, #tpu.memory_space<vmem>> -> memref<128x16xf32, #tpu.memory_space<vmem>>
    %dma_start3A_89 = arith.constant 0 : i32
    %dma_start3A_90 = tpu.memref_slice %arg5[%dma_start3A_82, %dma_start3A_89] : memref<79x128xi32, #tpu.memory_space<vmem>> -> memref<1x128xi32, #tpu.memory_space<vmem>>
    %dma_start3A_91 = tpu.memref_squeeze %dma_start3A_90 : memref<1x128xi32, #tpu.memory_space<vmem>> -> memref<128xi32, #tpu.memory_space<vmem>>
    %dma_start3A_92 = arith.constant 0 : i32
    %dma_start3A_93 = arith.constant 0 : i32
    %dma_start3A_94 = tpu.memref_slice %arg2[%dma_start3A_92, %dma_start3A_93] : memref<10112x16xf32, #tpu.memory_space<hbm>> -> memref<10112x16xf32, #tpu.memory_space<hbm>>
    %dma_start3A_95 = tpu.memref_slice %arg11[%dma_start3A_84] : memref<12x!tpu.dma_semaphore, #tpu.memory_space<semaphore_mem>> -> memref<1x!tpu.dma_semaphore, #tpu.memory_space<semaphore_mem>>
    %dma_start3A_96 = tpu.memref_squeeze %dma_start3A_95 : memref<1x!tpu.dma_semaphore, #tpu.memory_space<semaphore_mem>> -> memref<!tpu.dma_semaphore, #tpu.memory_space<semaphore_mem>>
    tpu.enqueue_indirect_dma source(%dma_start3A_94 : memref<10112x16xf32, #tpu.memory_space<hbm>>) target(%dma_start3A_88 : memref<128x16xf32, #tpu.memory_space<vmem>>) offsets(%dma_start3A_91 : memref<128xi32, #tpu.memory_space<vmem>>) semaphore(%dma_start3A_96 : memref<!tpu.dma_semaphore, #tpu.memory_space<semaphore_mem>>)
    %dma_start3A_97 = arith.constant 2 : i32
    %dma_start3A_98 = arith.constant 2 : i32
    %dma_start3A_99 = arith.constant 2 : i32
    %dma_start3A_100 = arith.constant 0 : i32
    %dma_start3A_101 = arith.constant 0 : i32
    %dma_start3A_102 = tpu.memref_slice %arg7[%dma_start3A_98, %dma_start3A_100, %dma_start3A_101] : memref<12x128x16xf32, #tpu.memory_space<vmem>> -> memref<1x128x16xf32, #tpu.memory_space<vmem>>
    %dma_start3A_103 = tpu.memref_squeeze %dma_start3A_102 : memref<1x128x16xf32, #tpu.memory_space<vmem>> -> memref<128x16xf32, #tpu.memory_space<vmem>>
    %dma_start3A_104 = arith.constant 0 : i32
    %dma_start3A_105 = tpu.memref_slice %arg5[%dma_start3A_97, %dma_start3A_104] : memref<79x128xi32, #tpu.memory_space<vmem>> -> memref<1x128xi32, #tpu.memory_space<vmem>>
    %dma_start3A_106 = tpu.memref_squeeze %dma_start3A_105 : memref<1x128xi32, #tpu.memory_space<vmem>> -> memref<128xi32, #tpu.memory_space<vmem>>
    %dma_start3A_107 = arith.constant 0 : i32
    %dma_start3A_108 = arith.constant 0 : i32
    %dma_start3A_109 = tpu.memref_slice %arg2[%dma_start3A_107, %dma_start3A_108] : memref<10112x16xf32, #tpu.memory_space<hbm>> -> memref<10112x16xf32, #tpu.memory_space<hbm>>
    %dma_start3A_110 = tpu.memref_slice %arg11[%dma_start3A_99] : memref<12x!tpu.dma_semaphore, #tpu.memory_space<semaphore_mem>> -> memref<1x!tpu.dma_semaphore, #tpu.memory_space<semaphore_mem>>
    %dma_start3A_111 = tpu.memref_squeeze %dma_start3A_110 : memref<1x!tpu.dma_semaphore, #tpu.memory_space<semaphore_mem>> -> memref<!tpu.dma_semaphore, #tpu.memory_space<semaphore_mem>>
    tpu.enqueue_indirect_dma source(%dma_start3A_109 : memref<10112x16xf32, #tpu.memory_space<hbm>>) target(%dma_start3A_103 : memref<128x16xf32, #tpu.memory_space<vmem>>) offsets(%dma_start3A_106 : memref<128xi32, #tpu.memory_space<vmem>>) semaphore(%dma_start3A_111 : memref<!tpu.dma_semaphore, #tpu.memory_space<semaphore_mem>>)
    %dma_start3A_112 = arith.constant 3 : i32
    %dma_start3A_113 = arith.constant 3 : i32
    %dma_start3A_114 = arith.constant 3 : i32
    %dma_start3A_115 = arith.constant 0 : i32
    %dma_start3A_116 = arith.constant 0 : i32
    %dma_start3A_117 = tpu.memref_slice %arg7[%dma_start3A_113, %dma_start3A_115, %dma_start3A_116] : memref<12x128x16xf32, #tpu.memory_space<vmem>> -> memref<1x128x16xf32, #tpu.memory_space<vmem>>
    %dma_start3A_118 = tpu.memref_squeeze %dma_start3A_117 : memref<1x128x16xf32, #tpu.memory_space<vmem>> -> memref<128x16xf32, #tpu.memory_space<vmem>>
    %dma_start3A_119 = arith.constant 0 : i32
    %dma_start3A_120 = tpu.memref_slice %arg5[%dma_start3A_112, %dma_start3A_119] : memref<79x128xi32, #tpu.memory_space<vmem>> -> memref<1x128xi32, #tpu.memory_space<vmem>>
    %dma_start3A_121 = tpu.memref_squeeze %dma_start3A_120 : memref<1x128xi32, #tpu.memory_space<vmem>> -> memref<128xi32, #tpu.memory_space<vmem>>
    %dma_start3A_122 = arith.constant 0 : i32
    %dma_start3A_123 = arith.constant 0 : i32
    %dma_start3A_124 = tpu.memref_slice %arg2[%dma_start3A_122, %dma_start3A_123] : memref<10112x16xf32, #tpu.memory_space<hbm>> -> memref<10112x16xf32, #tpu.memory_space<hbm>>
    %dma_start3A_125 = tpu.memref_slice %arg11[%dma_start3A_114] : memref<12x!tpu.dma_semaphore, #tpu.memory_space<semaphore_mem>> -> memref<1x!tpu.dma_semaphore, #tpu.memory_space<semaphore_mem>>
    %dma_start3A_126 = tpu.memref_squeeze %dma_start3A_125 : memref<1x!tpu.dma_semaphore, #tpu.memory_space<semaphore_mem>> -> memref<!tpu.dma_semaphore, #tpu.memory_space<semaphore_mem>>
    tpu.enqueue_indirect_dma source(%dma_start3A_124 : memref<10112x16xf32, #tpu.memory_space<hbm>>) target(%dma_start3A_118 : memref<128x16xf32, #tpu.memory_space<vmem>>) offsets(%dma_start3A_121 : memref<128xi32, #tpu.memory_space<vmem>>) semaphore(%dma_start3A_126 : memref<!tpu.dma_semaphore, #tpu.memory_space<semaphore_mem>>)
    %dma_start3A_127 = arith.constant 4 : i32
    %dma_start3A_128 = arith.constant 4 : i32
    %dma_start3A_129 = arith.constant 4 : i32
    %dma_start3A_130 = arith.constant 0 : i32
    %dma_start3A_131 = arith.constant 0 : i32
    %dma_start3A_132 = tpu.memref_slice %arg7[%dma_start3A_128, %dma_start3A_130, %dma_start3A_131] : memref<12x128x16xf32, #tpu.memory_space<vmem>> -> memref<1x128x16xf32, #tpu.memory_space<vmem>>
    %dma_start3A_133 = tpu.memref_squeeze %dma_start3A_132 : memref<1x128x16xf32, #tpu.memory_space<vmem>> -> memref<128x16xf32, #tpu.memory_space<vmem>>
    %dma_start3A_134 = arith.constant 0 : i32
    %dma_start3A_135 = tpu.memref_slice %arg5[%dma_start3A_127, %dma_start3A_134] : memref<79x128xi32, #tpu.memory_space<vmem>> -> memref<1x128xi32, #tpu.memory_space<vmem>>
    %dma_start3A_136 = tpu.memref_squeeze %dma_start3A_135 : memref<1x128xi32, #tpu.memory_space<vmem>> -> memref<128xi32, #tpu.memory_space<vmem>>
    %dma_start3A_137 = arith.constant 0 : i32
    %dma_start3A_138 = arith.constant 0 : i32
    %dma_start3A_139 = tpu.memref_slice %arg2[%dma_start3A_137, %dma_start3A_138] : memref<10112x16xf32, #tpu.memory_space<hbm>> -> memref<10112x16xf32, #tpu.memory_space<hbm>>
    %dma_start3A_140 = tpu.memref_slice %arg11[%dma_start3A_129] : memref<12x!tpu.dma_semaphore, #tpu.memory_space<semaphore_mem>> -> memref<1x!tpu.dma_semaphore, #tpu.memory_space<semaphore_mem>>
    %dma_start3A_141 = tpu.memref_squeeze %dma_start3A_140 : memref<1x!tpu.dma_semaphore, #tpu.memory_space<semaphore_mem>> -> memref<!tpu.dma_semaphore, #tpu.memory_space<semaphore_mem>>
    tpu.enqueue_indirect_dma source(%dma_start3A_139 : memref<10112x16xf32, #tpu.memory_space<hbm>>) target(%dma_start3A_133 : memref<128x16xf32, #tpu.memory_space<vmem>>) offsets(%dma_start3A_136 : memref<128xi32, #tpu.memory_space<vmem>>) semaphore(%dma_start3A_141 : memref<!tpu.dma_semaphore, #tpu.memory_space<semaphore_mem>>)
    %dma_start3A_142 = arith.constant 5 : i32
    %dma_start3A_143 = arith.constant 5 : i32
    %dma_start3A_144 = arith.constant 5 : i32
    %dma_start3A_145 = arith.constant 0 : i32
    %dma_start3A_146 = arith.constant 0 : i32
    %dma_start3A_147 = tpu.memref_slice %arg7[%dma_start3A_143, %dma_start3A_145, %dma_start3A_146] : memref<12x128x16xf32, #tpu.memory_space<vmem>> -> memref<1x128x16xf32, #tpu.memory_space<vmem>>
    %dma_start3A_148 = tpu.memref_squeeze %dma_start3A_147 : memref<1x128x16xf32, #tpu.memory_space<vmem>> -> memref<128x16xf32, #tpu.memory_space<vmem>>
    %dma_start3A_149 = arith.constant 0 : i32
    %dma_start3A_150 = tpu.memref_slice %arg5[%dma_start3A_142, %dma_start3A_149] : memref<79x128xi32, #tpu.memory_space<vmem>> -> memref<1x128xi32, #tpu.memory_space<vmem>>
    %dma_start3A_151 = tpu.memref_squeeze %dma_start3A_150 : memref<1x128xi32, #tpu.memory_space<vmem>> -> memref<128xi32, #tpu.memory_space<vmem>>
    %dma_start3A_152 = arith.constant 0 : i32
    %dma_start3A_153 = arith.constant 0 : i32
    %dma_start3A_154 = tpu.memref_slice %arg2[%dma_start3A_152, %dma_start3A_153] : memref<10112x16xf32, #tpu.memory_space<hbm>> -> memref<10112x16xf32, #tpu.memory_space<hbm>>
    %dma_start3A_155 = tpu.memref_slice %arg11[%dma_start3A_144] : memref<12x!tpu.dma_semaphore, #tpu.memory_space<semaphore_mem>> -> memref<1x!tpu.dma_semaphore, #tpu.memory_space<semaphore_mem>>
    %dma_start3A_156 = tpu.memref_squeeze %dma_start3A_155 : memref<1x!tpu.dma_semaphore, #tpu.memory_space<semaphore_mem>> -> memref<!tpu.dma_semaphore, #tpu.memory_space<semaphore_mem>>
    tpu.enqueue_indirect_dma source(%dma_start3A_154 : memref<10112x16xf32, #tpu.memory_space<hbm>>) target(%dma_start3A_148 : memref<128x16xf32, #tpu.memory_space<vmem>>) offsets(%dma_start3A_151 : memref<128xi32, #tpu.memory_space<vmem>>) semaphore(%dma_start3A_156 : memref<!tpu.dma_semaphore, #tpu.memory_space<semaphore_mem>>)
    %scan3A_157 = arith.constant 0 : i32
    %scan3A_158 = arith.constant 0 : i32
    %scan3A_159 = arith.constant 78 : i32
    %scan3A_160 = arith.addi %scan3A_158, %scan3A_159 : i32
    %scan3A_161 = arith.constant 1 : i32
    scf.for %scan3A_353 = %scan3A_158 to %scan3A_160 step %scan3A_161  : i32 {
      %jit3A = arith.constant 12 : i32
      %eq3A = arith.constant 0 : i32
      %eq3A_354 = arith.cmpi eq, %jit3A, %eq3A : i32
      %jit3A_355 = arith.constant 1 : i32
      %select_n3A = arith.select %eq3A_354, %jit3A_355, %jit3A : i32
      %rem3A = arith.remsi %scan3A_353, %select_n3A : i32
      %ne3A = arith.constant 0 : i32
      %ne3A_356 = arith.cmpi ne, %rem3A, %ne3A : i32
      %lt3A_357 = arith.constant 0 : i32
      %lt3A_358 = arith.cmpi slt, %rem3A, %lt3A_357 : i32
      %lt3A_359 = arith.constant 0 : i32
      %lt3A_360 = arith.cmpi slt, %select_n3A, %lt3A_359 : i32
      %ne3A_361 = arith.xori %lt3A_358, %lt3A_360 : i1
      %and3A = arith.andi %ne3A_361, %ne3A_356 : i1
      %add3A_362 = arith.addi %rem3A, %select_n3A : i32
      %select_n3A_363 = arith.select %and3A, %add3A_362, %rem3A : i32
      %dma_wait3A_364 = arith.constant 0 : i32
      %dma_wait3A_365 = arith.constant 0 : i32
      %dma_wait3A_366 = tpu.memref_slice %arg7[%select_n3A_363, %dma_wait3A_364, %dma_wait3A_365] : memref<12x128x16xf32, #tpu.memory_space<vmem>> -> memref<1x128x16xf32, #tpu.memory_space<vmem>>
      %dma_wait3A_367 = tpu.memref_squeeze %dma_wait3A_366 : memref<1x128x16xf32, #tpu.memory_space<vmem>> -> memref<128x16xf32, #tpu.memory_space<vmem>>
      %dma_wait3A_368 = arith.constant 0 : i32
      %dma_wait3A_369 = tpu.memref_slice %arg5[%scan3A_353, %dma_wait3A_368] : memref<79x128xi32, #tpu.memory_space<vmem>> -> memref<1x128xi32, #tpu.memory_space<vmem>>
      %dma_wait3A_370 = tpu.memref_squeeze %dma_wait3A_369 : memref<1x128xi32, #tpu.memory_space<vmem>> -> memref<128xi32, #tpu.memory_space<vmem>>
      %dma_wait3A_371 = arith.constant 0 : i32
      %dma_wait3A_372 = arith.constant 0 : i32
      %dma_wait3A_373 = tpu.memref_slice %arg2[%dma_wait3A_371, %dma_wait3A_372] : memref<10112x16xf32, #tpu.memory_space<hbm>> -> memref<10112x16xf32, #tpu.memory_space<hbm>>
      %dma_wait3A_374 = tpu.memref_slice %arg11[%select_n3A_363] : memref<12x!tpu.dma_semaphore, #tpu.memory_space<semaphore_mem>> -> memref<1x!tpu.dma_semaphore, #tpu.memory_space<semaphore_mem>>
      %dma_wait3A_375 = tpu.memref_squeeze %dma_wait3A_374 : memref<1x!tpu.dma_semaphore, #tpu.memory_space<semaphore_mem>> -> memref<!tpu.dma_semaphore, #tpu.memory_space<semaphore_mem>>
      tpu.wait_indirect_dma semaphore(%dma_wait3A_375 : memref<!tpu.dma_semaphore, #tpu.memory_space<semaphore_mem>>) src(%dma_wait3A_373 : memref<10112x16xf32, #tpu.memory_space<hbm>>) dst(%dma_wait3A_367 : memref<128x16xf32, #tpu.memory_space<vmem>>)
      %dma_start3A_376 = arith.constant 0 : i32
      %dma_start3A_377 = arith.constant 0 : i32
      %dma_start3A_378 = tpu.memref_slice %arg7[%select_n3A_363, %dma_start3A_376, %dma_start3A_377] : memref<12x128x16xf32, #tpu.memory_space<vmem>> -> memref<1x128x16xf32, #tpu.memory_space<vmem>>
      %dma_start3A_379 = tpu.memref_squeeze %dma_start3A_378 : memref<1x128x16xf32, #tpu.memory_space<vmem>> -> memref<128x16xf32, #tpu.memory_space<vmem>>
      %dma_start3A_380 = arith.constant 0 : i32
      %dma_start3A_381 = tpu.memref_slice %arg6[%scan3A_353, %dma_start3A_380] : memref<79x128xi32, #tpu.memory_space<vmem>> -> memref<1x128xi32, #tpu.memory_space<vmem>>
      %dma_start3A_382 = tpu.memref_squeeze %dma_start3A_381 : memref<1x128xi32, #tpu.memory_space<vmem>> -> memref<128xi32, #tpu.memory_space<vmem>>
      %dma_start3A_383 = arith.constant 0 : i32
      %dma_start3A_384 = arith.constant 0 : i32
      %dma_start3A_385 = tpu.memref_slice %arg9[%dma_start3A_383, %dma_start3A_384] : memref<10112x16xf32, #tpu.memory_space<vmem_shared>> -> memref<10112x16xf32, #tpu.memory_space<vmem_shared>>
      %dma_start3A_386 = tpu.memref_slice %arg12[%select_n3A_363] : memref<12x!tpu.dma_semaphore, #tpu.memory_space<semaphore_mem>> -> memref<1x!tpu.dma_semaphore, #tpu.memory_space<semaphore_mem>>
      %dma_start3A_387 = tpu.memref_squeeze %dma_start3A_386 : memref<1x!tpu.dma_semaphore, #tpu.memory_space<semaphore_mem>> -> memref<!tpu.dma_semaphore, #tpu.memory_space<semaphore_mem>>
      tpu.enqueue_indirect_dma source(%dma_start3A_379 : memref<128x16xf32, #tpu.memory_space<vmem>>) target(%dma_start3A_385 : memref<10112x16xf32, #tpu.memory_space<vmem_shared>>) offsets(%dma_start3A_382 : memref<128xi32, #tpu.memory_space<vmem>>) semaphore(%dma_start3A_387 : memref<!tpu.dma_semaphore, #tpu.memory_space<semaphore_mem>>) {add = true}
      %add3A_388 = arith.constant 6 : i32
      %add3A_389 = arith.addi %scan3A_353, %add3A_388 : i32
      %lt3A_390 = arith.constant 78 : i32
      %lt3A_391 = arith.cmpi slt, %add3A_389, %lt3A_390 : i32
      %convert_element_type3A_392 = arith.extui %lt3A_391 : i1 to i32
      %cond3A_393 = arith.constant 0 : i32
      %cond3A_394 = arith.cmpi ne, %convert_element_type3A_392, %cond3A_393 : i32
      scf.if %cond3A_394 {
        %add3A_395 = arith.constant 6 : i32
        %add3A_396 = arith.addi %scan3A_353, %add3A_395 : i32
        %jit3A_397 = arith.constant 12 : i32
        %eq3A_398 = arith.constant 0 : i32
        %eq3A_399 = arith.cmpi eq, %jit3A_397, %eq3A_398 : i32
        %jit3A_400 = arith.constant 1 : i32
        %select_n3A_401 = arith.select %eq3A_399, %jit3A_400, %jit3A_397 : i32
        %rem3A_402 = arith.remsi %add3A_396, %select_n3A_401 : i32
        %ne3A_403 = arith.constant 0 : i32
        %ne3A_404 = arith.cmpi ne, %rem3A_402, %ne3A_403 : i32
        %lt3A_405 = arith.constant 0 : i32
        %lt3A_406 = arith.cmpi slt, %rem3A_402, %lt3A_405 : i32
        %lt3A_407 = arith.constant 0 : i32
        %lt3A_408 = arith.cmpi slt, %select_n3A_401, %lt3A_407 : i32
        %ne3A_409 = arith.xori %lt3A_406, %lt3A_408 : i1
        %and3A_410 = arith.andi %ne3A_409, %ne3A_404 : i1
        %add3A_411 = arith.addi %rem3A_402, %select_n3A_401 : i32
        %select_n3A_412 = arith.select %and3A_410, %add3A_411, %rem3A_402 : i32
        %add3A_413 = arith.constant 6 : i32
        %add3A_414 = arith.addi %scan3A_353, %add3A_413 : i32
        %ge3A = arith.constant 12 : i32
        %ge3A_415 = arith.cmpi sge, %add3A_414, %ge3A : i32
        %convert_element_type3A_416 = arith.extui %ge3A_415 : i1 to i32
        %cond3A_417 = arith.constant 0 : i32
        %cond3A_418 = arith.cmpi ne, %convert_element_type3A_416, %cond3A_417 : i32
        scf.if %cond3A_418 {
          %add3A_433 = arith.constant 6 : i32
          %add3A_434 = arith.addi %scan3A_353, %add3A_433 : i32
          %sub3A = arith.constant 12 : i32
          %sub3A_435 = arith.subi %add3A_434, %sub3A : i32
          %dma_wait3A_436 = arith.constant 0 : i32
          %dma_wait3A_437 = arith.constant 0 : i32
          %dma_wait3A_438 = tpu.memref_slice %arg7[%select_n3A_412, %dma_wait3A_436, %dma_wait3A_437] : memref<12x128x16xf32, #tpu.memory_space<vmem>> -> memref<1x128x16xf32, #tpu.memory_space<vmem>>
          %dma_wait3A_439 = tpu.memref_squeeze %dma_wait3A_438 : memref<1x128x16xf32, #tpu.memory_space<vmem>> -> memref<128x16xf32, #tpu.memory_space<vmem>>
          %dma_wait3A_440 = arith.constant 0 : i32
          %dma_wait3A_441 = tpu.memref_slice %arg6[%sub3A_435, %dma_wait3A_440] : memref<79x128xi32, #tpu.memory_space<vmem>> -> memref<1x128xi32, #tpu.memory_space<vmem>>
          %dma_wait3A_442 = tpu.memref_squeeze %dma_wait3A_441 : memref<1x128xi32, #tpu.memory_space<vmem>> -> memref<128xi32, #tpu.memory_space<vmem>>
          %dma_wait3A_443 = arith.constant 0 : i32
          %dma_wait3A_444 = arith.constant 0 : i32
          %dma_wait3A_445 = tpu.memref_slice %arg9[%dma_wait3A_443, %dma_wait3A_444] : memref<10112x16xf32, #tpu.memory_space<vmem_shared>> -> memref<10112x16xf32, #tpu.memory_space<vmem_shared>>
          %dma_wait3A_446 = tpu.memref_slice %arg12[%select_n3A_412] : memref<12x!tpu.dma_semaphore, #tpu.memory_space<semaphore_mem>> -> memref<1x!tpu.dma_semaphore, #tpu.memory_space<semaphore_mem>>
          %dma_wait3A_447 = tpu.memref_squeeze %dma_wait3A_446 : memref<1x!tpu.dma_semaphore, #tpu.memory_space<semaphore_mem>> -> memref<!tpu.dma_semaphore, #tpu.memory_space<semaphore_mem>>
          tpu.wait_indirect_dma semaphore(%dma_wait3A_447 : memref<!tpu.dma_semaphore, #tpu.memory_space<semaphore_mem>>) src(%dma_wait3A_439 : memref<128x16xf32, #tpu.memory_space<vmem>>) dst(%dma_wait3A_445 : memref<10112x16xf32, #tpu.memory_space<vmem_shared>>)
        } else {
        }
        %add3A_419 = arith.constant 6 : i32
        %add3A_420 = arith.addi %scan3A_353, %add3A_419 : i32
        %dma_start3A_421 = arith.constant 0 : i32
        %dma_start3A_422 = arith.constant 0 : i32
        %dma_start3A_423 = tpu.memref_slice %arg7[%select_n3A_412, %dma_start3A_421, %dma_start3A_422] : memref<12x128x16xf32, #tpu.memory_space<vmem>> -> memref<1x128x16xf32, #tpu.memory_space<vmem>>
        %dma_start3A_424 = tpu.memref_squeeze %dma_start3A_423 : memref<1x128x16xf32, #tpu.memory_space<vmem>> -> memref<128x16xf32, #tpu.memory_space<vmem>>
        %dma_start3A_425 = arith.constant 0 : i32
        %dma_start3A_426 = tpu.memref_slice %arg5[%add3A_420, %dma_start3A_425] : memref<79x128xi32, #tpu.memory_space<vmem>> -> memref<1x128xi32, #tpu.memory_space<vmem>>
        %dma_start3A_427 = tpu.memref_squeeze %dma_start3A_426 : memref<1x128xi32, #tpu.memory_space<vmem>> -> memref<128xi32, #tpu.memory_space<vmem>>
        %dma_start3A_428 = arith.constant 0 : i32
        %dma_start3A_429 = arith.constant 0 : i32
        %dma_start3A_430 = tpu.memref_slice %arg2[%dma_start3A_428, %dma_start3A_429] : memref<10112x16xf32, #tpu.memory_space<hbm>> -> memref<10112x16xf32, #tpu.memory_space<hbm>>
        %dma_start3A_431 = tpu.memref_slice %arg11[%select_n3A_412] : memref<12x!tpu.dma_semaphore, #tpu.memory_space<semaphore_mem>> -> memref<1x!tpu.dma_semaphore, #tpu.memory_space<semaphore_mem>>
        %dma_start3A_432 = tpu.memref_squeeze %dma_start3A_431 : memref<1x!tpu.dma_semaphore, #tpu.memory_space<semaphore_mem>> -> memref<!tpu.dma_semaphore, #tpu.memory_space<semaphore_mem>>
        tpu.enqueue_indirect_dma source(%dma_start3A_430 : memref<10112x16xf32, #tpu.memory_space<hbm>>) target(%dma_start3A_424 : memref<128x16xf32, #tpu.memory_space<vmem>>) offsets(%dma_start3A_427 : memref<128xi32, #tpu.memory_space<vmem>>) semaphore(%dma_start3A_432 : memref<!tpu.dma_semaphore, #tpu.memory_space<semaphore_mem>>)
      } else {
      }
    }
    %scan3A_162 = arith.constant 78 : i32
    %dma_wait3A_163 = arith.constant 6 : i32
    %dma_wait3A_164 = arith.constant 66 : i32
    %dma_wait3A_165 = arith.constant 6 : i32
    %dma_wait3A_166 = arith.constant 0 : i32
    %dma_wait3A_167 = arith.constant 0 : i32
    %dma_wait3A_168 = tpu.memref_slice %arg7[%dma_wait3A_163, %dma_wait3A_166, %dma_wait3A_167] : memref<12x128x16xf32, #tpu.memory_space<vmem>> -> memref<1x128x16xf32, #tpu.memory_space<vmem>>
    %dma_wait3A_169 = tpu.memref_squeeze %dma_wait3A_168 : memref<1x128x16xf32, #tpu.memory_space<vmem>> -> memref<128x16xf32, #tpu.memory_space<vmem>>
    %dma_wait3A_170 = arith.constant 0 : i32
    %dma_wait3A_171 = tpu.memref_slice %arg6[%dma_wait3A_164, %dma_wait3A_170] : memref<79x128xi32, #tpu.memory_space<vmem>> -> memref<1x128xi32, #tpu.memory_space<vmem>>
    %dma_wait3A_172 = tpu.memref_squeeze %dma_wait3A_171 : memref<1x128xi32, #tpu.memory_space<vmem>> -> memref<128xi32, #tpu.memory_space<vmem>>
    %dma_wait3A_173 = arith.constant 0 : i32
    %dma_wait3A_174 = arith.constant 0 : i32
    %dma_wait3A_175 = tpu.memref_slice %arg9[%dma_wait3A_173, %dma_wait3A_174] : memref<10112x16xf32, #tpu.memory_space<vmem_shared>> -> memref<10112x16xf32, #tpu.memory_space<vmem_shared>>
    %dma_wait3A_176 = tpu.memref_slice %arg12[%dma_wait3A_165] : memref<12x!tpu.dma_semaphore, #tpu.memory_space<semaphore_mem>> -> memref<1x!tpu.dma_semaphore, #tpu.memory_space<semaphore_mem>>
    %dma_wait3A_177 = tpu.memref_squeeze %dma_wait3A_176 : memref<1x!tpu.dma_semaphore, #tpu.memory_space<semaphore_mem>> -> memref<!tpu.dma_semaphore, #tpu.memory_space<semaphore_mem>>
    tpu.wait_indirect_dma semaphore(%dma_wait3A_177 : memref<!tpu.dma_semaphore, #tpu.memory_space<semaphore_mem>>) src(%dma_wait3A_169 : memref<128x16xf32, #tpu.memory_space<vmem>>) dst(%dma_wait3A_175 : memref<10112x16xf32, #tpu.memory_space<vmem_shared>>)
    %dma_wait3A_178 = arith.constant 7 : i32
    %dma_wait3A_179 = arith.constant 67 : i32
    %dma_wait3A_180 = arith.constant 7 : i32
    %dma_wait3A_181 = arith.constant 0 : i32
    %dma_wait3A_182 = arith.constant 0 : i32
    %dma_wait3A_183 = tpu.memref_slice %arg7[%dma_wait3A_178, %dma_wait3A_181, %dma_wait3A_182] : memref<12x128x16xf32, #tpu.memory_space<vmem>> -> memref<1x128x16xf32, #tpu.memory_space<vmem>>
    %dma_wait3A_184 = tpu.memref_squeeze %dma_wait3A_183 : memref<1x128x16xf32, #tpu.memory_space<vmem>> -> memref<128x16xf32, #tpu.memory_space<vmem>>
    %dma_wait3A_185 = arith.constant 0 : i32
    %dma_wait3A_186 = tpu.memref_slice %arg6[%dma_wait3A_179, %dma_wait3A_185] : memref<79x128xi32, #tpu.memory_space<vmem>> -> memref<1x128xi32, #tpu.memory_space<vmem>>
    %dma_wait3A_187 = tpu.memref_squeeze %dma_wait3A_186 : memref<1x128xi32, #tpu.memory_space<vmem>> -> memref<128xi32, #tpu.memory_space<vmem>>
    %dma_wait3A_188 = arith.constant 0 : i32
    %dma_wait3A_189 = arith.constant 0 : i32
    %dma_wait3A_190 = tpu.memref_slice %arg9[%dma_wait3A_188, %dma_wait3A_189] : memref<10112x16xf32, #tpu.memory_space<vmem_shared>> -> memref<10112x16xf32, #tpu.memory_space<vmem_shared>>
    %dma_wait3A_191 = tpu.memref_slice %arg12[%dma_wait3A_180] : memref<12x!tpu.dma_semaphore, #tpu.memory_space<semaphore_mem>> -> memref<1x!tpu.dma_semaphore, #tpu.memory_space<semaphore_mem>>
    %dma_wait3A_192 = tpu.memref_squeeze %dma_wait3A_191 : memref<1x!tpu.dma_semaphore, #tpu.memory_space<semaphore_mem>> -> memref<!tpu.dma_semaphore, #tpu.memory_space<semaphore_mem>>
    tpu.wait_indirect_dma semaphore(%dma_wait3A_192 : memref<!tpu.dma_semaphore, #tpu.memory_space<semaphore_mem>>) src(%dma_wait3A_184 : memref<128x16xf32, #tpu.memory_space<vmem>>) dst(%dma_wait3A_190 : memref<10112x16xf32, #tpu.memory_space<vmem_shared>>)
    %dma_wait3A_193 = arith.constant 8 : i32
    %dma_wait3A_194 = arith.constant 68 : i32
    %dma_wait3A_195 = arith.constant 8 : i32
    %dma_wait3A_196 = arith.constant 0 : i32
    %dma_wait3A_197 = arith.constant 0 : i32
    %dma_wait3A_198 = tpu.memref_slice %arg7[%dma_wait3A_193, %dma_wait3A_196, %dma_wait3A_197] : memref<12x128x16xf32, #tpu.memory_space<vmem>> -> memref<1x128x16xf32, #tpu.memory_space<vmem>>
    %dma_wait3A_199 = tpu.memref_squeeze %dma_wait3A_198 : memref<1x128x16xf32, #tpu.memory_space<vmem>> -> memref<128x16xf32, #tpu.memory_space<vmem>>
    %dma_wait3A_200 = arith.constant 0 : i32
    %dma_wait3A_201 = tpu.memref_slice %arg6[%dma_wait3A_194, %dma_wait3A_200] : memref<79x128xi32, #tpu.memory_space<vmem>> -> memref<1x128xi32, #tpu.memory_space<vmem>>
    %dma_wait3A_202 = tpu.memref_squeeze %dma_wait3A_201 : memref<1x128xi32, #tpu.memory_space<vmem>> -> memref<128xi32, #tpu.memory_space<vmem>>
    %dma_wait3A_203 = arith.constant 0 : i32
    %dma_wait3A_204 = arith.constant 0 : i32
    %dma_wait3A_205 = tpu.memref_slice %arg9[%dma_wait3A_203, %dma_wait3A_204] : memref<10112x16xf32, #tpu.memory_space<vmem_shared>> -> memref<10112x16xf32, #tpu.memory_space<vmem_shared>>
    %dma_wait3A_206 = tpu.memref_slice %arg12[%dma_wait3A_195] : memref<12x!tpu.dma_semaphore, #tpu.memory_space<semaphore_mem>> -> memref<1x!tpu.dma_semaphore, #tpu.memory_space<semaphore_mem>>
    %dma_wait3A_207 = tpu.memref_squeeze %dma_wait3A_206 : memref<1x!tpu.dma_semaphore, #tpu.memory_space<semaphore_mem>> -> memref<!tpu.dma_semaphore, #tpu.memory_space<semaphore_mem>>
    tpu.wait_indirect_dma semaphore(%dma_wait3A_207 : memref<!tpu.dma_semaphore, #tpu.memory_space<semaphore_mem>>) src(%dma_wait3A_199 : memref<128x16xf32, #tpu.memory_space<vmem>>) dst(%dma_wait3A_205 : memref<10112x16xf32, #tpu.memory_space<vmem_shared>>)
    %dma_wait3A_208 = arith.constant 9 : i32
    %dma_wait3A_209 = arith.constant 69 : i32
    %dma_wait3A_210 = arith.constant 9 : i32
    %dma_wait3A_211 = arith.constant 0 : i32
    %dma_wait3A_212 = arith.constant 0 : i32
    %dma_wait3A_213 = tpu.memref_slice %arg7[%dma_wait3A_208, %dma_wait3A_211, %dma_wait3A_212] : memref<12x128x16xf32, #tpu.memory_space<vmem>> -> memref<1x128x16xf32, #tpu.memory_space<vmem>>
    %dma_wait3A_214 = tpu.memref_squeeze %dma_wait3A_213 : memref<1x128x16xf32, #tpu.memory_space<vmem>> -> memref<128x16xf32, #tpu.memory_space<vmem>>
    %dma_wait3A_215 = arith.constant 0 : i32
    %dma_wait3A_216 = tpu.memref_slice %arg6[%dma_wait3A_209, %dma_wait3A_215] : memref<79x128xi32, #tpu.memory_space<vmem>> -> memref<1x128xi32, #tpu.memory_space<vmem>>
    %dma_wait3A_217 = tpu.memref_squeeze %dma_wait3A_216 : memref<1x128xi32, #tpu.memory_space<vmem>> -> memref<128xi32, #tpu.memory_space<vmem>>
    %dma_wait3A_218 = arith.constant 0 : i32
    %dma_wait3A_219 = arith.constant 0 : i32
    %dma_wait3A_220 = tpu.memref_slice %arg9[%dma_wait3A_218, %dma_wait3A_219] : memref<10112x16xf32, #tpu.memory_space<vmem_shared>> -> memref<10112x16xf32, #tpu.memory_space<vmem_shared>>
    %dma_wait3A_221 = tpu.memref_slice %arg12[%dma_wait3A_210] : memref<12x!tpu.dma_semaphore, #tpu.memory_space<semaphore_mem>> -> memref<1x!tpu.dma_semaphore, #tpu.memory_space<semaphore_mem>>
    %dma_wait3A_222 = tpu.memref_squeeze %dma_wait3A_221 : memref<1x!tpu.dma_semaphore, #tpu.memory_space<semaphore_mem>> -> memref<!tpu.dma_semaphore, #tpu.memory_space<semaphore_mem>>
    tpu.wait_indirect_dma semaphore(%dma_wait3A_222 : memref<!tpu.dma_semaphore, #tpu.memory_space<semaphore_mem>>) src(%dma_wait3A_214 : memref<128x16xf32, #tpu.memory_space<vmem>>) dst(%dma_wait3A_220 : memref<10112x16xf32, #tpu.memory_space<vmem_shared>>)
    %dma_wait3A_223 = arith.constant 10 : i32
    %dma_wait3A_224 = arith.constant 70 : i32
    %dma_wait3A_225 = arith.constant 10 : i32
    %dma_wait3A_226 = arith.constant 0 : i32
    %dma_wait3A_227 = arith.constant 0 : i32
    %dma_wait3A_228 = tpu.memref_slice %arg7[%dma_wait3A_223, %dma_wait3A_226, %dma_wait3A_227] : memref<12x128x16xf32, #tpu.memory_space<vmem>> -> memref<1x128x16xf32, #tpu.memory_space<vmem>>
    %dma_wait3A_229 = tpu.memref_squeeze %dma_wait3A_228 : memref<1x128x16xf32, #tpu.memory_space<vmem>> -> memref<128x16xf32, #tpu.memory_space<vmem>>
    %dma_wait3A_230 = arith.constant 0 : i32
    %dma_wait3A_231 = tpu.memref_slice %arg6[%dma_wait3A_224, %dma_wait3A_230] : memref<79x128xi32, #tpu.memory_space<vmem>> -> memref<1x128xi32, #tpu.memory_space<vmem>>
    %dma_wait3A_232 = tpu.memref_squeeze %dma_wait3A_231 : memref<1x128xi32, #tpu.memory_space<vmem>> -> memref<128xi32, #tpu.memory_space<vmem>>
    %dma_wait3A_233 = arith.constant 0 : i32
    %dma_wait3A_234 = arith.constant 0 : i32
    %dma_wait3A_235 = tpu.memref_slice %arg9[%dma_wait3A_233, %dma_wait3A_234] : memref<10112x16xf32, #tpu.memory_space<vmem_shared>> -> memref<10112x16xf32, #tpu.memory_space<vmem_shared>>
    %dma_wait3A_236 = tpu.memref_slice %arg12[%dma_wait3A_225] : memref<12x!tpu.dma_semaphore, #tpu.memory_space<semaphore_mem>> -> memref<1x!tpu.dma_semaphore, #tpu.memory_space<semaphore_mem>>
    %dma_wait3A_237 = tpu.memref_squeeze %dma_wait3A_236 : memref<1x!tpu.dma_semaphore, #tpu.memory_space<semaphore_mem>> -> memref<!tpu.dma_semaphore, #tpu.memory_space<semaphore_mem>>
    tpu.wait_indirect_dma semaphore(%dma_wait3A_237 : memref<!tpu.dma_semaphore, #tpu.memory_space<semaphore_mem>>) src(%dma_wait3A_229 : memref<128x16xf32, #tpu.memory_space<vmem>>) dst(%dma_wait3A_235 : memref<10112x16xf32, #tpu.memory_space<vmem_shared>>)
    %dma_wait3A_238 = arith.constant 11 : i32
    %dma_wait3A_239 = arith.constant 71 : i32
    %dma_wait3A_240 = arith.constant 11 : i32
    %dma_wait3A_241 = arith.constant 0 : i32
    %dma_wait3A_242 = arith.constant 0 : i32
    %dma_wait3A_243 = tpu.memref_slice %arg7[%dma_wait3A_238, %dma_wait3A_241, %dma_wait3A_242] : memref<12x128x16xf32, #tpu.memory_space<vmem>> -> memref<1x128x16xf32, #tpu.memory_space<vmem>>
    %dma_wait3A_244 = tpu.memref_squeeze %dma_wait3A_243 : memref<1x128x16xf32, #tpu.memory_space<vmem>> -> memref<128x16xf32, #tpu.memory_space<vmem>>
    %dma_wait3A_245 = arith.constant 0 : i32
    %dma_wait3A_246 = tpu.memref_slice %arg6[%dma_wait3A_239, %dma_wait3A_245] : memref<79x128xi32, #tpu.memory_space<vmem>> -> memref<1x128xi32, #tpu.memory_space<vmem>>
    %dma_wait3A_247 = tpu.memref_squeeze %dma_wait3A_246 : memref<1x128xi32, #tpu.memory_space<vmem>> -> memref<128xi32, #tpu.memory_space<vmem>>
    %dma_wait3A_248 = arith.constant 0 : i32
    %dma_wait3A_249 = arith.constant 0 : i32
    %dma_wait3A_250 = tpu.memref_slice %arg9[%dma_wait3A_248, %dma_wait3A_249] : memref<10112x16xf32, #tpu.memory_space<vmem_shared>> -> memref<10112x16xf32, #tpu.memory_space<vmem_shared>>
    %dma_wait3A_251 = tpu.memref_slice %arg12[%dma_wait3A_240] : memref<12x!tpu.dma_semaphore, #tpu.memory_space<semaphore_mem>> -> memref<1x!tpu.dma_semaphore, #tpu.memory_space<semaphore_mem>>
    %dma_wait3A_252 = tpu.memref_squeeze %dma_wait3A_251 : memref<1x!tpu.dma_semaphore, #tpu.memory_space<semaphore_mem>> -> memref<!tpu.dma_semaphore, #tpu.memory_space<semaphore_mem>>
    tpu.wait_indirect_dma semaphore(%dma_wait3A_252 : memref<!tpu.dma_semaphore, #tpu.memory_space<semaphore_mem>>) src(%dma_wait3A_244 : memref<128x16xf32, #tpu.memory_space<vmem>>) dst(%dma_wait3A_250 : memref<10112x16xf32, #tpu.memory_space<vmem_shared>>)
    %dma_wait3A_253 = arith.constant 0 : i32
    %dma_wait3A_254 = arith.constant 72 : i32
    %dma_wait3A_255 = arith.constant 0 : i32
    %dma_wait3A_256 = arith.constant 0 : i32
    %dma_wait3A_257 = arith.constant 0 : i32
    %dma_wait3A_258 = tpu.memref_slice %arg7[%dma_wait3A_253, %dma_wait3A_256, %dma_wait3A_257] : memref<12x128x16xf32, #tpu.memory_space<vmem>> -> memref<1x128x16xf32, #tpu.memory_space<vmem>>
    %dma_wait3A_259 = tpu.memref_squeeze %dma_wait3A_258 : memref<1x128x16xf32, #tpu.memory_space<vmem>> -> memref<128x16xf32, #tpu.memory_space<vmem>>
    %dma_wait3A_260 = arith.constant 0 : i32
    %dma_wait3A_261 = tpu.memref_slice %arg6[%dma_wait3A_254, %dma_wait3A_260] : memref<79x128xi32, #tpu.memory_space<vmem>> -> memref<1x128xi32, #tpu.memory_space<vmem>>
    %dma_wait3A_262 = tpu.memref_squeeze %dma_wait3A_261 : memref<1x128xi32, #tpu.memory_space<vmem>> -> memref<128xi32, #tpu.memory_space<vmem>>
    %dma_wait3A_263 = arith.constant 0 : i32
    %dma_wait3A_264 = arith.constant 0 : i32
    %dma_wait3A_265 = tpu.memref_slice %arg9[%dma_wait3A_263, %dma_wait3A_264] : memref<10112x16xf32, #tpu.memory_space<vmem_shared>> -> memref<10112x16xf32, #tpu.memory_space<vmem_shared>>
    %dma_wait3A_266 = tpu.memref_slice %arg12[%dma_wait3A_255] : memref<12x!tpu.dma_semaphore, #tpu.memory_space<semaphore_mem>> -> memref<1x!tpu.dma_semaphore, #tpu.memory_space<semaphore_mem>>
    %dma_wait3A_267 = tpu.memref_squeeze %dma_wait3A_266 : memref<1x!tpu.dma_semaphore, #tpu.memory_space<semaphore_mem>> -> memref<!tpu.dma_semaphore, #tpu.memory_space<semaphore_mem>>
    tpu.wait_indirect_dma semaphore(%dma_wait3A_267 : memref<!tpu.dma_semaphore, #tpu.memory_space<semaphore_mem>>) src(%dma_wait3A_259 : memref<128x16xf32, #tpu.memory_space<vmem>>) dst(%dma_wait3A_265 : memref<10112x16xf32, #tpu.memory_space<vmem_shared>>)
    %dma_wait3A_268 = arith.constant 1 : i32
    %dma_wait3A_269 = arith.constant 73 : i32
    %dma_wait3A_270 = arith.constant 1 : i32
    %dma_wait3A_271 = arith.constant 0 : i32
    %dma_wait3A_272 = arith.constant 0 : i32
    %dma_wait3A_273 = tpu.memref_slice %arg7[%dma_wait3A_268, %dma_wait3A_271, %dma_wait3A_272] : memref<12x128x16xf32, #tpu.memory_space<vmem>> -> memref<1x128x16xf32, #tpu.memory_space<vmem>>
    %dma_wait3A_274 = tpu.memref_squeeze %dma_wait3A_273 : memref<1x128x16xf32, #tpu.memory_space<vmem>> -> memref<128x16xf32, #tpu.memory_space<vmem>>
    %dma_wait3A_275 = arith.constant 0 : i32
    %dma_wait3A_276 = tpu.memref_slice %arg6[%dma_wait3A_269, %dma_wait3A_275] : memref<79x128xi32, #tpu.memory_space<vmem>> -> memref<1x128xi32, #tpu.memory_space<vmem>>
    %dma_wait3A_277 = tpu.memref_squeeze %dma_wait3A_276 : memref<1x128xi32, #tpu.memory_space<vmem>> -> memref<128xi32, #tpu.memory_space<vmem>>
    %dma_wait3A_278 = arith.constant 0 : i32
    %dma_wait3A_279 = arith.constant 0 : i32
    %dma_wait3A_280 = tpu.memref_slice %arg9[%dma_wait3A_278, %dma_wait3A_279] : memref<10112x16xf32, #tpu.memory_space<vmem_shared>> -> memref<10112x16xf32, #tpu.memory_space<vmem_shared>>
    %dma_wait3A_281 = tpu.memref_slice %arg12[%dma_wait3A_270] : memref<12x!tpu.dma_semaphore, #tpu.memory_space<semaphore_mem>> -> memref<1x!tpu.dma_semaphore, #tpu.memory_space<semaphore_mem>>
    %dma_wait3A_282 = tpu.memref_squeeze %dma_wait3A_281 : memref<1x!tpu.dma_semaphore, #tpu.memory_space<semaphore_mem>> -> memref<!tpu.dma_semaphore, #tpu.memory_space<semaphore_mem>>
    tpu.wait_indirect_dma semaphore(%dma_wait3A_282 : memref<!tpu.dma_semaphore, #tpu.memory_space<semaphore_mem>>) src(%dma_wait3A_274 : memref<128x16xf32, #tpu.memory_space<vmem>>) dst(%dma_wait3A_280 : memref<10112x16xf32, #tpu.memory_space<vmem_shared>>)
    %dma_wait3A_283 = arith.constant 2 : i32
    %dma_wait3A_284 = arith.constant 74 : i32
    %dma_wait3A_285 = arith.constant 2 : i32
    %dma_wait3A_286 = arith.constant 0 : i32
    %dma_wait3A_287 = arith.constant 0 : i32
    %dma_wait3A_288 = tpu.memref_slice %arg7[%dma_wait3A_283, %dma_wait3A_286, %dma_wait3A_287] : memref<12x128x16xf32, #tpu.memory_space<vmem>> -> memref<1x128x16xf32, #tpu.memory_space<vmem>>
    %dma_wait3A_289 = tpu.memref_squeeze %dma_wait3A_288 : memref<1x128x16xf32, #tpu.memory_space<vmem>> -> memref<128x16xf32, #tpu.memory_space<vmem>>
    %dma_wait3A_290 = arith.constant 0 : i32
    %dma_wait3A_291 = tpu.memref_slice %arg6[%dma_wait3A_284, %dma_wait3A_290] : memref<79x128xi32, #tpu.memory_space<vmem>> -> memref<1x128xi32, #tpu.memory_space<vmem>>
    %dma_wait3A_292 = tpu.memref_squeeze %dma_wait3A_291 : memref<1x128xi32, #tpu.memory_space<vmem>> -> memref<128xi32, #tpu.memory_space<vmem>>
    %dma_wait3A_293 = arith.constant 0 : i32
    %dma_wait3A_294 = arith.constant 0 : i32
    %dma_wait3A_295 = tpu.memref_slice %arg9[%dma_wait3A_293, %dma_wait3A_294] : memref<10112x16xf32, #tpu.memory_space<vmem_shared>> -> memref<10112x16xf32, #tpu.memory_space<vmem_shared>>
    %dma_wait3A_296 = tpu.memref_slice %arg12[%dma_wait3A_285] : memref<12x!tpu.dma_semaphore, #tpu.memory_space<semaphore_mem>> -> memref<1x!tpu.dma_semaphore, #tpu.memory_space<semaphore_mem>>
    %dma_wait3A_297 = tpu.memref_squeeze %dma_wait3A_296 : memref<1x!tpu.dma_semaphore, #tpu.memory_space<semaphore_mem>> -> memref<!tpu.dma_semaphore, #tpu.memory_space<semaphore_mem>>
    tpu.wait_indirect_dma semaphore(%dma_wait3A_297 : memref<!tpu.dma_semaphore, #tpu.memory_space<semaphore_mem>>) src(%dma_wait3A_289 : memref<128x16xf32, #tpu.memory_space<vmem>>) dst(%dma_wait3A_295 : memref<10112x16xf32, #tpu.memory_space<vmem_shared>>)
    %dma_wait3A_298 = arith.constant 3 : i32
    %dma_wait3A_299 = arith.constant 75 : i32
    %dma_wait3A_300 = arith.constant 3 : i32
    %dma_wait3A_301 = arith.constant 0 : i32
    %dma_wait3A_302 = arith.constant 0 : i32
    %dma_wait3A_303 = tpu.memref_slice %arg7[%dma_wait3A_298, %dma_wait3A_301, %dma_wait3A_302] : memref<12x128x16xf32, #tpu.memory_space<vmem>> -> memref<1x128x16xf32, #tpu.memory_space<vmem>>
    %dma_wait3A_304 = tpu.memref_squeeze %dma_wait3A_303 : memref<1x128x16xf32, #tpu.memory_space<vmem>> -> memref<128x16xf32, #tpu.memory_space<vmem>>
    %dma_wait3A_305 = arith.constant 0 : i32
    %dma_wait3A_306 = tpu.memref_slice %arg6[%dma_wait3A_299, %dma_wait3A_305] : memref<79x128xi32, #tpu.memory_space<vmem>> -> memref<1x128xi32, #tpu.memory_space<vmem>>
    %dma_wait3A_307 = tpu.memref_squeeze %dma_wait3A_306 : memref<1x128xi32, #tpu.memory_space<vmem>> -> memref<128xi32, #tpu.memory_space<vmem>>
    %dma_wait3A_308 = arith.constant 0 : i32
    %dma_wait3A_309 = arith.constant 0 : i32
    %dma_wait3A_310 = tpu.memref_slice %arg9[%dma_wait3A_308, %dma_wait3A_309] : memref<10112x16xf32, #tpu.memory_space<vmem_shared>> -> memref<10112x16xf32, #tpu.memory_space<vmem_shared>>
    %dma_wait3A_311 = tpu.memref_slice %arg12[%dma_wait3A_300] : memref<12x!tpu.dma_semaphore, #tpu.memory_space<semaphore_mem>> -> memref<1x!tpu.dma_semaphore, #tpu.memory_space<semaphore_mem>>
    %dma_wait3A_312 = tpu.memref_squeeze %dma_wait3A_311 : memref<1x!tpu.dma_semaphore, #tpu.memory_space<semaphore_mem>> -> memref<!tpu.dma_semaphore, #tpu.memory_space<semaphore_mem>>
    tpu.wait_indirect_dma semaphore(%dma_wait3A_312 : memref<!tpu.dma_semaphore, #tpu.memory_space<semaphore_mem>>) src(%dma_wait3A_304 : memref<128x16xf32, #tpu.memory_space<vmem>>) dst(%dma_wait3A_310 : memref<10112x16xf32, #tpu.memory_space<vmem_shared>>)
    %dma_wait3A_313 = arith.constant 4 : i32
    %dma_wait3A_314 = arith.constant 76 : i32
    %dma_wait3A_315 = arith.constant 4 : i32
    %dma_wait3A_316 = arith.constant 0 : i32
    %dma_wait3A_317 = arith.constant 0 : i32
    %dma_wait3A_318 = tpu.memref_slice %arg7[%dma_wait3A_313, %dma_wait3A_316, %dma_wait3A_317] : memref<12x128x16xf32, #tpu.memory_space<vmem>> -> memref<1x128x16xf32, #tpu.memory_space<vmem>>
    %dma_wait3A_319 = tpu.memref_squeeze %dma_wait3A_318 : memref<1x128x16xf32, #tpu.memory_space<vmem>> -> memref<128x16xf32, #tpu.memory_space<vmem>>
    %dma_wait3A_320 = arith.constant 0 : i32
    %dma_wait3A_321 = tpu.memref_slice %arg6[%dma_wait3A_314, %dma_wait3A_320] : memref<79x128xi32, #tpu.memory_space<vmem>> -> memref<1x128xi32, #tpu.memory_space<vmem>>
    %dma_wait3A_322 = tpu.memref_squeeze %dma_wait3A_321 : memref<1x128xi32, #tpu.memory_space<vmem>> -> memref<128xi32, #tpu.memory_space<vmem>>
    %dma_wait3A_323 = arith.constant 0 : i32
    %dma_wait3A_324 = arith.constant 0 : i32
    %dma_wait3A_325 = tpu.memref_slice %arg9[%dma_wait3A_323, %dma_wait3A_324] : memref<10112x16xf32, #tpu.memory_space<vmem_shared>> -> memref<10112x16xf32, #tpu.memory_space<vmem_shared>>
    %dma_wait3A_326 = tpu.memref_slice %arg12[%dma_wait3A_315] : memref<12x!tpu.dma_semaphore, #tpu.memory_space<semaphore_mem>> -> memref<1x!tpu.dma_semaphore, #tpu.memory_space<semaphore_mem>>
    %dma_wait3A_327 = tpu.memref_squeeze %dma_wait3A_326 : memref<1x!tpu.dma_semaphore, #tpu.memory_space<semaphore_mem>> -> memref<!tpu.dma_semaphore, #tpu.memory_space<semaphore_mem>>
    tpu.wait_indirect_dma semaphore(%dma_wait3A_327 : memref<!tpu.dma_semaphore, #tpu.memory_space<semaphore_mem>>) src(%dma_wait3A_319 : memref<128x16xf32, #tpu.memory_space<vmem>>) dst(%dma_wait3A_325 : memref<10112x16xf32, #tpu.memory_space<vmem_shared>>)
    %dma_wait3A_328 = arith.constant 5 : i32
    %dma_wait3A_329 = arith.constant 77 : i32
    %dma_wait3A_330 = arith.constant 5 : i32
    %dma_wait3A_331 = arith.constant 0 : i32
    %dma_wait3A_332 = arith.constant 0 : i32
    %dma_wait3A_333 = tpu.memref_slice %arg7[%dma_wait3A_328, %dma_wait3A_331, %dma_wait3A_332] : memref<12x128x16xf32, #tpu.memory_space<vmem>> -> memref<1x128x16xf32, #tpu.memory_space<vmem>>
    %dma_wait3A_334 = tpu.memref_squeeze %dma_wait3A_333 : memref<1x128x16xf32, #tpu.memory_space<vmem>> -> memref<128x16xf32, #tpu.memory_space<vmem>>
    %dma_wait3A_335 = arith.constant 0 : i32
    %dma_wait3A_336 = tpu.memref_slice %arg6[%dma_wait3A_329, %dma_wait3A_335] : memref<79x128xi32, #tpu.memory_space<vmem>> -> memref<1x128xi32, #tpu.memory_space<vmem>>
    %dma_wait3A_337 = tpu.memref_squeeze %dma_wait3A_336 : memref<1x128xi32, #tpu.memory_space<vmem>> -> memref<128xi32, #tpu.memory_space<vmem>>
    %dma_wait3A_338 = arith.constant 0 : i32
    %dma_wait3A_339 = arith.constant 0 : i32
    %dma_wait3A_340 = tpu.memref_slice %arg9[%dma_wait3A_338, %dma_wait3A_339] : memref<10112x16xf32, #tpu.memory_space<vmem_shared>> -> memref<10112x16xf32, #tpu.memory_space<vmem_shared>>
    %dma_wait3A_341 = tpu.memref_slice %arg12[%dma_wait3A_330] : memref<12x!tpu.dma_semaphore, #tpu.memory_space<semaphore_mem>> -> memref<1x!tpu.dma_semaphore, #tpu.memory_space<semaphore_mem>>
    %dma_wait3A_342 = tpu.memref_squeeze %dma_wait3A_341 : memref<1x!tpu.dma_semaphore, #tpu.memory_space<semaphore_mem>> -> memref<!tpu.dma_semaphore, #tpu.memory_space<semaphore_mem>>
    tpu.wait_indirect_dma semaphore(%dma_wait3A_342 : memref<!tpu.dma_semaphore, #tpu.memory_space<semaphore_mem>>) src(%dma_wait3A_334 : memref<128x16xf32, #tpu.memory_space<vmem>>) dst(%dma_wait3A_340 : memref<10112x16xf32, #tpu.memory_space<vmem_shared>>)
    %lt3A_343 = arith.constant 4 : i32
    %lt3A_344 = arith.cmpi slt, %add3A, %lt3A_343 : i32
    %convert_element_type3A_345 = arith.extui %lt3A_344 : i1 to i32
    %cond3A_346 = arith.constant 0 : i32
    %cond3A_347 = arith.cmpi ne, %convert_element_type3A_345, %cond3A_346 : i32
    scf.if %cond3A_347 {
      %dma_start3A_353 = arith.constant 78 : i32
      %dma_start3A_354 = arith.constant 0 : i32
      %dma_start3A_355 = arith.constant 0 : i32
      %dma_start3A_356 = arith.constant 0 : i32
      %dma_start3A_357 = arith.constant 0 : i32
      %dma_start3A_358 = tpu.memref_slice %arg7[%dma_start3A_354, %dma_start3A_356, %dma_start3A_357] : memref<12x128x16xf32, #tpu.memory_space<vmem>> -> memref<1x128x16xf32, #tpu.memory_space<vmem>>
      %dma_start3A_359 = tpu.memref_squeeze %dma_start3A_358 : memref<1x128x16xf32, #tpu.memory_space<vmem>> -> memref<128x16xf32, #tpu.memory_space<vmem>>
      %dma_start3A_360 = arith.constant 0 : i32
      %dma_start3A_361 = tpu.memref_slice %arg5[%dma_start3A_353, %dma_start3A_360] : memref<79x128xi32, #tpu.memory_space<vmem>> -> memref<1x128xi32, #tpu.memory_space<vmem>>
      %dma_start3A_362 = tpu.memref_squeeze %dma_start3A_361 : memref<1x128xi32, #tpu.memory_space<vmem>> -> memref<128xi32, #tpu.memory_space<vmem>>
      %dma_start3A_363 = arith.constant 0 : i32
      %dma_start3A_364 = arith.constant 0 : i32
      %dma_start3A_365 = tpu.memref_slice %arg2[%dma_start3A_363, %dma_start3A_364] : memref<10112x16xf32, #tpu.memory_space<hbm>> -> memref<10112x16xf32, #tpu.memory_space<hbm>>
      %dma_start3A_366 = tpu.memref_slice %arg11[%dma_start3A_355] : memref<12x!tpu.dma_semaphore, #tpu.memory_space<semaphore_mem>> -> memref<1x!tpu.dma_semaphore, #tpu.memory_space<semaphore_mem>>
      %dma_start3A_367 = tpu.memref_squeeze %dma_start3A_366 : memref<1x!tpu.dma_semaphore, #tpu.memory_space<semaphore_mem>> -> memref<!tpu.dma_semaphore, #tpu.memory_space<semaphore_mem>>
      tpu.enqueue_indirect_dma source(%dma_start3A_365 : memref<10112x16xf32, #tpu.memory_space<hbm>>) target(%dma_start3A_359 : memref<128x16xf32, #tpu.memory_space<vmem>>) offsets(%dma_start3A_362 : memref<128xi32, #tpu.memory_space<vmem>>) semaphore(%dma_start3A_367 : memref<!tpu.dma_semaphore, #tpu.memory_space<semaphore_mem>>)
      %dma_wait3A_368 = arith.constant 78 : i32
      %dma_wait3A_369 = arith.constant 0 : i32
      %dma_wait3A_370 = arith.constant 0 : i32
      %dma_wait3A_371 = arith.constant 0 : i32
      %dma_wait3A_372 = arith.constant 0 : i32
      %dma_wait3A_373 = tpu.memref_slice %arg7[%dma_wait3A_369, %dma_wait3A_371, %dma_wait3A_372] : memref<12x128x16xf32, #tpu.memory_space<vmem>> -> memref<1x128x16xf32, #tpu.memory_space<vmem>>
      %dma_wait3A_374 = tpu.memref_squeeze %dma_wait3A_373 : memref<1x128x16xf32, #tpu.memory_space<vmem>> -> memref<128x16xf32, #tpu.memory_space<vmem>>
      %dma_wait3A_375 = arith.constant 0 : i32
      %dma_wait3A_376 = tpu.memref_slice %arg5[%dma_wait3A_368, %dma_wait3A_375] : memref<79x128xi32, #tpu.memory_space<vmem>> -> memref<1x128xi32, #tpu.memory_space<vmem>>
      %dma_wait3A_377 = tpu.memref_squeeze %dma_wait3A_376 : memref<1x128xi32, #tpu.memory_space<vmem>> -> memref<128xi32, #tpu.memory_space<vmem>>
      %dma_wait3A_378 = arith.constant 0 : i32
      %dma_wait3A_379 = arith.constant 0 : i32
      %dma_wait3A_380 = tpu.memref_slice %arg2[%dma_wait3A_378, %dma_wait3A_379] : memref<10112x16xf32, #tpu.memory_space<hbm>> -> memref<10112x16xf32, #tpu.memory_space<hbm>>
      %dma_wait3A_381 = tpu.memref_slice %arg11[%dma_wait3A_370] : memref<12x!tpu.dma_semaphore, #tpu.memory_space<semaphore_mem>> -> memref<1x!tpu.dma_semaphore, #tpu.memory_space<semaphore_mem>>
      %dma_wait3A_382 = tpu.memref_squeeze %dma_wait3A_381 : memref<1x!tpu.dma_semaphore, #tpu.memory_space<semaphore_mem>> -> memref<!tpu.dma_semaphore, #tpu.memory_space<semaphore_mem>>
      tpu.wait_indirect_dma semaphore(%dma_wait3A_382 : memref<!tpu.dma_semaphore, #tpu.memory_space<semaphore_mem>>) src(%dma_wait3A_380 : memref<10112x16xf32, #tpu.memory_space<hbm>>) dst(%dma_wait3A_374 : memref<128x16xf32, #tpu.memory_space<vmem>>)
      %dma_start3A_383 = arith.constant 0 : i32
      %dma_start3A_384 = arith.constant 78 : i32
      %dma_start3A_385 = arith.constant 0 : i32
      %dma_start3A_386 = arith.constant 0 : i32
      %dma_start3A_387 = arith.constant 0 : i32
      %dma_start3A_388 = tpu.memref_slice %arg7[%dma_start3A_383, %dma_start3A_386, %dma_start3A_387] : memref<12x128x16xf32, #tpu.memory_space<vmem>> -> memref<1x128x16xf32, #tpu.memory_space<vmem>>
      %dma_start3A_389 = tpu.memref_squeeze %dma_start3A_388 : memref<1x128x16xf32, #tpu.memory_space<vmem>> -> memref<128x16xf32, #tpu.memory_space<vmem>>
      %dma_start3A_390 = arith.constant 0 : i32
      %dma_start3A_391 = tpu.memref_slice %arg6[%dma_start3A_384, %dma_start3A_390] : memref<79x128xi32, #tpu.memory_space<vmem>> -> memref<1x128xi32, #tpu.memory_space<vmem>>
      %dma_start3A_392 = tpu.memref_squeeze %dma_start3A_391 : memref<1x128xi32, #tpu.memory_space<vmem>> -> memref<128xi32, #tpu.memory_space<vmem>>
      %dma_start3A_393 = arith.constant 0 : i32
      %dma_start3A_394 = arith.constant 0 : i32
      %dma_start3A_395 = tpu.memref_slice %arg9[%dma_start3A_393, %dma_start3A_394] : memref<10112x16xf32, #tpu.memory_space<vmem_shared>> -> memref<10112x16xf32, #tpu.memory_space<vmem_shared>>
      %dma_start3A_396 = tpu.memref_slice %arg12[%dma_start3A_385] : memref<12x!tpu.dma_semaphore, #tpu.memory_space<semaphore_mem>> -> memref<1x!tpu.dma_semaphore, #tpu.memory_space<semaphore_mem>>
      %dma_start3A_397 = tpu.memref_squeeze %dma_start3A_396 : memref<1x!tpu.dma_semaphore, #tpu.memory_space<semaphore_mem>> -> memref<!tpu.dma_semaphore, #tpu.memory_space<semaphore_mem>>
      tpu.enqueue_indirect_dma source(%dma_start3A_389 : memref<128x16xf32, #tpu.memory_space<vmem>>) target(%dma_start3A_395 : memref<10112x16xf32, #tpu.memory_space<vmem_shared>>) offsets(%dma_start3A_392 : memref<128xi32, #tpu.memory_space<vmem>>) semaphore(%dma_start3A_397 : memref<!tpu.dma_semaphore, #tpu.memory_space<semaphore_mem>>) {add = true}
      %dma_wait3A_398 = arith.constant 0 : i32
      %dma_wait3A_399 = arith.constant 78 : i32
      %dma_wait3A_400 = arith.constant 0 : i32
      %dma_wait3A_401 = arith.constant 0 : i32
      %dma_wait3A_402 = arith.constant 0 : i32
      %dma_wait3A_403 = tpu.memref_slice %arg7[%dma_wait3A_398, %dma_wait3A_401, %dma_wait3A_402] : memref<12x128x16xf32, #tpu.memory_space<vmem>> -> memref<1x128x16xf32, #tpu.memory_space<vmem>>
      %dma_wait3A_404 = tpu.memref_squeeze %dma_wait3A_403 : memref<1x128x16xf32, #tpu.memory_space<vmem>> -> memref<128x16xf32, #tpu.memory_space<vmem>>
      %dma_wait3A_405 = arith.constant 0 : i32
      %dma_wait3A_406 = tpu.memref_slice %arg6[%dma_wait3A_399, %dma_wait3A_405] : memref<79x128xi32, #tpu.memory_space<vmem>> -> memref<1x128xi32, #tpu.memory_space<vmem>>
      %dma_wait3A_407 = tpu.memref_squeeze %dma_wait3A_406 : memref<1x128xi32, #tpu.memory_space<vmem>> -> memref<128xi32, #tpu.memory_space<vmem>>
      %dma_wait3A_408 = arith.constant 0 : i32
      %dma_wait3A_409 = arith.constant 0 : i32
      %dma_wait3A_410 = tpu.memref_slice %arg9[%dma_wait3A_408, %dma_wait3A_409] : memref<10112x16xf32, #tpu.memory_space<vmem_shared>> -> memref<10112x16xf32, #tpu.memory_space<vmem_shared>>
      %dma_wait3A_411 = tpu.memref_slice %arg12[%dma_wait3A_400] : memref<12x!tpu.dma_semaphore, #tpu.memory_space<semaphore_mem>> -> memref<1x!tpu.dma_semaphore, #tpu.memory_space<semaphore_mem>>
      %dma_wait3A_412 = tpu.memref_squeeze %dma_wait3A_411 : memref<1x!tpu.dma_semaphore, #tpu.memory_space<semaphore_mem>> -> memref<!tpu.dma_semaphore, #tpu.memory_space<semaphore_mem>>
      tpu.wait_indirect_dma semaphore(%dma_wait3A_412 : memref<!tpu.dma_semaphore, #tpu.memory_space<semaphore_mem>>) src(%dma_wait3A_404 : memref<128x16xf32, #tpu.memory_space<vmem>>) dst(%dma_wait3A_410 : memref<10112x16xf32, #tpu.memory_space<vmem_shared>>)
    } else {
    }
    %barrier3A_348 = arith.constant 0 : index
    tpu.barrier barrier_id(%barrier3A_348)
    %mul3A_349 = arith.constant 632 : i32
    %mul3A_350 = arith.muli %arg1, %mul3A_349 : i32
    %mul3A_351 = arith.constant 632 : i32
    %mul3A_352 = arith.muli %arg1, %mul3A_351 : i32
    "tpu.region"() ({
      %run_scoped3A = tpu.sem_alloc : memref<!tpu.dma_semaphore, #tpu.memory_space<semaphore_mem>>
      %dma_start3A_353 = arith.constant 0 : i32
      %dma_start3A_354 = tpu.memref_slice %arg4[%arg0, %mul3A_352, %dma_start3A_353] : memref<2x10112x16xf32, #tpu.memory_space<hbm>> -> memref<1x632x16xf32, #tpu.memory_space<hbm>>
      %dma_start3A_355 = tpu.memref_squeeze %dma_start3A_354 : memref<1x632x16xf32, #tpu.memory_space<hbm>> -> memref<632x16xf32, #tpu.memory_space<hbm>>
      %dma_start3A_356 = arith.constant 0 : i32
      %dma_start3A_357 = tpu.memref_slice %arg9[%mul3A_350, %dma_start3A_356] : memref<10112x16xf32, #tpu.memory_space<vmem_shared>> -> memref<632x16xf32, #tpu.memory_space<vmem_shared>>
      tpu.enqueue_dma source(%dma_start3A_357 : memref<632x16xf32, #tpu.memory_space<vmem_shared>>) target(%dma_start3A_355 : memref<632x16xf32, #tpu.memory_space<hbm>>) target_semaphore(%run_scoped3A : memref<!tpu.dma_semaphore, #tpu.memory_space<semaphore_mem>>)
      %dma_wait3A_358 = arith.constant 0 : i32
      %dma_wait3A_359 = tpu.memref_slice %arg4[%arg0, %mul3A_352, %dma_wait3A_358] : memref<2x10112x16xf32, #tpu.memory_space<hbm>> -> memref<1x632x16xf32, #tpu.memory_space<hbm>>
      %dma_wait3A_360 = tpu.memref_squeeze %dma_wait3A_359 : memref<1x632x16xf32, #tpu.memory_space<hbm>> -> memref<632x16xf32, #tpu.memory_space<hbm>>
      %dma_wait3A_361 = arith.constant 0 : i32
      %dma_wait3A_362 = tpu.memref_slice %arg9[%mul3A_350, %dma_wait3A_361] : memref<10112x16xf32, #tpu.memory_space<vmem_shared>> -> memref<632x16xf32, #tpu.memory_space<vmem_shared>>
      tpu.wait_dma2 semaphore(%run_scoped3A : memref<!tpu.dma_semaphore, #tpu.memory_space<semaphore_mem>>) src(%dma_wait3A_362 : memref<632x16xf32, #tpu.memory_space<vmem_shared>>) dst(%dma_wait3A_360 : memref<632x16xf32, #tpu.memory_space<hbm>>)
      tpu.yield
    }) : () -> ()
    return
  }
}

#map = affine_map<(d0, d1) -> (0, 0)>
#map1 = affine_map<(d0, d1) -> (0, 0, 0)>
module attributes {stable_mosaic.version = 14 : i64} {
  func.func @_sc_scatter_body(%arg0: i32, %arg1: i32, %arg2: memref<10112x16xf32, #tpu.memory_space<hbm>>, %arg3: memref<2x2500x128xi32, #tpu.memory_space<hbm>>, %arg4: memref<2x10112x16xf32, #tpu.memory_space<hbm>>, %arg5: memref<79x128xi32, #tpu.memory_space<vmem>>, %arg6: memref<79x128xi32, #tpu.memory_space<vmem>>, %arg7: memref<12x128x16xf32, #tpu.memory_space<vmem>>, %arg8: memref<632x16xf32, #tpu.memory_space<vmem>>, %arg9: memref<10112x16xf32, #tpu.memory_space<vmem_shared>>, %arg10: memref<!tpu.dma_semaphore, #tpu.memory_space<semaphore_mem>>, %arg11: memref<12x!tpu.dma_semaphore, #tpu.memory_space<semaphore_mem>>, %arg12: memref<12x!tpu.dma_semaphore, #tpu.memory_space<semaphore_mem>>) attributes {dimension_semantics = [#tpu.dimension_semantics<core_parallel>, #tpu.dimension_semantics<subcore_parallel>], iteration_bounds = array<i64: 2, 16>, scalar_prefetch = 0 : i64, scratch_operands = 8 : i64, tpu.core_type = #tpu.core_type<sc_vector_subcore>, window_params = [{transform_indices = #map}, {transform_indices = #map1}, {transform_indices = #map1}]} {
    %mul3A = arith.constant 16 : i32
    %mul3A_0 = arith.muli %arg0, %mul3A : i32
    %add3A = arith.addi %mul3A_0, %arg1 : i32
    %mul3A_1 = arith.constant 78 : i32
    %mul3A_2 = arith.muli %add3A, %mul3A_1 : i32
    %dma_start3A = arith.constant 0 : i32
    %dma_start3A_3 = arith.constant 0 : i32
    %dma_start3A_4 = arith.constant 0 : i32
    %dma_start3A_5 = tpu.memref_slice %arg5[%dma_start3A_3, %dma_start3A_4] : memref<79x128xi32, #tpu.memory_space<vmem>> -> memref<78x128xi32, #tpu.memory_space<vmem>>
    %dma_start3A_6 = arith.constant 0 : i32
    %dma_start3A_7 = tpu.memref_slice %arg3[%dma_start3A, %mul3A_2, %dma_start3A_6] : memref<2x2500x128xi32, #tpu.memory_space<hbm>> -> memref<1x78x128xi32, #tpu.memory_space<hbm>>
    %dma_start3A_8 = tpu.memref_squeeze %dma_start3A_7 : memref<1x78x128xi32, #tpu.memory_space<hbm>> -> memref<78x128xi32, #tpu.memory_space<hbm>>
    %dma_start3A_9 = arith.constant 0 : i32
    %dma_start3A_10 = arith.constant 0 : i32
    %dma_start3A_11 = tpu.memref_slice %arg5[%dma_start3A_9, %dma_start3A_10] : memref<79x128xi32, #tpu.memory_space<vmem>> -> memref<78x128xi32, #tpu.memory_space<vmem>>
    %dma_start3A_12 = arith.constant 0 : i32
    %dma_start3A_13 = tpu.memref_slice %arg3[%dma_start3A, %mul3A_2, %dma_start3A_12] : memref<2x2500x128xi32, #tpu.memory_space<hbm>> -> memref<1x78x128xi32, #tpu.memory_space<hbm>>
    %dma_start3A_14 = tpu.memref_squeeze %dma_start3A_13 : memref<1x78x128xi32, #tpu.memory_space<hbm>> -> memref<78x128xi32, #tpu.memory_space<hbm>>
    tpu.enqueue_dma source(%dma_start3A_14 : memref<78x128xi32, #tpu.memory_space<hbm>>) target(%dma_start3A_11 : memref<78x128xi32, #tpu.memory_space<vmem>>) target_semaphore(%arg10 : memref<!tpu.dma_semaphore, #tpu.memory_space<semaphore_mem>>)
    %dma_start3A_15 = arith.constant 1 : i32
    %dma_start3A_16 = arith.constant 0 : i32
    %dma_start3A_17 = arith.constant 0 : i32
    %dma_start3A_18 = tpu.memref_slice %arg6[%dma_start3A_16, %dma_start3A_17] : memref<79x128xi32, #tpu.memory_space<vmem>> -> memref<78x128xi32, #tpu.memory_space<vmem>>
    %dma_start3A_19 = arith.constant 0 : i32
    %dma_start3A_20 = tpu.memref_slice %arg3[%dma_start3A_15, %mul3A_2, %dma_start3A_19] : memref<2x2500x128xi32, #tpu.memory_space<hbm>> -> memref<1x78x128xi32, #tpu.memory_space<hbm>>
    %dma_start3A_21 = tpu.memref_squeeze %dma_start3A_20 : memref<1x78x128xi32, #tpu.memory_space<hbm>> -> memref<78x128xi32, #tpu.memory_space<hbm>>
    %dma_start3A_22 = arith.constant 0 : i32
    %dma_start3A_23 = arith.constant 0 : i32
    %dma_start3A_24 = tpu.memref_slice %arg6[%dma_start3A_22, %dma_start3A_23] : memref<79x128xi32, #tpu.memory_space<vmem>> -> memref<78x128xi32, #tpu.memory_space<vmem>>
    %dma_start3A_25 = arith.constant 0 : i32
    %dma_start3A_26 = tpu.memref_slice %arg3[%dma_start3A_15, %mul3A_2, %dma_start3A_25] : memref<2x2500x128xi32, #tpu.memory_space<hbm>> -> memref<1x78x128xi32, #tpu.memory_space<hbm>>
    %dma_start3A_27 = tpu.memref_squeeze %dma_start3A_26 : memref<1x78x128xi32, #tpu.memory_space<hbm>> -> memref<78x128xi32, #tpu.memory_space<hbm>>
    tpu.enqueue_dma source(%dma_start3A_27 : memref<78x128xi32, #tpu.memory_space<hbm>>) target(%dma_start3A_24 : memref<78x128xi32, #tpu.memory_space<vmem>>) target_semaphore(%arg10 : memref<!tpu.dma_semaphore, #tpu.memory_space<semaphore_mem>>)
    %lt3A = arith.constant 4 : i32
    %lt3A_28 = arith.cmpi slt, %add3A, %lt3A : i32
    %convert_element_type3A = arith.extui %lt3A_28 : i1 to i32
    %cond3A = arith.constant 0 : i32
    %cond3A_29 = arith.cmpi ne, %convert_element_type3A, %cond3A : i32
    scf.if %cond3A_29 {
      %add3A_353 = arith.constant 2496 : i32
      %add3A_354 = arith.addi %add3A_353, %add3A : i32
      %dma_start3A_355 = arith.constant 0 : i32
      %dma_start3A_356 = arith.constant 78 : i32
      %dma_start3A_357 = arith.constant 0 : i32
      %dma_start3A_358 = tpu.memref_slice %arg5[%dma_start3A_356, %dma_start3A_357] : memref<79x128xi32, #tpu.memory_space<vmem>> -> memref<1x128xi32, #tpu.memory_space<vmem>>
      %dma_start3A_359 = tpu.memref_squeeze %dma_start3A_358 : memref<1x128xi32, #tpu.memory_space<vmem>> -> memref<128xi32, #tpu.memory_space<vmem>>
      %dma_start3A_360 = arith.constant 0 : i32
      %dma_start3A_361 = tpu.memref_slice %arg3[%dma_start3A_355, %add3A_354, %dma_start3A_360] : memref<2x2500x128xi32, #tpu.memory_space<hbm>> -> memref<1x1x128xi32, #tpu.memory_space<hbm>>
      %dma_start3A_362 = tpu.memref_squeeze %dma_start3A_361 : memref<1x1x128xi32, #tpu.memory_space<hbm>> -> memref<128xi32, #tpu.memory_space<hbm>>
      %dma_start3A_363 = arith.constant 0 : i32
      %dma_start3A_364 = tpu.memref_slice %arg5[%dma_start3A_356, %dma_start3A_363] : memref<79x128xi32, #tpu.memory_space<vmem>> -> memref<1x128xi32, #tpu.memory_space<vmem>>
      %dma_start3A_365 = tpu.memref_squeeze %dma_start3A_364 : memref<1x128xi32, #tpu.memory_space<vmem>> -> memref<128xi32, #tpu.memory_space<vmem>>
      %dma_start3A_366 = arith.constant 0 : i32
      %dma_start3A_367 = tpu.memref_slice %arg3[%dma_start3A_355, %add3A_354, %dma_start3A_366] : memref<2x2500x128xi32, #tpu.memory_space<hbm>> -> memref<1x1x128xi32, #tpu.memory_space<hbm>>
      %dma_start3A_368 = tpu.memref_squeeze %dma_start3A_367 : memref<1x1x128xi32, #tpu.memory_space<hbm>> -> memref<128xi32, #tpu.memory_space<hbm>>
      tpu.enqueue_dma source(%dma_start3A_368 : memref<128xi32, #tpu.memory_space<hbm>>) target(%dma_start3A_365 : memref<128xi32, #tpu.memory_space<vmem>>) target_semaphore(%arg10 : memref<!tpu.dma_semaphore, #tpu.memory_space<semaphore_mem>>)
      %add3A_369 = arith.constant 2496 : i32
      %add3A_370 = arith.addi %add3A_369, %add3A : i32
      %dma_start3A_371 = arith.constant 1 : i32
      %dma_start3A_372 = arith.constant 78 : i32
      %dma_start3A_373 = arith.constant 0 : i32
      %dma_start3A_374 = tpu.memref_slice %arg6[%dma_start3A_372, %dma_start3A_373] : memref<79x128xi32, #tpu.memory_space<vmem>> -> memref<1x128xi32, #tpu.memory_space<vmem>>
      %dma_start3A_375 = tpu.memref_squeeze %dma_start3A_374 : memref<1x128xi32, #tpu.memory_space<vmem>> -> memref<128xi32, #tpu.memory_space<vmem>>
      %dma_start3A_376 = arith.constant 0 : i32
      %dma_start3A_377 = tpu.memref_slice %arg3[%dma_start3A_371, %add3A_370, %dma_start3A_376] : memref<2x2500x128xi32, #tpu.memory_space<hbm>> -> memref<1x1x128xi32, #tpu.memory_space<hbm>>
      %dma_start3A_378 = tpu.memref_squeeze %dma_start3A_377 : memref<1x1x128xi32, #tpu.memory_space<hbm>> -> memref<128xi32, #tpu.memory_space<hbm>>
      %dma_start3A_379 = arith.constant 0 : i32
      %dma_start3A_380 = tpu.memref_slice %arg6[%dma_start3A_372, %dma_start3A_379] : memref<79x128xi32, #tpu.memory_space<vmem>> -> memref<1x128xi32, #tpu.memory_space<vmem>>
      %dma_start3A_381 = tpu.memref_squeeze %dma_start3A_380 : memref<1x128xi32, #tpu.memory_space<vmem>> -> memref<128xi32, #tpu.memory_space<vmem>>
      %dma_start3A_382 = arith.constant 0 : i32
      %dma_start3A_383 = tpu.memref_slice %arg3[%dma_start3A_371, %add3A_370, %dma_start3A_382] : memref<2x2500x128xi32, #tpu.memory_space<hbm>> -> memref<1x1x128xi32, #tpu.memory_space<hbm>>
      %dma_start3A_384 = tpu.memref_squeeze %dma_start3A_383 : memref<1x1x128xi32, #tpu.memory_space<hbm>> -> memref<128xi32, #tpu.memory_space<hbm>>
      tpu.enqueue_dma source(%dma_start3A_384 : memref<128xi32, #tpu.memory_space<hbm>>) target(%dma_start3A_381 : memref<128xi32, #tpu.memory_space<vmem>>) target_semaphore(%arg10 : memref<!tpu.dma_semaphore, #tpu.memory_space<semaphore_mem>>)
    } else {
    }
    %scan3A = arith.constant 0 : i32
    %scan3A_30 = arith.constant 0 : i32
    %scan3A_31 = arith.constant 632 : i32
    %scan3A_32 = arith.addi %scan3A_30, %scan3A_31 : i32
    %scan3A_33 = arith.constant 8 : i32
    scf.for %scan3A_353 = %scan3A_30 to %scan3A_32 step %scan3A_33  : i32 {
      %broadcast_in_dim3A = arith.constant 0.000000e+00 : f32
      %broadcast_in_dim3A_354 = vector.broadcast %broadcast_in_dim3A : f32 to vector<16xf32>
      %swap3A = arith.index_cast %scan3A_353 : i32 to index
      %swap3A_355 = arith.constant 0 : index
      %swap3A_356 = tpu.vector_load %arg8[%swap3A, %swap3A_355] {strides = array<i32>} : memref<632x16xf32, #tpu.memory_space<vmem>>, vector<1x16xf32>,
      %swap3A_357 = vector.shape_cast %swap3A_356 : vector<1x16xf32> to vector<16xf32>
      %swap3A_358 = vector.shape_cast %broadcast_in_dim3A_354 : vector<16xf32> to vector<1x16xf32>
      tpu.vector_store %arg8[%swap3A, %swap3A_355], %swap3A_358 {strides = array<i32>} : memref<632x16xf32, #tpu.memory_space<vmem>>, vector<1x16xf32>,
      %scan3A_359 = arith.constant 1 : i32
      %scan3A_360 = arith.addi %scan3A_353, %scan3A_359 : i32
      %broadcast_in_dim3A_361 = arith.constant 0.000000e+00 : f32
      %broadcast_in_dim3A_362 = vector.broadcast %broadcast_in_dim3A_361 : f32 to vector<16xf32>
      %swap3A_363 = arith.index_cast %scan3A_360 : i32 to index
      %swap3A_364 = arith.constant 0 : index
      %swap3A_365 = tpu.vector_load %arg8[%swap3A_363, %swap3A_364] {strides = array<i32>} : memref<632x16xf32, #tpu.memory_space<vmem>>, vector<1x16xf32>,
      %swap3A_366 = vector.shape_cast %swap3A_365 : vector<1x16xf32> to vector<16xf32>
      %swap3A_367 = vector.shape_cast %broadcast_in_dim3A_362 : vector<16xf32> to vector<1x16xf32>
      tpu.vector_store %arg8[%swap3A_363, %swap3A_364], %swap3A_367 {strides = array<i32>} : memref<632x16xf32, #tpu.memory_space<vmem>>, vector<1x16xf32>,
      %scan3A_368 = arith.constant 2 : i32
      %scan3A_369 = arith.addi %scan3A_353, %scan3A_368 : i32
      %broadcast_in_dim3A_370 = arith.constant 0.000000e+00 : f32
      %broadcast_in_dim3A_371 = vector.broadcast %broadcast_in_dim3A_370 : f32 to vector<16xf32>
      %swap3A_372 = arith.index_cast %scan3A_369 : i32 to index
      %swap3A_373 = arith.constant 0 : index
      %swap3A_374 = tpu.vector_load %arg8[%swap3A_372, %swap3A_373] {strides = array<i32>} : memref<632x16xf32, #tpu.memory_space<vmem>>, vector<1x16xf32>,
      %swap3A_375 = vector.shape_cast %swap3A_374 : vector<1x16xf32> to vector<16xf32>
      %swap3A_376 = vector.shape_cast %broadcast_in_dim3A_371 : vector<16xf32> to vector<1x16xf32>
      tpu.vector_store %arg8[%swap3A_372, %swap3A_373], %swap3A_376 {strides = array<i32>} : memref<632x16xf32, #tpu.memory_space<vmem>>, vector<1x16xf32>,
      %scan3A_377 = arith.constant 3 : i32
      %scan3A_378 = arith.addi %scan3A_353, %scan3A_377 : i32
      %broadcast_in_dim3A_379 = arith.constant 0.000000e+00 : f32
      %broadcast_in_dim3A_380 = vector.broadcast %broadcast_in_dim3A_379 : f32 to vector<16xf32>
      %swap3A_381 = arith.index_cast %scan3A_378 : i32 to index
      %swap3A_382 = arith.constant 0 : index
      %swap3A_383 = tpu.vector_load %arg8[%swap3A_381, %swap3A_382] {strides = array<i32>} : memref<632x16xf32, #tpu.memory_space<vmem>>, vector<1x16xf32>,
      %swap3A_384 = vector.shape_cast %swap3A_383 : vector<1x16xf32> to vector<16xf32>
      %swap3A_385 = vector.shape_cast %broadcast_in_dim3A_380 : vector<16xf32> to vector<1x16xf32>
      tpu.vector_store %arg8[%swap3A_381, %swap3A_382], %swap3A_385 {strides = array<i32>} : memref<632x16xf32, #tpu.memory_space<vmem>>, vector<1x16xf32>,
      %scan3A_386 = arith.constant 4 : i32
      %scan3A_387 = arith.addi %scan3A_353, %scan3A_386 : i32
      %broadcast_in_dim3A_388 = arith.constant 0.000000e+00 : f32
      %broadcast_in_dim3A_389 = vector.broadcast %broadcast_in_dim3A_388 : f32 to vector<16xf32>
      %swap3A_390 = arith.index_cast %scan3A_387 : i32 to index
      %swap3A_391 = arith.constant 0 : index
      %swap3A_392 = tpu.vector_load %arg8[%swap3A_390, %swap3A_391] {strides = array<i32>} : memref<632x16xf32, #tpu.memory_space<vmem>>, vector<1x16xf32>,
      %swap3A_393 = vector.shape_cast %swap3A_392 : vector<1x16xf32> to vector<16xf32>
      %swap3A_394 = vector.shape_cast %broadcast_in_dim3A_389 : vector<16xf32> to vector<1x16xf32>
      tpu.vector_store %arg8[%swap3A_390, %swap3A_391], %swap3A_394 {strides = array<i32>} : memref<632x16xf32, #tpu.memory_space<vmem>>, vector<1x16xf32>,
      %scan3A_395 = arith.constant 5 : i32
      %scan3A_396 = arith.addi %scan3A_353, %scan3A_395 : i32
      %broadcast_in_dim3A_397 = arith.constant 0.000000e+00 : f32
      %broadcast_in_dim3A_398 = vector.broadcast %broadcast_in_dim3A_397 : f32 to vector<16xf32>
      %swap3A_399 = arith.index_cast %scan3A_396 : i32 to index
      %swap3A_400 = arith.constant 0 : index
      %swap3A_401 = tpu.vector_load %arg8[%swap3A_399, %swap3A_400] {strides = array<i32>} : memref<632x16xf32, #tpu.memory_space<vmem>>, vector<1x16xf32>,
      %swap3A_402 = vector.shape_cast %swap3A_401 : vector<1x16xf32> to vector<16xf32>
      %swap3A_403 = vector.shape_cast %broadcast_in_dim3A_398 : vector<16xf32> to vector<1x16xf32>
      tpu.vector_store %arg8[%swap3A_399, %swap3A_400], %swap3A_403 {strides = array<i32>} : memref<632x16xf32, #tpu.memory_space<vmem>>, vector<1x16xf32>,
      %scan3A_404 = arith.constant 6 : i32
      %scan3A_405 = arith.addi %scan3A_353, %scan3A_404 : i32
      %broadcast_in_dim3A_406 = arith.constant 0.000000e+00 : f32
      %broadcast_in_dim3A_407 = vector.broadcast %broadcast_in_dim3A_406 : f32 to vector<16xf32>
      %swap3A_408 = arith.index_cast %scan3A_405 : i32 to index
      %swap3A_409 = arith.constant 0 : index
      %swap3A_410 = tpu.vector_load %arg8[%swap3A_408, %swap3A_409] {strides = array<i32>} : memref<632x16xf32, #tpu.memory_space<vmem>>, vector<1x16xf32>,
      %swap3A_411 = vector.shape_cast %swap3A_410 : vector<1x16xf32> to vector<16xf32>
      %swap3A_412 = vector.shape_cast %broadcast_in_dim3A_407 : vector<16xf32> to vector<1x16xf32>
      tpu.vector_store %arg8[%swap3A_408, %swap3A_409], %swap3A_412 {strides = array<i32>} : memref<632x16xf32, #tpu.memory_space<vmem>>, vector<1x16xf32>,
      %scan3A_413 = arith.constant 7 : i32
      %scan3A_414 = arith.addi %scan3A_353, %scan3A_413 : i32
      %broadcast_in_dim3A_415 = arith.constant 0.000000e+00 : f32
      %broadcast_in_dim3A_416 = vector.broadcast %broadcast_in_dim3A_415 : f32 to vector<16xf32>
      %swap3A_417 = arith.index_cast %scan3A_414 : i32 to index
      %swap3A_418 = arith.constant 0 : index
      %swap3A_419 = tpu.vector_load %arg8[%swap3A_417, %swap3A_418] {strides = array<i32>} : memref<632x16xf32, #tpu.memory_space<vmem>>, vector<1x16xf32>,
      %swap3A_420 = vector.shape_cast %swap3A_419 : vector<1x16xf32> to vector<16xf32>
      %swap3A_421 = vector.shape_cast %broadcast_in_dim3A_416 : vector<16xf32> to vector<1x16xf32>
      tpu.vector_store %arg8[%swap3A_417, %swap3A_418], %swap3A_421 {strides = array<i32>} : memref<632x16xf32, #tpu.memory_space<vmem>>, vector<1x16xf32>,
    }
    %scan3A_34 = arith.constant 632 : i32
    %mul3A_35 = arith.constant 632 : i32
    %mul3A_36 = arith.muli %arg1, %mul3A_35 : i32
    "tpu.region"() ({
      %run_scoped3A = tpu.sem_alloc : memref<!tpu.dma_semaphore, #tpu.memory_space<semaphore_mem>>
      %dma_start3A_353 = arith.constant 0 : i32
      %dma_start3A_354 = tpu.memref_slice %arg9[%mul3A_36, %dma_start3A_353] : memref<10112x16xf32, #tpu.memory_space<vmem_shared>> -> memref<632x16xf32, #tpu.memory_space<vmem_shared>>
      %dma_start3A_355 = arith.constant 0 : i32
      %dma_start3A_356 = tpu.memref_slice %arg9[%mul3A_36, %dma_start3A_355] : memref<10112x16xf32, #tpu.memory_space<vmem_shared>> -> memref<632x16xf32, #tpu.memory_space<vmem_shared>>
      tpu.enqueue_dma source(%arg8 : memref<632x16xf32, #tpu.memory_space<vmem>>) target(%dma_start3A_356 : memref<632x16xf32, #tpu.memory_space<vmem_shared>>) target_semaphore(%run_scoped3A : memref<!tpu.dma_semaphore, #tpu.memory_space<semaphore_mem>>)
      %dma_wait3A_357 = arith.constant 0 : i32
      %dma_wait3A_358 = tpu.memref_slice %arg9[%mul3A_36, %dma_wait3A_357] : memref<10112x16xf32, #tpu.memory_space<vmem_shared>> -> memref<632x16xf32, #tpu.memory_space<vmem_shared>>
      %dma_wait3A_359 = arith.constant 0 : i32
      %dma_wait3A_360 = tpu.memref_slice %arg9[%mul3A_36, %dma_wait3A_359] : memref<10112x16xf32, #tpu.memory_space<vmem_shared>> -> memref<632x16xf32, #tpu.memory_space<vmem_shared>>
      tpu.wait_dma2 semaphore(%run_scoped3A : memref<!tpu.dma_semaphore, #tpu.memory_space<semaphore_mem>>) src(%arg8 : memref<632x16xf32, #tpu.memory_space<vmem>>) dst(%dma_wait3A_360 : memref<632x16xf32, #tpu.memory_space<vmem_shared>>)
      tpu.yield
    }) : () -> ()
    %dma_wait3A = arith.constant 0 : i32
    %dma_wait3A_37 = arith.constant 0 : i32
    %dma_wait3A_38 = arith.constant 0 : i32
    %dma_wait3A_39 = tpu.memref_slice %arg5[%dma_wait3A_37, %dma_wait3A_38] : memref<79x128xi32, #tpu.memory_space<vmem>> -> memref<78x128xi32, #tpu.memory_space<vmem>>
    %dma_wait3A_40 = arith.constant 0 : i32
    %dma_wait3A_41 = tpu.memref_slice %arg3[%dma_wait3A, %mul3A_2, %dma_wait3A_40] : memref<2x2500x128xi32, #tpu.memory_space<hbm>> -> memref<1x78x128xi32, #tpu.memory_space<hbm>>
    %dma_wait3A_42 = tpu.memref_squeeze %dma_wait3A_41 : memref<1x78x128xi32, #tpu.memory_space<hbm>> -> memref<78x128xi32, #tpu.memory_space<hbm>>
    %dma_wait3A_43 = arith.constant 0 : i32
    %dma_wait3A_44 = arith.constant 0 : i32
    %dma_wait3A_45 = tpu.memref_slice %arg5[%dma_wait3A_43, %dma_wait3A_44] : memref<79x128xi32, #tpu.memory_space<vmem>> -> memref<78x128xi32, #tpu.memory_space<vmem>>
    %dma_wait3A_46 = arith.constant 0 : i32
    %dma_wait3A_47 = tpu.memref_slice %arg3[%dma_wait3A, %mul3A_2, %dma_wait3A_46] : memref<2x2500x128xi32, #tpu.memory_space<hbm>> -> memref<1x78x128xi32, #tpu.memory_space<hbm>>
    %dma_wait3A_48 = tpu.memref_squeeze %dma_wait3A_47 : memref<1x78x128xi32, #tpu.memory_space<hbm>> -> memref<78x128xi32, #tpu.memory_space<hbm>>
    tpu.wait_dma2 semaphore(%arg10 : memref<!tpu.dma_semaphore, #tpu.memory_space<semaphore_mem>>) src(%dma_wait3A_48 : memref<78x128xi32, #tpu.memory_space<hbm>>) dst(%dma_wait3A_45 : memref<78x128xi32, #tpu.memory_space<vmem>>)
    %dma_wait3A_49 = arith.constant 1 : i32
    %dma_wait3A_50 = arith.constant 0 : i32
    %dma_wait3A_51 = arith.constant 0 : i32
    %dma_wait3A_52 = tpu.memref_slice %arg6[%dma_wait3A_50, %dma_wait3A_51] : memref<79x128xi32, #tpu.memory_space<vmem>> -> memref<78x128xi32, #tpu.memory_space<vmem>>
    %dma_wait3A_53 = arith.constant 0 : i32
    %dma_wait3A_54 = tpu.memref_slice %arg3[%dma_wait3A_49, %mul3A_2, %dma_wait3A_53] : memref<2x2500x128xi32, #tpu.memory_space<hbm>> -> memref<1x78x128xi32, #tpu.memory_space<hbm>>
    %dma_wait3A_55 = tpu.memref_squeeze %dma_wait3A_54 : memref<1x78x128xi32, #tpu.memory_space<hbm>> -> memref<78x128xi32, #tpu.memory_space<hbm>>
    %dma_wait3A_56 = arith.constant 0 : i32
    %dma_wait3A_57 = arith.constant 0 : i32
    %dma_wait3A_58 = tpu.memref_slice %arg6[%dma_wait3A_56, %dma_wait3A_57] : memref<79x128xi32, #tpu.memory_space<vmem>> -> memref<78x128xi32, #tpu.memory_space<vmem>>
    %dma_wait3A_59 = arith.constant 0 : i32
    %dma_wait3A_60 = tpu.memref_slice %arg3[%dma_wait3A_49, %mul3A_2, %dma_wait3A_59] : memref<2x2500x128xi32, #tpu.memory_space<hbm>> -> memref<1x78x128xi32, #tpu.memory_space<hbm>>
    %dma_wait3A_61 = tpu.memref_squeeze %dma_wait3A_60 : memref<1x78x128xi32, #tpu.memory_space<hbm>> -> memref<78x128xi32, #tpu.memory_space<hbm>>
    tpu.wait_dma2 semaphore(%arg10 : memref<!tpu.dma_semaphore, #tpu.memory_space<semaphore_mem>>) src(%dma_wait3A_61 : memref<78x128xi32, #tpu.memory_space<hbm>>) dst(%dma_wait3A_58 : memref<78x128xi32, #tpu.memory_space<vmem>>)
    %lt3A_62 = arith.constant 4 : i32
    %lt3A_63 = arith.cmpi slt, %add3A, %lt3A_62 : i32
    %convert_element_type3A_64 = arith.extui %lt3A_63 : i1 to i32
    %cond3A_65 = arith.constant 0 : i32
    %cond3A_66 = arith.cmpi ne, %convert_element_type3A_64, %cond3A_65 : i32
    scf.if %cond3A_66 {
      %add3A_353 = arith.constant 2496 : i32
      %add3A_354 = arith.addi %add3A_353, %add3A : i32
      %dma_wait3A_355 = arith.constant 0 : i32
      %dma_wait3A_356 = arith.constant 78 : i32
      %dma_wait3A_357 = arith.constant 0 : i32
      %dma_wait3A_358 = tpu.memref_slice %arg5[%dma_wait3A_356, %dma_wait3A_357] : memref<79x128xi32, #tpu.memory_space<vmem>> -> memref<1x128xi32, #tpu.memory_space<vmem>>
      %dma_wait3A_359 = tpu.memref_squeeze %dma_wait3A_358 : memref<1x128xi32, #tpu.memory_space<vmem>> -> memref<128xi32, #tpu.memory_space<vmem>>
      %dma_wait3A_360 = arith.constant 0 : i32
      %dma_wait3A_361 = tpu.memref_slice %arg3[%dma_wait3A_355, %add3A_354, %dma_wait3A_360] : memref<2x2500x128xi32, #tpu.memory_space<hbm>> -> memref<1x1x128xi32, #tpu.memory_space<hbm>>
      %dma_wait3A_362 = tpu.memref_squeeze %dma_wait3A_361 : memref<1x1x128xi32, #tpu.memory_space<hbm>> -> memref<128xi32, #tpu.memory_space<hbm>>
      %dma_wait3A_363 = arith.constant 0 : i32
      %dma_wait3A_364 = tpu.memref_slice %arg5[%dma_wait3A_356, %dma_wait3A_363] : memref<79x128xi32, #tpu.memory_space<vmem>> -> memref<1x128xi32, #tpu.memory_space<vmem>>
      %dma_wait3A_365 = tpu.memref_squeeze %dma_wait3A_364 : memref<1x128xi32, #tpu.memory_space<vmem>> -> memref<128xi32, #tpu.memory_space<vmem>>
      %dma_wait3A_366 = arith.constant 0 : i32
      %dma_wait3A_367 = tpu.memref_slice %arg3[%dma_wait3A_355, %add3A_354, %dma_wait3A_366] : memref<2x2500x128xi32, #tpu.memory_space<hbm>> -> memref<1x1x128xi32, #tpu.memory_space<hbm>>
      %dma_wait3A_368 = tpu.memref_squeeze %dma_wait3A_367 : memref<1x1x128xi32, #tpu.memory_space<hbm>> -> memref<128xi32, #tpu.memory_space<hbm>>
      tpu.wait_dma2 semaphore(%arg10 : memref<!tpu.dma_semaphore, #tpu.memory_space<semaphore_mem>>) src(%dma_wait3A_368 : memref<128xi32, #tpu.memory_space<hbm>>) dst(%dma_wait3A_365 : memref<128xi32, #tpu.memory_space<vmem>>)
      %add3A_369 = arith.constant 2496 : i32
      %add3A_370 = arith.addi %add3A_369, %add3A : i32
      %dma_wait3A_371 = arith.constant 1 : i32
      %dma_wait3A_372 = arith.constant 78 : i32
      %dma_wait3A_373 = arith.constant 0 : i32
      %dma_wait3A_374 = tpu.memref_slice %arg6[%dma_wait3A_372, %dma_wait3A_373] : memref<79x128xi32, #tpu.memory_space<vmem>> -> memref<1x128xi32, #tpu.memory_space<vmem>>
      %dma_wait3A_375 = tpu.memref_squeeze %dma_wait3A_374 : memref<1x128xi32, #tpu.memory_space<vmem>> -> memref<128xi32, #tpu.memory_space<vmem>>
      %dma_wait3A_376 = arith.constant 0 : i32
      %dma_wait3A_377 = tpu.memref_slice %arg3[%dma_wait3A_371, %add3A_370, %dma_wait3A_376] : memref<2x2500x128xi32, #tpu.memory_space<hbm>> -> memref<1x1x128xi32, #tpu.memory_space<hbm>>
      %dma_wait3A_378 = tpu.memref_squeeze %dma_wait3A_377 : memref<1x1x128xi32, #tpu.memory_space<hbm>> -> memref<128xi32, #tpu.memory_space<hbm>>
      %dma_wait3A_379 = arith.constant 0 : i32
      %dma_wait3A_380 = tpu.memref_slice %arg6[%dma_wait3A_372, %dma_wait3A_379] : memref<79x128xi32, #tpu.memory_space<vmem>> -> memref<1x128xi32, #tpu.memory_space<vmem>>
      %dma_wait3A_381 = tpu.memref_squeeze %dma_wait3A_380 : memref<1x128xi32, #tpu.memory_space<vmem>> -> memref<128xi32, #tpu.memory_space<vmem>>
      %dma_wait3A_382 = arith.constant 0 : i32
      %dma_wait3A_383 = tpu.memref_slice %arg3[%dma_wait3A_371, %add3A_370, %dma_wait3A_382] : memref<2x2500x128xi32, #tpu.memory_space<hbm>> -> memref<1x1x128xi32, #tpu.memory_space<hbm>>
      %dma_wait3A_384 = tpu.memref_squeeze %dma_wait3A_383 : memref<1x1x128xi32, #tpu.memory_space<hbm>> -> memref<128xi32, #tpu.memory_space<hbm>>
      tpu.wait_dma2 semaphore(%arg10 : memref<!tpu.dma_semaphore, #tpu.memory_space<semaphore_mem>>) src(%dma_wait3A_384 : memref<128xi32, #tpu.memory_space<hbm>>) dst(%dma_wait3A_381 : memref<128xi32, #tpu.memory_space<vmem>>)
    } else {
    }
    %barrier3A = arith.constant 0 : index
    tpu.barrier barrier_id(%barrier3A)
    %dma_start3A_67 = arith.constant 0 : i32
    %dma_start3A_68 = arith.constant 0 : i32
    %dma_start3A_69 = arith.constant 0 : i32
    %dma_start3A_70 = arith.constant 0 : i32
    %dma_start3A_71 = arith.constant 0 : i32
    %dma_start3A_72 = tpu.memref_slice %arg7[%dma_start3A_68, %dma_start3A_70, %dma_start3A_71] : memref<12x128x16xf32, #tpu.memory_space<vmem>> -> memref<1x128x16xf32, #tpu.memory_space<vmem>>
    %dma_start3A_73 = tpu.memref_squeeze %dma_start3A_72 : memref<1x128x16xf32, #tpu.memory_space<vmem>> -> memref<128x16xf32, #tpu.memory_space<vmem>>
    %dma_start3A_74 = arith.constant 0 : i32
    %dma_start3A_75 = tpu.memref_slice %arg5[%dma_start3A_67, %dma_start3A_74] : memref<79x128xi32, #tpu.memory_space<vmem>> -> memref<1x128xi32, #tpu.memory_space<vmem>>
    %dma_start3A_76 = tpu.memref_squeeze %dma_start3A_75 : memref<1x128xi32, #tpu.memory_space<vmem>> -> memref<128xi32, #tpu.memory_space<vmem>>
    %dma_start3A_77 = arith.constant 0 : i32
    %dma_start3A_78 = arith.constant 0 : i32
    %dma_start3A_79 = tpu.memref_slice %arg2[%dma_start3A_77, %dma_start3A_78] : memref<10112x16xf32, #tpu.memory_space<hbm>> -> memref<10112x16xf32, #tpu.memory_space<hbm>>
    %dma_start3A_80 = tpu.memref_slice %arg11[%dma_start3A_69] : memref<12x!tpu.dma_semaphore, #tpu.memory_space<semaphore_mem>> -> memref<1x!tpu.dma_semaphore, #tpu.memory_space<semaphore_mem>>
    %dma_start3A_81 = tpu.memref_squeeze %dma_start3A_80 : memref<1x!tpu.dma_semaphore, #tpu.memory_space<semaphore_mem>> -> memref<!tpu.dma_semaphore, #tpu.memory_space<semaphore_mem>>
    tpu.enqueue_indirect_dma source(%dma_start3A_79 : memref<10112x16xf32, #tpu.memory_space<hbm>>) target(%dma_start3A_73 : memref<128x16xf32, #tpu.memory_space<vmem>>) offsets(%dma_start3A_76 : memref<128xi32, #tpu.memory_space<vmem>>) semaphore(%dma_start3A_81 : memref<!tpu.dma_semaphore, #tpu.memory_space<semaphore_mem>>)
    %dma_start3A_82 = arith.constant 1 : i32
    %dma_start3A_83 = arith.constant 1 : i32
    %dma_start3A_84 = arith.constant 1 : i32
    %dma_start3A_85 = arith.constant 0 : i32
    %dma_start3A_86 = arith.constant 0 : i32
    %dma_start3A_87 = tpu.memref_slice %arg7[%dma_start3A_83, %dma_start3A_85, %dma_start3A_86] : memref<12x128x16xf32, #tpu.memory_space<vmem>> -> memref<1x128x16xf32, #tpu.memory_space<vmem>>
    %dma_start3A_88 = tpu.memref_squeeze %dma_start3A_87 : memref<1x128x16xf32, #tpu.memory_space<vmem>> -> memref<128x16xf32, #tpu.memory_space<vmem>>
    %dma_start3A_89 = arith.constant 0 : i32
    %dma_start3A_90 = tpu.memref_slice %arg5[%dma_start3A_82, %dma_start3A_89] : memref<79x128xi32, #tpu.memory_space<vmem>> -> memref<1x128xi32, #tpu.memory_space<vmem>>
    %dma_start3A_91 = tpu.memref_squeeze %dma_start3A_90 : memref<1x128xi32, #tpu.memory_space<vmem>> -> memref<128xi32, #tpu.memory_space<vmem>>
    %dma_start3A_92 = arith.constant 0 : i32
    %dma_start3A_93 = arith.constant 0 : i32
    %dma_start3A_94 = tpu.memref_slice %arg2[%dma_start3A_92, %dma_start3A_93] : memref<10112x16xf32, #tpu.memory_space<hbm>> -> memref<10112x16xf32, #tpu.memory_space<hbm>>
    %dma_start3A_95 = tpu.memref_slice %arg11[%dma_start3A_84] : memref<12x!tpu.dma_semaphore, #tpu.memory_space<semaphore_mem>> -> memref<1x!tpu.dma_semaphore, #tpu.memory_space<semaphore_mem>>
    %dma_start3A_96 = tpu.memref_squeeze %dma_start3A_95 : memref<1x!tpu.dma_semaphore, #tpu.memory_space<semaphore_mem>> -> memref<!tpu.dma_semaphore, #tpu.memory_space<semaphore_mem>>
    tpu.enqueue_indirect_dma source(%dma_start3A_94 : memref<10112x16xf32, #tpu.memory_space<hbm>>) target(%dma_start3A_88 : memref<128x16xf32, #tpu.memory_space<vmem>>) offsets(%dma_start3A_91 : memref<128xi32, #tpu.memory_space<vmem>>) semaphore(%dma_start3A_96 : memref<!tpu.dma_semaphore, #tpu.memory_space<semaphore_mem>>)
    %dma_start3A_97 = arith.constant 2 : i32
    %dma_start3A_98 = arith.constant 2 : i32
    %dma_start3A_99 = arith.constant 2 : i32
    %dma_start3A_100 = arith.constant 0 : i32
    %dma_start3A_101 = arith.constant 0 : i32
    %dma_start3A_102 = tpu.memref_slice %arg7[%dma_start3A_98, %dma_start3A_100, %dma_start3A_101] : memref<12x128x16xf32, #tpu.memory_space<vmem>> -> memref<1x128x16xf32, #tpu.memory_space<vmem>>
    %dma_start3A_103 = tpu.memref_squeeze %dma_start3A_102 : memref<1x128x16xf32, #tpu.memory_space<vmem>> -> memref<128x16xf32, #tpu.memory_space<vmem>>
    %dma_start3A_104 = arith.constant 0 : i32
    %dma_start3A_105 = tpu.memref_slice %arg5[%dma_start3A_97, %dma_start3A_104] : memref<79x128xi32, #tpu.memory_space<vmem>> -> memref<1x128xi32, #tpu.memory_space<vmem>>
    %dma_start3A_106 = tpu.memref_squeeze %dma_start3A_105 : memref<1x128xi32, #tpu.memory_space<vmem>> -> memref<128xi32, #tpu.memory_space<vmem>>
    %dma_start3A_107 = arith.constant 0 : i32
    %dma_start3A_108 = arith.constant 0 : i32
    %dma_start3A_109 = tpu.memref_slice %arg2[%dma_start3A_107, %dma_start3A_108] : memref<10112x16xf32, #tpu.memory_space<hbm>> -> memref<10112x16xf32, #tpu.memory_space<hbm>>
    %dma_start3A_110 = tpu.memref_slice %arg11[%dma_start3A_99] : memref<12x!tpu.dma_semaphore, #tpu.memory_space<semaphore_mem>> -> memref<1x!tpu.dma_semaphore, #tpu.memory_space<semaphore_mem>>
    %dma_start3A_111 = tpu.memref_squeeze %dma_start3A_110 : memref<1x!tpu.dma_semaphore, #tpu.memory_space<semaphore_mem>> -> memref<!tpu.dma_semaphore, #tpu.memory_space<semaphore_mem>>
    tpu.enqueue_indirect_dma source(%dma_start3A_109 : memref<10112x16xf32, #tpu.memory_space<hbm>>) target(%dma_start3A_103 : memref<128x16xf32, #tpu.memory_space<vmem>>) offsets(%dma_start3A_106 : memref<128xi32, #tpu.memory_space<vmem>>) semaphore(%dma_start3A_111 : memref<!tpu.dma_semaphore, #tpu.memory_space<semaphore_mem>>)
    %dma_start3A_112 = arith.constant 3 : i32
    %dma_start3A_113 = arith.constant 3 : i32
    %dma_start3A_114 = arith.constant 3 : i32
    %dma_start3A_115 = arith.constant 0 : i32
    %dma_start3A_116 = arith.constant 0 : i32
    %dma_start3A_117 = tpu.memref_slice %arg7[%dma_start3A_113, %dma_start3A_115, %dma_start3A_116] : memref<12x128x16xf32, #tpu.memory_space<vmem>> -> memref<1x128x16xf32, #tpu.memory_space<vmem>>
    %dma_start3A_118 = tpu.memref_squeeze %dma_start3A_117 : memref<1x128x16xf32, #tpu.memory_space<vmem>> -> memref<128x16xf32, #tpu.memory_space<vmem>>
    %dma_start3A_119 = arith.constant 0 : i32
    %dma_start3A_120 = tpu.memref_slice %arg5[%dma_start3A_112, %dma_start3A_119] : memref<79x128xi32, #tpu.memory_space<vmem>> -> memref<1x128xi32, #tpu.memory_space<vmem>>
    %dma_start3A_121 = tpu.memref_squeeze %dma_start3A_120 : memref<1x128xi32, #tpu.memory_space<vmem>> -> memref<128xi32, #tpu.memory_space<vmem>>
    %dma_start3A_122 = arith.constant 0 : i32
    %dma_start3A_123 = arith.constant 0 : i32
    %dma_start3A_124 = tpu.memref_slice %arg2[%dma_start3A_122, %dma_start3A_123] : memref<10112x16xf32, #tpu.memory_space<hbm>> -> memref<10112x16xf32, #tpu.memory_space<hbm>>
    %dma_start3A_125 = tpu.memref_slice %arg11[%dma_start3A_114] : memref<12x!tpu.dma_semaphore, #tpu.memory_space<semaphore_mem>> -> memref<1x!tpu.dma_semaphore, #tpu.memory_space<semaphore_mem>>
    %dma_start3A_126 = tpu.memref_squeeze %dma_start3A_125 : memref<1x!tpu.dma_semaphore, #tpu.memory_space<semaphore_mem>> -> memref<!tpu.dma_semaphore, #tpu.memory_space<semaphore_mem>>
    tpu.enqueue_indirect_dma source(%dma_start3A_124 : memref<10112x16xf32, #tpu.memory_space<hbm>>) target(%dma_start3A_118 : memref<128x16xf32, #tpu.memory_space<vmem>>) offsets(%dma_start3A_121 : memref<128xi32, #tpu.memory_space<vmem>>) semaphore(%dma_start3A_126 : memref<!tpu.dma_semaphore, #tpu.memory_space<semaphore_mem>>)
    %dma_start3A_127 = arith.constant 4 : i32
    %dma_start3A_128 = arith.constant 4 : i32
    %dma_start3A_129 = arith.constant 4 : i32
    %dma_start3A_130 = arith.constant 0 : i32
    %dma_start3A_131 = arith.constant 0 : i32
    %dma_start3A_132 = tpu.memref_slice %arg7[%dma_start3A_128, %dma_start3A_130, %dma_start3A_131] : memref<12x128x16xf32, #tpu.memory_space<vmem>> -> memref<1x128x16xf32, #tpu.memory_space<vmem>>
    %dma_start3A_133 = tpu.memref_squeeze %dma_start3A_132 : memref<1x128x16xf32, #tpu.memory_space<vmem>> -> memref<128x16xf32, #tpu.memory_space<vmem>>
    %dma_start3A_134 = arith.constant 0 : i32
    %dma_start3A_135 = tpu.memref_slice %arg5[%dma_start3A_127, %dma_start3A_134] : memref<79x128xi32, #tpu.memory_space<vmem>> -> memref<1x128xi32, #tpu.memory_space<vmem>>
    %dma_start3A_136 = tpu.memref_squeeze %dma_start3A_135 : memref<1x128xi32, #tpu.memory_space<vmem>> -> memref<128xi32, #tpu.memory_space<vmem>>
    %dma_start3A_137 = arith.constant 0 : i32
    %dma_start3A_138 = arith.constant 0 : i32
    %dma_start3A_139 = tpu.memref_slice %arg2[%dma_start3A_137, %dma_start3A_138] : memref<10112x16xf32, #tpu.memory_space<hbm>> -> memref<10112x16xf32, #tpu.memory_space<hbm>>
    %dma_start3A_140 = tpu.memref_slice %arg11[%dma_start3A_129] : memref<12x!tpu.dma_semaphore, #tpu.memory_space<semaphore_mem>> -> memref<1x!tpu.dma_semaphore, #tpu.memory_space<semaphore_mem>>
    %dma_start3A_141 = tpu.memref_squeeze %dma_start3A_140 : memref<1x!tpu.dma_semaphore, #tpu.memory_space<semaphore_mem>> -> memref<!tpu.dma_semaphore, #tpu.memory_space<semaphore_mem>>
    tpu.enqueue_indirect_dma source(%dma_start3A_139 : memref<10112x16xf32, #tpu.memory_space<hbm>>) target(%dma_start3A_133 : memref<128x16xf32, #tpu.memory_space<vmem>>) offsets(%dma_start3A_136 : memref<128xi32, #tpu.memory_space<vmem>>) semaphore(%dma_start3A_141 : memref<!tpu.dma_semaphore, #tpu.memory_space<semaphore_mem>>)
    %dma_start3A_142 = arith.constant 5 : i32
    %dma_start3A_143 = arith.constant 5 : i32
    %dma_start3A_144 = arith.constant 5 : i32
    %dma_start3A_145 = arith.constant 0 : i32
    %dma_start3A_146 = arith.constant 0 : i32
    %dma_start3A_147 = tpu.memref_slice %arg7[%dma_start3A_143, %dma_start3A_145, %dma_start3A_146] : memref<12x128x16xf32, #tpu.memory_space<vmem>> -> memref<1x128x16xf32, #tpu.memory_space<vmem>>
    %dma_start3A_148 = tpu.memref_squeeze %dma_start3A_147 : memref<1x128x16xf32, #tpu.memory_space<vmem>> -> memref<128x16xf32, #tpu.memory_space<vmem>>
    %dma_start3A_149 = arith.constant 0 : i32
    %dma_start3A_150 = tpu.memref_slice %arg5[%dma_start3A_142, %dma_start3A_149] : memref<79x128xi32, #tpu.memory_space<vmem>> -> memref<1x128xi32, #tpu.memory_space<vmem>>
    %dma_start3A_151 = tpu.memref_squeeze %dma_start3A_150 : memref<1x128xi32, #tpu.memory_space<vmem>> -> memref<128xi32, #tpu.memory_space<vmem>>
    %dma_start3A_152 = arith.constant 0 : i32
    %dma_start3A_153 = arith.constant 0 : i32
    %dma_start3A_154 = tpu.memref_slice %arg2[%dma_start3A_152, %dma_start3A_153] : memref<10112x16xf32, #tpu.memory_space<hbm>> -> memref<10112x16xf32, #tpu.memory_space<hbm>>
    %dma_start3A_155 = tpu.memref_slice %arg11[%dma_start3A_144] : memref<12x!tpu.dma_semaphore, #tpu.memory_space<semaphore_mem>> -> memref<1x!tpu.dma_semaphore, #tpu.memory_space<semaphore_mem>>
    %dma_start3A_156 = tpu.memref_squeeze %dma_start3A_155 : memref<1x!tpu.dma_semaphore, #tpu.memory_space<semaphore_mem>> -> memref<!tpu.dma_semaphore, #tpu.memory_space<semaphore_mem>>
    tpu.enqueue_indirect_dma source(%dma_start3A_154 : memref<10112x16xf32, #tpu.memory_space<hbm>>) target(%dma_start3A_148 : memref<128x16xf32, #tpu.memory_space<vmem>>) offsets(%dma_start3A_151 : memref<128xi32, #tpu.memory_space<vmem>>) semaphore(%dma_start3A_156 : memref<!tpu.dma_semaphore, #tpu.memory_space<semaphore_mem>>)
    %scan3A_157 = arith.constant 0 : i32
    %scan3A_158 = arith.constant 0 : i32
    %scan3A_159 = arith.constant 78 : i32
    %scan3A_160 = arith.addi %scan3A_158, %scan3A_159 : i32
    %scan3A_161 = arith.constant 1 : i32
    scf.for %scan3A_353 = %scan3A_158 to %scan3A_160 step %scan3A_161  : i32 {
      %jit3A = arith.constant 12 : i32
      %eq3A = arith.constant 0 : i32
      %eq3A_354 = arith.cmpi eq, %jit3A, %eq3A : i32
      %jit3A_355 = arith.constant 1 : i32
      %select_n3A = arith.select %eq3A_354, %jit3A_355, %jit3A : i32
      %rem3A = arith.remsi %scan3A_353, %select_n3A : i32
      %ne3A = arith.constant 0 : i32
      %ne3A_356 = arith.cmpi ne, %rem3A, %ne3A : i32
      %lt3A_357 = arith.constant 0 : i32
      %lt3A_358 = arith.cmpi slt, %rem3A, %lt3A_357 : i32
      %lt3A_359 = arith.constant 0 : i32
      %lt3A_360 = arith.cmpi slt, %select_n3A, %lt3A_359 : i32
      %ne3A_361 = arith.xori %lt3A_358, %lt3A_360 : i1
      %and3A = arith.andi %ne3A_361, %ne3A_356 : i1
      %add3A_362 = arith.addi %rem3A, %select_n3A : i32
      %select_n3A_363 = arith.select %and3A, %add3A_362, %rem3A : i32
      %dma_wait3A_364 = arith.constant 0 : i32
      %dma_wait3A_365 = arith.constant 0 : i32
      %dma_wait3A_366 = tpu.memref_slice %arg7[%select_n3A_363, %dma_wait3A_364, %dma_wait3A_365] : memref<12x128x16xf32, #tpu.memory_space<vmem>> -> memref<1x128x16xf32, #tpu.memory_space<vmem>>
      %dma_wait3A_367 = tpu.memref_squeeze %dma_wait3A_366 : memref<1x128x16xf32, #tpu.memory_space<vmem>> -> memref<128x16xf32, #tpu.memory_space<vmem>>
      %dma_wait3A_368 = arith.constant 0 : i32
      %dma_wait3A_369 = tpu.memref_slice %arg5[%scan3A_353, %dma_wait3A_368] : memref<79x128xi32, #tpu.memory_space<vmem>> -> memref<1x128xi32, #tpu.memory_space<vmem>>
      %dma_wait3A_370 = tpu.memref_squeeze %dma_wait3A_369 : memref<1x128xi32, #tpu.memory_space<vmem>> -> memref<128xi32, #tpu.memory_space<vmem>>
      %dma_wait3A_371 = arith.constant 0 : i32
      %dma_wait3A_372 = arith.constant 0 : i32
      %dma_wait3A_373 = tpu.memref_slice %arg2[%dma_wait3A_371, %dma_wait3A_372] : memref<10112x16xf32, #tpu.memory_space<hbm>> -> memref<10112x16xf32, #tpu.memory_space<hbm>>
      %dma_wait3A_374 = tpu.memref_slice %arg11[%select_n3A_363] : memref<12x!tpu.dma_semaphore, #tpu.memory_space<semaphore_mem>> -> memref<1x!tpu.dma_semaphore, #tpu.memory_space<semaphore_mem>>
      %dma_wait3A_375 = tpu.memref_squeeze %dma_wait3A_374 : memref<1x!tpu.dma_semaphore, #tpu.memory_space<semaphore_mem>> -> memref<!tpu.dma_semaphore, #tpu.memory_space<semaphore_mem>>
      tpu.wait_indirect_dma semaphore(%dma_wait3A_375 : memref<!tpu.dma_semaphore, #tpu.memory_space<semaphore_mem>>) src(%dma_wait3A_373 : memref<10112x16xf32, #tpu.memory_space<hbm>>) dst(%dma_wait3A_367 : memref<128x16xf32, #tpu.memory_space<vmem>>)
      %dma_start3A_376 = arith.constant 0 : i32
      %dma_start3A_377 = arith.constant 0 : i32
      %dma_start3A_378 = tpu.memref_slice %arg7[%select_n3A_363, %dma_start3A_376, %dma_start3A_377] : memref<12x128x16xf32, #tpu.memory_space<vmem>> -> memref<1x128x16xf32, #tpu.memory_space<vmem>>
      %dma_start3A_379 = tpu.memref_squeeze %dma_start3A_378 : memref<1x128x16xf32, #tpu.memory_space<vmem>> -> memref<128x16xf32, #tpu.memory_space<vmem>>
      %dma_start3A_380 = arith.constant 0 : i32
      %dma_start3A_381 = tpu.memref_slice %arg6[%scan3A_353, %dma_start3A_380] : memref<79x128xi32, #tpu.memory_space<vmem>> -> memref<1x128xi32, #tpu.memory_space<vmem>>
      %dma_start3A_382 = tpu.memref_squeeze %dma_start3A_381 : memref<1x128xi32, #tpu.memory_space<vmem>> -> memref<128xi32, #tpu.memory_space<vmem>>
      %dma_start3A_383 = arith.constant 0 : i32
      %dma_start3A_384 = arith.constant 0 : i32
      %dma_start3A_385 = tpu.memref_slice %arg9[%dma_start3A_383, %dma_start3A_384] : memref<10112x16xf32, #tpu.memory_space<vmem_shared>> -> memref<10112x16xf32, #tpu.memory_space<vmem_shared>>
      %dma_start3A_386 = tpu.memref_slice %arg12[%select_n3A_363] : memref<12x!tpu.dma_semaphore, #tpu.memory_space<semaphore_mem>> -> memref<1x!tpu.dma_semaphore, #tpu.memory_space<semaphore_mem>>
      %dma_start3A_387 = tpu.memref_squeeze %dma_start3A_386 : memref<1x!tpu.dma_semaphore, #tpu.memory_space<semaphore_mem>> -> memref<!tpu.dma_semaphore, #tpu.memory_space<semaphore_mem>>
      tpu.enqueue_indirect_dma source(%dma_start3A_379 : memref<128x16xf32, #tpu.memory_space<vmem>>) target(%dma_start3A_385 : memref<10112x16xf32, #tpu.memory_space<vmem_shared>>) offsets(%dma_start3A_382 : memref<128xi32, #tpu.memory_space<vmem>>) semaphore(%dma_start3A_387 : memref<!tpu.dma_semaphore, #tpu.memory_space<semaphore_mem>>) {add = true}
      %add3A_388 = arith.constant 6 : i32
      %add3A_389 = arith.addi %scan3A_353, %add3A_388 : i32
      %lt3A_390 = arith.constant 78 : i32
      %lt3A_391 = arith.cmpi slt, %add3A_389, %lt3A_390 : i32
      %convert_element_type3A_392 = arith.extui %lt3A_391 : i1 to i32
      %cond3A_393 = arith.constant 0 : i32
      %cond3A_394 = arith.cmpi ne, %convert_element_type3A_392, %cond3A_393 : i32
      scf.if %cond3A_394 {
        %add3A_395 = arith.constant 6 : i32
        %add3A_396 = arith.addi %scan3A_353, %add3A_395 : i32
        %jit3A_397 = arith.constant 12 : i32
        %eq3A_398 = arith.constant 0 : i32
        %eq3A_399 = arith.cmpi eq, %jit3A_397, %eq3A_398 : i32
        %jit3A_400 = arith.constant 1 : i32
        %select_n3A_401 = arith.select %eq3A_399, %jit3A_400, %jit3A_397 : i32
        %rem3A_402 = arith.remsi %add3A_396, %select_n3A_401 : i32
        %ne3A_403 = arith.constant 0 : i32
        %ne3A_404 = arith.cmpi ne, %rem3A_402, %ne3A_403 : i32
        %lt3A_405 = arith.constant 0 : i32
        %lt3A_406 = arith.cmpi slt, %rem3A_402, %lt3A_405 : i32
        %lt3A_407 = arith.constant 0 : i32
        %lt3A_408 = arith.cmpi slt, %select_n3A_401, %lt3A_407 : i32
        %ne3A_409 = arith.xori %lt3A_406, %lt3A_408 : i1
        %and3A_410 = arith.andi %ne3A_409, %ne3A_404 : i1
        %add3A_411 = arith.addi %rem3A_402, %select_n3A_401 : i32
        %select_n3A_412 = arith.select %and3A_410, %add3A_411, %rem3A_402 : i32
        %add3A_413 = arith.constant 6 : i32
        %add3A_414 = arith.addi %scan3A_353, %add3A_413 : i32
        %ge3A = arith.constant 12 : i32
        %ge3A_415 = arith.cmpi sge, %add3A_414, %ge3A : i32
        %convert_element_type3A_416 = arith.extui %ge3A_415 : i1 to i32
        %cond3A_417 = arith.constant 0 : i32
        %cond3A_418 = arith.cmpi ne, %convert_element_type3A_416, %cond3A_417 : i32
        scf.if %cond3A_418 {
          %add3A_433 = arith.constant 6 : i32
          %add3A_434 = arith.addi %scan3A_353, %add3A_433 : i32
          %sub3A = arith.constant 12 : i32
          %sub3A_435 = arith.subi %add3A_434, %sub3A : i32
          %dma_wait3A_436 = arith.constant 0 : i32
          %dma_wait3A_437 = arith.constant 0 : i32
          %dma_wait3A_438 = tpu.memref_slice %arg7[%select_n3A_412, %dma_wait3A_436, %dma_wait3A_437] : memref<12x128x16xf32, #tpu.memory_space<vmem>> -> memref<1x128x16xf32, #tpu.memory_space<vmem>>
          %dma_wait3A_439 = tpu.memref_squeeze %dma_wait3A_438 : memref<1x128x16xf32, #tpu.memory_space<vmem>> -> memref<128x16xf32, #tpu.memory_space<vmem>>
          %dma_wait3A_440 = arith.constant 0 : i32
          %dma_wait3A_441 = tpu.memref_slice %arg6[%sub3A_435, %dma_wait3A_440] : memref<79x128xi32, #tpu.memory_space<vmem>> -> memref<1x128xi32, #tpu.memory_space<vmem>>
          %dma_wait3A_442 = tpu.memref_squeeze %dma_wait3A_441 : memref<1x128xi32, #tpu.memory_space<vmem>> -> memref<128xi32, #tpu.memory_space<vmem>>
          %dma_wait3A_443 = arith.constant 0 : i32
          %dma_wait3A_444 = arith.constant 0 : i32
          %dma_wait3A_445 = tpu.memref_slice %arg9[%dma_wait3A_443, %dma_wait3A_444] : memref<10112x16xf32, #tpu.memory_space<vmem_shared>> -> memref<10112x16xf32, #tpu.memory_space<vmem_shared>>
          %dma_wait3A_446 = tpu.memref_slice %arg12[%select_n3A_412] : memref<12x!tpu.dma_semaphore, #tpu.memory_space<semaphore_mem>> -> memref<1x!tpu.dma_semaphore, #tpu.memory_space<semaphore_mem>>
          %dma_wait3A_447 = tpu.memref_squeeze %dma_wait3A_446 : memref<1x!tpu.dma_semaphore, #tpu.memory_space<semaphore_mem>> -> memref<!tpu.dma_semaphore, #tpu.memory_space<semaphore_mem>>
          tpu.wait_indirect_dma semaphore(%dma_wait3A_447 : memref<!tpu.dma_semaphore, #tpu.memory_space<semaphore_mem>>) src(%dma_wait3A_439 : memref<128x16xf32, #tpu.memory_space<vmem>>) dst(%dma_wait3A_445 : memref<10112x16xf32, #tpu.memory_space<vmem_shared>>)
        } else {
        }
        %add3A_419 = arith.constant 6 : i32
        %add3A_420 = arith.addi %scan3A_353, %add3A_419 : i32
        %dma_start3A_421 = arith.constant 0 : i32
        %dma_start3A_422 = arith.constant 0 : i32
        %dma_start3A_423 = tpu.memref_slice %arg7[%select_n3A_412, %dma_start3A_421, %dma_start3A_422] : memref<12x128x16xf32, #tpu.memory_space<vmem>> -> memref<1x128x16xf32, #tpu.memory_space<vmem>>
        %dma_start3A_424 = tpu.memref_squeeze %dma_start3A_423 : memref<1x128x16xf32, #tpu.memory_space<vmem>> -> memref<128x16xf32, #tpu.memory_space<vmem>>
        %dma_start3A_425 = arith.constant 0 : i32
        %dma_start3A_426 = tpu.memref_slice %arg5[%add3A_420, %dma_start3A_425] : memref<79x128xi32, #tpu.memory_space<vmem>> -> memref<1x128xi32, #tpu.memory_space<vmem>>
        %dma_start3A_427 = tpu.memref_squeeze %dma_start3A_426 : memref<1x128xi32, #tpu.memory_space<vmem>> -> memref<128xi32, #tpu.memory_space<vmem>>
        %dma_start3A_428 = arith.constant 0 : i32
        %dma_start3A_429 = arith.constant 0 : i32
        %dma_start3A_430 = tpu.memref_slice %arg2[%dma_start3A_428, %dma_start3A_429] : memref<10112x16xf32, #tpu.memory_space<hbm>> -> memref<10112x16xf32, #tpu.memory_space<hbm>>
        %dma_start3A_431 = tpu.memref_slice %arg11[%select_n3A_412] : memref<12x!tpu.dma_semaphore, #tpu.memory_space<semaphore_mem>> -> memref<1x!tpu.dma_semaphore, #tpu.memory_space<semaphore_mem>>
        %dma_start3A_432 = tpu.memref_squeeze %dma_start3A_431 : memref<1x!tpu.dma_semaphore, #tpu.memory_space<semaphore_mem>> -> memref<!tpu.dma_semaphore, #tpu.memory_space<semaphore_mem>>
        tpu.enqueue_indirect_dma source(%dma_start3A_430 : memref<10112x16xf32, #tpu.memory_space<hbm>>) target(%dma_start3A_424 : memref<128x16xf32, #tpu.memory_space<vmem>>) offsets(%dma_start3A_427 : memref<128xi32, #tpu.memory_space<vmem>>) semaphore(%dma_start3A_432 : memref<!tpu.dma_semaphore, #tpu.memory_space<semaphore_mem>>)
      } else {
      }
    }
    %scan3A_162 = arith.constant 78 : i32
    %dma_wait3A_163 = arith.constant 6 : i32
    %dma_wait3A_164 = arith.constant 66 : i32
    %dma_wait3A_165 = arith.constant 6 : i32
    %dma_wait3A_166 = arith.constant 0 : i32
    %dma_wait3A_167 = arith.constant 0 : i32
    %dma_wait3A_168 = tpu.memref_slice %arg7[%dma_wait3A_163, %dma_wait3A_166, %dma_wait3A_167] : memref<12x128x16xf32, #tpu.memory_space<vmem>> -> memref<1x128x16xf32, #tpu.memory_space<vmem>>
    %dma_wait3A_169 = tpu.memref_squeeze %dma_wait3A_168 : memref<1x128x16xf32, #tpu.memory_space<vmem>> -> memref<128x16xf32, #tpu.memory_space<vmem>>
    %dma_wait3A_170 = arith.constant 0 : i32
    %dma_wait3A_171 = tpu.memref_slice %arg6[%dma_wait3A_164, %dma_wait3A_170] : memref<79x128xi32, #tpu.memory_space<vmem>> -> memref<1x128xi32, #tpu.memory_space<vmem>>
    %dma_wait3A_172 = tpu.memref_squeeze %dma_wait3A_171 : memref<1x128xi32, #tpu.memory_space<vmem>> -> memref<128xi32, #tpu.memory_space<vmem>>
    %dma_wait3A_173 = arith.constant 0 : i32
    %dma_wait3A_174 = arith.constant 0 : i32
    %dma_wait3A_175 = tpu.memref_slice %arg9[%dma_wait3A_173, %dma_wait3A_174] : memref<10112x16xf32, #tpu.memory_space<vmem_shared>> -> memref<10112x16xf32, #tpu.memory_space<vmem_shared>>
    %dma_wait3A_176 = tpu.memref_slice %arg12[%dma_wait3A_165] : memref<12x!tpu.dma_semaphore, #tpu.memory_space<semaphore_mem>> -> memref<1x!tpu.dma_semaphore, #tpu.memory_space<semaphore_mem>>
    %dma_wait3A_177 = tpu.memref_squeeze %dma_wait3A_176 : memref<1x!tpu.dma_semaphore, #tpu.memory_space<semaphore_mem>> -> memref<!tpu.dma_semaphore, #tpu.memory_space<semaphore_mem>>
    tpu.wait_indirect_dma semaphore(%dma_wait3A_177 : memref<!tpu.dma_semaphore, #tpu.memory_space<semaphore_mem>>) src(%dma_wait3A_169 : memref<128x16xf32, #tpu.memory_space<vmem>>) dst(%dma_wait3A_175 : memref<10112x16xf32, #tpu.memory_space<vmem_shared>>)
    %dma_wait3A_178 = arith.constant 7 : i32
    %dma_wait3A_179 = arith.constant 67 : i32
    %dma_wait3A_180 = arith.constant 7 : i32
    %dma_wait3A_181 = arith.constant 0 : i32
    %dma_wait3A_182 = arith.constant 0 : i32
    %dma_wait3A_183 = tpu.memref_slice %arg7[%dma_wait3A_178, %dma_wait3A_181, %dma_wait3A_182] : memref<12x128x16xf32, #tpu.memory_space<vmem>> -> memref<1x128x16xf32, #tpu.memory_space<vmem>>
    %dma_wait3A_184 = tpu.memref_squeeze %dma_wait3A_183 : memref<1x128x16xf32, #tpu.memory_space<vmem>> -> memref<128x16xf32, #tpu.memory_space<vmem>>
    %dma_wait3A_185 = arith.constant 0 : i32
    %dma_wait3A_186 = tpu.memref_slice %arg6[%dma_wait3A_179, %dma_wait3A_185] : memref<79x128xi32, #tpu.memory_space<vmem>> -> memref<1x128xi32, #tpu.memory_space<vmem>>
    %dma_wait3A_187 = tpu.memref_squeeze %dma_wait3A_186 : memref<1x128xi32, #tpu.memory_space<vmem>> -> memref<128xi32, #tpu.memory_space<vmem>>
    %dma_wait3A_188 = arith.constant 0 : i32
    %dma_wait3A_189 = arith.constant 0 : i32
    %dma_wait3A_190 = tpu.memref_slice %arg9[%dma_wait3A_188, %dma_wait3A_189] : memref<10112x16xf32, #tpu.memory_space<vmem_shared>> -> memref<10112x16xf32, #tpu.memory_space<vmem_shared>>
    %dma_wait3A_191 = tpu.memref_slice %arg12[%dma_wait3A_180] : memref<12x!tpu.dma_semaphore, #tpu.memory_space<semaphore_mem>> -> memref<1x!tpu.dma_semaphore, #tpu.memory_space<semaphore_mem>>
    %dma_wait3A_192 = tpu.memref_squeeze %dma_wait3A_191 : memref<1x!tpu.dma_semaphore, #tpu.memory_space<semaphore_mem>> -> memref<!tpu.dma_semaphore, #tpu.memory_space<semaphore_mem>>
    tpu.wait_indirect_dma semaphore(%dma_wait3A_192 : memref<!tpu.dma_semaphore, #tpu.memory_space<semaphore_mem>>) src(%dma_wait3A_184 : memref<128x16xf32, #tpu.memory_space<vmem>>) dst(%dma_wait3A_190 : memref<10112x16xf32, #tpu.memory_space<vmem_shared>>)
    %dma_wait3A_193 = arith.constant 8 : i32
    %dma_wait3A_194 = arith.constant 68 : i32
    %dma_wait3A_195 = arith.constant 8 : i32
    %dma_wait3A_196 = arith.constant 0 : i32
    %dma_wait3A_197 = arith.constant 0 : i32
    %dma_wait3A_198 = tpu.memref_slice %arg7[%dma_wait3A_193, %dma_wait3A_196, %dma_wait3A_197] : memref<12x128x16xf32, #tpu.memory_space<vmem>> -> memref<1x128x16xf32, #tpu.memory_space<vmem>>
    %dma_wait3A_199 = tpu.memref_squeeze %dma_wait3A_198 : memref<1x128x16xf32, #tpu.memory_space<vmem>> -> memref<128x16xf32, #tpu.memory_space<vmem>>
    %dma_wait3A_200 = arith.constant 0 : i32
    %dma_wait3A_201 = tpu.memref_slice %arg6[%dma_wait3A_194, %dma_wait3A_200] : memref<79x128xi32, #tpu.memory_space<vmem>> -> memref<1x128xi32, #tpu.memory_space<vmem>>
    %dma_wait3A_202 = tpu.memref_squeeze %dma_wait3A_201 : memref<1x128xi32, #tpu.memory_space<vmem>> -> memref<128xi32, #tpu.memory_space<vmem>>
    %dma_wait3A_203 = arith.constant 0 : i32
    %dma_wait3A_204 = arith.constant 0 : i32
    %dma_wait3A_205 = tpu.memref_slice %arg9[%dma_wait3A_203, %dma_wait3A_204] : memref<10112x16xf32, #tpu.memory_space<vmem_shared>> -> memref<10112x16xf32, #tpu.memory_space<vmem_shared>>
    %dma_wait3A_206 = tpu.memref_slice %arg12[%dma_wait3A_195] : memref<12x!tpu.dma_semaphore, #tpu.memory_space<semaphore_mem>> -> memref<1x!tpu.dma_semaphore, #tpu.memory_space<semaphore_mem>>
    %dma_wait3A_207 = tpu.memref_squeeze %dma_wait3A_206 : memref<1x!tpu.dma_semaphore, #tpu.memory_space<semaphore_mem>> -> memref<!tpu.dma_semaphore, #tpu.memory_space<semaphore_mem>>
    tpu.wait_indirect_dma semaphore(%dma_wait3A_207 : memref<!tpu.dma_semaphore, #tpu.memory_space<semaphore_mem>>) src(%dma_wait3A_199 : memref<128x16xf32, #tpu.memory_space<vmem>>) dst(%dma_wait3A_205 : memref<10112x16xf32, #tpu.memory_space<vmem_shared>>)
    %dma_wait3A_208 = arith.constant 9 : i32
    %dma_wait3A_209 = arith.constant 69 : i32
    %dma_wait3A_210 = arith.constant 9 : i32
    %dma_wait3A_211 = arith.constant 0 : i32
    %dma_wait3A_212 = arith.constant 0 : i32
    %dma_wait3A_213 = tpu.memref_slice %arg7[%dma_wait3A_208, %dma_wait3A_211, %dma_wait3A_212] : memref<12x128x16xf32, #tpu.memory_space<vmem>> -> memref<1x128x16xf32, #tpu.memory_space<vmem>>
    %dma_wait3A_214 = tpu.memref_squeeze %dma_wait3A_213 : memref<1x128x16xf32, #tpu.memory_space<vmem>> -> memref<128x16xf32, #tpu.memory_space<vmem>>
    %dma_wait3A_215 = arith.constant 0 : i32
    %dma_wait3A_216 = tpu.memref_slice %arg6[%dma_wait3A_209, %dma_wait3A_215] : memref<79x128xi32, #tpu.memory_space<vmem>> -> memref<1x128xi32, #tpu.memory_space<vmem>>
    %dma_wait3A_217 = tpu.memref_squeeze %dma_wait3A_216 : memref<1x128xi32, #tpu.memory_space<vmem>> -> memref<128xi32, #tpu.memory_space<vmem>>
    %dma_wait3A_218 = arith.constant 0 : i32
    %dma_wait3A_219 = arith.constant 0 : i32
    %dma_wait3A_220 = tpu.memref_slice %arg9[%dma_wait3A_218, %dma_wait3A_219] : memref<10112x16xf32, #tpu.memory_space<vmem_shared>> -> memref<10112x16xf32, #tpu.memory_space<vmem_shared>>
    %dma_wait3A_221 = tpu.memref_slice %arg12[%dma_wait3A_210] : memref<12x!tpu.dma_semaphore, #tpu.memory_space<semaphore_mem>> -> memref<1x!tpu.dma_semaphore, #tpu.memory_space<semaphore_mem>>
    %dma_wait3A_222 = tpu.memref_squeeze %dma_wait3A_221 : memref<1x!tpu.dma_semaphore, #tpu.memory_space<semaphore_mem>> -> memref<!tpu.dma_semaphore, #tpu.memory_space<semaphore_mem>>
    tpu.wait_indirect_dma semaphore(%dma_wait3A_222 : memref<!tpu.dma_semaphore, #tpu.memory_space<semaphore_mem>>) src(%dma_wait3A_214 : memref<128x16xf32, #tpu.memory_space<vmem>>) dst(%dma_wait3A_220 : memref<10112x16xf32, #tpu.memory_space<vmem_shared>>)
    %dma_wait3A_223 = arith.constant 10 : i32
    %dma_wait3A_224 = arith.constant 70 : i32
    %dma_wait3A_225 = arith.constant 10 : i32
    %dma_wait3A_226 = arith.constant 0 : i32
    %dma_wait3A_227 = arith.constant 0 : i32
    %dma_wait3A_228 = tpu.memref_slice %arg7[%dma_wait3A_223, %dma_wait3A_226, %dma_wait3A_227] : memref<12x128x16xf32, #tpu.memory_space<vmem>> -> memref<1x128x16xf32, #tpu.memory_space<vmem>>
    %dma_wait3A_229 = tpu.memref_squeeze %dma_wait3A_228 : memref<1x128x16xf32, #tpu.memory_space<vmem>> -> memref<128x16xf32, #tpu.memory_space<vmem>>
    %dma_wait3A_230 = arith.constant 0 : i32
    %dma_wait3A_231 = tpu.memref_slice %arg6[%dma_wait3A_224, %dma_wait3A_230] : memref<79x128xi32, #tpu.memory_space<vmem>> -> memref<1x128xi32, #tpu.memory_space<vmem>>
    %dma_wait3A_232 = tpu.memref_squeeze %dma_wait3A_231 : memref<1x128xi32, #tpu.memory_space<vmem>> -> memref<128xi32, #tpu.memory_space<vmem>>
    %dma_wait3A_233 = arith.constant 0 : i32
    %dma_wait3A_234 = arith.constant 0 : i32
    %dma_wait3A_235 = tpu.memref_slice %arg9[%dma_wait3A_233, %dma_wait3A_234] : memref<10112x16xf32, #tpu.memory_space<vmem_shared>> -> memref<10112x16xf32, #tpu.memory_space<vmem_shared>>
    %dma_wait3A_236 = tpu.memref_slice %arg12[%dma_wait3A_225] : memref<12x!tpu.dma_semaphore, #tpu.memory_space<semaphore_mem>> -> memref<1x!tpu.dma_semaphore, #tpu.memory_space<semaphore_mem>>
    %dma_wait3A_237 = tpu.memref_squeeze %dma_wait3A_236 : memref<1x!tpu.dma_semaphore, #tpu.memory_space<semaphore_mem>> -> memref<!tpu.dma_semaphore, #tpu.memory_space<semaphore_mem>>
    tpu.wait_indirect_dma semaphore(%dma_wait3A_237 : memref<!tpu.dma_semaphore, #tpu.memory_space<semaphore_mem>>) src(%dma_wait3A_229 : memref<128x16xf32, #tpu.memory_space<vmem>>) dst(%dma_wait3A_235 : memref<10112x16xf32, #tpu.memory_space<vmem_shared>>)
    %dma_wait3A_238 = arith.constant 11 : i32
    %dma_wait3A_239 = arith.constant 71 : i32
    %dma_wait3A_240 = arith.constant 11 : i32
    %dma_wait3A_241 = arith.constant 0 : i32
    %dma_wait3A_242 = arith.constant 0 : i32
    %dma_wait3A_243 = tpu.memref_slice %arg7[%dma_wait3A_238, %dma_wait3A_241, %dma_wait3A_242] : memref<12x128x16xf32, #tpu.memory_space<vmem>> -> memref<1x128x16xf32, #tpu.memory_space<vmem>>
    %dma_wait3A_244 = tpu.memref_squeeze %dma_wait3A_243 : memref<1x128x16xf32, #tpu.memory_space<vmem>> -> memref<128x16xf32, #tpu.memory_space<vmem>>
    %dma_wait3A_245 = arith.constant 0 : i32
    %dma_wait3A_246 = tpu.memref_slice %arg6[%dma_wait3A_239, %dma_wait3A_245] : memref<79x128xi32, #tpu.memory_space<vmem>> -> memref<1x128xi32, #tpu.memory_space<vmem>>
    %dma_wait3A_247 = tpu.memref_squeeze %dma_wait3A_246 : memref<1x128xi32, #tpu.memory_space<vmem>> -> memref<128xi32, #tpu.memory_space<vmem>>
    %dma_wait3A_248 = arith.constant 0 : i32
    %dma_wait3A_249 = arith.constant 0 : i32
    %dma_wait3A_250 = tpu.memref_slice %arg9[%dma_wait3A_248, %dma_wait3A_249] : memref<10112x16xf32, #tpu.memory_space<vmem_shared>> -> memref<10112x16xf32, #tpu.memory_space<vmem_shared>>
    %dma_wait3A_251 = tpu.memref_slice %arg12[%dma_wait3A_240] : memref<12x!tpu.dma_semaphore, #tpu.memory_space<semaphore_mem>> -> memref<1x!tpu.dma_semaphore, #tpu.memory_space<semaphore_mem>>
    %dma_wait3A_252 = tpu.memref_squeeze %dma_wait3A_251 : memref<1x!tpu.dma_semaphore, #tpu.memory_space<semaphore_mem>> -> memref<!tpu.dma_semaphore, #tpu.memory_space<semaphore_mem>>
    tpu.wait_indirect_dma semaphore(%dma_wait3A_252 : memref<!tpu.dma_semaphore, #tpu.memory_space<semaphore_mem>>) src(%dma_wait3A_244 : memref<128x16xf32, #tpu.memory_space<vmem>>) dst(%dma_wait3A_250 : memref<10112x16xf32, #tpu.memory_space<vmem_shared>>)
    %dma_wait3A_253 = arith.constant 0 : i32
    %dma_wait3A_254 = arith.constant 72 : i32
    %dma_wait3A_255 = arith.constant 0 : i32
    %dma_wait3A_256 = arith.constant 0 : i32
    %dma_wait3A_257 = arith.constant 0 : i32
    %dma_wait3A_258 = tpu.memref_slice %arg7[%dma_wait3A_253, %dma_wait3A_256, %dma_wait3A_257] : memref<12x128x16xf32, #tpu.memory_space<vmem>> -> memref<1x128x16xf32, #tpu.memory_space<vmem>>
    %dma_wait3A_259 = tpu.memref_squeeze %dma_wait3A_258 : memref<1x128x16xf32, #tpu.memory_space<vmem>> -> memref<128x16xf32, #tpu.memory_space<vmem>>
    %dma_wait3A_260 = arith.constant 0 : i32
    %dma_wait3A_261 = tpu.memref_slice %arg6[%dma_wait3A_254, %dma_wait3A_260] : memref<79x128xi32, #tpu.memory_space<vmem>> -> memref<1x128xi32, #tpu.memory_space<vmem>>
    %dma_wait3A_262 = tpu.memref_squeeze %dma_wait3A_261 : memref<1x128xi32, #tpu.memory_space<vmem>> -> memref<128xi32, #tpu.memory_space<vmem>>
    %dma_wait3A_263 = arith.constant 0 : i32
    %dma_wait3A_264 = arith.constant 0 : i32
    %dma_wait3A_265 = tpu.memref_slice %arg9[%dma_wait3A_263, %dma_wait3A_264] : memref<10112x16xf32, #tpu.memory_space<vmem_shared>> -> memref<10112x16xf32, #tpu.memory_space<vmem_shared>>
    %dma_wait3A_266 = tpu.memref_slice %arg12[%dma_wait3A_255] : memref<12x!tpu.dma_semaphore, #tpu.memory_space<semaphore_mem>> -> memref<1x!tpu.dma_semaphore, #tpu.memory_space<semaphore_mem>>
    %dma_wait3A_267 = tpu.memref_squeeze %dma_wait3A_266 : memref<1x!tpu.dma_semaphore, #tpu.memory_space<semaphore_mem>> -> memref<!tpu.dma_semaphore, #tpu.memory_space<semaphore_mem>>
    tpu.wait_indirect_dma semaphore(%dma_wait3A_267 : memref<!tpu.dma_semaphore, #tpu.memory_space<semaphore_mem>>) src(%dma_wait3A_259 : memref<128x16xf32, #tpu.memory_space<vmem>>) dst(%dma_wait3A_265 : memref<10112x16xf32, #tpu.memory_space<vmem_shared>>)
    %dma_wait3A_268 = arith.constant 1 : i32
    %dma_wait3A_269 = arith.constant 73 : i32
    %dma_wait3A_270 = arith.constant 1 : i32
    %dma_wait3A_271 = arith.constant 0 : i32
    %dma_wait3A_272 = arith.constant 0 : i32
    %dma_wait3A_273 = tpu.memref_slice %arg7[%dma_wait3A_268, %dma_wait3A_271, %dma_wait3A_272] : memref<12x128x16xf32, #tpu.memory_space<vmem>> -> memref<1x128x16xf32, #tpu.memory_space<vmem>>
    %dma_wait3A_274 = tpu.memref_squeeze %dma_wait3A_273 : memref<1x128x16xf32, #tpu.memory_space<vmem>> -> memref<128x16xf32, #tpu.memory_space<vmem>>
    %dma_wait3A_275 = arith.constant 0 : i32
    %dma_wait3A_276 = tpu.memref_slice %arg6[%dma_wait3A_269, %dma_wait3A_275] : memref<79x128xi32, #tpu.memory_space<vmem>> -> memref<1x128xi32, #tpu.memory_space<vmem>>
    %dma_wait3A_277 = tpu.memref_squeeze %dma_wait3A_276 : memref<1x128xi32, #tpu.memory_space<vmem>> -> memref<128xi32, #tpu.memory_space<vmem>>
    %dma_wait3A_278 = arith.constant 0 : i32
    %dma_wait3A_279 = arith.constant 0 : i32
    %dma_wait3A_280 = tpu.memref_slice %arg9[%dma_wait3A_278, %dma_wait3A_279] : memref<10112x16xf32, #tpu.memory_space<vmem_shared>> -> memref<10112x16xf32, #tpu.memory_space<vmem_shared>>
    %dma_wait3A_281 = tpu.memref_slice %arg12[%dma_wait3A_270] : memref<12x!tpu.dma_semaphore, #tpu.memory_space<semaphore_mem>> -> memref<1x!tpu.dma_semaphore, #tpu.memory_space<semaphore_mem>>
    %dma_wait3A_282 = tpu.memref_squeeze %dma_wait3A_281 : memref<1x!tpu.dma_semaphore, #tpu.memory_space<semaphore_mem>> -> memref<!tpu.dma_semaphore, #tpu.memory_space<semaphore_mem>>
    tpu.wait_indirect_dma semaphore(%dma_wait3A_282 : memref<!tpu.dma_semaphore, #tpu.memory_space<semaphore_mem>>) src(%dma_wait3A_274 : memref<128x16xf32, #tpu.memory_space<vmem>>) dst(%dma_wait3A_280 : memref<10112x16xf32, #tpu.memory_space<vmem_shared>>)
    %dma_wait3A_283 = arith.constant 2 : i32
    %dma_wait3A_284 = arith.constant 74 : i32
    %dma_wait3A_285 = arith.constant 2 : i32
    %dma_wait3A_286 = arith.constant 0 : i32
    %dma_wait3A_287 = arith.constant 0 : i32
    %dma_wait3A_288 = tpu.memref_slice %arg7[%dma_wait3A_283, %dma_wait3A_286, %dma_wait3A_287] : memref<12x128x16xf32, #tpu.memory_space<vmem>> -> memref<1x128x16xf32, #tpu.memory_space<vmem>>
    %dma_wait3A_289 = tpu.memref_squeeze %dma_wait3A_288 : memref<1x128x16xf32, #tpu.memory_space<vmem>> -> memref<128x16xf32, #tpu.memory_space<vmem>>
    %dma_wait3A_290 = arith.constant 0 : i32
    %dma_wait3A_291 = tpu.memref_slice %arg6[%dma_wait3A_284, %dma_wait3A_290] : memref<79x128xi32, #tpu.memory_space<vmem>> -> memref<1x128xi32, #tpu.memory_space<vmem>>
    %dma_wait3A_292 = tpu.memref_squeeze %dma_wait3A_291 : memref<1x128xi32, #tpu.memory_space<vmem>> -> memref<128xi32, #tpu.memory_space<vmem>>
    %dma_wait3A_293 = arith.constant 0 : i32
    %dma_wait3A_294 = arith.constant 0 : i32
    %dma_wait3A_295 = tpu.memref_slice %arg9[%dma_wait3A_293, %dma_wait3A_294] : memref<10112x16xf32, #tpu.memory_space<vmem_shared>> -> memref<10112x16xf32, #tpu.memory_space<vmem_shared>>
    %dma_wait3A_296 = tpu.memref_slice %arg12[%dma_wait3A_285] : memref<12x!tpu.dma_semaphore, #tpu.memory_space<semaphore_mem>> -> memref<1x!tpu.dma_semaphore, #tpu.memory_space<semaphore_mem>>
    %dma_wait3A_297 = tpu.memref_squeeze %dma_wait3A_296 : memref<1x!tpu.dma_semaphore, #tpu.memory_space<semaphore_mem>> -> memref<!tpu.dma_semaphore, #tpu.memory_space<semaphore_mem>>
    tpu.wait_indirect_dma semaphore(%dma_wait3A_297 : memref<!tpu.dma_semaphore, #tpu.memory_space<semaphore_mem>>) src(%dma_wait3A_289 : memref<128x16xf32, #tpu.memory_space<vmem>>) dst(%dma_wait3A_295 : memref<10112x16xf32, #tpu.memory_space<vmem_shared>>)
    %dma_wait3A_298 = arith.constant 3 : i32
    %dma_wait3A_299 = arith.constant 75 : i32
    %dma_wait3A_300 = arith.constant 3 : i32
    %dma_wait3A_301 = arith.constant 0 : i32
    %dma_wait3A_302 = arith.constant 0 : i32
    %dma_wait3A_303 = tpu.memref_slice %arg7[%dma_wait3A_298, %dma_wait3A_301, %dma_wait3A_302] : memref<12x128x16xf32, #tpu.memory_space<vmem>> -> memref<1x128x16xf32, #tpu.memory_space<vmem>>
    %dma_wait3A_304 = tpu.memref_squeeze %dma_wait3A_303 : memref<1x128x16xf32, #tpu.memory_space<vmem>> -> memref<128x16xf32, #tpu.memory_space<vmem>>
    %dma_wait3A_305 = arith.constant 0 : i32
    %dma_wait3A_306 = tpu.memref_slice %arg6[%dma_wait3A_299, %dma_wait3A_305] : memref<79x128xi32, #tpu.memory_space<vmem>> -> memref<1x128xi32, #tpu.memory_space<vmem>>
    %dma_wait3A_307 = tpu.memref_squeeze %dma_wait3A_306 : memref<1x128xi32, #tpu.memory_space<vmem>> -> memref<128xi32, #tpu.memory_space<vmem>>
    %dma_wait3A_308 = arith.constant 0 : i32
    %dma_wait3A_309 = arith.constant 0 : i32
    %dma_wait3A_310 = tpu.memref_slice %arg9[%dma_wait3A_308, %dma_wait3A_309] : memref<10112x16xf32, #tpu.memory_space<vmem_shared>> -> memref<10112x16xf32, #tpu.memory_space<vmem_shared>>
    %dma_wait3A_311 = tpu.memref_slice %arg12[%dma_wait3A_300] : memref<12x!tpu.dma_semaphore, #tpu.memory_space<semaphore_mem>> -> memref<1x!tpu.dma_semaphore, #tpu.memory_space<semaphore_mem>>
    %dma_wait3A_312 = tpu.memref_squeeze %dma_wait3A_311 : memref<1x!tpu.dma_semaphore, #tpu.memory_space<semaphore_mem>> -> memref<!tpu.dma_semaphore, #tpu.memory_space<semaphore_mem>>
    tpu.wait_indirect_dma semaphore(%dma_wait3A_312 : memref<!tpu.dma_semaphore, #tpu.memory_space<semaphore_mem>>) src(%dma_wait3A_304 : memref<128x16xf32, #tpu.memory_space<vmem>>) dst(%dma_wait3A_310 : memref<10112x16xf32, #tpu.memory_space<vmem_shared>>)
    %dma_wait3A_313 = arith.constant 4 : i32
    %dma_wait3A_314 = arith.constant 76 : i32
    %dma_wait3A_315 = arith.constant 4 : i32
    %dma_wait3A_316 = arith.constant 0 : i32
    %dma_wait3A_317 = arith.constant 0 : i32
    %dma_wait3A_318 = tpu.memref_slice %arg7[%dma_wait3A_313, %dma_wait3A_316, %dma_wait3A_317] : memref<12x128x16xf32, #tpu.memory_space<vmem>> -> memref<1x128x16xf32, #tpu.memory_space<vmem>>
    %dma_wait3A_319 = tpu.memref_squeeze %dma_wait3A_318 : memref<1x128x16xf32, #tpu.memory_space<vmem>> -> memref<128x16xf32, #tpu.memory_space<vmem>>
    %dma_wait3A_320 = arith.constant 0 : i32
    %dma_wait3A_321 = tpu.memref_slice %arg6[%dma_wait3A_314, %dma_wait3A_320] : memref<79x128xi32, #tpu.memory_space<vmem>> -> memref<1x128xi32, #tpu.memory_space<vmem>>
    %dma_wait3A_322 = tpu.memref_squeeze %dma_wait3A_321 : memref<1x128xi32, #tpu.memory_space<vmem>> -> memref<128xi32, #tpu.memory_space<vmem>>
    %dma_wait3A_323 = arith.constant 0 : i32
    %dma_wait3A_324 = arith.constant 0 : i32
    %dma_wait3A_325 = tpu.memref_slice %arg9[%dma_wait3A_323, %dma_wait3A_324] : memref<10112x16xf32, #tpu.memory_space<vmem_shared>> -> memref<10112x16xf32, #tpu.memory_space<vmem_shared>>
    %dma_wait3A_326 = tpu.memref_slice %arg12[%dma_wait3A_315] : memref<12x!tpu.dma_semaphore, #tpu.memory_space<semaphore_mem>> -> memref<1x!tpu.dma_semaphore, #tpu.memory_space<semaphore_mem>>
    %dma_wait3A_327 = tpu.memref_squeeze %dma_wait3A_326 : memref<1x!tpu.dma_semaphore, #tpu.memory_space<semaphore_mem>> -> memref<!tpu.dma_semaphore, #tpu.memory_space<semaphore_mem>>
    tpu.wait_indirect_dma semaphore(%dma_wait3A_327 : memref<!tpu.dma_semaphore, #tpu.memory_space<semaphore_mem>>) src(%dma_wait3A_319 : memref<128x16xf32, #tpu.memory_space<vmem>>) dst(%dma_wait3A_325 : memref<10112x16xf32, #tpu.memory_space<vmem_shared>>)
    %dma_wait3A_328 = arith.constant 5 : i32
    %dma_wait3A_329 = arith.constant 77 : i32
    %dma_wait3A_330 = arith.constant 5 : i32
    %dma_wait3A_331 = arith.constant 0 : i32
    %dma_wait3A_332 = arith.constant 0 : i32
    %dma_wait3A_333 = tpu.memref_slice %arg7[%dma_wait3A_328, %dma_wait3A_331, %dma_wait3A_332] : memref<12x128x16xf32, #tpu.memory_space<vmem>> -> memref<1x128x16xf32, #tpu.memory_space<vmem>>
    %dma_wait3A_334 = tpu.memref_squeeze %dma_wait3A_333 : memref<1x128x16xf32, #tpu.memory_space<vmem>> -> memref<128x16xf32, #tpu.memory_space<vmem>>
    %dma_wait3A_335 = arith.constant 0 : i32
    %dma_wait3A_336 = tpu.memref_slice %arg6[%dma_wait3A_329, %dma_wait3A_335] : memref<79x128xi32, #tpu.memory_space<vmem>> -> memref<1x128xi32, #tpu.memory_space<vmem>>
    %dma_wait3A_337 = tpu.memref_squeeze %dma_wait3A_336 : memref<1x128xi32, #tpu.memory_space<vmem>> -> memref<128xi32, #tpu.memory_space<vmem>>
    %dma_wait3A_338 = arith.constant 0 : i32
    %dma_wait3A_339 = arith.constant 0 : i32
    %dma_wait3A_340 = tpu.memref_slice %arg9[%dma_wait3A_338, %dma_wait3A_339] : memref<10112x16xf32, #tpu.memory_space<vmem_shared>> -> memref<10112x16xf32, #tpu.memory_space<vmem_shared>>
    %dma_wait3A_341 = tpu.memref_slice %arg12[%dma_wait3A_330] : memref<12x!tpu.dma_semaphore, #tpu.memory_space<semaphore_mem>> -> memref<1x!tpu.dma_semaphore, #tpu.memory_space<semaphore_mem>>
    %dma_wait3A_342 = tpu.memref_squeeze %dma_wait3A_341 : memref<1x!tpu.dma_semaphore, #tpu.memory_space<semaphore_mem>> -> memref<!tpu.dma_semaphore, #tpu.memory_space<semaphore_mem>>
    tpu.wait_indirect_dma semaphore(%dma_wait3A_342 : memref<!tpu.dma_semaphore, #tpu.memory_space<semaphore_mem>>) src(%dma_wait3A_334 : memref<128x16xf32, #tpu.memory_space<vmem>>) dst(%dma_wait3A_340 : memref<10112x16xf32, #tpu.memory_space<vmem_shared>>)
    %lt3A_343 = arith.constant 4 : i32
    %lt3A_344 = arith.cmpi slt, %add3A, %lt3A_343 : i32
    %convert_element_type3A_345 = arith.extui %lt3A_344 : i1 to i32
    %cond3A_346 = arith.constant 0 : i32
    %cond3A_347 = arith.cmpi ne, %convert_element_type3A_345, %cond3A_346 : i32
    scf.if %cond3A_347 {
      %dma_start3A_353 = arith.constant 78 : i32
      %dma_start3A_354 = arith.constant 0 : i32
      %dma_start3A_355 = arith.constant 0 : i32
      %dma_start3A_356 = arith.constant 0 : i32
      %dma_start3A_357 = arith.constant 0 : i32
      %dma_start3A_358 = tpu.memref_slice %arg7[%dma_start3A_354, %dma_start3A_356, %dma_start3A_357] : memref<12x128x16xf32, #tpu.memory_space<vmem>> -> memref<1x128x16xf32, #tpu.memory_space<vmem>>
      %dma_start3A_359 = tpu.memref_squeeze %dma_start3A_358 : memref<1x128x16xf32, #tpu.memory_space<vmem>> -> memref<128x16xf32, #tpu.memory_space<vmem>>
      %dma_start3A_360 = arith.constant 0 : i32
      %dma_start3A_361 = tpu.memref_slice %arg5[%dma_start3A_353, %dma_start3A_360] : memref<79x128xi32, #tpu.memory_space<vmem>> -> memref<1x128xi32, #tpu.memory_space<vmem>>
      %dma_start3A_362 = tpu.memref_squeeze %dma_start3A_361 : memref<1x128xi32, #tpu.memory_space<vmem>> -> memref<128xi32, #tpu.memory_space<vmem>>
      %dma_start3A_363 = arith.constant 0 : i32
      %dma_start3A_364 = arith.constant 0 : i32
      %dma_start3A_365 = tpu.memref_slice %arg2[%dma_start3A_363, %dma_start3A_364] : memref<10112x16xf32, #tpu.memory_space<hbm>> -> memref<10112x16xf32, #tpu.memory_space<hbm>>
      %dma_start3A_366 = tpu.memref_slice %arg11[%dma_start3A_355] : memref<12x!tpu.dma_semaphore, #tpu.memory_space<semaphore_mem>> -> memref<1x!tpu.dma_semaphore, #tpu.memory_space<semaphore_mem>>
      %dma_start3A_367 = tpu.memref_squeeze %dma_start3A_366 : memref<1x!tpu.dma_semaphore, #tpu.memory_space<semaphore_mem>> -> memref<!tpu.dma_semaphore, #tpu.memory_space<semaphore_mem>>
      tpu.enqueue_indirect_dma source(%dma_start3A_365 : memref<10112x16xf32, #tpu.memory_space<hbm>>) target(%dma_start3A_359 : memref<128x16xf32, #tpu.memory_space<vmem>>) offsets(%dma_start3A_362 : memref<128xi32, #tpu.memory_space<vmem>>) semaphore(%dma_start3A_367 : memref<!tpu.dma_semaphore, #tpu.memory_space<semaphore_mem>>)
      %dma_wait3A_368 = arith.constant 78 : i32
      %dma_wait3A_369 = arith.constant 0 : i32
      %dma_wait3A_370 = arith.constant 0 : i32
      %dma_wait3A_371 = arith.constant 0 : i32
      %dma_wait3A_372 = arith.constant 0 : i32
      %dma_wait3A_373 = tpu.memref_slice %arg7[%dma_wait3A_369, %dma_wait3A_371, %dma_wait3A_372] : memref<12x128x16xf32, #tpu.memory_space<vmem>> -> memref<1x128x16xf32, #tpu.memory_space<vmem>>
      %dma_wait3A_374 = tpu.memref_squeeze %dma_wait3A_373 : memref<1x128x16xf32, #tpu.memory_space<vmem>> -> memref<128x16xf32, #tpu.memory_space<vmem>>
      %dma_wait3A_375 = arith.constant 0 : i32
      %dma_wait3A_376 = tpu.memref_slice %arg5[%dma_wait3A_368, %dma_wait3A_375] : memref<79x128xi32, #tpu.memory_space<vmem>> -> memref<1x128xi32, #tpu.memory_space<vmem>>
      %dma_wait3A_377 = tpu.memref_squeeze %dma_wait3A_376 : memref<1x128xi32, #tpu.memory_space<vmem>> -> memref<128xi32, #tpu.memory_space<vmem>>
      %dma_wait3A_378 = arith.constant 0 : i32
      %dma_wait3A_379 = arith.constant 0 : i32
      %dma_wait3A_380 = tpu.memref_slice %arg2[%dma_wait3A_378, %dma_wait3A_379] : memref<10112x16xf32, #tpu.memory_space<hbm>> -> memref<10112x16xf32, #tpu.memory_space<hbm>>
      %dma_wait3A_381 = tpu.memref_slice %arg11[%dma_wait3A_370] : memref<12x!tpu.dma_semaphore, #tpu.memory_space<semaphore_mem>> -> memref<1x!tpu.dma_semaphore, #tpu.memory_space<semaphore_mem>>
      %dma_wait3A_382 = tpu.memref_squeeze %dma_wait3A_381 : memref<1x!tpu.dma_semaphore, #tpu.memory_space<semaphore_mem>> -> memref<!tpu.dma_semaphore, #tpu.memory_space<semaphore_mem>>
      tpu.wait_indirect_dma semaphore(%dma_wait3A_382 : memref<!tpu.dma_semaphore, #tpu.memory_space<semaphore_mem>>) src(%dma_wait3A_380 : memref<10112x16xf32, #tpu.memory_space<hbm>>) dst(%dma_wait3A_374 : memref<128x16xf32, #tpu.memory_space<vmem>>)
      %dma_start3A_383 = arith.constant 0 : i32
      %dma_start3A_384 = arith.constant 78 : i32
      %dma_start3A_385 = arith.constant 0 : i32
      %dma_start3A_386 = arith.constant 0 : i32
      %dma_start3A_387 = arith.constant 0 : i32
      %dma_start3A_388 = tpu.memref_slice %arg7[%dma_start3A_383, %dma_start3A_386, %dma_start3A_387] : memref<12x128x16xf32, #tpu.memory_space<vmem>> -> memref<1x128x16xf32, #tpu.memory_space<vmem>>
      %dma_start3A_389 = tpu.memref_squeeze %dma_start3A_388 : memref<1x128x16xf32, #tpu.memory_space<vmem>> -> memref<128x16xf32, #tpu.memory_space<vmem>>
      %dma_start3A_390 = arith.constant 0 : i32
      %dma_start3A_391 = tpu.memref_slice %arg6[%dma_start3A_384, %dma_start3A_390] : memref<79x128xi32, #tpu.memory_space<vmem>> -> memref<1x128xi32, #tpu.memory_space<vmem>>
      %dma_start3A_392 = tpu.memref_squeeze %dma_start3A_391 : memref<1x128xi32, #tpu.memory_space<vmem>> -> memref<128xi32, #tpu.memory_space<vmem>>
      %dma_start3A_393 = arith.constant 0 : i32
      %dma_start3A_394 = arith.constant 0 : i32
      %dma_start3A_395 = tpu.memref_slice %arg9[%dma_start3A_393, %dma_start3A_394] : memref<10112x16xf32, #tpu.memory_space<vmem_shared>> -> memref<10112x16xf32, #tpu.memory_space<vmem_shared>>
      %dma_start3A_396 = tpu.memref_slice %arg12[%dma_start3A_385] : memref<12x!tpu.dma_semaphore, #tpu.memory_space<semaphore_mem>> -> memref<1x!tpu.dma_semaphore, #tpu.memory_space<semaphore_mem>>
      %dma_start3A_397 = tpu.memref_squeeze %dma_start3A_396 : memref<1x!tpu.dma_semaphore, #tpu.memory_space<semaphore_mem>> -> memref<!tpu.dma_semaphore, #tpu.memory_space<semaphore_mem>>
      tpu.enqueue_indirect_dma source(%dma_start3A_389 : memref<128x16xf32, #tpu.memory_space<vmem>>) target(%dma_start3A_395 : memref<10112x16xf32, #tpu.memory_space<vmem_shared>>) offsets(%dma_start3A_392 : memref<128xi32, #tpu.memory_space<vmem>>) semaphore(%dma_start3A_397 : memref<!tpu.dma_semaphore, #tpu.memory_space<semaphore_mem>>) {add = true}
      %dma_wait3A_398 = arith.constant 0 : i32
      %dma_wait3A_399 = arith.constant 78 : i32
      %dma_wait3A_400 = arith.constant 0 : i32
      %dma_wait3A_401 = arith.constant 0 : i32
      %dma_wait3A_402 = arith.constant 0 : i32
      %dma_wait3A_403 = tpu.memref_slice %arg7[%dma_wait3A_398, %dma_wait3A_401, %dma_wait3A_402] : memref<12x128x16xf32, #tpu.memory_space<vmem>> -> memref<1x128x16xf32, #tpu.memory_space<vmem>>
      %dma_wait3A_404 = tpu.memref_squeeze %dma_wait3A_403 : memref<1x128x16xf32, #tpu.memory_space<vmem>> -> memref<128x16xf32, #tpu.memory_space<vmem>>
      %dma_wait3A_405 = arith.constant 0 : i32
      %dma_wait3A_406 = tpu.memref_slice %arg6[%dma_wait3A_399, %dma_wait3A_405] : memref<79x128xi32, #tpu.memory_space<vmem>> -> memref<1x128xi32, #tpu.memory_space<vmem>>
      %dma_wait3A_407 = tpu.memref_squeeze %dma_wait3A_406 : memref<1x128xi32, #tpu.memory_space<vmem>> -> memref<128xi32, #tpu.memory_space<vmem>>
      %dma_wait3A_408 = arith.constant 0 : i32
      %dma_wait3A_409 = arith.constant 0 : i32
      %dma_wait3A_410 = tpu.memref_slice %arg9[%dma_wait3A_408, %dma_wait3A_409] : memref<10112x16xf32, #tpu.memory_space<vmem_shared>> -> memref<10112x16xf32, #tpu.memory_space<vmem_shared>>
      %dma_wait3A_411 = tpu.memref_slice %arg12[%dma_wait3A_400] : memref<12x!tpu.dma_semaphore, #tpu.memory_space<semaphore_mem>> -> memref<1x!tpu.dma_semaphore, #tpu.memory_space<semaphore_mem>>
      %dma_wait3A_412 = tpu.memref_squeeze %dma_wait3A_411 : memref<1x!tpu.dma_semaphore, #tpu.memory_space<semaphore_mem>> -> memref<!tpu.dma_semaphore, #tpu.memory_space<semaphore_mem>>
      tpu.wait_indirect_dma semaphore(%dma_wait3A_412 : memref<!tpu.dma_semaphore, #tpu.memory_space<semaphore_mem>>) src(%dma_wait3A_404 : memref<128x16xf32, #tpu.memory_space<vmem>>) dst(%dma_wait3A_410 : memref<10112x16xf32, #tpu.memory_space<vmem_shared>>)
    } else {
    }
    %barrier3A_348 = arith.constant 0 : index
    tpu.barrier barrier_id(%barrier3A_348)
    %mul3A_349 = arith.constant 632 : i32
    %mul3A_350 = arith.muli %arg1, %mul3A_349 : i32
    %mul3A_351 = arith.constant 632 : i32
    %mul3A_352 = arith.muli %arg1, %mul3A_351 : i32
    "tpu.region"() ({
      %run_scoped3A = tpu.sem_alloc : memref<!tpu.dma_semaphore, #tpu.memory_space<semaphore_mem>>
      %dma_start3A_353 = arith.constant 0 : i32
      %dma_start3A_354 = tpu.memref_slice %arg4[%arg0, %mul3A_352, %dma_start3A_353] : memref<2x10112x16xf32, #tpu.memory_space<hbm>> -> memref<1x632x16xf32, #tpu.memory_space<hbm>>
      %dma_start3A_355 = tpu.memref_squeeze %dma_start3A_354 : memref<1x632x16xf32, #tpu.memory_space<hbm>> -> memref<632x16xf32, #tpu.memory_space<hbm>>
      %dma_start3A_356 = arith.constant 0 : i32
      %dma_start3A_357 = tpu.memref_slice %arg9[%mul3A_350, %dma_start3A_356] : memref<10112x16xf32, #tpu.memory_space<vmem_shared>> -> memref<632x16xf32, #tpu.memory_space<vmem_shared>>
      tpu.enqueue_dma source(%dma_start3A_357 : memref<632x16xf32, #tpu.memory_space<vmem_shared>>) target(%dma_start3A_355 : memref<632x16xf32, #tpu.memory_space<hbm>>) target_semaphore(%run_scoped3A : memref<!tpu.dma_semaphore, #tpu.memory_space<semaphore_mem>>)
      %dma_wait3A_358 = arith.constant 0 : i32
      %dma_wait3A_359 = tpu.memref_slice %arg4[%arg0, %mul3A_352, %dma_wait3A_358] : memref<2x10112x16xf32, #tpu.memory_space<hbm>> -> memref<1x632x16xf32, #tpu.memory_space<hbm>>
      %dma_wait3A_360 = tpu.memref_squeeze %dma_wait3A_359 : memref<1x632x16xf32, #tpu.memory_space<hbm>> -> memref<632x16xf32, #tpu.memory_space<hbm>>
      %dma_wait3A_361 = arith.constant 0 : i32
      %dma_wait3A_362 = tpu.memref_slice %arg9[%mul3A_350, %dma_wait3A_361] : memref<10112x16xf32, #tpu.memory_space<vmem_shared>> -> memref<632x16xf32, #tpu.memory_space<vmem_shared>>
      tpu.wait_dma2 semaphore(%run_scoped3A : memref<!tpu.dma_semaphore, #tpu.memory_space<semaphore_mem>>) src(%dma_wait3A_362 : memref<632x16xf32, #tpu.memory_space<vmem_shared>>) dst(%dma_wait3A_360 : memref<632x16xf32, #tpu.memory_space<hbm>>)
      tpu.yield
    }) : () -> ()
    return
  }
}

#map = affine_map<(d0, d1) -> (0, 0)>
#map1 = affine_map<(d0, d1) -> (0, 0, 0)>
module attributes {stable_mosaic.version = 14 : i64} {
  func.func @_sc_scatter_body(%arg0: i32, %arg1: i32, %arg2: memref<10112x16xf32, #tpu.memory_space<hbm>>, %arg3: memref<2x2500x128xi32, #tpu.memory_space<hbm>>, %arg4: memref<2x10112x16xf32, #tpu.memory_space<hbm>>, %arg5: memref<79x128xi32, #tpu.memory_space<vmem>>, %arg6: memref<79x128xi32, #tpu.memory_space<vmem>>, %arg7: memref<12x128x16xf32, #tpu.memory_space<vmem>>, %arg8: memref<632x16xf32, #tpu.memory_space<vmem>>, %arg9: memref<10112x16xf32, #tpu.memory_space<vmem_shared>>, %arg10: memref<!tpu.dma_semaphore, #tpu.memory_space<semaphore_mem>>, %arg11: memref<12x!tpu.dma_semaphore, #tpu.memory_space<semaphore_mem>>, %arg12: memref<12x!tpu.dma_semaphore, #tpu.memory_space<semaphore_mem>>) attributes {dimension_semantics = [#tpu.dimension_semantics<core_parallel>, #tpu.dimension_semantics<subcore_parallel>], iteration_bounds = array<i64: 2, 16>, scalar_prefetch = 0 : i64, scratch_operands = 8 : i64, tpu.core_type = #tpu.core_type<sc_vector_subcore>, window_params = [{transform_indices = #map}, {transform_indices = #map1}, {transform_indices = #map1}]} {
    %mul3A = arith.constant 16 : i32
    %mul3A_0 = arith.muli %arg0, %mul3A : i32
    %add3A = arith.addi %mul3A_0, %arg1 : i32
    %mul3A_1 = arith.constant 78 : i32
    %mul3A_2 = arith.muli %add3A, %mul3A_1 : i32
    %dma_start3A = arith.constant 0 : i32
    %dma_start3A_3 = arith.constant 0 : i32
    %dma_start3A_4 = arith.constant 0 : i32
    %dma_start3A_5 = tpu.memref_slice %arg5[%dma_start3A_3, %dma_start3A_4] : memref<79x128xi32, #tpu.memory_space<vmem>> -> memref<78x128xi32, #tpu.memory_space<vmem>>
    %dma_start3A_6 = arith.constant 0 : i32
    %dma_start3A_7 = tpu.memref_slice %arg3[%dma_start3A, %mul3A_2, %dma_start3A_6] : memref<2x2500x128xi32, #tpu.memory_space<hbm>> -> memref<1x78x128xi32, #tpu.memory_space<hbm>>
    %dma_start3A_8 = tpu.memref_squeeze %dma_start3A_7 : memref<1x78x128xi32, #tpu.memory_space<hbm>> -> memref<78x128xi32, #tpu.memory_space<hbm>>
    %dma_start3A_9 = arith.constant 0 : i32
    %dma_start3A_10 = arith.constant 0 : i32
    %dma_start3A_11 = tpu.memref_slice %arg5[%dma_start3A_9, %dma_start3A_10] : memref<79x128xi32, #tpu.memory_space<vmem>> -> memref<78x128xi32, #tpu.memory_space<vmem>>
    %dma_start3A_12 = arith.constant 0 : i32
    %dma_start3A_13 = tpu.memref_slice %arg3[%dma_start3A, %mul3A_2, %dma_start3A_12] : memref<2x2500x128xi32, #tpu.memory_space<hbm>> -> memref<1x78x128xi32, #tpu.memory_space<hbm>>
    %dma_start3A_14 = tpu.memref_squeeze %dma_start3A_13 : memref<1x78x128xi32, #tpu.memory_space<hbm>> -> memref<78x128xi32, #tpu.memory_space<hbm>>
    tpu.enqueue_dma source(%dma_start3A_14 : memref<78x128xi32, #tpu.memory_space<hbm>>) target(%dma_start3A_11 : memref<78x128xi32, #tpu.memory_space<vmem>>) target_semaphore(%arg10 : memref<!tpu.dma_semaphore, #tpu.memory_space<semaphore_mem>>)
    %dma_start3A_15 = arith.constant 1 : i32
    %dma_start3A_16 = arith.constant 0 : i32
    %dma_start3A_17 = arith.constant 0 : i32
    %dma_start3A_18 = tpu.memref_slice %arg6[%dma_start3A_16, %dma_start3A_17] : memref<79x128xi32, #tpu.memory_space<vmem>> -> memref<78x128xi32, #tpu.memory_space<vmem>>
    %dma_start3A_19 = arith.constant 0 : i32
    %dma_start3A_20 = tpu.memref_slice %arg3[%dma_start3A_15, %mul3A_2, %dma_start3A_19] : memref<2x2500x128xi32, #tpu.memory_space<hbm>> -> memref<1x78x128xi32, #tpu.memory_space<hbm>>
    %dma_start3A_21 = tpu.memref_squeeze %dma_start3A_20 : memref<1x78x128xi32, #tpu.memory_space<hbm>> -> memref<78x128xi32, #tpu.memory_space<hbm>>
    %dma_start3A_22 = arith.constant 0 : i32
    %dma_start3A_23 = arith.constant 0 : i32
    %dma_start3A_24 = tpu.memref_slice %arg6[%dma_start3A_22, %dma_start3A_23] : memref<79x128xi32, #tpu.memory_space<vmem>> -> memref<78x128xi32, #tpu.memory_space<vmem>>
    %dma_start3A_25 = arith.constant 0 : i32
    %dma_start3A_26 = tpu.memref_slice %arg3[%dma_start3A_15, %mul3A_2, %dma_start3A_25] : memref<2x2500x128xi32, #tpu.memory_space<hbm>> -> memref<1x78x128xi32, #tpu.memory_space<hbm>>
    %dma_start3A_27 = tpu.memref_squeeze %dma_start3A_26 : memref<1x78x128xi32, #tpu.memory_space<hbm>> -> memref<78x128xi32, #tpu.memory_space<hbm>>
    tpu.enqueue_dma source(%dma_start3A_27 : memref<78x128xi32, #tpu.memory_space<hbm>>) target(%dma_start3A_24 : memref<78x128xi32, #tpu.memory_space<vmem>>) target_semaphore(%arg10 : memref<!tpu.dma_semaphore, #tpu.memory_space<semaphore_mem>>)
    %lt3A = arith.constant 4 : i32
    %lt3A_28 = arith.cmpi slt, %add3A, %lt3A : i32
    %convert_element_type3A = arith.extui %lt3A_28 : i1 to i32
    %cond3A = arith.constant 0 : i32
    %cond3A_29 = arith.cmpi ne, %convert_element_type3A, %cond3A : i32
    scf.if %cond3A_29 {
      %add3A_353 = arith.constant 2496 : i32
      %add3A_354 = arith.addi %add3A_353, %add3A : i32
      %dma_start3A_355 = arith.constant 0 : i32
      %dma_start3A_356 = arith.constant 78 : i32
      %dma_start3A_357 = arith.constant 0 : i32
      %dma_start3A_358 = tpu.memref_slice %arg5[%dma_start3A_356, %dma_start3A_357] : memref<79x128xi32, #tpu.memory_space<vmem>> -> memref<1x128xi32, #tpu.memory_space<vmem>>
      %dma_start3A_359 = tpu.memref_squeeze %dma_start3A_358 : memref<1x128xi32, #tpu.memory_space<vmem>> -> memref<128xi32, #tpu.memory_space<vmem>>
      %dma_start3A_360 = arith.constant 0 : i32
      %dma_start3A_361 = tpu.memref_slice %arg3[%dma_start3A_355, %add3A_354, %dma_start3A_360] : memref<2x2500x128xi32, #tpu.memory_space<hbm>> -> memref<1x1x128xi32, #tpu.memory_space<hbm>>
      %dma_start3A_362 = tpu.memref_squeeze %dma_start3A_361 : memref<1x1x128xi32, #tpu.memory_space<hbm>> -> memref<128xi32, #tpu.memory_space<hbm>>
      %dma_start3A_363 = arith.constant 0 : i32
      %dma_start3A_364 = tpu.memref_slice %arg5[%dma_start3A_356, %dma_start3A_363] : memref<79x128xi32, #tpu.memory_space<vmem>> -> memref<1x128xi32, #tpu.memory_space<vmem>>
      %dma_start3A_365 = tpu.memref_squeeze %dma_start3A_364 : memref<1x128xi32, #tpu.memory_space<vmem>> -> memref<128xi32, #tpu.memory_space<vmem>>
      %dma_start3A_366 = arith.constant 0 : i32
      %dma_start3A_367 = tpu.memref_slice %arg3[%dma_start3A_355, %add3A_354, %dma_start3A_366] : memref<2x2500x128xi32, #tpu.memory_space<hbm>> -> memref<1x1x128xi32, #tpu.memory_space<hbm>>
      %dma_start3A_368 = tpu.memref_squeeze %dma_start3A_367 : memref<1x1x128xi32, #tpu.memory_space<hbm>> -> memref<128xi32, #tpu.memory_space<hbm>>
      tpu.enqueue_dma source(%dma_start3A_368 : memref<128xi32, #tpu.memory_space<hbm>>) target(%dma_start3A_365 : memref<128xi32, #tpu.memory_space<vmem>>) target_semaphore(%arg10 : memref<!tpu.dma_semaphore, #tpu.memory_space<semaphore_mem>>)
      %add3A_369 = arith.constant 2496 : i32
      %add3A_370 = arith.addi %add3A_369, %add3A : i32
      %dma_start3A_371 = arith.constant 1 : i32
      %dma_start3A_372 = arith.constant 78 : i32
      %dma_start3A_373 = arith.constant 0 : i32
      %dma_start3A_374 = tpu.memref_slice %arg6[%dma_start3A_372, %dma_start3A_373] : memref<79x128xi32, #tpu.memory_space<vmem>> -> memref<1x128xi32, #tpu.memory_space<vmem>>
      %dma_start3A_375 = tpu.memref_squeeze %dma_start3A_374 : memref<1x128xi32, #tpu.memory_space<vmem>> -> memref<128xi32, #tpu.memory_space<vmem>>
      %dma_start3A_376 = arith.constant 0 : i32
      %dma_start3A_377 = tpu.memref_slice %arg3[%dma_start3A_371, %add3A_370, %dma_start3A_376] : memref<2x2500x128xi32, #tpu.memory_space<hbm>> -> memref<1x1x128xi32, #tpu.memory_space<hbm>>
      %dma_start3A_378 = tpu.memref_squeeze %dma_start3A_377 : memref<1x1x128xi32, #tpu.memory_space<hbm>> -> memref<128xi32, #tpu.memory_space<hbm>>
      %dma_start3A_379 = arith.constant 0 : i32
      %dma_start3A_380 = tpu.memref_slice %arg6[%dma_start3A_372, %dma_start3A_379] : memref<79x128xi32, #tpu.memory_space<vmem>> -> memref<1x128xi32, #tpu.memory_space<vmem>>
      %dma_start3A_381 = tpu.memref_squeeze %dma_start3A_380 : memref<1x128xi32, #tpu.memory_space<vmem>> -> memref<128xi32, #tpu.memory_space<vmem>>
      %dma_start3A_382 = arith.constant 0 : i32
      %dma_start3A_383 = tpu.memref_slice %arg3[%dma_start3A_371, %add3A_370, %dma_start3A_382] : memref<2x2500x128xi32, #tpu.memory_space<hbm>> -> memref<1x1x128xi32, #tpu.memory_space<hbm>>
      %dma_start3A_384 = tpu.memref_squeeze %dma_start3A_383 : memref<1x1x128xi32, #tpu.memory_space<hbm>> -> memref<128xi32, #tpu.memory_space<hbm>>
      tpu.enqueue_dma source(%dma_start3A_384 : memref<128xi32, #tpu.memory_space<hbm>>) target(%dma_start3A_381 : memref<128xi32, #tpu.memory_space<vmem>>) target_semaphore(%arg10 : memref<!tpu.dma_semaphore, #tpu.memory_space<semaphore_mem>>)
    } else {
    }
    %scan3A = arith.constant 0 : i32
    %scan3A_30 = arith.constant 0 : i32
    %scan3A_31 = arith.constant 632 : i32
    %scan3A_32 = arith.addi %scan3A_30, %scan3A_31 : i32
    %scan3A_33 = arith.constant 8 : i32
    scf.for %scan3A_353 = %scan3A_30 to %scan3A_32 step %scan3A_33  : i32 {
      %broadcast_in_dim3A = arith.constant 0.000000e+00 : f32
      %broadcast_in_dim3A_354 = vector.broadcast %broadcast_in_dim3A : f32 to vector<16xf32>
      %swap3A = arith.index_cast %scan3A_353 : i32 to index
      %swap3A_355 = arith.constant 0 : index
      %swap3A_356 = tpu.vector_load %arg8[%swap3A, %swap3A_355] {strides = array<i32>} : memref<632x16xf32, #tpu.memory_space<vmem>>, vector<1x16xf32>,
      %swap3A_357 = vector.shape_cast %swap3A_356 : vector<1x16xf32> to vector<16xf32>
      %swap3A_358 = vector.shape_cast %broadcast_in_dim3A_354 : vector<16xf32> to vector<1x16xf32>
      tpu.vector_store %arg8[%swap3A, %swap3A_355], %swap3A_358 {strides = array<i32>} : memref<632x16xf32, #tpu.memory_space<vmem>>, vector<1x16xf32>,
      %scan3A_359 = arith.constant 1 : i32
      %scan3A_360 = arith.addi %scan3A_353, %scan3A_359 : i32
      %broadcast_in_dim3A_361 = arith.constant 0.000000e+00 : f32
      %broadcast_in_dim3A_362 = vector.broadcast %broadcast_in_dim3A_361 : f32 to vector<16xf32>
      %swap3A_363 = arith.index_cast %scan3A_360 : i32 to index
      %swap3A_364 = arith.constant 0 : index
      %swap3A_365 = tpu.vector_load %arg8[%swap3A_363, %swap3A_364] {strides = array<i32>} : memref<632x16xf32, #tpu.memory_space<vmem>>, vector<1x16xf32>,
      %swap3A_366 = vector.shape_cast %swap3A_365 : vector<1x16xf32> to vector<16xf32>
      %swap3A_367 = vector.shape_cast %broadcast_in_dim3A_362 : vector<16xf32> to vector<1x16xf32>
      tpu.vector_store %arg8[%swap3A_363, %swap3A_364], %swap3A_367 {strides = array<i32>} : memref<632x16xf32, #tpu.memory_space<vmem>>, vector<1x16xf32>,
      %scan3A_368 = arith.constant 2 : i32
      %scan3A_369 = arith.addi %scan3A_353, %scan3A_368 : i32
      %broadcast_in_dim3A_370 = arith.constant 0.000000e+00 : f32
      %broadcast_in_dim3A_371 = vector.broadcast %broadcast_in_dim3A_370 : f32 to vector<16xf32>
      %swap3A_372 = arith.index_cast %scan3A_369 : i32 to index
      %swap3A_373 = arith.constant 0 : index
      %swap3A_374 = tpu.vector_load %arg8[%swap3A_372, %swap3A_373] {strides = array<i32>} : memref<632x16xf32, #tpu.memory_space<vmem>>, vector<1x16xf32>,
      %swap3A_375 = vector.shape_cast %swap3A_374 : vector<1x16xf32> to vector<16xf32>
      %swap3A_376 = vector.shape_cast %broadcast_in_dim3A_371 : vector<16xf32> to vector<1x16xf32>
      tpu.vector_store %arg8[%swap3A_372, %swap3A_373], %swap3A_376 {strides = array<i32>} : memref<632x16xf32, #tpu.memory_space<vmem>>, vector<1x16xf32>,
      %scan3A_377 = arith.constant 3 : i32
      %scan3A_378 = arith.addi %scan3A_353, %scan3A_377 : i32
      %broadcast_in_dim3A_379 = arith.constant 0.000000e+00 : f32
      %broadcast_in_dim3A_380 = vector.broadcast %broadcast_in_dim3A_379 : f32 to vector<16xf32>
      %swap3A_381 = arith.index_cast %scan3A_378 : i32 to index
      %swap3A_382 = arith.constant 0 : index
      %swap3A_383 = tpu.vector_load %arg8[%swap3A_381, %swap3A_382] {strides = array<i32>} : memref<632x16xf32, #tpu.memory_space<vmem>>, vector<1x16xf32>,
      %swap3A_384 = vector.shape_cast %swap3A_383 : vector<1x16xf32> to vector<16xf32>
      %swap3A_385 = vector.shape_cast %broadcast_in_dim3A_380 : vector<16xf32> to vector<1x16xf32>
      tpu.vector_store %arg8[%swap3A_381, %swap3A_382], %swap3A_385 {strides = array<i32>} : memref<632x16xf32, #tpu.memory_space<vmem>>, vector<1x16xf32>,
      %scan3A_386 = arith.constant 4 : i32
      %scan3A_387 = arith.addi %scan3A_353, %scan3A_386 : i32
      %broadcast_in_dim3A_388 = arith.constant 0.000000e+00 : f32
      %broadcast_in_dim3A_389 = vector.broadcast %broadcast_in_dim3A_388 : f32 to vector<16xf32>
      %swap3A_390 = arith.index_cast %scan3A_387 : i32 to index
      %swap3A_391 = arith.constant 0 : index
      %swap3A_392 = tpu.vector_load %arg8[%swap3A_390, %swap3A_391] {strides = array<i32>} : memref<632x16xf32, #tpu.memory_space<vmem>>, vector<1x16xf32>,
      %swap3A_393 = vector.shape_cast %swap3A_392 : vector<1x16xf32> to vector<16xf32>
      %swap3A_394 = vector.shape_cast %broadcast_in_dim3A_389 : vector<16xf32> to vector<1x16xf32>
      tpu.vector_store %arg8[%swap3A_390, %swap3A_391], %swap3A_394 {strides = array<i32>} : memref<632x16xf32, #tpu.memory_space<vmem>>, vector<1x16xf32>,
      %scan3A_395 = arith.constant 5 : i32
      %scan3A_396 = arith.addi %scan3A_353, %scan3A_395 : i32
      %broadcast_in_dim3A_397 = arith.constant 0.000000e+00 : f32
      %broadcast_in_dim3A_398 = vector.broadcast %broadcast_in_dim3A_397 : f32 to vector<16xf32>
      %swap3A_399 = arith.index_cast %scan3A_396 : i32 to index
      %swap3A_400 = arith.constant 0 : index
      %swap3A_401 = tpu.vector_load %arg8[%swap3A_399, %swap3A_400] {strides = array<i32>} : memref<632x16xf32, #tpu.memory_space<vmem>>, vector<1x16xf32>,
      %swap3A_402 = vector.shape_cast %swap3A_401 : vector<1x16xf32> to vector<16xf32>
      %swap3A_403 = vector.shape_cast %broadcast_in_dim3A_398 : vector<16xf32> to vector<1x16xf32>
      tpu.vector_store %arg8[%swap3A_399, %swap3A_400], %swap3A_403 {strides = array<i32>} : memref<632x16xf32, #tpu.memory_space<vmem>>, vector<1x16xf32>,
      %scan3A_404 = arith.constant 6 : i32
      %scan3A_405 = arith.addi %scan3A_353, %scan3A_404 : i32
      %broadcast_in_dim3A_406 = arith.constant 0.000000e+00 : f32
      %broadcast_in_dim3A_407 = vector.broadcast %broadcast_in_dim3A_406 : f32 to vector<16xf32>
      %swap3A_408 = arith.index_cast %scan3A_405 : i32 to index
      %swap3A_409 = arith.constant 0 : index
      %swap3A_410 = tpu.vector_load %arg8[%swap3A_408, %swap3A_409] {strides = array<i32>} : memref<632x16xf32, #tpu.memory_space<vmem>>, vector<1x16xf32>,
      %swap3A_411 = vector.shape_cast %swap3A_410 : vector<1x16xf32> to vector<16xf32>
      %swap3A_412 = vector.shape_cast %broadcast_in_dim3A_407 : vector<16xf32> to vector<1x16xf32>
      tpu.vector_store %arg8[%swap3A_408, %swap3A_409], %swap3A_412 {strides = array<i32>} : memref<632x16xf32, #tpu.memory_space<vmem>>, vector<1x16xf32>,
      %scan3A_413 = arith.constant 7 : i32
      %scan3A_414 = arith.addi %scan3A_353, %scan3A_413 : i32
      %broadcast_in_dim3A_415 = arith.constant 0.000000e+00 : f32
      %broadcast_in_dim3A_416 = vector.broadcast %broadcast_in_dim3A_415 : f32 to vector<16xf32>
      %swap3A_417 = arith.index_cast %scan3A_414 : i32 to index
      %swap3A_418 = arith.constant 0 : index
      %swap3A_419 = tpu.vector_load %arg8[%swap3A_417, %swap3A_418] {strides = array<i32>} : memref<632x16xf32, #tpu.memory_space<vmem>>, vector<1x16xf32>,
      %swap3A_420 = vector.shape_cast %swap3A_419 : vector<1x16xf32> to vector<16xf32>
      %swap3A_421 = vector.shape_cast %broadcast_in_dim3A_416 : vector<16xf32> to vector<1x16xf32>
      tpu.vector_store %arg8[%swap3A_417, %swap3A_418], %swap3A_421 {strides = array<i32>} : memref<632x16xf32, #tpu.memory_space<vmem>>, vector<1x16xf32>,
    }
    %scan3A_34 = arith.constant 632 : i32
    %mul3A_35 = arith.constant 632 : i32
    %mul3A_36 = arith.muli %arg1, %mul3A_35 : i32
    "tpu.region"() ({
      %run_scoped3A = tpu.sem_alloc : memref<!tpu.dma_semaphore, #tpu.memory_space<semaphore_mem>>
      %dma_start3A_353 = arith.constant 0 : i32
      %dma_start3A_354 = tpu.memref_slice %arg9[%mul3A_36, %dma_start3A_353] : memref<10112x16xf32, #tpu.memory_space<vmem_shared>> -> memref<632x16xf32, #tpu.memory_space<vmem_shared>>
      %dma_start3A_355 = arith.constant 0 : i32
      %dma_start3A_356 = tpu.memref_slice %arg9[%mul3A_36, %dma_start3A_355] : memref<10112x16xf32, #tpu.memory_space<vmem_shared>> -> memref<632x16xf32, #tpu.memory_space<vmem_shared>>
      tpu.enqueue_dma source(%arg8 : memref<632x16xf32, #tpu.memory_space<vmem>>) target(%dma_start3A_356 : memref<632x16xf32, #tpu.memory_space<vmem_shared>>) target_semaphore(%run_scoped3A : memref<!tpu.dma_semaphore, #tpu.memory_space<semaphore_mem>>)
      %dma_wait3A_357 = arith.constant 0 : i32
      %dma_wait3A_358 = tpu.memref_slice %arg9[%mul3A_36, %dma_wait3A_357] : memref<10112x16xf32, #tpu.memory_space<vmem_shared>> -> memref<632x16xf32, #tpu.memory_space<vmem_shared>>
      %dma_wait3A_359 = arith.constant 0 : i32
      %dma_wait3A_360 = tpu.memref_slice %arg9[%mul3A_36, %dma_wait3A_359] : memref<10112x16xf32, #tpu.memory_space<vmem_shared>> -> memref<632x16xf32, #tpu.memory_space<vmem_shared>>
      tpu.wait_dma2 semaphore(%run_scoped3A : memref<!tpu.dma_semaphore, #tpu.memory_space<semaphore_mem>>) src(%arg8 : memref<632x16xf32, #tpu.memory_space<vmem>>) dst(%dma_wait3A_360 : memref<632x16xf32, #tpu.memory_space<vmem_shared>>)
      tpu.yield
    }) : () -> ()
    %dma_wait3A = arith.constant 0 : i32
    %dma_wait3A_37 = arith.constant 0 : i32
    %dma_wait3A_38 = arith.constant 0 : i32
    %dma_wait3A_39 = tpu.memref_slice %arg5[%dma_wait3A_37, %dma_wait3A_38] : memref<79x128xi32, #tpu.memory_space<vmem>> -> memref<78x128xi32, #tpu.memory_space<vmem>>
    %dma_wait3A_40 = arith.constant 0 : i32
    %dma_wait3A_41 = tpu.memref_slice %arg3[%dma_wait3A, %mul3A_2, %dma_wait3A_40] : memref<2x2500x128xi32, #tpu.memory_space<hbm>> -> memref<1x78x128xi32, #tpu.memory_space<hbm>>
    %dma_wait3A_42 = tpu.memref_squeeze %dma_wait3A_41 : memref<1x78x128xi32, #tpu.memory_space<hbm>> -> memref<78x128xi32, #tpu.memory_space<hbm>>
    %dma_wait3A_43 = arith.constant 0 : i32
    %dma_wait3A_44 = arith.constant 0 : i32
    %dma_wait3A_45 = tpu.memref_slice %arg5[%dma_wait3A_43, %dma_wait3A_44] : memref<79x128xi32, #tpu.memory_space<vmem>> -> memref<78x128xi32, #tpu.memory_space<vmem>>
    %dma_wait3A_46 = arith.constant 0 : i32
    %dma_wait3A_47 = tpu.memref_slice %arg3[%dma_wait3A, %mul3A_2, %dma_wait3A_46] : memref<2x2500x128xi32, #tpu.memory_space<hbm>> -> memref<1x78x128xi32, #tpu.memory_space<hbm>>
    %dma_wait3A_48 = tpu.memref_squeeze %dma_wait3A_47 : memref<1x78x128xi32, #tpu.memory_space<hbm>> -> memref<78x128xi32, #tpu.memory_space<hbm>>
    tpu.wait_dma2 semaphore(%arg10 : memref<!tpu.dma_semaphore, #tpu.memory_space<semaphore_mem>>) src(%dma_wait3A_48 : memref<78x128xi32, #tpu.memory_space<hbm>>) dst(%dma_wait3A_45 : memref<78x128xi32, #tpu.memory_space<vmem>>)
    %dma_wait3A_49 = arith.constant 1 : i32
    %dma_wait3A_50 = arith.constant 0 : i32
    %dma_wait3A_51 = arith.constant 0 : i32
    %dma_wait3A_52 = tpu.memref_slice %arg6[%dma_wait3A_50, %dma_wait3A_51] : memref<79x128xi32, #tpu.memory_space<vmem>> -> memref<78x128xi32, #tpu.memory_space<vmem>>
    %dma_wait3A_53 = arith.constant 0 : i32
    %dma_wait3A_54 = tpu.memref_slice %arg3[%dma_wait3A_49, %mul3A_2, %dma_wait3A_53] : memref<2x2500x128xi32, #tpu.memory_space<hbm>> -> memref<1x78x128xi32, #tpu.memory_space<hbm>>
    %dma_wait3A_55 = tpu.memref_squeeze %dma_wait3A_54 : memref<1x78x128xi32, #tpu.memory_space<hbm>> -> memref<78x128xi32, #tpu.memory_space<hbm>>
    %dma_wait3A_56 = arith.constant 0 : i32
    %dma_wait3A_57 = arith.constant 0 : i32
    %dma_wait3A_58 = tpu.memref_slice %arg6[%dma_wait3A_56, %dma_wait3A_57] : memref<79x128xi32, #tpu.memory_space<vmem>> -> memref<78x128xi32, #tpu.memory_space<vmem>>
    %dma_wait3A_59 = arith.constant 0 : i32
    %dma_wait3A_60 = tpu.memref_slice %arg3[%dma_wait3A_49, %mul3A_2, %dma_wait3A_59] : memref<2x2500x128xi32, #tpu.memory_space<hbm>> -> memref<1x78x128xi32, #tpu.memory_space<hbm>>
    %dma_wait3A_61 = tpu.memref_squeeze %dma_wait3A_60 : memref<1x78x128xi32, #tpu.memory_space<hbm>> -> memref<78x128xi32, #tpu.memory_space<hbm>>
    tpu.wait_dma2 semaphore(%arg10 : memref<!tpu.dma_semaphore, #tpu.memory_space<semaphore_mem>>) src(%dma_wait3A_61 : memref<78x128xi32, #tpu.memory_space<hbm>>) dst(%dma_wait3A_58 : memref<78x128xi32, #tpu.memory_space<vmem>>)
    %lt3A_62 = arith.constant 4 : i32
    %lt3A_63 = arith.cmpi slt, %add3A, %lt3A_62 : i32
    %convert_element_type3A_64 = arith.extui %lt3A_63 : i1 to i32
    %cond3A_65 = arith.constant 0 : i32
    %cond3A_66 = arith.cmpi ne, %convert_element_type3A_64, %cond3A_65 : i32
    scf.if %cond3A_66 {
      %add3A_353 = arith.constant 2496 : i32
      %add3A_354 = arith.addi %add3A_353, %add3A : i32
      %dma_wait3A_355 = arith.constant 0 : i32
      %dma_wait3A_356 = arith.constant 78 : i32
      %dma_wait3A_357 = arith.constant 0 : i32
      %dma_wait3A_358 = tpu.memref_slice %arg5[%dma_wait3A_356, %dma_wait3A_357] : memref<79x128xi32, #tpu.memory_space<vmem>> -> memref<1x128xi32, #tpu.memory_space<vmem>>
      %dma_wait3A_359 = tpu.memref_squeeze %dma_wait3A_358 : memref<1x128xi32, #tpu.memory_space<vmem>> -> memref<128xi32, #tpu.memory_space<vmem>>
      %dma_wait3A_360 = arith.constant 0 : i32
      %dma_wait3A_361 = tpu.memref_slice %arg3[%dma_wait3A_355, %add3A_354, %dma_wait3A_360] : memref<2x2500x128xi32, #tpu.memory_space<hbm>> -> memref<1x1x128xi32, #tpu.memory_space<hbm>>
      %dma_wait3A_362 = tpu.memref_squeeze %dma_wait3A_361 : memref<1x1x128xi32, #tpu.memory_space<hbm>> -> memref<128xi32, #tpu.memory_space<hbm>>
      %dma_wait3A_363 = arith.constant 0 : i32
      %dma_wait3A_364 = tpu.memref_slice %arg5[%dma_wait3A_356, %dma_wait3A_363] : memref<79x128xi32, #tpu.memory_space<vmem>> -> memref<1x128xi32, #tpu.memory_space<vmem>>
      %dma_wait3A_365 = tpu.memref_squeeze %dma_wait3A_364 : memref<1x128xi32, #tpu.memory_space<vmem>> -> memref<128xi32, #tpu.memory_space<vmem>>
      %dma_wait3A_366 = arith.constant 0 : i32
      %dma_wait3A_367 = tpu.memref_slice %arg3[%dma_wait3A_355, %add3A_354, %dma_wait3A_366] : memref<2x2500x128xi32, #tpu.memory_space<hbm>> -> memref<1x1x128xi32, #tpu.memory_space<hbm>>
      %dma_wait3A_368 = tpu.memref_squeeze %dma_wait3A_367 : memref<1x1x128xi32, #tpu.memory_space<hbm>> -> memref<128xi32, #tpu.memory_space<hbm>>
      tpu.wait_dma2 semaphore(%arg10 : memref<!tpu.dma_semaphore, #tpu.memory_space<semaphore_mem>>) src(%dma_wait3A_368 : memref<128xi32, #tpu.memory_space<hbm>>) dst(%dma_wait3A_365 : memref<128xi32, #tpu.memory_space<vmem>>)
      %add3A_369 = arith.constant 2496 : i32
      %add3A_370 = arith.addi %add3A_369, %add3A : i32
      %dma_wait3A_371 = arith.constant 1 : i32
      %dma_wait3A_372 = arith.constant 78 : i32
      %dma_wait3A_373 = arith.constant 0 : i32
      %dma_wait3A_374 = tpu.memref_slice %arg6[%dma_wait3A_372, %dma_wait3A_373] : memref<79x128xi32, #tpu.memory_space<vmem>> -> memref<1x128xi32, #tpu.memory_space<vmem>>
      %dma_wait3A_375 = tpu.memref_squeeze %dma_wait3A_374 : memref<1x128xi32, #tpu.memory_space<vmem>> -> memref<128xi32, #tpu.memory_space<vmem>>
      %dma_wait3A_376 = arith.constant 0 : i32
      %dma_wait3A_377 = tpu.memref_slice %arg3[%dma_wait3A_371, %add3A_370, %dma_wait3A_376] : memref<2x2500x128xi32, #tpu.memory_space<hbm>> -> memref<1x1x128xi32, #tpu.memory_space<hbm>>
      %dma_wait3A_378 = tpu.memref_squeeze %dma_wait3A_377 : memref<1x1x128xi32, #tpu.memory_space<hbm>> -> memref<128xi32, #tpu.memory_space<hbm>>
      %dma_wait3A_379 = arith.constant 0 : i32
      %dma_wait3A_380 = tpu.memref_slice %arg6[%dma_wait3A_372, %dma_wait3A_379] : memref<79x128xi32, #tpu.memory_space<vmem>> -> memref<1x128xi32, #tpu.memory_space<vmem>>
      %dma_wait3A_381 = tpu.memref_squeeze %dma_wait3A_380 : memref<1x128xi32, #tpu.memory_space<vmem>> -> memref<128xi32, #tpu.memory_space<vmem>>
      %dma_wait3A_382 = arith.constant 0 : i32
      %dma_wait3A_383 = tpu.memref_slice %arg3[%dma_wait3A_371, %add3A_370, %dma_wait3A_382] : memref<2x2500x128xi32, #tpu.memory_space<hbm>> -> memref<1x1x128xi32, #tpu.memory_space<hbm>>
      %dma_wait3A_384 = tpu.memref_squeeze %dma_wait3A_383 : memref<1x1x128xi32, #tpu.memory_space<hbm>> -> memref<128xi32, #tpu.memory_space<hbm>>
      tpu.wait_dma2 semaphore(%arg10 : memref<!tpu.dma_semaphore, #tpu.memory_space<semaphore_mem>>) src(%dma_wait3A_384 : memref<128xi32, #tpu.memory_space<hbm>>) dst(%dma_wait3A_381 : memref<128xi32, #tpu.memory_space<vmem>>)
    } else {
    }
    %barrier3A = arith.constant 0 : index
    tpu.barrier barrier_id(%barrier3A)
    %dma_start3A_67 = arith.constant 0 : i32
    %dma_start3A_68 = arith.constant 0 : i32
    %dma_start3A_69 = arith.constant 0 : i32
    %dma_start3A_70 = arith.constant 0 : i32
    %dma_start3A_71 = arith.constant 0 : i32
    %dma_start3A_72 = tpu.memref_slice %arg7[%dma_start3A_68, %dma_start3A_70, %dma_start3A_71] : memref<12x128x16xf32, #tpu.memory_space<vmem>> -> memref<1x128x16xf32, #tpu.memory_space<vmem>>
    %dma_start3A_73 = tpu.memref_squeeze %dma_start3A_72 : memref<1x128x16xf32, #tpu.memory_space<vmem>> -> memref<128x16xf32, #tpu.memory_space<vmem>>
    %dma_start3A_74 = arith.constant 0 : i32
    %dma_start3A_75 = tpu.memref_slice %arg5[%dma_start3A_67, %dma_start3A_74] : memref<79x128xi32, #tpu.memory_space<vmem>> -> memref<1x128xi32, #tpu.memory_space<vmem>>
    %dma_start3A_76 = tpu.memref_squeeze %dma_start3A_75 : memref<1x128xi32, #tpu.memory_space<vmem>> -> memref<128xi32, #tpu.memory_space<vmem>>
    %dma_start3A_77 = arith.constant 0 : i32
    %dma_start3A_78 = arith.constant 0 : i32
    %dma_start3A_79 = tpu.memref_slice %arg2[%dma_start3A_77, %dma_start3A_78] : memref<10112x16xf32, #tpu.memory_space<hbm>> -> memref<10112x16xf32, #tpu.memory_space<hbm>>
    %dma_start3A_80 = tpu.memref_slice %arg11[%dma_start3A_69] : memref<12x!tpu.dma_semaphore, #tpu.memory_space<semaphore_mem>> -> memref<1x!tpu.dma_semaphore, #tpu.memory_space<semaphore_mem>>
    %dma_start3A_81 = tpu.memref_squeeze %dma_start3A_80 : memref<1x!tpu.dma_semaphore, #tpu.memory_space<semaphore_mem>> -> memref<!tpu.dma_semaphore, #tpu.memory_space<semaphore_mem>>
    tpu.enqueue_indirect_dma source(%dma_start3A_79 : memref<10112x16xf32, #tpu.memory_space<hbm>>) target(%dma_start3A_73 : memref<128x16xf32, #tpu.memory_space<vmem>>) offsets(%dma_start3A_76 : memref<128xi32, #tpu.memory_space<vmem>>) semaphore(%dma_start3A_81 : memref<!tpu.dma_semaphore, #tpu.memory_space<semaphore_mem>>)
    %dma_start3A_82 = arith.constant 1 : i32
    %dma_start3A_83 = arith.constant 1 : i32
    %dma_start3A_84 = arith.constant 1 : i32
    %dma_start3A_85 = arith.constant 0 : i32
    %dma_start3A_86 = arith.constant 0 : i32
    %dma_start3A_87 = tpu.memref_slice %arg7[%dma_start3A_83, %dma_start3A_85, %dma_start3A_86] : memref<12x128x16xf32, #tpu.memory_space<vmem>> -> memref<1x128x16xf32, #tpu.memory_space<vmem>>
    %dma_start3A_88 = tpu.memref_squeeze %dma_start3A_87 : memref<1x128x16xf32, #tpu.memory_space<vmem>> -> memref<128x16xf32, #tpu.memory_space<vmem>>
    %dma_start3A_89 = arith.constant 0 : i32
    %dma_start3A_90 = tpu.memref_slice %arg5[%dma_start3A_82, %dma_start3A_89] : memref<79x128xi32, #tpu.memory_space<vmem>> -> memref<1x128xi32, #tpu.memory_space<vmem>>
    %dma_start3A_91 = tpu.memref_squeeze %dma_start3A_90 : memref<1x128xi32, #tpu.memory_space<vmem>> -> memref<128xi32, #tpu.memory_space<vmem>>
    %dma_start3A_92 = arith.constant 0 : i32
    %dma_start3A_93 = arith.constant 0 : i32
    %dma_start3A_94 = tpu.memref_slice %arg2[%dma_start3A_92, %dma_start3A_93] : memref<10112x16xf32, #tpu.memory_space<hbm>> -> memref<10112x16xf32, #tpu.memory_space<hbm>>
    %dma_start3A_95 = tpu.memref_slice %arg11[%dma_start3A_84] : memref<12x!tpu.dma_semaphore, #tpu.memory_space<semaphore_mem>> -> memref<1x!tpu.dma_semaphore, #tpu.memory_space<semaphore_mem>>
    %dma_start3A_96 = tpu.memref_squeeze %dma_start3A_95 : memref<1x!tpu.dma_semaphore, #tpu.memory_space<semaphore_mem>> -> memref<!tpu.dma_semaphore, #tpu.memory_space<semaphore_mem>>
    tpu.enqueue_indirect_dma source(%dma_start3A_94 : memref<10112x16xf32, #tpu.memory_space<hbm>>) target(%dma_start3A_88 : memref<128x16xf32, #tpu.memory_space<vmem>>) offsets(%dma_start3A_91 : memref<128xi32, #tpu.memory_space<vmem>>) semaphore(%dma_start3A_96 : memref<!tpu.dma_semaphore, #tpu.memory_space<semaphore_mem>>)
    %dma_start3A_97 = arith.constant 2 : i32
    %dma_start3A_98 = arith.constant 2 : i32
    %dma_start3A_99 = arith.constant 2 : i32
    %dma_start3A_100 = arith.constant 0 : i32
    %dma_start3A_101 = arith.constant 0 : i32
    %dma_start3A_102 = tpu.memref_slice %arg7[%dma_start3A_98, %dma_start3A_100, %dma_start3A_101] : memref<12x128x16xf32, #tpu.memory_space<vmem>> -> memref<1x128x16xf32, #tpu.memory_space<vmem>>
    %dma_start3A_103 = tpu.memref_squeeze %dma_start3A_102 : memref<1x128x16xf32, #tpu.memory_space<vmem>> -> memref<128x16xf32, #tpu.memory_space<vmem>>
    %dma_start3A_104 = arith.constant 0 : i32
    %dma_start3A_105 = tpu.memref_slice %arg5[%dma_start3A_97, %dma_start3A_104] : memref<79x128xi32, #tpu.memory_space<vmem>> -> memref<1x128xi32, #tpu.memory_space<vmem>>
    %dma_start3A_106 = tpu.memref_squeeze %dma_start3A_105 : memref<1x128xi32, #tpu.memory_space<vmem>> -> memref<128xi32, #tpu.memory_space<vmem>>
    %dma_start3A_107 = arith.constant 0 : i32
    %dma_start3A_108 = arith.constant 0 : i32
    %dma_start3A_109 = tpu.memref_slice %arg2[%dma_start3A_107, %dma_start3A_108] : memref<10112x16xf32, #tpu.memory_space<hbm>> -> memref<10112x16xf32, #tpu.memory_space<hbm>>
    %dma_start3A_110 = tpu.memref_slice %arg11[%dma_start3A_99] : memref<12x!tpu.dma_semaphore, #tpu.memory_space<semaphore_mem>> -> memref<1x!tpu.dma_semaphore, #tpu.memory_space<semaphore_mem>>
    %dma_start3A_111 = tpu.memref_squeeze %dma_start3A_110 : memref<1x!tpu.dma_semaphore, #tpu.memory_space<semaphore_mem>> -> memref<!tpu.dma_semaphore, #tpu.memory_space<semaphore_mem>>
    tpu.enqueue_indirect_dma source(%dma_start3A_109 : memref<10112x16xf32, #tpu.memory_space<hbm>>) target(%dma_start3A_103 : memref<128x16xf32, #tpu.memory_space<vmem>>) offsets(%dma_start3A_106 : memref<128xi32, #tpu.memory_space<vmem>>) semaphore(%dma_start3A_111 : memref<!tpu.dma_semaphore, #tpu.memory_space<semaphore_mem>>)
    %dma_start3A_112 = arith.constant 3 : i32
    %dma_start3A_113 = arith.constant 3 : i32
    %dma_start3A_114 = arith.constant 3 : i32
    %dma_start3A_115 = arith.constant 0 : i32
    %dma_start3A_116 = arith.constant 0 : i32
    %dma_start3A_117 = tpu.memref_slice %arg7[%dma_start3A_113, %dma_start3A_115, %dma_start3A_116] : memref<12x128x16xf32, #tpu.memory_space<vmem>> -> memref<1x128x16xf32, #tpu.memory_space<vmem>>
    %dma_start3A_118 = tpu.memref_squeeze %dma_start3A_117 : memref<1x128x16xf32, #tpu.memory_space<vmem>> -> memref<128x16xf32, #tpu.memory_space<vmem>>
    %dma_start3A_119 = arith.constant 0 : i32
    %dma_start3A_120 = tpu.memref_slice %arg5[%dma_start3A_112, %dma_start3A_119] : memref<79x128xi32, #tpu.memory_space<vmem>> -> memref<1x128xi32, #tpu.memory_space<vmem>>
    %dma_start3A_121 = tpu.memref_squeeze %dma_start3A_120 : memref<1x128xi32, #tpu.memory_space<vmem>> -> memref<128xi32, #tpu.memory_space<vmem>>
    %dma_start3A_122 = arith.constant 0 : i32
    %dma_start3A_123 = arith.constant 0 : i32
    %dma_start3A_124 = tpu.memref_slice %arg2[%dma_start3A_122, %dma_start3A_123] : memref<10112x16xf32, #tpu.memory_space<hbm>> -> memref<10112x16xf32, #tpu.memory_space<hbm>>
    %dma_start3A_125 = tpu.memref_slice %arg11[%dma_start3A_114] : memref<12x!tpu.dma_semaphore, #tpu.memory_space<semaphore_mem>> -> memref<1x!tpu.dma_semaphore, #tpu.memory_space<semaphore_mem>>
    %dma_start3A_126 = tpu.memref_squeeze %dma_start3A_125 : memref<1x!tpu.dma_semaphore, #tpu.memory_space<semaphore_mem>> -> memref<!tpu.dma_semaphore, #tpu.memory_space<semaphore_mem>>
    tpu.enqueue_indirect_dma source(%dma_start3A_124 : memref<10112x16xf32, #tpu.memory_space<hbm>>) target(%dma_start3A_118 : memref<128x16xf32, #tpu.memory_space<vmem>>) offsets(%dma_start3A_121 : memref<128xi32, #tpu.memory_space<vmem>>) semaphore(%dma_start3A_126 : memref<!tpu.dma_semaphore, #tpu.memory_space<semaphore_mem>>)
    %dma_start3A_127 = arith.constant 4 : i32
    %dma_start3A_128 = arith.constant 4 : i32
    %dma_start3A_129 = arith.constant 4 : i32
    %dma_start3A_130 = arith.constant 0 : i32
    %dma_start3A_131 = arith.constant 0 : i32
    %dma_start3A_132 = tpu.memref_slice %arg7[%dma_start3A_128, %dma_start3A_130, %dma_start3A_131] : memref<12x128x16xf32, #tpu.memory_space<vmem>> -> memref<1x128x16xf32, #tpu.memory_space<vmem>>
    %dma_start3A_133 = tpu.memref_squeeze %dma_start3A_132 : memref<1x128x16xf32, #tpu.memory_space<vmem>> -> memref<128x16xf32, #tpu.memory_space<vmem>>
    %dma_start3A_134 = arith.constant 0 : i32
    %dma_start3A_135 = tpu.memref_slice %arg5[%dma_start3A_127, %dma_start3A_134] : memref<79x128xi32, #tpu.memory_space<vmem>> -> memref<1x128xi32, #tpu.memory_space<vmem>>
    %dma_start3A_136 = tpu.memref_squeeze %dma_start3A_135 : memref<1x128xi32, #tpu.memory_space<vmem>> -> memref<128xi32, #tpu.memory_space<vmem>>
    %dma_start3A_137 = arith.constant 0 : i32
    %dma_start3A_138 = arith.constant 0 : i32
    %dma_start3A_139 = tpu.memref_slice %arg2[%dma_start3A_137, %dma_start3A_138] : memref<10112x16xf32, #tpu.memory_space<hbm>> -> memref<10112x16xf32, #tpu.memory_space<hbm>>
    %dma_start3A_140 = tpu.memref_slice %arg11[%dma_start3A_129] : memref<12x!tpu.dma_semaphore, #tpu.memory_space<semaphore_mem>> -> memref<1x!tpu.dma_semaphore, #tpu.memory_space<semaphore_mem>>
    %dma_start3A_141 = tpu.memref_squeeze %dma_start3A_140 : memref<1x!tpu.dma_semaphore, #tpu.memory_space<semaphore_mem>> -> memref<!tpu.dma_semaphore, #tpu.memory_space<semaphore_mem>>
    tpu.enqueue_indirect_dma source(%dma_start3A_139 : memref<10112x16xf32, #tpu.memory_space<hbm>>) target(%dma_start3A_133 : memref<128x16xf32, #tpu.memory_space<vmem>>) offsets(%dma_start3A_136 : memref<128xi32, #tpu.memory_space<vmem>>) semaphore(%dma_start3A_141 : memref<!tpu.dma_semaphore, #tpu.memory_space<semaphore_mem>>)
    %dma_start3A_142 = arith.constant 5 : i32
    %dma_start3A_143 = arith.constant 5 : i32
    %dma_start3A_144 = arith.constant 5 : i32
    %dma_start3A_145 = arith.constant 0 : i32
    %dma_start3A_146 = arith.constant 0 : i32
    %dma_start3A_147 = tpu.memref_slice %arg7[%dma_start3A_143, %dma_start3A_145, %dma_start3A_146] : memref<12x128x16xf32, #tpu.memory_space<vmem>> -> memref<1x128x16xf32, #tpu.memory_space<vmem>>
    %dma_start3A_148 = tpu.memref_squeeze %dma_start3A_147 : memref<1x128x16xf32, #tpu.memory_space<vmem>> -> memref<128x16xf32, #tpu.memory_space<vmem>>
    %dma_start3A_149 = arith.constant 0 : i32
    %dma_start3A_150 = tpu.memref_slice %arg5[%dma_start3A_142, %dma_start3A_149] : memref<79x128xi32, #tpu.memory_space<vmem>> -> memref<1x128xi32, #tpu.memory_space<vmem>>
    %dma_start3A_151 = tpu.memref_squeeze %dma_start3A_150 : memref<1x128xi32, #tpu.memory_space<vmem>> -> memref<128xi32, #tpu.memory_space<vmem>>
    %dma_start3A_152 = arith.constant 0 : i32
    %dma_start3A_153 = arith.constant 0 : i32
    %dma_start3A_154 = tpu.memref_slice %arg2[%dma_start3A_152, %dma_start3A_153] : memref<10112x16xf32, #tpu.memory_space<hbm>> -> memref<10112x16xf32, #tpu.memory_space<hbm>>
    %dma_start3A_155 = tpu.memref_slice %arg11[%dma_start3A_144] : memref<12x!tpu.dma_semaphore, #tpu.memory_space<semaphore_mem>> -> memref<1x!tpu.dma_semaphore, #tpu.memory_space<semaphore_mem>>
    %dma_start3A_156 = tpu.memref_squeeze %dma_start3A_155 : memref<1x!tpu.dma_semaphore, #tpu.memory_space<semaphore_mem>> -> memref<!tpu.dma_semaphore, #tpu.memory_space<semaphore_mem>>
    tpu.enqueue_indirect_dma source(%dma_start3A_154 : memref<10112x16xf32, #tpu.memory_space<hbm>>) target(%dma_start3A_148 : memref<128x16xf32, #tpu.memory_space<vmem>>) offsets(%dma_start3A_151 : memref<128xi32, #tpu.memory_space<vmem>>) semaphore(%dma_start3A_156 : memref<!tpu.dma_semaphore, #tpu.memory_space<semaphore_mem>>)
    %scan3A_157 = arith.constant 0 : i32
    %scan3A_158 = arith.constant 0 : i32
    %scan3A_159 = arith.constant 78 : i32
    %scan3A_160 = arith.addi %scan3A_158, %scan3A_159 : i32
    %scan3A_161 = arith.constant 1 : i32
    scf.for %scan3A_353 = %scan3A_158 to %scan3A_160 step %scan3A_161  : i32 {
      %jit3A = arith.constant 12 : i32
      %eq3A = arith.constant 0 : i32
      %eq3A_354 = arith.cmpi eq, %jit3A, %eq3A : i32
      %jit3A_355 = arith.constant 1 : i32
      %select_n3A = arith.select %eq3A_354, %jit3A_355, %jit3A : i32
      %rem3A = arith.remsi %scan3A_353, %select_n3A : i32
      %ne3A = arith.constant 0 : i32
      %ne3A_356 = arith.cmpi ne, %rem3A, %ne3A : i32
      %lt3A_357 = arith.constant 0 : i32
      %lt3A_358 = arith.cmpi slt, %rem3A, %lt3A_357 : i32
      %lt3A_359 = arith.constant 0 : i32
      %lt3A_360 = arith.cmpi slt, %select_n3A, %lt3A_359 : i32
      %ne3A_361 = arith.xori %lt3A_358, %lt3A_360 : i1
      %and3A = arith.andi %ne3A_361, %ne3A_356 : i1
      %add3A_362 = arith.addi %rem3A, %select_n3A : i32
      %select_n3A_363 = arith.select %and3A, %add3A_362, %rem3A : i32
      %dma_wait3A_364 = arith.constant 0 : i32
      %dma_wait3A_365 = arith.constant 0 : i32
      %dma_wait3A_366 = tpu.memref_slice %arg7[%select_n3A_363, %dma_wait3A_364, %dma_wait3A_365] : memref<12x128x16xf32, #tpu.memory_space<vmem>> -> memref<1x128x16xf32, #tpu.memory_space<vmem>>
      %dma_wait3A_367 = tpu.memref_squeeze %dma_wait3A_366 : memref<1x128x16xf32, #tpu.memory_space<vmem>> -> memref<128x16xf32, #tpu.memory_space<vmem>>
      %dma_wait3A_368 = arith.constant 0 : i32
      %dma_wait3A_369 = tpu.memref_slice %arg5[%scan3A_353, %dma_wait3A_368] : memref<79x128xi32, #tpu.memory_space<vmem>> -> memref<1x128xi32, #tpu.memory_space<vmem>>
      %dma_wait3A_370 = tpu.memref_squeeze %dma_wait3A_369 : memref<1x128xi32, #tpu.memory_space<vmem>> -> memref<128xi32, #tpu.memory_space<vmem>>
      %dma_wait3A_371 = arith.constant 0 : i32
      %dma_wait3A_372 = arith.constant 0 : i32
      %dma_wait3A_373 = tpu.memref_slice %arg2[%dma_wait3A_371, %dma_wait3A_372] : memref<10112x16xf32, #tpu.memory_space<hbm>> -> memref<10112x16xf32, #tpu.memory_space<hbm>>
      %dma_wait3A_374 = tpu.memref_slice %arg11[%select_n3A_363] : memref<12x!tpu.dma_semaphore, #tpu.memory_space<semaphore_mem>> -> memref<1x!tpu.dma_semaphore, #tpu.memory_space<semaphore_mem>>
      %dma_wait3A_375 = tpu.memref_squeeze %dma_wait3A_374 : memref<1x!tpu.dma_semaphore, #tpu.memory_space<semaphore_mem>> -> memref<!tpu.dma_semaphore, #tpu.memory_space<semaphore_mem>>
      tpu.wait_indirect_dma semaphore(%dma_wait3A_375 : memref<!tpu.dma_semaphore, #tpu.memory_space<semaphore_mem>>) src(%dma_wait3A_373 : memref<10112x16xf32, #tpu.memory_space<hbm>>) dst(%dma_wait3A_367 : memref<128x16xf32, #tpu.memory_space<vmem>>)
      %dma_start3A_376 = arith.constant 0 : i32
      %dma_start3A_377 = arith.constant 0 : i32
      %dma_start3A_378 = tpu.memref_slice %arg7[%select_n3A_363, %dma_start3A_376, %dma_start3A_377] : memref<12x128x16xf32, #tpu.memory_space<vmem>> -> memref<1x128x16xf32, #tpu.memory_space<vmem>>
      %dma_start3A_379 = tpu.memref_squeeze %dma_start3A_378 : memref<1x128x16xf32, #tpu.memory_space<vmem>> -> memref<128x16xf32, #tpu.memory_space<vmem>>
      %dma_start3A_380 = arith.constant 0 : i32
      %dma_start3A_381 = tpu.memref_slice %arg6[%scan3A_353, %dma_start3A_380] : memref<79x128xi32, #tpu.memory_space<vmem>> -> memref<1x128xi32, #tpu.memory_space<vmem>>
      %dma_start3A_382 = tpu.memref_squeeze %dma_start3A_381 : memref<1x128xi32, #tpu.memory_space<vmem>> -> memref<128xi32, #tpu.memory_space<vmem>>
      %dma_start3A_383 = arith.constant 0 : i32
      %dma_start3A_384 = arith.constant 0 : i32
      %dma_start3A_385 = tpu.memref_slice %arg9[%dma_start3A_383, %dma_start3A_384] : memref<10112x16xf32, #tpu.memory_space<vmem_shared>> -> memref<10112x16xf32, #tpu.memory_space<vmem_shared>>
      %dma_start3A_386 = tpu.memref_slice %arg12[%select_n3A_363] : memref<12x!tpu.dma_semaphore, #tpu.memory_space<semaphore_mem>> -> memref<1x!tpu.dma_semaphore, #tpu.memory_space<semaphore_mem>>
      %dma_start3A_387 = tpu.memref_squeeze %dma_start3A_386 : memref<1x!tpu.dma_semaphore, #tpu.memory_space<semaphore_mem>> -> memref<!tpu.dma_semaphore, #tpu.memory_space<semaphore_mem>>
      tpu.enqueue_indirect_dma source(%dma_start3A_379 : memref<128x16xf32, #tpu.memory_space<vmem>>) target(%dma_start3A_385 : memref<10112x16xf32, #tpu.memory_space<vmem_shared>>) offsets(%dma_start3A_382 : memref<128xi32, #tpu.memory_space<vmem>>) semaphore(%dma_start3A_387 : memref<!tpu.dma_semaphore, #tpu.memory_space<semaphore_mem>>) {add = true}
      %add3A_388 = arith.constant 6 : i32
      %add3A_389 = arith.addi %scan3A_353, %add3A_388 : i32
      %lt3A_390 = arith.constant 78 : i32
      %lt3A_391 = arith.cmpi slt, %add3A_389, %lt3A_390 : i32
      %convert_element_type3A_392 = arith.extui %lt3A_391 : i1 to i32
      %cond3A_393 = arith.constant 0 : i32
      %cond3A_394 = arith.cmpi ne, %convert_element_type3A_392, %cond3A_393 : i32
      scf.if %cond3A_394 {
        %add3A_395 = arith.constant 6 : i32
        %add3A_396 = arith.addi %scan3A_353, %add3A_395 : i32
        %jit3A_397 = arith.constant 12 : i32
        %eq3A_398 = arith.constant 0 : i32
        %eq3A_399 = arith.cmpi eq, %jit3A_397, %eq3A_398 : i32
        %jit3A_400 = arith.constant 1 : i32
        %select_n3A_401 = arith.select %eq3A_399, %jit3A_400, %jit3A_397 : i32
        %rem3A_402 = arith.remsi %add3A_396, %select_n3A_401 : i32
        %ne3A_403 = arith.constant 0 : i32
        %ne3A_404 = arith.cmpi ne, %rem3A_402, %ne3A_403 : i32
        %lt3A_405 = arith.constant 0 : i32
        %lt3A_406 = arith.cmpi slt, %rem3A_402, %lt3A_405 : i32
        %lt3A_407 = arith.constant 0 : i32
        %lt3A_408 = arith.cmpi slt, %select_n3A_401, %lt3A_407 : i32
        %ne3A_409 = arith.xori %lt3A_406, %lt3A_408 : i1
        %and3A_410 = arith.andi %ne3A_409, %ne3A_404 : i1
        %add3A_411 = arith.addi %rem3A_402, %select_n3A_401 : i32
        %select_n3A_412 = arith.select %and3A_410, %add3A_411, %rem3A_402 : i32
        %add3A_413 = arith.constant 6 : i32
        %add3A_414 = arith.addi %scan3A_353, %add3A_413 : i32
        %ge3A = arith.constant 12 : i32
        %ge3A_415 = arith.cmpi sge, %add3A_414, %ge3A : i32
        %convert_element_type3A_416 = arith.extui %ge3A_415 : i1 to i32
        %cond3A_417 = arith.constant 0 : i32
        %cond3A_418 = arith.cmpi ne, %convert_element_type3A_416, %cond3A_417 : i32
        scf.if %cond3A_418 {
          %add3A_433 = arith.constant 6 : i32
          %add3A_434 = arith.addi %scan3A_353, %add3A_433 : i32
          %sub3A = arith.constant 12 : i32
          %sub3A_435 = arith.subi %add3A_434, %sub3A : i32
          %dma_wait3A_436 = arith.constant 0 : i32
          %dma_wait3A_437 = arith.constant 0 : i32
          %dma_wait3A_438 = tpu.memref_slice %arg7[%select_n3A_412, %dma_wait3A_436, %dma_wait3A_437] : memref<12x128x16xf32, #tpu.memory_space<vmem>> -> memref<1x128x16xf32, #tpu.memory_space<vmem>>
          %dma_wait3A_439 = tpu.memref_squeeze %dma_wait3A_438 : memref<1x128x16xf32, #tpu.memory_space<vmem>> -> memref<128x16xf32, #tpu.memory_space<vmem>>
          %dma_wait3A_440 = arith.constant 0 : i32
          %dma_wait3A_441 = tpu.memref_slice %arg6[%sub3A_435, %dma_wait3A_440] : memref<79x128xi32, #tpu.memory_space<vmem>> -> memref<1x128xi32, #tpu.memory_space<vmem>>
          %dma_wait3A_442 = tpu.memref_squeeze %dma_wait3A_441 : memref<1x128xi32, #tpu.memory_space<vmem>> -> memref<128xi32, #tpu.memory_space<vmem>>
          %dma_wait3A_443 = arith.constant 0 : i32
          %dma_wait3A_444 = arith.constant 0 : i32
          %dma_wait3A_445 = tpu.memref_slice %arg9[%dma_wait3A_443, %dma_wait3A_444] : memref<10112x16xf32, #tpu.memory_space<vmem_shared>> -> memref<10112x16xf32, #tpu.memory_space<vmem_shared>>
          %dma_wait3A_446 = tpu.memref_slice %arg12[%select_n3A_412] : memref<12x!tpu.dma_semaphore, #tpu.memory_space<semaphore_mem>> -> memref<1x!tpu.dma_semaphore, #tpu.memory_space<semaphore_mem>>
          %dma_wait3A_447 = tpu.memref_squeeze %dma_wait3A_446 : memref<1x!tpu.dma_semaphore, #tpu.memory_space<semaphore_mem>> -> memref<!tpu.dma_semaphore, #tpu.memory_space<semaphore_mem>>
          tpu.wait_indirect_dma semaphore(%dma_wait3A_447 : memref<!tpu.dma_semaphore, #tpu.memory_space<semaphore_mem>>) src(%dma_wait3A_439 : memref<128x16xf32, #tpu.memory_space<vmem>>) dst(%dma_wait3A_445 : memref<10112x16xf32, #tpu.memory_space<vmem_shared>>)
        } else {
        }
        %add3A_419 = arith.constant 6 : i32
        %add3A_420 = arith.addi %scan3A_353, %add3A_419 : i32
        %dma_start3A_421 = arith.constant 0 : i32
        %dma_start3A_422 = arith.constant 0 : i32
        %dma_start3A_423 = tpu.memref_slice %arg7[%select_n3A_412, %dma_start3A_421, %dma_start3A_422] : memref<12x128x16xf32, #tpu.memory_space<vmem>> -> memref<1x128x16xf32, #tpu.memory_space<vmem>>
        %dma_start3A_424 = tpu.memref_squeeze %dma_start3A_423 : memref<1x128x16xf32, #tpu.memory_space<vmem>> -> memref<128x16xf32, #tpu.memory_space<vmem>>
        %dma_start3A_425 = arith.constant 0 : i32
        %dma_start3A_426 = tpu.memref_slice %arg5[%add3A_420, %dma_start3A_425] : memref<79x128xi32, #tpu.memory_space<vmem>> -> memref<1x128xi32, #tpu.memory_space<vmem>>
        %dma_start3A_427 = tpu.memref_squeeze %dma_start3A_426 : memref<1x128xi32, #tpu.memory_space<vmem>> -> memref<128xi32, #tpu.memory_space<vmem>>
        %dma_start3A_428 = arith.constant 0 : i32
        %dma_start3A_429 = arith.constant 0 : i32
        %dma_start3A_430 = tpu.memref_slice %arg2[%dma_start3A_428, %dma_start3A_429] : memref<10112x16xf32, #tpu.memory_space<hbm>> -> memref<10112x16xf32, #tpu.memory_space<hbm>>
        %dma_start3A_431 = tpu.memref_slice %arg11[%select_n3A_412] : memref<12x!tpu.dma_semaphore, #tpu.memory_space<semaphore_mem>> -> memref<1x!tpu.dma_semaphore, #tpu.memory_space<semaphore_mem>>
        %dma_start3A_432 = tpu.memref_squeeze %dma_start3A_431 : memref<1x!tpu.dma_semaphore, #tpu.memory_space<semaphore_mem>> -> memref<!tpu.dma_semaphore, #tpu.memory_space<semaphore_mem>>
        tpu.enqueue_indirect_dma source(%dma_start3A_430 : memref<10112x16xf32, #tpu.memory_space<hbm>>) target(%dma_start3A_424 : memref<128x16xf32, #tpu.memory_space<vmem>>) offsets(%dma_start3A_427 : memref<128xi32, #tpu.memory_space<vmem>>) semaphore(%dma_start3A_432 : memref<!tpu.dma_semaphore, #tpu.memory_space<semaphore_mem>>)
      } else {
      }
    }
    %scan3A_162 = arith.constant 78 : i32
    %dma_wait3A_163 = arith.constant 6 : i32
    %dma_wait3A_164 = arith.constant 66 : i32
    %dma_wait3A_165 = arith.constant 6 : i32
    %dma_wait3A_166 = arith.constant 0 : i32
    %dma_wait3A_167 = arith.constant 0 : i32
    %dma_wait3A_168 = tpu.memref_slice %arg7[%dma_wait3A_163, %dma_wait3A_166, %dma_wait3A_167] : memref<12x128x16xf32, #tpu.memory_space<vmem>> -> memref<1x128x16xf32, #tpu.memory_space<vmem>>
    %dma_wait3A_169 = tpu.memref_squeeze %dma_wait3A_168 : memref<1x128x16xf32, #tpu.memory_space<vmem>> -> memref<128x16xf32, #tpu.memory_space<vmem>>
    %dma_wait3A_170 = arith.constant 0 : i32
    %dma_wait3A_171 = tpu.memref_slice %arg6[%dma_wait3A_164, %dma_wait3A_170] : memref<79x128xi32, #tpu.memory_space<vmem>> -> memref<1x128xi32, #tpu.memory_space<vmem>>
    %dma_wait3A_172 = tpu.memref_squeeze %dma_wait3A_171 : memref<1x128xi32, #tpu.memory_space<vmem>> -> memref<128xi32, #tpu.memory_space<vmem>>
    %dma_wait3A_173 = arith.constant 0 : i32
    %dma_wait3A_174 = arith.constant 0 : i32
    %dma_wait3A_175 = tpu.memref_slice %arg9[%dma_wait3A_173, %dma_wait3A_174] : memref<10112x16xf32, #tpu.memory_space<vmem_shared>> -> memref<10112x16xf32, #tpu.memory_space<vmem_shared>>
    %dma_wait3A_176 = tpu.memref_slice %arg12[%dma_wait3A_165] : memref<12x!tpu.dma_semaphore, #tpu.memory_space<semaphore_mem>> -> memref<1x!tpu.dma_semaphore, #tpu.memory_space<semaphore_mem>>
    %dma_wait3A_177 = tpu.memref_squeeze %dma_wait3A_176 : memref<1x!tpu.dma_semaphore, #tpu.memory_space<semaphore_mem>> -> memref<!tpu.dma_semaphore, #tpu.memory_space<semaphore_mem>>
    tpu.wait_indirect_dma semaphore(%dma_wait3A_177 : memref<!tpu.dma_semaphore, #tpu.memory_space<semaphore_mem>>) src(%dma_wait3A_169 : memref<128x16xf32, #tpu.memory_space<vmem>>) dst(%dma_wait3A_175 : memref<10112x16xf32, #tpu.memory_space<vmem_shared>>)
    %dma_wait3A_178 = arith.constant 7 : i32
    %dma_wait3A_179 = arith.constant 67 : i32
    %dma_wait3A_180 = arith.constant 7 : i32
    %dma_wait3A_181 = arith.constant 0 : i32
    %dma_wait3A_182 = arith.constant 0 : i32
    %dma_wait3A_183 = tpu.memref_slice %arg7[%dma_wait3A_178, %dma_wait3A_181, %dma_wait3A_182] : memref<12x128x16xf32, #tpu.memory_space<vmem>> -> memref<1x128x16xf32, #tpu.memory_space<vmem>>
    %dma_wait3A_184 = tpu.memref_squeeze %dma_wait3A_183 : memref<1x128x16xf32, #tpu.memory_space<vmem>> -> memref<128x16xf32, #tpu.memory_space<vmem>>
    %dma_wait3A_185 = arith.constant 0 : i32
    %dma_wait3A_186 = tpu.memref_slice %arg6[%dma_wait3A_179, %dma_wait3A_185] : memref<79x128xi32, #tpu.memory_space<vmem>> -> memref<1x128xi32, #tpu.memory_space<vmem>>
    %dma_wait3A_187 = tpu.memref_squeeze %dma_wait3A_186 : memref<1x128xi32, #tpu.memory_space<vmem>> -> memref<128xi32, #tpu.memory_space<vmem>>
    %dma_wait3A_188 = arith.constant 0 : i32
    %dma_wait3A_189 = arith.constant 0 : i32
    %dma_wait3A_190 = tpu.memref_slice %arg9[%dma_wait3A_188, %dma_wait3A_189] : memref<10112x16xf32, #tpu.memory_space<vmem_shared>> -> memref<10112x16xf32, #tpu.memory_space<vmem_shared>>
    %dma_wait3A_191 = tpu.memref_slice %arg12[%dma_wait3A_180] : memref<12x!tpu.dma_semaphore, #tpu.memory_space<semaphore_mem>> -> memref<1x!tpu.dma_semaphore, #tpu.memory_space<semaphore_mem>>
    %dma_wait3A_192 = tpu.memref_squeeze %dma_wait3A_191 : memref<1x!tpu.dma_semaphore, #tpu.memory_space<semaphore_mem>> -> memref<!tpu.dma_semaphore, #tpu.memory_space<semaphore_mem>>
    tpu.wait_indirect_dma semaphore(%dma_wait3A_192 : memref<!tpu.dma_semaphore, #tpu.memory_space<semaphore_mem>>) src(%dma_wait3A_184 : memref<128x16xf32, #tpu.memory_space<vmem>>) dst(%dma_wait3A_190 : memref<10112x16xf32, #tpu.memory_space<vmem_shared>>)
    %dma_wait3A_193 = arith.constant 8 : i32
    %dma_wait3A_194 = arith.constant 68 : i32
    %dma_wait3A_195 = arith.constant 8 : i32
    %dma_wait3A_196 = arith.constant 0 : i32
    %dma_wait3A_197 = arith.constant 0 : i32
    %dma_wait3A_198 = tpu.memref_slice %arg7[%dma_wait3A_193, %dma_wait3A_196, %dma_wait3A_197] : memref<12x128x16xf32, #tpu.memory_space<vmem>> -> memref<1x128x16xf32, #tpu.memory_space<vmem>>
    %dma_wait3A_199 = tpu.memref_squeeze %dma_wait3A_198 : memref<1x128x16xf32, #tpu.memory_space<vmem>> -> memref<128x16xf32, #tpu.memory_space<vmem>>
    %dma_wait3A_200 = arith.constant 0 : i32
    %dma_wait3A_201 = tpu.memref_slice %arg6[%dma_wait3A_194, %dma_wait3A_200] : memref<79x128xi32, #tpu.memory_space<vmem>> -> memref<1x128xi32, #tpu.memory_space<vmem>>
    %dma_wait3A_202 = tpu.memref_squeeze %dma_wait3A_201 : memref<1x128xi32, #tpu.memory_space<vmem>> -> memref<128xi32, #tpu.memory_space<vmem>>
    %dma_wait3A_203 = arith.constant 0 : i32
    %dma_wait3A_204 = arith.constant 0 : i32
    %dma_wait3A_205 = tpu.memref_slice %arg9[%dma_wait3A_203, %dma_wait3A_204] : memref<10112x16xf32, #tpu.memory_space<vmem_shared>> -> memref<10112x16xf32, #tpu.memory_space<vmem_shared>>
    %dma_wait3A_206 = tpu.memref_slice %arg12[%dma_wait3A_195] : memref<12x!tpu.dma_semaphore, #tpu.memory_space<semaphore_mem>> -> memref<1x!tpu.dma_semaphore, #tpu.memory_space<semaphore_mem>>
    %dma_wait3A_207 = tpu.memref_squeeze %dma_wait3A_206 : memref<1x!tpu.dma_semaphore, #tpu.memory_space<semaphore_mem>> -> memref<!tpu.dma_semaphore, #tpu.memory_space<semaphore_mem>>
    tpu.wait_indirect_dma semaphore(%dma_wait3A_207 : memref<!tpu.dma_semaphore, #tpu.memory_space<semaphore_mem>>) src(%dma_wait3A_199 : memref<128x16xf32, #tpu.memory_space<vmem>>) dst(%dma_wait3A_205 : memref<10112x16xf32, #tpu.memory_space<vmem_shared>>)
    %dma_wait3A_208 = arith.constant 9 : i32
    %dma_wait3A_209 = arith.constant 69 : i32
    %dma_wait3A_210 = arith.constant 9 : i32
    %dma_wait3A_211 = arith.constant 0 : i32
    %dma_wait3A_212 = arith.constant 0 : i32
    %dma_wait3A_213 = tpu.memref_slice %arg7[%dma_wait3A_208, %dma_wait3A_211, %dma_wait3A_212] : memref<12x128x16xf32, #tpu.memory_space<vmem>> -> memref<1x128x16xf32, #tpu.memory_space<vmem>>
    %dma_wait3A_214 = tpu.memref_squeeze %dma_wait3A_213 : memref<1x128x16xf32, #tpu.memory_space<vmem>> -> memref<128x16xf32, #tpu.memory_space<vmem>>
    %dma_wait3A_215 = arith.constant 0 : i32
    %dma_wait3A_216 = tpu.memref_slice %arg6[%dma_wait3A_209, %dma_wait3A_215] : memref<79x128xi32, #tpu.memory_space<vmem>> -> memref<1x128xi32, #tpu.memory_space<vmem>>
    %dma_wait3A_217 = tpu.memref_squeeze %dma_wait3A_216 : memref<1x128xi32, #tpu.memory_space<vmem>> -> memref<128xi32, #tpu.memory_space<vmem>>
    %dma_wait3A_218 = arith.constant 0 : i32
    %dma_wait3A_219 = arith.constant 0 : i32
    %dma_wait3A_220 = tpu.memref_slice %arg9[%dma_wait3A_218, %dma_wait3A_219] : memref<10112x16xf32, #tpu.memory_space<vmem_shared>> -> memref<10112x16xf32, #tpu.memory_space<vmem_shared>>
    %dma_wait3A_221 = tpu.memref_slice %arg12[%dma_wait3A_210] : memref<12x!tpu.dma_semaphore, #tpu.memory_space<semaphore_mem>> -> memref<1x!tpu.dma_semaphore, #tpu.memory_space<semaphore_mem>>
    %dma_wait3A_222 = tpu.memref_squeeze %dma_wait3A_221 : memref<1x!tpu.dma_semaphore, #tpu.memory_space<semaphore_mem>> -> memref<!tpu.dma_semaphore, #tpu.memory_space<semaphore_mem>>
    tpu.wait_indirect_dma semaphore(%dma_wait3A_222 : memref<!tpu.dma_semaphore, #tpu.memory_space<semaphore_mem>>) src(%dma_wait3A_214 : memref<128x16xf32, #tpu.memory_space<vmem>>) dst(%dma_wait3A_220 : memref<10112x16xf32, #tpu.memory_space<vmem_shared>>)
    %dma_wait3A_223 = arith.constant 10 : i32
    %dma_wait3A_224 = arith.constant 70 : i32
    %dma_wait3A_225 = arith.constant 10 : i32
    %dma_wait3A_226 = arith.constant 0 : i32
    %dma_wait3A_227 = arith.constant 0 : i32
    %dma_wait3A_228 = tpu.memref_slice %arg7[%dma_wait3A_223, %dma_wait3A_226, %dma_wait3A_227] : memref<12x128x16xf32, #tpu.memory_space<vmem>> -> memref<1x128x16xf32, #tpu.memory_space<vmem>>
    %dma_wait3A_229 = tpu.memref_squeeze %dma_wait3A_228 : memref<1x128x16xf32, #tpu.memory_space<vmem>> -> memref<128x16xf32, #tpu.memory_space<vmem>>
    %dma_wait3A_230 = arith.constant 0 : i32
    %dma_wait3A_231 = tpu.memref_slice %arg6[%dma_wait3A_224, %dma_wait3A_230] : memref<79x128xi32, #tpu.memory_space<vmem>> -> memref<1x128xi32, #tpu.memory_space<vmem>>
    %dma_wait3A_232 = tpu.memref_squeeze %dma_wait3A_231 : memref<1x128xi32, #tpu.memory_space<vmem>> -> memref<128xi32, #tpu.memory_space<vmem>>
    %dma_wait3A_233 = arith.constant 0 : i32
    %dma_wait3A_234 = arith.constant 0 : i32
    %dma_wait3A_235 = tpu.memref_slice %arg9[%dma_wait3A_233, %dma_wait3A_234] : memref<10112x16xf32, #tpu.memory_space<vmem_shared>> -> memref<10112x16xf32, #tpu.memory_space<vmem_shared>>
    %dma_wait3A_236 = tpu.memref_slice %arg12[%dma_wait3A_225] : memref<12x!tpu.dma_semaphore, #tpu.memory_space<semaphore_mem>> -> memref<1x!tpu.dma_semaphore, #tpu.memory_space<semaphore_mem>>
    %dma_wait3A_237 = tpu.memref_squeeze %dma_wait3A_236 : memref<1x!tpu.dma_semaphore, #tpu.memory_space<semaphore_mem>> -> memref<!tpu.dma_semaphore, #tpu.memory_space<semaphore_mem>>
    tpu.wait_indirect_dma semaphore(%dma_wait3A_237 : memref<!tpu.dma_semaphore, #tpu.memory_space<semaphore_mem>>) src(%dma_wait3A_229 : memref<128x16xf32, #tpu.memory_space<vmem>>) dst(%dma_wait3A_235 : memref<10112x16xf32, #tpu.memory_space<vmem_shared>>)
    %dma_wait3A_238 = arith.constant 11 : i32
    %dma_wait3A_239 = arith.constant 71 : i32
    %dma_wait3A_240 = arith.constant 11 : i32
    %dma_wait3A_241 = arith.constant 0 : i32
    %dma_wait3A_242 = arith.constant 0 : i32
    %dma_wait3A_243 = tpu.memref_slice %arg7[%dma_wait3A_238, %dma_wait3A_241, %dma_wait3A_242] : memref<12x128x16xf32, #tpu.memory_space<vmem>> -> memref<1x128x16xf32, #tpu.memory_space<vmem>>
    %dma_wait3A_244 = tpu.memref_squeeze %dma_wait3A_243 : memref<1x128x16xf32, #tpu.memory_space<vmem>> -> memref<128x16xf32, #tpu.memory_space<vmem>>
    %dma_wait3A_245 = arith.constant 0 : i32
    %dma_wait3A_246 = tpu.memref_slice %arg6[%dma_wait3A_239, %dma_wait3A_245] : memref<79x128xi32, #tpu.memory_space<vmem>> -> memref<1x128xi32, #tpu.memory_space<vmem>>
    %dma_wait3A_247 = tpu.memref_squeeze %dma_wait3A_246 : memref<1x128xi32, #tpu.memory_space<vmem>> -> memref<128xi32, #tpu.memory_space<vmem>>
    %dma_wait3A_248 = arith.constant 0 : i32
    %dma_wait3A_249 = arith.constant 0 : i32
    %dma_wait3A_250 = tpu.memref_slice %arg9[%dma_wait3A_248, %dma_wait3A_249] : memref<10112x16xf32, #tpu.memory_space<vmem_shared>> -> memref<10112x16xf32, #tpu.memory_space<vmem_shared>>
    %dma_wait3A_251 = tpu.memref_slice %arg12[%dma_wait3A_240] : memref<12x!tpu.dma_semaphore, #tpu.memory_space<semaphore_mem>> -> memref<1x!tpu.dma_semaphore, #tpu.memory_space<semaphore_mem>>
    %dma_wait3A_252 = tpu.memref_squeeze %dma_wait3A_251 : memref<1x!tpu.dma_semaphore, #tpu.memory_space<semaphore_mem>> -> memref<!tpu.dma_semaphore, #tpu.memory_space<semaphore_mem>>
    tpu.wait_indirect_dma semaphore(%dma_wait3A_252 : memref<!tpu.dma_semaphore, #tpu.memory_space<semaphore_mem>>) src(%dma_wait3A_244 : memref<128x16xf32, #tpu.memory_space<vmem>>) dst(%dma_wait3A_250 : memref<10112x16xf32, #tpu.memory_space<vmem_shared>>)
    %dma_wait3A_253 = arith.constant 0 : i32
    %dma_wait3A_254 = arith.constant 72 : i32
    %dma_wait3A_255 = arith.constant 0 : i32
    %dma_wait3A_256 = arith.constant 0 : i32
    %dma_wait3A_257 = arith.constant 0 : i32
    %dma_wait3A_258 = tpu.memref_slice %arg7[%dma_wait3A_253, %dma_wait3A_256, %dma_wait3A_257] : memref<12x128x16xf32, #tpu.memory_space<vmem>> -> memref<1x128x16xf32, #tpu.memory_space<vmem>>
    %dma_wait3A_259 = tpu.memref_squeeze %dma_wait3A_258 : memref<1x128x16xf32, #tpu.memory_space<vmem>> -> memref<128x16xf32, #tpu.memory_space<vmem>>
    %dma_wait3A_260 = arith.constant 0 : i32
    %dma_wait3A_261 = tpu.memref_slice %arg6[%dma_wait3A_254, %dma_wait3A_260] : memref<79x128xi32, #tpu.memory_space<vmem>> -> memref<1x128xi32, #tpu.memory_space<vmem>>
    %dma_wait3A_262 = tpu.memref_squeeze %dma_wait3A_261 : memref<1x128xi32, #tpu.memory_space<vmem>> -> memref<128xi32, #tpu.memory_space<vmem>>
    %dma_wait3A_263 = arith.constant 0 : i32
    %dma_wait3A_264 = arith.constant 0 : i32
    %dma_wait3A_265 = tpu.memref_slice %arg9[%dma_wait3A_263, %dma_wait3A_264] : memref<10112x16xf32, #tpu.memory_space<vmem_shared>> -> memref<10112x16xf32, #tpu.memory_space<vmem_shared>>
    %dma_wait3A_266 = tpu.memref_slice %arg12[%dma_wait3A_255] : memref<12x!tpu.dma_semaphore, #tpu.memory_space<semaphore_mem>> -> memref<1x!tpu.dma_semaphore, #tpu.memory_space<semaphore_mem>>
    %dma_wait3A_267 = tpu.memref_squeeze %dma_wait3A_266 : memref<1x!tpu.dma_semaphore, #tpu.memory_space<semaphore_mem>> -> memref<!tpu.dma_semaphore, #tpu.memory_space<semaphore_mem>>
    tpu.wait_indirect_dma semaphore(%dma_wait3A_267 : memref<!tpu.dma_semaphore, #tpu.memory_space<semaphore_mem>>) src(%dma_wait3A_259 : memref<128x16xf32, #tpu.memory_space<vmem>>) dst(%dma_wait3A_265 : memref<10112x16xf32, #tpu.memory_space<vmem_shared>>)
    %dma_wait3A_268 = arith.constant 1 : i32
    %dma_wait3A_269 = arith.constant 73 : i32
    %dma_wait3A_270 = arith.constant 1 : i32
    %dma_wait3A_271 = arith.constant 0 : i32
    %dma_wait3A_272 = arith.constant 0 : i32
    %dma_wait3A_273 = tpu.memref_slice %arg7[%dma_wait3A_268, %dma_wait3A_271, %dma_wait3A_272] : memref<12x128x16xf32, #tpu.memory_space<vmem>> -> memref<1x128x16xf32, #tpu.memory_space<vmem>>
    %dma_wait3A_274 = tpu.memref_squeeze %dma_wait3A_273 : memref<1x128x16xf32, #tpu.memory_space<vmem>> -> memref<128x16xf32, #tpu.memory_space<vmem>>
    %dma_wait3A_275 = arith.constant 0 : i32
    %dma_wait3A_276 = tpu.memref_slice %arg6[%dma_wait3A_269, %dma_wait3A_275] : memref<79x128xi32, #tpu.memory_space<vmem>> -> memref<1x128xi32, #tpu.memory_space<vmem>>
    %dma_wait3A_277 = tpu.memref_squeeze %dma_wait3A_276 : memref<1x128xi32, #tpu.memory_space<vmem>> -> memref<128xi32, #tpu.memory_space<vmem>>
    %dma_wait3A_278 = arith.constant 0 : i32
    %dma_wait3A_279 = arith.constant 0 : i32
    %dma_wait3A_280 = tpu.memref_slice %arg9[%dma_wait3A_278, %dma_wait3A_279] : memref<10112x16xf32, #tpu.memory_space<vmem_shared>> -> memref<10112x16xf32, #tpu.memory_space<vmem_shared>>
    %dma_wait3A_281 = tpu.memref_slice %arg12[%dma_wait3A_270] : memref<12x!tpu.dma_semaphore, #tpu.memory_space<semaphore_mem>> -> memref<1x!tpu.dma_semaphore, #tpu.memory_space<semaphore_mem>>
    %dma_wait3A_282 = tpu.memref_squeeze %dma_wait3A_281 : memref<1x!tpu.dma_semaphore, #tpu.memory_space<semaphore_mem>> -> memref<!tpu.dma_semaphore, #tpu.memory_space<semaphore_mem>>
    tpu.wait_indirect_dma semaphore(%dma_wait3A_282 : memref<!tpu.dma_semaphore, #tpu.memory_space<semaphore_mem>>) src(%dma_wait3A_274 : memref<128x16xf32, #tpu.memory_space<vmem>>) dst(%dma_wait3A_280 : memref<10112x16xf32, #tpu.memory_space<vmem_shared>>)
    %dma_wait3A_283 = arith.constant 2 : i32
    %dma_wait3A_284 = arith.constant 74 : i32
    %dma_wait3A_285 = arith.constant 2 : i32
    %dma_wait3A_286 = arith.constant 0 : i32
    %dma_wait3A_287 = arith.constant 0 : i32
    %dma_wait3A_288 = tpu.memref_slice %arg7[%dma_wait3A_283, %dma_wait3A_286, %dma_wait3A_287] : memref<12x128x16xf32, #tpu.memory_space<vmem>> -> memref<1x128x16xf32, #tpu.memory_space<vmem>>
    %dma_wait3A_289 = tpu.memref_squeeze %dma_wait3A_288 : memref<1x128x16xf32, #tpu.memory_space<vmem>> -> memref<128x16xf32, #tpu.memory_space<vmem>>
    %dma_wait3A_290 = arith.constant 0 : i32
    %dma_wait3A_291 = tpu.memref_slice %arg6[%dma_wait3A_284, %dma_wait3A_290] : memref<79x128xi32, #tpu.memory_space<vmem>> -> memref<1x128xi32, #tpu.memory_space<vmem>>
    %dma_wait3A_292 = tpu.memref_squeeze %dma_wait3A_291 : memref<1x128xi32, #tpu.memory_space<vmem>> -> memref<128xi32, #tpu.memory_space<vmem>>
    %dma_wait3A_293 = arith.constant 0 : i32
    %dma_wait3A_294 = arith.constant 0 : i32
    %dma_wait3A_295 = tpu.memref_slice %arg9[%dma_wait3A_293, %dma_wait3A_294] : memref<10112x16xf32, #tpu.memory_space<vmem_shared>> -> memref<10112x16xf32, #tpu.memory_space<vmem_shared>>
    %dma_wait3A_296 = tpu.memref_slice %arg12[%dma_wait3A_285] : memref<12x!tpu.dma_semaphore, #tpu.memory_space<semaphore_mem>> -> memref<1x!tpu.dma_semaphore, #tpu.memory_space<semaphore_mem>>
    %dma_wait3A_297 = tpu.memref_squeeze %dma_wait3A_296 : memref<1x!tpu.dma_semaphore, #tpu.memory_space<semaphore_mem>> -> memref<!tpu.dma_semaphore, #tpu.memory_space<semaphore_mem>>
    tpu.wait_indirect_dma semaphore(%dma_wait3A_297 : memref<!tpu.dma_semaphore, #tpu.memory_space<semaphore_mem>>) src(%dma_wait3A_289 : memref<128x16xf32, #tpu.memory_space<vmem>>) dst(%dma_wait3A_295 : memref<10112x16xf32, #tpu.memory_space<vmem_shared>>)
    %dma_wait3A_298 = arith.constant 3 : i32
    %dma_wait3A_299 = arith.constant 75 : i32
    %dma_wait3A_300 = arith.constant 3 : i32
    %dma_wait3A_301 = arith.constant 0 : i32
    %dma_wait3A_302 = arith.constant 0 : i32
    %dma_wait3A_303 = tpu.memref_slice %arg7[%dma_wait3A_298, %dma_wait3A_301, %dma_wait3A_302] : memref<12x128x16xf32, #tpu.memory_space<vmem>> -> memref<1x128x16xf32, #tpu.memory_space<vmem>>
    %dma_wait3A_304 = tpu.memref_squeeze %dma_wait3A_303 : memref<1x128x16xf32, #tpu.memory_space<vmem>> -> memref<128x16xf32, #tpu.memory_space<vmem>>
    %dma_wait3A_305 = arith.constant 0 : i32
    %dma_wait3A_306 = tpu.memref_slice %arg6[%dma_wait3A_299, %dma_wait3A_305] : memref<79x128xi32, #tpu.memory_space<vmem>> -> memref<1x128xi32, #tpu.memory_space<vmem>>
    %dma_wait3A_307 = tpu.memref_squeeze %dma_wait3A_306 : memref<1x128xi32, #tpu.memory_space<vmem>> -> memref<128xi32, #tpu.memory_space<vmem>>
    %dma_wait3A_308 = arith.constant 0 : i32
    %dma_wait3A_309 = arith.constant 0 : i32
    %dma_wait3A_310 = tpu.memref_slice %arg9[%dma_wait3A_308, %dma_wait3A_309] : memref<10112x16xf32, #tpu.memory_space<vmem_shared>> -> memref<10112x16xf32, #tpu.memory_space<vmem_shared>>
    %dma_wait3A_311 = tpu.memref_slice %arg12[%dma_wait3A_300] : memref<12x!tpu.dma_semaphore, #tpu.memory_space<semaphore_mem>> -> memref<1x!tpu.dma_semaphore, #tpu.memory_space<semaphore_mem>>
    %dma_wait3A_312 = tpu.memref_squeeze %dma_wait3A_311 : memref<1x!tpu.dma_semaphore, #tpu.memory_space<semaphore_mem>> -> memref<!tpu.dma_semaphore, #tpu.memory_space<semaphore_mem>>
    tpu.wait_indirect_dma semaphore(%dma_wait3A_312 : memref<!tpu.dma_semaphore, #tpu.memory_space<semaphore_mem>>) src(%dma_wait3A_304 : memref<128x16xf32, #tpu.memory_space<vmem>>) dst(%dma_wait3A_310 : memref<10112x16xf32, #tpu.memory_space<vmem_shared>>)
    %dma_wait3A_313 = arith.constant 4 : i32
    %dma_wait3A_314 = arith.constant 76 : i32
    %dma_wait3A_315 = arith.constant 4 : i32
    %dma_wait3A_316 = arith.constant 0 : i32
    %dma_wait3A_317 = arith.constant 0 : i32
    %dma_wait3A_318 = tpu.memref_slice %arg7[%dma_wait3A_313, %dma_wait3A_316, %dma_wait3A_317] : memref<12x128x16xf32, #tpu.memory_space<vmem>> -> memref<1x128x16xf32, #tpu.memory_space<vmem>>
    %dma_wait3A_319 = tpu.memref_squeeze %dma_wait3A_318 : memref<1x128x16xf32, #tpu.memory_space<vmem>> -> memref<128x16xf32, #tpu.memory_space<vmem>>
    %dma_wait3A_320 = arith.constant 0 : i32
    %dma_wait3A_321 = tpu.memref_slice %arg6[%dma_wait3A_314, %dma_wait3A_320] : memref<79x128xi32, #tpu.memory_space<vmem>> -> memref<1x128xi32, #tpu.memory_space<vmem>>
    %dma_wait3A_322 = tpu.memref_squeeze %dma_wait3A_321 : memref<1x128xi32, #tpu.memory_space<vmem>> -> memref<128xi32, #tpu.memory_space<vmem>>
    %dma_wait3A_323 = arith.constant 0 : i32
    %dma_wait3A_324 = arith.constant 0 : i32
    %dma_wait3A_325 = tpu.memref_slice %arg9[%dma_wait3A_323, %dma_wait3A_324] : memref<10112x16xf32, #tpu.memory_space<vmem_shared>> -> memref<10112x16xf32, #tpu.memory_space<vmem_shared>>
    %dma_wait3A_326 = tpu.memref_slice %arg12[%dma_wait3A_315] : memref<12x!tpu.dma_semaphore, #tpu.memory_space<semaphore_mem>> -> memref<1x!tpu.dma_semaphore, #tpu.memory_space<semaphore_mem>>
    %dma_wait3A_327 = tpu.memref_squeeze %dma_wait3A_326 : memref<1x!tpu.dma_semaphore, #tpu.memory_space<semaphore_mem>> -> memref<!tpu.dma_semaphore, #tpu.memory_space<semaphore_mem>>
    tpu.wait_indirect_dma semaphore(%dma_wait3A_327 : memref<!tpu.dma_semaphore, #tpu.memory_space<semaphore_mem>>) src(%dma_wait3A_319 : memref<128x16xf32, #tpu.memory_space<vmem>>) dst(%dma_wait3A_325 : memref<10112x16xf32, #tpu.memory_space<vmem_shared>>)
    %dma_wait3A_328 = arith.constant 5 : i32
    %dma_wait3A_329 = arith.constant 77 : i32
    %dma_wait3A_330 = arith.constant 5 : i32
    %dma_wait3A_331 = arith.constant 0 : i32
    %dma_wait3A_332 = arith.constant 0 : i32
    %dma_wait3A_333 = tpu.memref_slice %arg7[%dma_wait3A_328, %dma_wait3A_331, %dma_wait3A_332] : memref<12x128x16xf32, #tpu.memory_space<vmem>> -> memref<1x128x16xf32, #tpu.memory_space<vmem>>
    %dma_wait3A_334 = tpu.memref_squeeze %dma_wait3A_333 : memref<1x128x16xf32, #tpu.memory_space<vmem>> -> memref<128x16xf32, #tpu.memory_space<vmem>>
    %dma_wait3A_335 = arith.constant 0 : i32
    %dma_wait3A_336 = tpu.memref_slice %arg6[%dma_wait3A_329, %dma_wait3A_335] : memref<79x128xi32, #tpu.memory_space<vmem>> -> memref<1x128xi32, #tpu.memory_space<vmem>>
    %dma_wait3A_337 = tpu.memref_squeeze %dma_wait3A_336 : memref<1x128xi32, #tpu.memory_space<vmem>> -> memref<128xi32, #tpu.memory_space<vmem>>
    %dma_wait3A_338 = arith.constant 0 : i32
    %dma_wait3A_339 = arith.constant 0 : i32
    %dma_wait3A_340 = tpu.memref_slice %arg9[%dma_wait3A_338, %dma_wait3A_339] : memref<10112x16xf32, #tpu.memory_space<vmem_shared>> -> memref<10112x16xf32, #tpu.memory_space<vmem_shared>>
    %dma_wait3A_341 = tpu.memref_slice %arg12[%dma_wait3A_330] : memref<12x!tpu.dma_semaphore, #tpu.memory_space<semaphore_mem>> -> memref<1x!tpu.dma_semaphore, #tpu.memory_space<semaphore_mem>>
    %dma_wait3A_342 = tpu.memref_squeeze %dma_wait3A_341 : memref<1x!tpu.dma_semaphore, #tpu.memory_space<semaphore_mem>> -> memref<!tpu.dma_semaphore, #tpu.memory_space<semaphore_mem>>
    tpu.wait_indirect_dma semaphore(%dma_wait3A_342 : memref<!tpu.dma_semaphore, #tpu.memory_space<semaphore_mem>>) src(%dma_wait3A_334 : memref<128x16xf32, #tpu.memory_space<vmem>>) dst(%dma_wait3A_340 : memref<10112x16xf32, #tpu.memory_space<vmem_shared>>)
    %lt3A_343 = arith.constant 4 : i32
    %lt3A_344 = arith.cmpi slt, %add3A, %lt3A_343 : i32
    %convert_element_type3A_345 = arith.extui %lt3A_344 : i1 to i32
    %cond3A_346 = arith.constant 0 : i32
    %cond3A_347 = arith.cmpi ne, %convert_element_type3A_345, %cond3A_346 : i32
    scf.if %cond3A_347 {
      %dma_start3A_353 = arith.constant 78 : i32
      %dma_start3A_354 = arith.constant 0 : i32
      %dma_start3A_355 = arith.constant 0 : i32
      %dma_start3A_356 = arith.constant 0 : i32
      %dma_start3A_357 = arith.constant 0 : i32
      %dma_start3A_358 = tpu.memref_slice %arg7[%dma_start3A_354, %dma_start3A_356, %dma_start3A_357] : memref<12x128x16xf32, #tpu.memory_space<vmem>> -> memref<1x128x16xf32, #tpu.memory_space<vmem>>
      %dma_start3A_359 = tpu.memref_squeeze %dma_start3A_358 : memref<1x128x16xf32, #tpu.memory_space<vmem>> -> memref<128x16xf32, #tpu.memory_space<vmem>>
      %dma_start3A_360 = arith.constant 0 : i32
      %dma_start3A_361 = tpu.memref_slice %arg5[%dma_start3A_353, %dma_start3A_360] : memref<79x128xi32, #tpu.memory_space<vmem>> -> memref<1x128xi32, #tpu.memory_space<vmem>>
      %dma_start3A_362 = tpu.memref_squeeze %dma_start3A_361 : memref<1x128xi32, #tpu.memory_space<vmem>> -> memref<128xi32, #tpu.memory_space<vmem>>
      %dma_start3A_363 = arith.constant 0 : i32
      %dma_start3A_364 = arith.constant 0 : i32
      %dma_start3A_365 = tpu.memref_slice %arg2[%dma_start3A_363, %dma_start3A_364] : memref<10112x16xf32, #tpu.memory_space<hbm>> -> memref<10112x16xf32, #tpu.memory_space<hbm>>
      %dma_start3A_366 = tpu.memref_slice %arg11[%dma_start3A_355] : memref<12x!tpu.dma_semaphore, #tpu.memory_space<semaphore_mem>> -> memref<1x!tpu.dma_semaphore, #tpu.memory_space<semaphore_mem>>
      %dma_start3A_367 = tpu.memref_squeeze %dma_start3A_366 : memref<1x!tpu.dma_semaphore, #tpu.memory_space<semaphore_mem>> -> memref<!tpu.dma_semaphore, #tpu.memory_space<semaphore_mem>>
      tpu.enqueue_indirect_dma source(%dma_start3A_365 : memref<10112x16xf32, #tpu.memory_space<hbm>>) target(%dma_start3A_359 : memref<128x16xf32, #tpu.memory_space<vmem>>) offsets(%dma_start3A_362 : memref<128xi32, #tpu.memory_space<vmem>>) semaphore(%dma_start3A_367 : memref<!tpu.dma_semaphore, #tpu.memory_space<semaphore_mem>>)
      %dma_wait3A_368 = arith.constant 78 : i32
      %dma_wait3A_369 = arith.constant 0 : i32
      %dma_wait3A_370 = arith.constant 0 : i32
      %dma_wait3A_371 = arith.constant 0 : i32
      %dma_wait3A_372 = arith.constant 0 : i32
      %dma_wait3A_373 = tpu.memref_slice %arg7[%dma_wait3A_369, %dma_wait3A_371, %dma_wait3A_372] : memref<12x128x16xf32, #tpu.memory_space<vmem>> -> memref<1x128x16xf32, #tpu.memory_space<vmem>>
      %dma_wait3A_374 = tpu.memref_squeeze %dma_wait3A_373 : memref<1x128x16xf32, #tpu.memory_space<vmem>> -> memref<128x16xf32, #tpu.memory_space<vmem>>
      %dma_wait3A_375 = arith.constant 0 : i32
      %dma_wait3A_376 = tpu.memref_slice %arg5[%dma_wait3A_368, %dma_wait3A_375] : memref<79x128xi32, #tpu.memory_space<vmem>> -> memref<1x128xi32, #tpu.memory_space<vmem>>
      %dma_wait3A_377 = tpu.memref_squeeze %dma_wait3A_376 : memref<1x128xi32, #tpu.memory_space<vmem>> -> memref<128xi32, #tpu.memory_space<vmem>>
      %dma_wait3A_378 = arith.constant 0 : i32
      %dma_wait3A_379 = arith.constant 0 : i32
      %dma_wait3A_380 = tpu.memref_slice %arg2[%dma_wait3A_378, %dma_wait3A_379] : memref<10112x16xf32, #tpu.memory_space<hbm>> -> memref<10112x16xf32, #tpu.memory_space<hbm>>
      %dma_wait3A_381 = tpu.memref_slice %arg11[%dma_wait3A_370] : memref<12x!tpu.dma_semaphore, #tpu.memory_space<semaphore_mem>> -> memref<1x!tpu.dma_semaphore, #tpu.memory_space<semaphore_mem>>
      %dma_wait3A_382 = tpu.memref_squeeze %dma_wait3A_381 : memref<1x!tpu.dma_semaphore, #tpu.memory_space<semaphore_mem>> -> memref<!tpu.dma_semaphore, #tpu.memory_space<semaphore_mem>>
      tpu.wait_indirect_dma semaphore(%dma_wait3A_382 : memref<!tpu.dma_semaphore, #tpu.memory_space<semaphore_mem>>) src(%dma_wait3A_380 : memref<10112x16xf32, #tpu.memory_space<hbm>>) dst(%dma_wait3A_374 : memref<128x16xf32, #tpu.memory_space<vmem>>)
      %dma_start3A_383 = arith.constant 0 : i32
      %dma_start3A_384 = arith.constant 78 : i32
      %dma_start3A_385 = arith.constant 0 : i32
      %dma_start3A_386 = arith.constant 0 : i32
      %dma_start3A_387 = arith.constant 0 : i32
      %dma_start3A_388 = tpu.memref_slice %arg7[%dma_start3A_383, %dma_start3A_386, %dma_start3A_387] : memref<12x128x16xf32, #tpu.memory_space<vmem>> -> memref<1x128x16xf32, #tpu.memory_space<vmem>>
      %dma_start3A_389 = tpu.memref_squeeze %dma_start3A_388 : memref<1x128x16xf32, #tpu.memory_space<vmem>> -> memref<128x16xf32, #tpu.memory_space<vmem>>
      %dma_start3A_390 = arith.constant 0 : i32
      %dma_start3A_391 = tpu.memref_slice %arg6[%dma_start3A_384, %dma_start3A_390] : memref<79x128xi32, #tpu.memory_space<vmem>> -> memref<1x128xi32, #tpu.memory_space<vmem>>
      %dma_start3A_392 = tpu.memref_squeeze %dma_start3A_391 : memref<1x128xi32, #tpu.memory_space<vmem>> -> memref<128xi32, #tpu.memory_space<vmem>>
      %dma_start3A_393 = arith.constant 0 : i32
      %dma_start3A_394 = arith.constant 0 : i32
      %dma_start3A_395 = tpu.memref_slice %arg9[%dma_start3A_393, %dma_start3A_394] : memref<10112x16xf32, #tpu.memory_space<vmem_shared>> -> memref<10112x16xf32, #tpu.memory_space<vmem_shared>>
      %dma_start3A_396 = tpu.memref_slice %arg12[%dma_start3A_385] : memref<12x!tpu.dma_semaphore, #tpu.memory_space<semaphore_mem>> -> memref<1x!tpu.dma_semaphore, #tpu.memory_space<semaphore_mem>>
      %dma_start3A_397 = tpu.memref_squeeze %dma_start3A_396 : memref<1x!tpu.dma_semaphore, #tpu.memory_space<semaphore_mem>> -> memref<!tpu.dma_semaphore, #tpu.memory_space<semaphore_mem>>
      tpu.enqueue_indirect_dma source(%dma_start3A_389 : memref<128x16xf32, #tpu.memory_space<vmem>>) target(%dma_start3A_395 : memref<10112x16xf32, #tpu.memory_space<vmem_shared>>) offsets(%dma_start3A_392 : memref<128xi32, #tpu.memory_space<vmem>>) semaphore(%dma_start3A_397 : memref<!tpu.dma_semaphore, #tpu.memory_space<semaphore_mem>>) {add = true}
      %dma_wait3A_398 = arith.constant 0 : i32
      %dma_wait3A_399 = arith.constant 78 : i32
      %dma_wait3A_400 = arith.constant 0 : i32
      %dma_wait3A_401 = arith.constant 0 : i32
      %dma_wait3A_402 = arith.constant 0 : i32
      %dma_wait3A_403 = tpu.memref_slice %arg7[%dma_wait3A_398, %dma_wait3A_401, %dma_wait3A_402] : memref<12x128x16xf32, #tpu.memory_space<vmem>> -> memref<1x128x16xf32, #tpu.memory_space<vmem>>
      %dma_wait3A_404 = tpu.memref_squeeze %dma_wait3A_403 : memref<1x128x16xf32, #tpu.memory_space<vmem>> -> memref<128x16xf32, #tpu.memory_space<vmem>>
      %dma_wait3A_405 = arith.constant 0 : i32
      %dma_wait3A_406 = tpu.memref_slice %arg6[%dma_wait3A_399, %dma_wait3A_405] : memref<79x128xi32, #tpu.memory_space<vmem>> -> memref<1x128xi32, #tpu.memory_space<vmem>>
      %dma_wait3A_407 = tpu.memref_squeeze %dma_wait3A_406 : memref<1x128xi32, #tpu.memory_space<vmem>> -> memref<128xi32, #tpu.memory_space<vmem>>
      %dma_wait3A_408 = arith.constant 0 : i32
      %dma_wait3A_409 = arith.constant 0 : i32
      %dma_wait3A_410 = tpu.memref_slice %arg9[%dma_wait3A_408, %dma_wait3A_409] : memref<10112x16xf32, #tpu.memory_space<vmem_shared>> -> memref<10112x16xf32, #tpu.memory_space<vmem_shared>>
      %dma_wait3A_411 = tpu.memref_slice %arg12[%dma_wait3A_400] : memref<12x!tpu.dma_semaphore, #tpu.memory_space<semaphore_mem>> -> memref<1x!tpu.dma_semaphore, #tpu.memory_space<semaphore_mem>>
      %dma_wait3A_412 = tpu.memref_squeeze %dma_wait3A_411 : memref<1x!tpu.dma_semaphore, #tpu.memory_space<semaphore_mem>> -> memref<!tpu.dma_semaphore, #tpu.memory_space<semaphore_mem>>
      tpu.wait_indirect_dma semaphore(%dma_wait3A_412 : memref<!tpu.dma_semaphore, #tpu.memory_space<semaphore_mem>>) src(%dma_wait3A_404 : memref<128x16xf32, #tpu.memory_space<vmem>>) dst(%dma_wait3A_410 : memref<10112x16xf32, #tpu.memory_space<vmem_shared>>)
    } else {
    }
    %barrier3A_348 = arith.constant 0 : index
    tpu.barrier barrier_id(%barrier3A_348)
    %mul3A_349 = arith.constant 632 : i32
    %mul3A_350 = arith.muli %arg1, %mul3A_349 : i32
    %mul3A_351 = arith.constant 632 : i32
    %mul3A_352 = arith.muli %arg1, %mul3A_351 : i32
    "tpu.region"() ({
      %run_scoped3A = tpu.sem_alloc : memref<!tpu.dma_semaphore, #tpu.memory_space<semaphore_mem>>
      %dma_start3A_353 = arith.constant 0 : i32
      %dma_start3A_354 = tpu.memref_slice %arg4[%arg0, %mul3A_352, %dma_start3A_353] : memref<2x10112x16xf32, #tpu.memory_space<hbm>> -> memref<1x632x16xf32, #tpu.memory_space<hbm>>
      %dma_start3A_355 = tpu.memref_squeeze %dma_start3A_354 : memref<1x632x16xf32, #tpu.memory_space<hbm>> -> memref<632x16xf32, #tpu.memory_space<hbm>>
      %dma_start3A_356 = arith.constant 0 : i32
      %dma_start3A_357 = tpu.memref_slice %arg9[%mul3A_350, %dma_start3A_356] : memref<10112x16xf32, #tpu.memory_space<vmem_shared>> -> memref<632x16xf32, #tpu.memory_space<vmem_shared>>
      tpu.enqueue_dma source(%dma_start3A_357 : memref<632x16xf32, #tpu.memory_space<vmem_shared>>) target(%dma_start3A_355 : memref<632x16xf32, #tpu.memory_space<hbm>>) target_semaphore(%run_scoped3A : memref<!tpu.dma_semaphore, #tpu.memory_space<semaphore_mem>>)
      %dma_wait3A_358 = arith.constant 0 : i32
      %dma_wait3A_359 = tpu.memref_slice %arg4[%arg0, %mul3A_352, %dma_wait3A_358] : memref<2x10112x16xf32, #tpu.memory_space<hbm>> -> memref<1x632x16xf32, #tpu.memory_space<hbm>>
      %dma_wait3A_360 = tpu.memref_squeeze %dma_wait3A_359 : memref<1x632x16xf32, #tpu.memory_space<hbm>> -> memref<632x16xf32, #tpu.memory_space<hbm>>
      %dma_wait3A_361 = arith.constant 0 : i32
      %dma_wait3A_362 = tpu.memref_slice %arg9[%mul3A_350, %dma_wait3A_361] : memref<10112x16xf32, #tpu.memory_space<vmem_shared>> -> memref<632x16xf32, #tpu.memory_space<vmem_shared>>
      tpu.wait_dma2 semaphore(%run_scoped3A : memref<!tpu.dma_semaphore, #tpu.memory_space<semaphore_mem>>) src(%dma_wait3A_362 : memref<632x16xf32, #tpu.memory_space<vmem_shared>>) dst(%dma_wait3A_360 : memref<632x16xf32, #tpu.memory_space<hbm>>)
      tpu.yield
    }) : () -> ()
    return
  }
}

module attributes {stable_mosaic.version = 14 : i64} {
  func.func @_proj1_body(%arg0: memref<1250x1024xf32, #tpu.memory_space<vmem>>, %arg1: memref<1024x128xf32, #tpu.memory_space<vmem>>, %arg2: memref<1024x128xf32, #tpu.memory_space<vmem>>, %arg3: memref<1264x128xf32, #tpu.memory_space<vmem>>, %arg4: memref<1264x128xf32, #tpu.memory_space<vmem>>) attributes {dimension_semantics = [], scalar_prefetch = 0 : i64, scratch_operands = 0 : i64, tpu.core_type = #tpu.core_type<tc>} {
    %get3A = arith.constant 0 : index
    %get3A_0 = arith.constant 0 : index
    %get3A_1 = vector.load %arg0[%get3A, %get3A_0] : memref<1250x1024xf32, #tpu.memory_space<vmem>>, vector<1250x1024xf32>
    %get3A_2 = arith.constant 0 : index
    %get3A_3 = arith.constant 0 : index
    %get3A_4 = vector.load %arg1[%get3A_2, %get3A_3] : memref<1024x128xf32, #tpu.memory_space<vmem>>, vector<1024x128xf32>
    %dot_general3A = arith.constant dense<0.000000e+00> : vector<1250x128xf32>
    %dot_general3A_5 = tpu.matmul %get3A_1, %get3A_4, %dot_general3A {dimension_numbers = #tpu.dot_dimension_numbers<[1], [0], [0], [1], [0, 0, 1, 1], [], []>, transpose_lhs_hint = false} : vector<1250x1024xf32>, vector<1024x128xf32>, vector<1250x128xf32> -> vector<1250x128xf32>
    %get3A_6 = arith.constant 0 : index
    %get3A_7 = arith.constant 0 : index
    %get3A_8 = vector.load %arg2[%get3A_6, %get3A_7] : memref<1024x128xf32, #tpu.memory_space<vmem>>, vector<1024x128xf32>
    %dot_general3A_9 = arith.constant dense<0.000000e+00> : vector<1250x128xf32>
    %dot_general3A_10 = tpu.matmul %get3A_1, %get3A_8, %dot_general3A_9 {dimension_numbers = #tpu.dot_dimension_numbers<[1], [0], [0], [1], [0, 0, 1, 1], [], []>, transpose_lhs_hint = false} : vector<1250x1024xf32>, vector<1024x128xf32>, vector<1250x128xf32> -> vector<1250x128xf32>
    %broadcast_in_dim3A = arith.constant 0.000000e+00 : f32
    %broadcast_in_dim3A_11 = vector.broadcast %broadcast_in_dim3A : f32 to vector<14x128xf32>
    %concatenate3A = tpu.concatenate %dot_general3A_5, %broadcast_in_dim3A_11 in 0 : vector<1250x128xf32>, vector<14x128xf32> -> vector<1264x128xf32>
    %swap3A = arith.constant 0 : index
    %swap3A_12 = arith.constant 0 : index
    %swap3A_13 = vector.load %arg3[%swap3A, %swap3A_12] : memref<1264x128xf32, #tpu.memory_space<vmem>>, vector<1264x128xf32>
    tpu.vector_store %arg3[%swap3A, %swap3A_12], %concatenate3A {strides = array<i32>} : memref<1264x128xf32, #tpu.memory_space<vmem>>, vector<1264x128xf32>,
    %concatenate3A_14 = tpu.concatenate %dot_general3A_10, %broadcast_in_dim3A_11 in 0 : vector<1250x128xf32>, vector<14x128xf32> -> vector<1264x128xf32>
    %swap3A_15 = arith.constant 0 : index
    %swap3A_16 = arith.constant 0 : index
    %swap3A_17 = vector.load %arg4[%swap3A_15, %swap3A_16] : memref<1264x128xf32, #tpu.memory_space<vmem>>, vector<1264x128xf32>
    tpu.vector_store %arg4[%swap3A_15, %swap3A_16], %concatenate3A_14 {strides = array<i32>} : memref<1264x128xf32, #tpu.memory_space<vmem>>, vector<1264x128xf32>,
    return
  }
}

module attributes {stable_mosaic.version = 14 : i64} {
  func.func @_fuse_body(%arg0: memref<2x1264x128xf32, #tpu.memory_space<vmem>>, %arg1: memref<1264x128xf32, #tpu.memory_space<vmem>>, %arg2: memref<1x128xf32, #tpu.memory_space<vmem>>, %arg3: memref<128x128xf32, #tpu.memory_space<vmem>>, %arg4: memref<128x128xf32, #tpu.memory_space<vmem>>, %arg5: memref<1264x128xf32, #tpu.memory_space<vmem>>, %arg6: memref<1264x128xf32, #tpu.memory_space<vmem>>) attributes {dimension_semantics = [], scalar_prefetch = 0 : i64, scratch_operands = 0 : i64, tpu.core_type = #tpu.core_type<tc>} {
    %get3A = arith.constant 0 : index
    %get3A_0 = arith.constant 0 : index
    %get3A_1 = arith.constant 0 : index
    %get3A_2 = vector.load %arg0[%get3A, %get3A_0, %get3A_1] : memref<2x1264x128xf32, #tpu.memory_space<vmem>>, vector<1x1264x128xf32>
    %get3A_3 = vector.shape_cast %get3A_2 : vector<1x1264x128xf32> to vector<1264x128xf32>
    %get3A_4 = arith.constant 1 : index
    %get3A_5 = arith.constant 0 : index
    %get3A_6 = arith.constant 0 : index
    %get3A_7 = vector.load %arg0[%get3A_4, %get3A_5, %get3A_6] : memref<2x1264x128xf32, #tpu.memory_space<vmem>>, vector<1x1264x128xf32>
    %get3A_8 = vector.shape_cast %get3A_7 : vector<1x1264x128xf32> to vector<1264x128xf32>
    %add3A = arith.addf %get3A_3, %get3A_8 : vector<1264x128xf32>
    %get3A_9 = arith.constant 0 : index
    %get3A_10 = arith.constant 0 : index
    %get3A_11 = vector.load %arg1[%get3A_9, %get3A_10] : memref<1264x128xf32, #tpu.memory_space<vmem>>, vector<1264x128xf32>
    %add3A_12 = arith.addf %add3A, %get3A_11 : vector<1264x128xf32>
    %get3A_13 = arith.constant 0 : index
    %get3A_14 = arith.constant 0 : index
    %get3A_15 = vector.load %arg2[%get3A_13, %get3A_14] : memref<1x128xf32, #tpu.memory_space<vmem>>, vector<1x128xf32>
    %add3A_16 = vector.broadcast %get3A_15 : vector<1x128xf32> to vector<1264x128xf32>
    %add3A_17 = arith.addf %add3A_12, %add3A_16 : vector<1264x128xf32>
    %ge3A = arith.constant 0.000000e+00 : f32
    %ge3A_18 = vector.broadcast %ge3A : f32 to vector<1264x128xf32>
    %ge3A_19 = arith.cmpf oge, %add3A_17, %ge3A_18 : vector<1264x128xf32>
    %mul3A = arith.constant 0.00999999977 : f32
    %mul3A_20 = vector.broadcast %mul3A : f32 to vector<1264x128xf32>
    %mul3A_21 = arith.mulf %mul3A_20, %add3A_17 : vector<1264x128xf32>
    %select_n3A = arith.select %ge3A_19, %add3A_17, %mul3A_21 : vector<1264x128xi1>, vector<1264x128xf32>
    %get3A_22 = arith.constant 0 : index
    %get3A_23 = arith.constant 0 : index
    %get3A_24 = vector.load %arg3[%get3A_22, %get3A_23] : memref<128x128xf32, #tpu.memory_space<vmem>>, vector<128x128xf32>
    %dot_general3A = arith.constant dense<0.000000e+00> : vector<1264x128xf32>
    %dot_general3A_25 = tpu.matmul %select_n3A, %get3A_24, %dot_general3A {dimension_numbers = #tpu.dot_dimension_numbers<[1], [0], [0], [1], [0, 0, 1, 1], [], []>, transpose_lhs_hint = false} : vector<1264x128xf32>, vector<128x128xf32>, vector<1264x128xf32> -> vector<1264x128xf32>
    %swap3A = arith.constant 0 : index
    %swap3A_26 = arith.constant 0 : index
    %swap3A_27 = vector.load %arg5[%swap3A, %swap3A_26] : memref<1264x128xf32, #tpu.memory_space<vmem>>, vector<1264x128xf32>
    tpu.vector_store %arg5[%swap3A, %swap3A_26], %dot_general3A_25 {strides = array<i32>} : memref<1264x128xf32, #tpu.memory_space<vmem>>, vector<1264x128xf32>,
    %get3A_28 = arith.constant 0 : index
    %get3A_29 = arith.constant 0 : index
    %get3A_30 = vector.load %arg4[%get3A_28, %get3A_29] : memref<128x128xf32, #tpu.memory_space<vmem>>, vector<128x128xf32>
    %dot_general3A_31 = arith.constant dense<0.000000e+00> : vector<1264x128xf32>
    %dot_general3A_32 = tpu.matmul %select_n3A, %get3A_30, %dot_general3A_31 {dimension_numbers = #tpu.dot_dimension_numbers<[1], [0], [0], [1], [0, 0, 1, 1], [], []>, transpose_lhs_hint = false} : vector<1264x128xf32>, vector<128x128xf32>, vector<1264x128xf32> -> vector<1264x128xf32>
    %swap3A_33 = arith.constant 0 : index
    %swap3A_34 = arith.constant 0 : index
    %swap3A_35 = vector.load %arg6[%swap3A_33, %swap3A_34] : memref<1264x128xf32, #tpu.memory_space<vmem>>, vector<1264x128xf32>
    tpu.vector_store %arg6[%swap3A_33, %swap3A_34], %dot_general3A_32 {strides = array<i32>} : memref<1264x128xf32, #tpu.memory_space<vmem>>, vector<1264x128xf32>,
    return
  }
}

module attributes {stable_mosaic.version = 14 : i64} {
  func.func @_final_body(%arg0: memref<2x1264x128xf32, #tpu.memory_space<vmem>>, %arg1: memref<1264x128xf32, #tpu.memory_space<vmem>>, %arg2: memref<1x128xf32, #tpu.memory_space<vmem>>, %arg3: memref<8x1250xi32, #tpu.memory_space<vmem>>, %arg4: memref<16x2xf32, #tpu.memory_space<vmem>>, %arg5: memref<1x2xf32, #tpu.memory_space<vmem>>, %arg6: memref<64x2xf32, #tpu.memory_space<vmem>>) attributes {dimension_semantics = [], scalar_prefetch = 0 : i64, scratch_operands = 0 : i64, tpu.core_type = #tpu.core_type<tc>} {
    %get3A = arith.constant 0 : index
    %get3A_0 = arith.constant 0 : index
    %get3A_1 = arith.constant 0 : index
    %get3A_2 = vector.load %arg0[%get3A, %get3A_0, %get3A_1] : memref<2x1264x128xf32, #tpu.memory_space<vmem>>, vector<1x1264x128xf32>
    %get3A_3 = vector.shape_cast %get3A_2 : vector<1x1264x128xf32> to vector<1264x128xf32>
    %get3A_4 = arith.constant 1 : index
    %get3A_5 = arith.constant 0 : index
    %get3A_6 = arith.constant 0 : index
    %get3A_7 = vector.load %arg0[%get3A_4, %get3A_5, %get3A_6] : memref<2x1264x128xf32, #tpu.memory_space<vmem>>, vector<1x1264x128xf32>
    %get3A_8 = vector.shape_cast %get3A_7 : vector<1x1264x128xf32> to vector<1264x128xf32>
    %add3A = arith.addf %get3A_3, %get3A_8 : vector<1264x128xf32>
    %get3A_9 = arith.constant 0 : index
    %get3A_10 = arith.constant 0 : index
    %get3A_11 = vector.load %arg1[%get3A_9, %get3A_10] : memref<1264x128xf32, #tpu.memory_space<vmem>>, vector<1264x128xf32>
    %add3A_12 = arith.addf %add3A, %get3A_11 : vector<1264x128xf32>
    %get3A_13 = arith.constant 0 : index
    %get3A_14 = arith.constant 0 : index
    %get3A_15 = vector.load %arg2[%get3A_13, %get3A_14] : memref<1x128xf32, #tpu.memory_space<vmem>>, vector<1x128xf32>
    %add3A_16 = vector.broadcast %get3A_15 : vector<1x128xf32> to vector<1264x128xf32>
    %add3A_17 = arith.addf %add3A_12, %add3A_16 : vector<1264x128xf32>
    %slice3A = vector.extract_strided_slice %add3A_17 {offsets = [0, 0], sizes = [1250, 128], strides = [1, 1]} : vector<1264x128xf32> to vector<1250x128xf32>
    %iota3A = tpu.iota {dimensions = array<i32: 0>} : vector<64x1250xi32>
    %broadcast_in_dim3A = arith.constant 0.000000e+00 : f32
    %broadcast_in_dim3A_18 = vector.broadcast %broadcast_in_dim3A : f32 to vector<64x16xf32>
    %get3A_19 = arith.constant 0 : index
    %get3A_20 = arith.constant 0 : index
    %get3A_21 = vector.load %arg3[%get3A_19, %get3A_20] : memref<8x1250xi32, #tpu.memory_space<vmem>>, vector<1x1250xi32>
    %eq3A = vector.broadcast %get3A_21 : vector<1x1250xi32> to vector<64x1250xi32>
    %eq3A_22 = arith.cmpi eq, %eq3A, %iota3A : vector<64x1250xi32>
    %convert_element_type3A = arith.extui %eq3A_22 : vector<64x1250xi1> to vector<64x1250xi32>
    %convert_element_type3A_23 = arith.sitofp %convert_element_type3A : vector<64x1250xi32> to vector<64x1250xf32>
    %dot_general3A = arith.constant dense<0.000000e+00> : vector<64x128xf32>
    %dot_general3A_24 = tpu.matmul %convert_element_type3A_23, %slice3A, %dot_general3A {dimension_numbers = #tpu.dot_dimension_numbers<[1], [0], [0], [1], [0, 0, 1, 1], [], []>, precision = #tpu.contract_precision<fp32>, transpose_lhs_hint = false} : vector<64x1250xf32>, vector<1250x128xf32>, vector<64x128xf32> -> vector<64x128xf32>
    %slice3A_25 = vector.extract_strided_slice %dot_general3A_24 {offsets = [0, 0], sizes = [64, 16], strides = [1, 1]} : vector<64x128xf32> to vector<64x16xf32>
    %add3A_26 = arith.addf %broadcast_in_dim3A_18, %slice3A_25 : vector<64x16xf32>
    %get3A_27 = arith.constant 1 : index
    %get3A_28 = arith.constant 0 : index
    %get3A_29 = vector.load %arg3[%get3A_27, %get3A_28] : memref<8x1250xi32, #tpu.memory_space<vmem>>, vector<1x1250xi32>
    %eq3A_30 = vector.broadcast %get3A_29 : vector<1x1250xi32> to vector<64x1250xi32>
    %eq3A_31 = arith.cmpi eq, %eq3A_30, %iota3A : vector<64x1250xi32>
    %convert_element_type3A_32 = arith.extui %eq3A_31 : vector<64x1250xi1> to vector<64x1250xi32>
    %convert_element_type3A_33 = arith.sitofp %convert_element_type3A_32 : vector<64x1250xi32> to vector<64x1250xf32>
    %dot_general3A_34 = arith.constant dense<0.000000e+00> : vector<64x128xf32>
    %dot_general3A_35 = tpu.matmul %convert_element_type3A_33, %slice3A, %dot_general3A_34 {dimension_numbers = #tpu.dot_dimension_numbers<[1], [0], [0], [1], [0, 0, 1, 1], [], []>, precision = #tpu.contract_precision<fp32>, transpose_lhs_hint = false} : vector<64x1250xf32>, vector<1250x128xf32>, vector<64x128xf32> -> vector<64x128xf32>
    %slice3A_36 = vector.extract_strided_slice %dot_general3A_35 {offsets = [0, 16], sizes = [64, 16], strides = [1, 1]} : vector<64x128xf32> to vector<64x16xf32>
    %add3A_37 = arith.addf %add3A_26, %slice3A_36 : vector<64x16xf32>
    %get3A_38 = arith.constant 2 : index
    %get3A_39 = arith.constant 0 : index
    %get3A_40 = vector.load %arg3[%get3A_38, %get3A_39] : memref<8x1250xi32, #tpu.memory_space<vmem>>, vector<1x1250xi32>
    %eq3A_41 = vector.broadcast %get3A_40 : vector<1x1250xi32> to vector<64x1250xi32>
    %eq3A_42 = arith.cmpi eq, %eq3A_41, %iota3A : vector<64x1250xi32>
    %convert_element_type3A_43 = arith.extui %eq3A_42 : vector<64x1250xi1> to vector<64x1250xi32>
    %convert_element_type3A_44 = arith.sitofp %convert_element_type3A_43 : vector<64x1250xi32> to vector<64x1250xf32>
    %dot_general3A_45 = arith.constant dense<0.000000e+00> : vector<64x128xf32>
    %dot_general3A_46 = tpu.matmul %convert_element_type3A_44, %slice3A, %dot_general3A_45 {dimension_numbers = #tpu.dot_dimension_numbers<[1], [0], [0], [1], [0, 0, 1, 1], [], []>, precision = #tpu.contract_precision<fp32>, transpose_lhs_hint = false} : vector<64x1250xf32>, vector<1250x128xf32>, vector<64x128xf32> -> vector<64x128xf32>
    %slice3A_47 = vector.extract_strided_slice %dot_general3A_46 {offsets = [0, 32], sizes = [64, 16], strides = [1, 1]} : vector<64x128xf32> to vector<64x16xf32>
    %add3A_48 = arith.addf %add3A_37, %slice3A_47 : vector<64x16xf32>
    %get3A_49 = arith.constant 3 : index
    %get3A_50 = arith.constant 0 : index
    %get3A_51 = vector.load %arg3[%get3A_49, %get3A_50] : memref<8x1250xi32, #tpu.memory_space<vmem>>, vector<1x1250xi32>
    %eq3A_52 = vector.broadcast %get3A_51 : vector<1x1250xi32> to vector<64x1250xi32>
    %eq3A_53 = arith.cmpi eq, %eq3A_52, %iota3A : vector<64x1250xi32>
    %convert_element_type3A_54 = arith.extui %eq3A_53 : vector<64x1250xi1> to vector<64x1250xi32>
    %convert_element_type3A_55 = arith.sitofp %convert_element_type3A_54 : vector<64x1250xi32> to vector<64x1250xf32>
    %dot_general3A_56 = arith.constant dense<0.000000e+00> : vector<64x128xf32>
    %dot_general3A_57 = tpu.matmul %convert_element_type3A_55, %slice3A, %dot_general3A_56 {dimension_numbers = #tpu.dot_dimension_numbers<[1], [0], [0], [1], [0, 0, 1, 1], [], []>, precision = #tpu.contract_precision<fp32>, transpose_lhs_hint = false} : vector<64x1250xf32>, vector<1250x128xf32>, vector<64x128xf32> -> vector<64x128xf32>
    %slice3A_58 = vector.extract_strided_slice %dot_general3A_57 {offsets = [0, 48], sizes = [64, 16], strides = [1, 1]} : vector<64x128xf32> to vector<64x16xf32>
    %add3A_59 = arith.addf %add3A_48, %slice3A_58 : vector<64x16xf32>
    %get3A_60 = arith.constant 4 : index
    %get3A_61 = arith.constant 0 : index
    %get3A_62 = vector.load %arg3[%get3A_60, %get3A_61] : memref<8x1250xi32, #tpu.memory_space<vmem>>, vector<1x1250xi32>
    %eq3A_63 = vector.broadcast %get3A_62 : vector<1x1250xi32> to vector<64x1250xi32>
    %eq3A_64 = arith.cmpi eq, %eq3A_63, %iota3A : vector<64x1250xi32>
    %convert_element_type3A_65 = arith.extui %eq3A_64 : vector<64x1250xi1> to vector<64x1250xi32>
    %convert_element_type3A_66 = arith.sitofp %convert_element_type3A_65 : vector<64x1250xi32> to vector<64x1250xf32>
    %dot_general3A_67 = arith.constant dense<0.000000e+00> : vector<64x128xf32>
    %dot_general3A_68 = tpu.matmul %convert_element_type3A_66, %slice3A, %dot_general3A_67 {dimension_numbers = #tpu.dot_dimension_numbers<[1], [0], [0], [1], [0, 0, 1, 1], [], []>, precision = #tpu.contract_precision<fp32>, transpose_lhs_hint = false} : vector<64x1250xf32>, vector<1250x128xf32>, vector<64x128xf32> -> vector<64x128xf32>
    %slice3A_69 = vector.extract_strided_slice %dot_general3A_68 {offsets = [0, 64], sizes = [64, 16], strides = [1, 1]} : vector<64x128xf32> to vector<64x16xf32>
    %add3A_70 = arith.addf %add3A_59, %slice3A_69 : vector<64x16xf32>
    %get3A_71 = arith.constant 5 : index
    %get3A_72 = arith.constant 0 : index
    %get3A_73 = vector.load %arg3[%get3A_71, %get3A_72] : memref<8x1250xi32, #tpu.memory_space<vmem>>, vector<1x1250xi32>
    %eq3A_74 = vector.broadcast %get3A_73 : vector<1x1250xi32> to vector<64x1250xi32>
    %eq3A_75 = arith.cmpi eq, %eq3A_74, %iota3A : vector<64x1250xi32>
    %convert_element_type3A_76 = arith.extui %eq3A_75 : vector<64x1250xi1> to vector<64x1250xi32>
    %convert_element_type3A_77 = arith.sitofp %convert_element_type3A_76 : vector<64x1250xi32> to vector<64x1250xf32>
    %dot_general3A_78 = arith.constant dense<0.000000e+00> : vector<64x128xf32>
    %dot_general3A_79 = tpu.matmul %convert_element_type3A_77, %slice3A, %dot_general3A_78 {dimension_numbers = #tpu.dot_dimension_numbers<[1], [0], [0], [1], [0, 0, 1, 1], [], []>, precision = #tpu.contract_precision<fp32>, transpose_lhs_hint = false} : vector<64x1250xf32>, vector<1250x128xf32>, vector<64x128xf32> -> vector<64x128xf32>
    %slice3A_80 = vector.extract_strided_slice %dot_general3A_79 {offsets = [0, 80], sizes = [64, 16], strides = [1, 1]} : vector<64x128xf32> to vector<64x16xf32>
    %add3A_81 = arith.addf %add3A_70, %slice3A_80 : vector<64x16xf32>
    %get3A_82 = arith.constant 6 : index
    %get3A_83 = arith.constant 0 : index
    %get3A_84 = vector.load %arg3[%get3A_82, %get3A_83] : memref<8x1250xi32, #tpu.memory_space<vmem>>, vector<1x1250xi32>
    %eq3A_85 = vector.broadcast %get3A_84 : vector<1x1250xi32> to vector<64x1250xi32>
    %eq3A_86 = arith.cmpi eq, %eq3A_85, %iota3A : vector<64x1250xi32>
    %convert_element_type3A_87 = arith.extui %eq3A_86 : vector<64x1250xi1> to vector<64x1250xi32>
    %convert_element_type3A_88 = arith.sitofp %convert_element_type3A_87 : vector<64x1250xi32> to vector<64x1250xf32>
    %dot_general3A_89 = arith.constant dense<0.000000e+00> : vector<64x128xf32>
    %dot_general3A_90 = tpu.matmul %convert_element_type3A_88, %slice3A, %dot_general3A_89 {dimension_numbers = #tpu.dot_dimension_numbers<[1], [0], [0], [1], [0, 0, 1, 1], [], []>, precision = #tpu.contract_precision<fp32>, transpose_lhs_hint = false} : vector<64x1250xf32>, vector<1250x128xf32>, vector<64x128xf32> -> vector<64x128xf32>
    %slice3A_91 = vector.extract_strided_slice %dot_general3A_90 {offsets = [0, 96], sizes = [64, 16], strides = [1, 1]} : vector<64x128xf32> to vector<64x16xf32>
    %add3A_92 = arith.addf %add3A_81, %slice3A_91 : vector<64x16xf32>
    %get3A_93 = arith.constant 7 : index
    %get3A_94 = arith.constant 0 : index
    %get3A_95 = vector.load %arg3[%get3A_93, %get3A_94] : memref<8x1250xi32, #tpu.memory_space<vmem>>, vector<1x1250xi32>
    %eq3A_96 = vector.broadcast %get3A_95 : vector<1x1250xi32> to vector<64x1250xi32>
    %eq3A_97 = arith.cmpi eq, %eq3A_96, %iota3A : vector<64x1250xi32>
    %convert_element_type3A_98 = arith.extui %eq3A_97 : vector<64x1250xi1> to vector<64x1250xi32>
    %convert_element_type3A_99 = arith.sitofp %convert_element_type3A_98 : vector<64x1250xi32> to vector<64x1250xf32>
    %dot_general3A_100 = arith.constant dense<0.000000e+00> : vector<64x128xf32>
    %dot_general3A_101 = tpu.matmul %convert_element_type3A_99, %slice3A, %dot_general3A_100 {dimension_numbers = #tpu.dot_dimension_numbers<[1], [0], [0], [1], [0, 0, 1, 1], [], []>, precision = #tpu.contract_precision<fp32>, transpose_lhs_hint = false} : vector<64x1250xf32>, vector<1250x128xf32>, vector<64x128xf32> -> vector<64x128xf32>
    %slice3A_102 = vector.extract_strided_slice %dot_general3A_101 {offsets = [0, 112], sizes = [64, 16], strides = [1, 1]} : vector<64x128xf32> to vector<64x16xf32>
    %add3A_103 = arith.addf %add3A_92, %slice3A_102 : vector<64x16xf32>
    %get3A_104 = arith.constant 0 : index
    %get3A_105 = arith.constant 0 : index
    %get3A_106 = vector.load %arg4[%get3A_104, %get3A_105] : memref<16x2xf32, #tpu.memory_space<vmem>>, vector<16x2xf32>
    %dot_general3A_107 = arith.constant dense<0.000000e+00> : vector<64x2xf32>
    %dot_general3A_108 = tpu.matmul %add3A_103, %get3A_106, %dot_general3A_107 {dimension_numbers = #tpu.dot_dimension_numbers<[1], [0], [0], [1], [0, 0, 1, 1], [], []>, transpose_lhs_hint = false} : vector<64x16xf32>, vector<16x2xf32>, vector<64x2xf32> -> vector<64x2xf32>
    %get3A_109 = arith.constant 0 : index
    %get3A_110 = arith.constant 0 : index
    %get3A_111 = vector.load %arg5[%get3A_109, %get3A_110] : memref<1x2xf32, #tpu.memory_space<vmem>>, vector<1x2xf32>
    %add3A_112 = vector.broadcast %get3A_111 : vector<1x2xf32> to vector<64x2xf32>
    %add3A_113 = arith.addf %dot_general3A_108, %add3A_112 : vector<64x2xf32>
    %swap3A = arith.constant 0 : index
    %swap3A_114 = arith.constant 0 : index
    %swap3A_115 = vector.load %arg6[%swap3A, %swap3A_114] : memref<64x2xf32, #tpu.memory_space<vmem>>, vector<64x2xf32>
    tpu.vector_store %arg6[%swap3A, %swap3A_114], %add3A_113 {strides = array<i32>} : memref<64x2xf32, #tpu.memory_space<vmem>>, vector<64x2xf32>,
    return
  }
}

</mosaic_0001>

<sc_bundles>
// kernel: kernel.12.cloned.1.call-start
scs
__scs_entry_jumppad:
0x0: {  	(pc) =	sbr.rel $0x88, $3  }
0x1: {  	(tag) =	ssettag $0x0;
	lr =	simm.s32 $0x1  }
0x2: {  	[smem:$0x3F93] =	sst lr;
	_ =	strace $0xD0000000  }
0x3: {  	_ = 	snop  }
0x4: {  	_ = 	snop  }
0x5: {  	_ = 	snop  }
0x6: {  	_ = 	snop  }
0x7: {  	_ = 	snop  }
__scs_overlays_trampoline_lowered:
0x8: {  	[smem:$0x3FA2] =	sst s0  }
0x9: {  	[smem:$0x3FA3] =	sst s1  }
0xa: {  	[smem:$0x3FA4] =	sst s2  }
0xb: {  	[smem:$0x3FA5] =	sst s3  }
0xc: {  	[smem:$0x3FA6] =	sst s4  }
0xd: {  	[smem:$0x3FA7] =	sst s5  }
0xe: {  	[smem:$0x3FA8] =	sst s6  }
0xf: {  	[smem:$0x3FA9] =	sst s7  }
0x10: {  	[smem:$0x3FAA] =	sst s8  }
0x11: {  	[smem:$0x3FAB] =	sst s9;
	s0 =	simm.s32 @!p0 $0x0  }
0x12: {  	s1 =	sld [smem:$0x3F91];
	s0 =	simm.s32 @p0 $0x1  }
0x13: {  	[smem:$0x3FAC] =	sst s0;
	s0 =	simm.s32 @!p1 $0x0  }
0x14: {  	s2 =	sld [smem:$0x3F90];
	s0 =	simm.s32 @p1 $0x1  }
0x15: {  	[smem:$0x3FAD] =	sst s0;
	s0 =	simm.s32 @!p2 $0x0  }
0x16: {  	s3 =	sld [smem:$0x3FDB];
	s0 =	simm.s32 @p2 $0x1  }
0x17: {  	s4 =	simm.s32 $0x1BF5;
	[smem:$0x3FAF] =	sst s0  }
0x18: {  	s0 =	sld [smem:$0x3F92];
	_ =	swait.ge [sflag:s4], $0x0  }
0x19: {  	s7 =	sld [smem:$0x3F93]  }
0x1a: {  	s8 =	sadd.s32 $0xFFFFE003, lr  }
0x1b: {  	s9 =	sadd.s32 $0xFFFFFEF7, lr;
	s5 =	simm.s32 $0xFFFFFFFF;
	p2 =	slt.u32 s8, $0xFFFFF086  }
0x1c: {  	p1 =	slt.u32 s9, $0xF7A;
	s5 =	simm.s32 @!p2 $0x0  }
0x1d: {  	s5 =	simm.s32 @p1 $0x1;
	p0 =	seq.s32 s7, s2  }
0x1e: {  	s7 =	smul.u32 @!p0 $0xF7A, s2;
	p2 =	seq.s32 @!p0 s5, $0x0  }
0x1f: {  	s9 =	smul.u32 $0xF7A, s1;
	s8 =	simm.s32 @!p0 $0x1BF5;
	p2 =	por !p2, p0  }
0x20: {  	[sflag:s8] =	ssyncset.s32 @!p0 $0xFFFFF086;
	s6 =	sadd.s32 @!p0 s3, s7;
	s7 =	simm.s32 @!p0 $0x108  }
0x21: {  	s3 =	sadd.s32 s3, s9;
	s6 =	sadd.s32 @!p0 $0x88, s6;
	s7 =	simm.s32 @p2 $0x1082  }
0x22: {  	[simem:s7], [sflag:s8] =	dma.local @!p0 [hbm:s6], $0xF7A  }
0x23: {  	s9 =	sor.u32 $0xD0000000, s2;
	s6 =	simm.s32 $0x108;
	_ =	swait.ge @!p0 [sflag:s8], $0x0  }
0x24: {  	s3 =	sadd.s32 $0x88, s3;
	s6 =	simm.s32 @!p1 $0x1082;
	[sflag:s4] =	ssyncset.s32 $0xFFFFF086  }
0x25: {  	[simem:s6], [sflag:s4] =	dma.local [hbm:s3], $0xF7A  }
0x26: {  	[smem:$0x3F93] =	sst s1;
	(tag) =	ssettag s2;
	_ =	strace s9  }
0x27: {  	s1 =	sld [smem:$0x3FA3]  }
0x28: {  	s2 =	sld [smem:$0x3FA4]  }
0x29: {  	s4 =	sld [smem:$0x3FA6]  }
0x2a: {  	p0 =	seq.s32 s5, $0x0;
	s5 =	sld [smem:$0x3FA7]  }
0x2b: {  	s6 =	sld [smem:$0x3FA8]  }
0x2c: {  	s7 =	sld [smem:$0x3FA9]  }
0x2d: {  	s3 =	simm.s32 $0x108;
	s8 =	sld [smem:$0x3FAA]  }
0x2e: {  	s3 =	simm.s32 @!p0 $0x1082;
	s9 =	sld [smem:$0x3FAB]  }
0x2f: {  	lr =	sadd.s32 s0, s3;
	s0 =	sld [smem:$0x3FA2]  }
0x30: {  	s3 =	sld [smem:$0x3FA5]  }
0x31: {  	[smem:$0x3FAE] =	sst s10  }
0x32: {  	s10 =	sld [smem:$0x3FAC];
	_ =	sdelay $0x3  }
0x33: {  	p0 =	seq.s32 s10, $0x1;
	s10 =	sld [smem:$0x3FAE];
	_ =	sdelay $0x3  }
0x34: {  	[smem:$0x3FAE] =	sst s10  }
0x35: {  	s10 =	sld [smem:$0x3FAD];
	_ =	sdelay $0x3  }
0x36: {  	p1 =	seq.s32 s10, $0x1;
	s10 =	sld [smem:$0x3FAE];
	_ =	sdelay $0x3  }
0x37: {  	[smem:$0x3FAE] =	sst s10  }
0x38: {  	s10 =	sld [smem:$0x3FAF]  }
0x39: {  	_ = 	snop;
	(pc) =	sbr.ind lr, $3  }
0x3a: {  	_ = 	snop  }
0x3b: {  	_ = 	snop  }
0x3c: {  	p2 =	seq.s32 s10, $0x1;
	s10 =	sld [smem:$0x3FAE]  }
0x3d: {  	_ =	shalt  }
0x3e: {  	_ =	shalt  }
0x3f: {  	_ =	shalt  }
0x40: {  	_ =	shalt  }
0x41: {  	_ =	shalt  }
0x42: {  	_ =	shalt  }
0x43: {  	_ =	shalt  }
0x44: {  	_ =	shalt  }
0x45: {  	_ =	shalt  }
0x46: {  	_ =	shalt  }
0x47: {  	_ =	shalt  }
0x48: {  	_ =	shalt  }
0x49: {  	_ =	shalt  }
0x4a: {  	_ =	shalt  }
0x4b: {  	_ =	shalt  }
0x4c: {  	_ =	shalt  }
0x4d: {  	_ =	shalt  }
0x4e: {  	_ =	shalt  }
0x4f: {  	_ =	shalt  }
0x50: {  	_ =	shalt  }
0x51: {  	_ =	shalt  }
0x52: {  	_ =	shalt  }
0x53: {  	_ =	shalt  }
0x54: {  	_ =	shalt  }
0x55: {  	_ =	shalt  }
0x56: {  	_ =	shalt  }
0x57: {  	_ =	shalt  }
0x58: {  	_ =	shalt  }
0x59: {  	_ =	shalt  }
0x5a: {  	_ =	shalt  }
0x5b: {  	_ =	shalt  }
0x5c: {  	_ =	shalt  }
0x5d: {  	_ =	shalt  }
0x5e: {  	_ =	shalt  }
0x5f: {  	_ =	shalt  }
0x60: {  	_ =	shalt  }
0x61: {  	_ =	shalt  }
0x62: {  	_ =	shalt  }
0x63: {  	_ =	shalt  }
0x64: {  	_ =	shalt  }
0x65: {  	_ =	shalt  }
0x66: {  	_ =	shalt  }
0x67: {  	_ =	shalt  }
0x68: {  	_ =	shalt  }
0x69: {  	_ =	shalt  }
0x6a: {  	_ =	shalt  }
0x6b: {  	_ =	shalt  }
0x6c: {  	_ =	shalt  }
0x6d: {  	_ =	shalt  }
0x6e: {  	_ =	shalt  }
0x6f: {  	_ =	shalt  }
0x70: {  	_ =	shalt  }
0x71: {  	_ =	shalt  }
0x72: {  	_ =	shalt  }
0x73: {  	_ =	shalt  }
0x74: {  	_ =	shalt  }
0x75: {  	_ =	shalt  }
0x76: {  	_ =	shalt  }
0x77: {  	_ =	shalt  }
0x78: {  	_ =	shalt  }
0x79: {  	_ =	shalt  }
0x7a: {  	_ =	shalt  }
0x7b: {  	_ =	shalt  }
0x7c: {  	_ =	shalt  }
0x7d: {  	_ =	shalt  }
0x7e: {  	_ =	shalt  }
0x7f: {  	_ =	shalt  }
0x80: {  	_ =	shalt  }
0x81: {  	_ =	shalt  }
0x82: {  	_ =	shalt  }
0x83: {  	_ =	shalt  }
0x84: {  	_ =	shalt  }
0x85: {  	_ =	shalt  }
0x86: {  	_ =	shalt  }
0x87: {  	_ =	shalt  }
.Lfunc_end0:
.L_simem_size_0:
called_computation.1_lowered:
.L_overlay_start_0:
0x88: {  	s2 =	sld [smem:$0x3FD9]  }
0x89: {  	s3 =	sld [smem:$0x3FFE];
	_ =	sdelay $0x1  }
0x8a: {  	s1 =	srdreg.scid  }
0x8b: {  	s0 =	sand.u32 $0x1, s1  }
0x8c: {  	s16 =	sshll.u32 s0, $0xA;
	s2 =	sadd.s32 s3, s2  }
0x8d: {  	s2 =	sadd.s32 s2, s16  }
0x8e: {  	[smem:$0x3FBA] =	sst s2  }
0x8f: {  	_ = 	snop  }
0x90: {  	(tm) =	ssettm $0x1  }
0x91: {  	s17 =	sld [smem:$0x3FFB];
	_ =	sdelay $0x3  }
0x92: {  	_ =	strace s17  }
0x93: {  	s2 =	sld [smem:$0x3FFC];
	_ =	sdelay $0x3  }
0x94: {  	_ =	strace s2  }
0x95: {  	s2 =	sld [smem:$0x3FFD];
	_ =	sdelay $0x3  }
0x96: {  	_ =	strace s2  }
0x97: {  	_ =	strace $0x8FFFFFFF  }
0x98: {  	s18 =	sld [smem:$0x3FDB];
	_ =	sdelay $0x1  }
0x99: {  	s19 =	simm.s32 $_scs_section_size  }
0x9a: {  	s4 =	simm.s32 $_size__tile_overlayer_lowered;
	s5 =	simm.s32 $_tile_overlayer_lowered  }
0x9b: {  	s22 =	simm.s32 $0x1BFF;
	s21 =	sshll.u32 s5, $0x1;
	s2 =	sadd.s32 s19, s18  }
0x9c: {  	s6 =	simm.s32 $0x0;
	s20 =	sshll.u32 s4, $0x1;
	s4 =	sadd.s32 s21, s2  }
0x9d: {  	[timem:s6], [sflag:s22] =	dma.local [hbm:s4], s20  }
0x9e: {  	_ =	swait.ge [sflag:s22], s20  }
0x9f: {  	s3 =	ssub.s32 $0x0, s20;
	[sflag:s22] =	ssyncset.done $0x0  }
0xa0: {  	[sflag:s22] =	ssyncadd.s32 s3;
	_ =	sdelay $0x1  }
0xa1: {  	s23 =	simm.s32 $0x1B8B  }
0xa2: {  	_ =	swait.ge [sflag:s23], $0x1  }
0xa3: {  	[sflag:s23] =	ssyncset.done $0x0  }
0xa4: {  	s25 =	simm.s32 $0x1B8E;
	s24 =	sld [smem:$0x3FFE];
	[sflag:s23] =	ssyncadd.s32 $0xFFFFFFFF  }
0xa5: {  	s26 =	simm.s32 $execute0_lowered;
	[smem:$0x3FD2] =	sst s25  }
0xa6: {  	s4 =	sshll.u32 s26, $0x1;
	_ =	strace $0x80000049;
	[dreg:$0x1] =	wrdreg $0xFFFFFFFF  }
0xa7: {  	s28 =	simm.s32 $_size_execute0_lowered;
	s2 =	sadd.s32 s2, s4;
	[dreg:$0x0] =	wrdreg $0x0  }
0xa8: {  	s4 =	sshll.u32 s28, $0x1;
	[dreg:$0x2] =	wrdreg s2  }
0xa9: {  	[dreg:$0x3] =	wrdreg s4  }
0xaa: {  	[dreg:$0x4] =	wrdreg $0xC0  }
0xab: {  	_ =	task [dreg:s6], $0x5FFFF  }
0xac: {  	[dreg:$0x1] =	wrdreg $0xFFFFFFFF  }
0xad: {  	[dreg:$0x0] =	wrdreg $0x60  }
0xae: {  	[dreg:$0x2] =	wrdreg s24  }
0xaf: {  	[dreg:$0x3] =	wrdreg $0xD6800  }
0xb0: {  	[dreg:$0x4] =	wrdreg $0x9  }
0xb1: {  	_ =	task.clear_ibuf [dreg:s6], $0x5FFFF;
	_ =	strace $0x90000049  }
0xb2: {  	s29 =	simm.s32 $0x9;
	_ =	strace $0x8000004B  }
0xb3: {  	_ =	swait.ge [sflag:s29], $0x1  }
0xb4: {  	[sflag:s29] =	ssyncadd.s32 $0xFFFFFFFF  }
0xb5: {  	_ =	strace $0x9000004B  }
0xb6: {  	_ =	sfence  }
0xb7: {  	s30 =	sld [smem:$0x0];
	_ =	sdelay $0x2  }
0xb8: {  	s31 =	sshll.u32 s1, $0xD;
	s1 =	sshrl.u32 s1, $0x2  }
0xb9: {  	s3 =	sand.u32 $0x4000, s31;
	s1 =	sadd.s32 s1, s30  }
0xba: {  	s0 =	sor.u32 s3, s0;
	s1 =	sshll.u32 s1, $0x11  }
0xbb: {  	s0 =	sor.u32 s1, s0  }
0xbc: {  	s0 =	sadd.s32 $0x8F2B, s0  }
0xbd: {  	[sflag:s0] =	ssyncadd.remote.s32 $0x1  }
0xbe: {  	_ =	sfence.sel $0xFFFF  }
0xbf: {  	[dreg:$0x0] =	wrdreg $0xFFFFFFFF;
	(pc) =	sbr.abs _section_cstart, $3  }
0xc0: {  	[dreg:$0x1] =	wrdreg $0xFFFFFFFF  }
0xc1: {  	_ =	task.clear_ibuf [dreg:s6], $0x2FFFF;
	_ =	strace $0x9FFFFFFF  }
0xc2: {  	(tm) =	ssettm $0x7FFFFFFF  }
0xc3: {  	_ =	shalt  }
tec
execute0_lowered:
.L_overlay_start_1:
0x0: {  	(tag) =	ssettag $0x1  }
0x1: {  	s0 =	srdreg.scid;
	s1 =	rddreg [dreg:$0x0]  }
0x2: {  	s9 =	stileid.u32;
	s2 =	rddreg [dreg:$0x1];
	s6 =	simm.s32 $0x0  }
0x3: {  	s14 =	simm.s32 $0x1A;
	s15 =	simm.s32 $0x1;
	s16 =	simm.s32 $0x80  }
0x4: {  	s29 =	simm.s32 $0x15;
	s30 =	simm.s32 $0x16;
	s31 =	simm.s32 $0x17  }
0x5: {  	s12 =	simm.s32 $0x19;
	s13 =	simm.s32 $0xE;
	s17 =	simm.s32 $0x10  }
0x6: {  	s18 =	simm.s32 $0x11;
	s19 =	simm.s32 $0x12;
	s20 =	simm.s32 $0x13  }
0x7: {  	s0 =	sand.u32 $0x1, s0;
	s3 =	smul.u32 $0x2780, s9;
	[smem:$0x7FF] =	sst s6  }
0x8: {  	s8 =	sadd.s32 $0x3A00, s1;
	s24 =	sshll.u32 s9, $0x4;
	s5 =	sshll.u32 s0, $0x4  }
0x9: {  	s4 =	smul.u32 $0x27800, s0;
	s0 =	ssub.s32 $0x2, s0;
	s21 =	sor.u32 s9, s5  }
0xa: {  	_ =	strace $0x8000004A;
	s25 =	sshrl.u32 s0, $0x1;
	s7 =	smul.u32 $0x2700, s21  }
0xb: {  	s9 =	sadd.s32 s3, s2;
	s4 =	sadd.s32 s3, s4;
	s0 =	ssub.s32 s0, s25  }
0xc: {  	s22 =	sshrl.u32 s4, $0x3;
	s0 =	smax.u32 s0, $0x1;
	s23 =	sshrl.u32 s7, $0x3  }
0xd: {  	s7 =	sadd.s32 s24, s8;
	[dreg:$0x8] =	wrdreg s0;
	s5 =	sadd.s32 s8, s23  }
0xe: {  	s4 =	sadd.s32 $0x17400, s1;
	s26 =	sadd.s32 $0x9C00, s7;
	[dreg:$0x3] =	wrdreg s5  }
0xf: {  	s1 =	sadd.s32 s22, s1;
	s28 =	sadd.s32 $0x13840, s7;
	[dreg:$0x5] =	wrdreg s26  }
0x10: {  	p0 =	sgt.u32 s21, $0x3;
	s1 =	sadd.s32 $0x1C400, s1;
	[dreg:$0x6] =	wrdreg s28  }
0x11: {  	s21 =	simm.s32 $0x0;
	s5 =	sadd.s32 $0x9C40, s5;
	[dreg:$0x7] =	wrdreg s1  }
0x12: {  	v0 =	vimm.f32 $0.0e+00;
	s0 =	simm.s32 $0xF;
	s1 =	simm.s32 $0x18;
	[dreg:$0x4] =	wrdreg s5  }
.LBB2_1:
0x13: {  	s3 =	simm.s32 $0x0;
	s5 =	rddreg [dreg:$0x3]  }
0x14: {  	[tilespmem:s3], [sflag:$0x1] =	stream.linear.gather [hbm4b:s5+s3], $0x2700, $0x38;
	[tilespmem:$0xFE00] =	vst v63  }
0x15: {  	s28 =	rddreg [dreg:$0x4];
	s6 =	simm.s32 $0x2780  }
0x16: {  	[tilespmem:s6], [sflag:$0x1] =	stream.linear.gather [hbm4b:s28+s3], $0x2700, $0x38;
	[tilespmem:$0xFE00] =	vst v63  }
0x17: {  	s5 =	rddreg [dreg:$0x5];
	s3 =	simm.s32 @!p0 $0x0;
	s6 =	simm.s32 @!p0 $0x2700  }
0x18: {  	[tilespmem:s6], [sflag:$0x1] =	stream.linear.gather @!p0 [hbm4b:s5+s3], $0x80, $0x38;
	[tilespmem:$0xFE00] =	vst v63  }
0x19: {  	s6 =	simm.s32 @!p0 $0x4E80;
	s5 =	rddreg [dreg:$0x6]  }
0x1a: {  	[tilespmem:s6], [sflag:$0x1] =	stream.linear.gather @!p0 [hbm4b:s5+s3], $0x80, $0x38;
	[tilespmem:$0xFE00] =	vst v63  }
0x1b: {  	s3 =	simm.s32 $0xAF40  }
0x1c: {  	[tilespmem:s3+$0xFFFFFFC0] =	vst v0  }
0x1d: {  	[tilespmem:s3+$0x30] =	vst v0  }
0x1e: {  	[tilespmem:s3+$0x20] =	vst v0  }
0x1f: {  	[tilespmem:s3+$0x10] =	vst v0  }
0x20: {  	[tilespmem:s3+$0x0] =	vst v0  }
0x21: {  	[tilespmem:s3+$0xFFFFFFF0] =	vst v0  }
0x22: {  	s6 =	simm.s32 $0x0;
	[tilespmem:s3+$0xFFFFFFE0] =	vst v0  }
.LBB2_2:
0x23: {  	s6 =	sadd.s32 $0x8, s6;
	[tilespmem:s3+$0xFFFFFFD0] =	vst v0;
	s3 =	sadd.s32 $0x80, s3  }
0x24: {  	[tilespmem:s3+$0xFFFFFFC0] =	vst v0;
	p1 =	slt.u32 s6, $0x270  }
0x25: {  	[tilespmem:s3+$0x30] =	vst v0  }
.Ltmp0:
0x26: {  	[tilespmem:s3+$0x20] =	vst v0;
	(pc) =	sbr.rel @p1 .LBB2_2-.Ltmp0, $4  }
0x27: {  	[tilespmem:s3+$0x10] =	vst v0  }
0x28: {  	[tilespmem:s3+$0x0] =	vst v0  }
0x29: {  	[tilespmem:s3+$0xFFFFFFF0] =	vst v0  }
0x2a: {  	[tilespmem:s3+$0xFFFFFFE0] =	vst v0  }
0x2b: {  	[tilespmem:s3+$0xFFFFFFD0] =	vst v0;
	s6 =	simm.s32 $0xAF00  }
0x2c: {  	[spmem:s9] =	stream.linear.scatter [tilespmem:s6], [sflag:$0x1A], $0x2780, $0x38;
	[tilespmem:$0xFE00] =	vst v63  }
0x2d: {  	_ =	swait.ge [sflag:s14], $0x2780  }
0x2e: {  	[sflag:s14] =	ssyncset.done $0x0  }
0x2f: {  	[sflag:s14] =	ssyncadd.s32 $0xFFFFD880  }
0x30: {  	_ =	swait.ge [sflag:s15], $0x2700  }
0x31: {  	[sflag:s15] =	ssyncset.done $0x0  }
0x32: {  	[sflag:s15] =	ssyncadd.s32 $0xFFFFD900  }
0x33: {  	_ =	swait.ge [sflag:s15], $0x2700  }
0x34: {  	[sflag:s15] =	ssyncset.done $0x0  }
0x35: {  	s3 =	simm.s32 @!p0 $0x1;
	[sflag:s15] =	ssyncadd.s32 $0xFFFFD900  }
0x36: {  	_ =	swait.ge @!p0 [sflag:s3], $0x80  }
0x37: {  	[sflag:s3] =	ssyncset.done @!p0 $0x0  }
0x38: {  	[sflag:s3] =	ssyncadd.s32 @!p0 $0xFFFFFF80  }
0x39: {  	_ =	swait.ge @!p0 [sflag:s3], $0x80  }
0x3a: {  	s7 =	simm.s32 $0x0;
	s5 =	simm.s32 $0x4F00;
	[sflag:s3] =	ssyncset.done @!p0 $0x0  }
0x3b: {  	s8 =	simm.s32 $0x5700;
	s10 =	simm.s32 $0x100;
	[sflag:s3] =	ssyncadd.s32 @!p0 $0xFFFFFF80  }
0x3c: {  	s11 =	simm.s32 $0x180;
	s3 =	smul.u32 $0xAB, s7;
	[bflag:$0x0] =	sbarrier.arrive $0xFFFF  }
0x3d: {  	[tilespmem:s5], [sflag:$0x2] =	stream.indirect.gather [hbm4b:s4+s16], $0x10, s7, s16, $0xb8;
	[tilespmem:$0xFE00] =	vst v63  }
0x3e: {  	s22 =	simm.s32 $0x6700;
	s23 =	simm.s32 $0x200;
	s3 =	sshrl.u32 s3, $0xB  }
0x3f: {  	s24 =	simm.s32 $0x6F00;
	s25 =	simm.s32 $0x280;
	s3 =	sand.u32 $0x1F, s3  }
0x40: {  	[tilespmem:s8], [sflag:$0x3] =	stream.indirect.gather [hbm4b:s4+s16], $0x10, s16, s16, $0xb8;
	[tilespmem:$0xFE00] =	vst v63  }
0x41: {  	s26 =	simm.s32 $0x7700;
	s6 =	simm.s32 $0x5F00;
	s3 =	smul.u32 $0xC, s3  }
0x42: {  	[tilespmem:s6], [sflag:$0x4] =	stream.indirect.gather [hbm4b:s4+s16], $0x10, s10, s16, $0xb8;
	[tilespmem:$0xFE00] =	vst v63  }
0x43: {  	p2 =	por $0x0, $0x0;
	s6 =	simm.s32 $0x6;
	s3 =	ssub.s32 $0x0, s3  }
0x44: {  	p1 =	por p2, p2;
	s6 =	smul.u32 @!p2 $0xAB, s6;
	s3 =	sand.u32 $0xFF, s3  }
0x45: {  	[tilespmem:s22], [sflag:$0x5] =	stream.indirect.gather [hbm4b:s4+s16], $0x10, s11, s16, $0xb8;
	[tilespmem:$0xFE00] =	vst v63  }
0x46: {  	s7 =	simm.s32 $0x2780;
	p2 =	por @!p2 $0x1, $0x1;
	s8 =	sadd.s32 $0x2, s3  }
0x47: {  	s10 =	sshll.u32 s3, $0xB;
	s22 =	simm.s32 $0x380;
	s6 =	sshrl.u32 @!p1 s6, $0xB  }
0x48: {  	[tilespmem:s24], [sflag:$0x6] =	stream.indirect.gather [hbm4b:s4+s16], $0x10, s23, s16, $0xb8;
	[tilespmem:$0xFE00] =	vst v63  }
0x49: {  	s3 =	sadd.s32 $0xE, s3;
	p2 =	por p2, p1;
	s6 =	sand.u32 @!p1 $0x1F, s6  }
0x4a: {  	s28 =	sadd.s32 $0x4F00, s10;
	s23 =	simm.s32 $0x1;
	s6 =	smul.u32 @!p1 $0xC, s6  }
0x4b: {  	[tilespmem:s26], [sflag:$0x7] =	stream.indirect.gather [hbm4b:s4+s16], $0x10, s25, s16, $0xb8;
	[tilespmem:$0xFE00] =	vst v63  }
0x4c: {  	s24 =	simm.s32 $0x2800;
	_ =	swait.ge [sflag:s8], $0x800;
	s6 =	ssub.s32 @!p1 $0x6, s6  }
0x4d: {  	s25 =	simm.s32 $0x300;
	[sflag:s8] =	ssyncset.done $0x0;
	s6 =	sand.u32 @!p1 $0xFF, s6  }
0x4e: {  	s26 =	simm.s32 $0x2;
	[sflag:s8] =	ssyncadd.s32 $0xFFFFF800;
	s8 =	sadd.s32 @!p2 $0xE, s6  }
0x4f: {  	[spmem:s2] =	stream.indirect.scatter.add.f32 [tilespmem:s28], [sflag:s3], $0x10, s7, s16, $0xb8;
	[tilespmem:$0xFE00] =	vst v63  }
0x50: {  	s10 =	sshll.u32 @!p1 s6, $0xB;
	s3 =	simm.s32 @!p1 $0x80;
	s7 =	smul.u32 $0xAB, s23  }
.LBB2_4:
0x51: {  	s11 =	sadd.s32 $0x6, s23;
	p4 =	sgt.u32 s23, $0x47  }
0x52: {  	_ =	swait.ge @!p2 [sflag:s8], $0x800;
	s5 =	smov.u32 s26;
	s28 =	smov.u32 s24  }
0x53: {  	s7 =	sshrl.u32 s7, $0xB;
	s10 =	sadd.s32 @!p1 $0x4F00, s10;
	[sflag:s8] =	ssyncset.done @!p2 $0x0  }
0x54: {  	s6 =	sadd.s32 @!p1 $0x2, s6;
	s7 =	sand.u32 $0x1F, s7;
	[sflag:s8] =	ssyncadd.s32 @!p2 $0xFFFFF800  }
0x55: {  	[tilespmem:s10], [sflag:s6] =	stream.indirect.gather @!p1 [hbm4b:s4+s3], $0x10, s25, s3, $0xb8;
	[tilespmem:$0xFE00] =	vst v63  }
0x56: {  	s26 =	sadd.s32 $0x1, s26;
	p2 =	slt.u32 @!p4 s23, $0x6;
	s3 =	smul.u32 $0xC, s7  }
0x57: {  	p3 =	sne.s32 s26, $0x4E;
	s6 =	smul.u32 @!p4 $0xAB, s11;
	s25 =	smov.u32 s22  }
0x58: {  	p1 =	por p4, p4;
	s3 =	ssub.s32 s23, s3;
	s23 =	smov.u32 s5  }
0x59: {  	s24 =	sadd.s32 $0x80, s24;
	s5 =	sand.u32 $0xFF, s3;
	s3 =	sshrl.u32 @!p1 s6, $0xB  }
0x5a: {  	s22 =	sadd.s32 $0x80, s22;
	s8 =	sshll.u32 s5, $0xB;
	s3 =	sand.u32 @!p1 $0x1F, s3  }
0x5b: {  	p2 =	por p2, p1;
	s6 =	sadd.s32 $0x2, s5;
	s10 =	smul.u32 @!p1 $0xC, s3  }
.Ltmp1:
0x5c: {  	s3 =	simm.s32 @!p1 $0x80;
	_ =	swait.ge [sflag:s6], $0x800;
	(pc) =	sbr.rel @p3 .LBB2_4-.Ltmp1, $4  }
0x5d: {  	s7 =	smul.u32 $0xAB, s23;
	s10 =	ssub.s32 @!p1 s11, s10;
	[sflag:s6] =	ssyncset.done $0x0  }
0x5e: {  	s5 =	sadd.s32 $0xE, s5;
	[sflag:s6] =	ssyncadd.s32 $0xFFFFF800;
	s6 =	sand.u32 @!p1 $0xFF, s10  }
0x5f: {  	s11 =	sadd.s32 $0x4F00, s8;
	s8 =	sadd.s32 @!p2 $0xE, s6;
	s10 =	sshll.u32 @!p1 s6, $0xB  }
0x60: {  	[spmem:s2] =	stream.indirect.scatter.add.f32 [tilespmem:s11], [sflag:s5], $0x10, s28, s16, $0xb8;
	[tilespmem:$0xFE00] =	vst v63  }
0x61: {  	_ =	swait.ge @!p2 [sflag:s8], $0x800;
	s5 =	sshrl.u32 s7, $0xB  }
0x62: {  	s7 =	sadd.s32 @!p1 $0x4F00, s10;
	[sflag:s8] =	ssyncset.done @!p2 $0x0;
	s5 =	sand.u32 $0x1F, s5  }
0x63: {  	s6 =	sadd.s32 @!p1 $0x2, s6;
	[sflag:s8] =	ssyncadd.s32 @!p2 $0xFFFFF800;
	s5 =	smul.u32 $0xC, s5  }
0x64: {  	[tilespmem:s7], [sflag:s6] =	stream.indirect.gather @!p1 [hbm4b:s4+s3], $0x10, s25, s3, $0xb8;
	[tilespmem:$0xFE00] =	vst v63  }
0x65: {  	p2 =	sgt.u32 s23, $0x47;
	s8 =	ssub.s32 s23, s5;
	s5 =	sadd.s32 $0x6, s23  }
0x66: {  	s3 =	sand.u32 $0xFF, s8;
	s6 =	smul.u32 @!p2 $0xAB, s5  }
0x67: {  	p1 =	por p2, p2;
	s10 =	sadd.s32 $0x2, s3  }
0x68: {  	s11 =	sshll.u32 s3, $0xB;
	_ =	swait.ge [sflag:s10], $0x800;
	s6 =	sshrl.u32 @!p1 s6, $0xB  }
0x69: {  	s3 =	sadd.s32 $0xE, s3;
	[sflag:s10] =	ssyncset.done $0x0;
	s6 =	sand.u32 @!p1 $0x1F, s6  }
0x6a: {  	s7 =	sadd.s32 $0x4F00, s11;
	[sflag:s10] =	ssyncadd.s32 $0xFFFFF800;
	s6 =	smul.u32 @!p1 $0xC, s6  }
0x6b: {  	[spmem:s2] =	stream.indirect.scatter.add.f32 [tilespmem:s7], [sflag:s3], $0x10, s24, s16, $0xb8;
	[tilespmem:$0xFE00] =	vst v63  }
0x6c: {  	p2 =	slt.u32 @!p2 s23, $0x6;
	s3 =	ssub.s32 @!p1 s5, s6  }
0x6d: {  	p2 =	por p2, p1;
	s3 =	sand.u32 @!p1 $0xFF, s3  }
0x6e: {  	s5 =	sadd.s32 @!p2 $0xE, s3  }
0x6f: {  	s23 =	simm.s32 $0x14;
	_ =	swait.ge @!p2 [sflag:s5], $0x800  }
0x70: {  	s6 =	sshll.u32 @!p1 s3, $0xB;
	s3 =	sadd.s32 @!p1 $0x2, s3;
	[sflag:s5] =	ssyncset.done @!p2 $0x0  }
0x71: {  	s6 =	sadd.s32 @!p1 $0x4F00, s6;
	[sflag:s5] =	ssyncadd.s32 @!p2 $0xFFFFF800;
	s5 =	simm.s32 @!p1 $0x80  }
0x72: {  	[tilespmem:s6], [sflag:s3] =	stream.indirect.gather @!p1 [hbm4b:s4+s5], $0x10, s22, s5, $0xb8;
	[tilespmem:$0xFE00] =	vst v63  }
0x73: {  	_ =	swait.ge [sflag:s23], $0x800  }
0x74: {  	[sflag:s23] =	ssyncset.done $0x0  }
0x75: {  	[sflag:s23] =	ssyncadd.s32 $0xFFFFF800  }
0x76: {  	_ =	swait.ge [sflag:s29], $0x800  }
0x77: {  	[sflag:s29] =	ssyncset.done $0x0  }
0x78: {  	[sflag:s29] =	ssyncadd.s32 $0xFFFFF800  }
0x79: {  	_ =	swait.ge [sflag:s30], $0x800  }
0x7a: {  	[sflag:s30] =	ssyncset.done $0x0  }
0x7b: {  	[sflag:s30] =	ssyncadd.s32 $0xFFFFF800  }
0x7c: {  	_ =	swait.ge [sflag:s31], $0x800  }
0x7d: {  	[sflag:s31] =	ssyncset.done $0x0  }
0x7e: {  	[sflag:s31] =	ssyncadd.s32 $0xFFFFF800  }
0x7f: {  	_ =	swait.ge [sflag:s1], $0x800  }
0x80: {  	[sflag:s1] =	ssyncset.done $0x0  }
0x81: {  	[sflag:s1] =	ssyncadd.s32 $0xFFFFF800  }
0x82: {  	_ =	swait.ge [sflag:s12], $0x800  }
0x83: {  	[sflag:s12] =	ssyncset.done $0x0  }
0x84: {  	[sflag:s12] =	ssyncadd.s32 $0xFFFFF800  }
0x85: {  	_ =	swait.ge [sflag:s13], $0x800  }
0x86: {  	[sflag:s13] =	ssyncset.done $0x0  }
0x87: {  	[sflag:s13] =	ssyncadd.s32 $0xFFFFF800  }
0x88: {  	_ =	swait.ge [sflag:s0], $0x800  }
0x89: {  	[sflag:s0] =	ssyncset.done $0x0  }
0x8a: {  	[sflag:s0] =	ssyncadd.s32 $0xFFFFF800  }
0x8b: {  	_ =	swait.ge [sflag:s17], $0x800  }
0x8c: {  	[sflag:s17] =	ssyncset.done $0x0  }
0x8d: {  	[sflag:s17] =	ssyncadd.s32 $0xFFFFF800  }
0x8e: {  	_ =	swait.ge [sflag:s18], $0x800  }
0x8f: {  	[sflag:s18] =	ssyncset.done $0x0  }
0x90: {  	[sflag:s18] =	ssyncadd.s32 $0xFFFFF800  }
0x91: {  	_ =	swait.ge [sflag:s19], $0x800  }
0x92: {  	[sflag:s19] =	ssyncset.done $0x0  }
0x93: {  	[sflag:s19] =	ssyncadd.s32 $0xFFFFF800  }
0x94: {  	_ =	swait.ge [sflag:s20], $0x800  }
0x95: {  	s3 =	simm.s32 @!p0 $0x80;
	[sflag:s20] =	ssyncset.done $0x0  }
0x96: {  	s5 =	simm.s32 @!p0 $0x2700;
	s6 =	simm.s32 @!p0 $0x4F00;
	[sflag:s20] =	ssyncadd.s32 $0xFFFFF800  }
0x97: {  	[tilespmem:s6], [sflag:$0x2] =	stream.indirect.gather @!p0 [hbm4b:s4+s3], $0x10, s5, s3, $0xb8;
	[tilespmem:$0xFE00] =	vst v63  }
0x98: {  	s5 =	simm.s32 @!p0 $0x2  }
0x99: {  	_ =	swait.ge @!p0 [sflag:s5], $0x800  }
0x9a: {  	[sflag:s5] =	ssyncset.done @!p0 $0x0  }
0x9b: {  	[sflag:s5] =	ssyncadd.s32 @!p0 $0xFFFFF800;
	s5 =	simm.s32 @!p0 $0x4E80  }
0x9c: {  	[spmem:s2] =	stream.indirect.scatter.add.f32 @!p0 [tilespmem:s6], [sflag:$0xE], $0x10, s5, s3, $0xb8;
	[tilespmem:$0xFE00] =	vst v63  }
0x9d: {  	s3 =	simm.s32 @!p0 $0xE  }
0x9e: {  	_ =	swait.ge @!p0 [sflag:s3], $0x800  }
0x9f: {  	[sflag:s3] =	ssyncset.done @!p0 $0x0  }
0xa0: {  	s24 =	stileid.u32;
	[sflag:s3] =	ssyncadd.s32 @!p0 $0xFFFFF800  }
0xa1: {  	s3 =	sshll.u32 s24, $0x6;
	[bflag:$0x0] =	sbarrier.arrive $0xFFFF  }
0xa2: {  	s25 =	sshrl.u32 s9, $0x3;
	s3 =	sor.u32 $0x1C1A, s3;
	s26 =	rddreg [dreg:$0x7]  }
0xa3: {  	[hbm:s26], [sflag:s3] =	dma.local [spmem:s25], $0x4F0  }
0xa4: {  	_ =	swait.ge [sflag:s14], $0x4F0  }
0xa5: {  	s21 =	sadd.s32 $0x1, s21;
	s28 =	rddreg [dreg:$0x8]  }
0xa6: {  	p1 =	sne.s32 s21, s28  }
.Ltmp2:
0xa7: {  	_ = 	snop;
	(pc) =	sbr.rel @p1 .LBB2_1-.Ltmp2, $3  }
0xa8: {  	_ =	sdelay $0x1  }
0xa9: {  	[sflag:s14] =	ssyncset.done $0x0  }
0xaa: {  	[sflag:s14] =	ssyncadd.s32 $0xFFFFFB10  }
0xab: {  	_ =	sfence.sel $0x180000  }
0xac: {  	[bflag:$0x0] =	sbarrier.arrive $0xFFFF  }
0xad: {  	_ =	strace $0x9000004A  }
0xae: {  	s0 =	stileid.u32;
	[bflag:$0x2] =	sbarrier.arrive $0xFFFF  }
0xaf: {  	p0 =	sne.s32 s0, $0x0;
	s0 =	rddreg [dreg:$0x2]  }
0xb0: {  	s0 =	sadd.s32 @!p0 $0x100000, s0  }
0xb1: {  	[sflag:s0] =	ssyncadd.tile.s32 @!p0 $0x1;
	_ =	shalt  }
.Lfunc_end2:
_tile_overlayer_lowered:
.L_overlay_start_2:
0xb2: {  	(tag) =	ssettag $0x2  }
0xb3: {  	s0 =	rddreg [dreg:$0x0];
	s2 =	stileid.u32  }
0xb4: {  	s1 =	rddreg [dreg:$0x1];
	p0 =	sne.s32 s2, $0x0  }
0xb5: {  	s3 =	rddreg [dreg:$0x2];
	[bflag:$0x3] =	sbarrier.arrive $0xFFFF;
	s2 =	simm.s32 @!p0 $0x1C1A  }
0xb6: {  	[timem:s3], [sflag:s2] =	dma.local @!p0 [hbm:s0], s1  }
0xb7: {  	s0 =	simm.s32 @!p0 $0x1A  }
0xb8: {  	_ =	swait.ge @!p0 [sflag:s0], s1  }
0xb9: {  	s1 =	ssub.s32 @!p0 $0x0, s1;
	[sflag:s0] =	ssyncset.done @!p0 $0x0  }
0xba: {  	[sflag:s0] =	ssyncadd.s32 @!p0 s1  }
0xbb: {  	[bflag:$0x3] =	sbarrier.arrive $0xFFFF  }
0xbc: {  	_ =	shalt  }

// kernel: kernel.15.cloned.1.call-start
scs
__scs_entry_jumppad:
0x0: {  	(pc) =	sbr.rel $0x88, $3  }
0x1: {  	(tag) =	ssettag $0x0;
	lr =	simm.s32 $0x1  }
0x2: {  	[smem:$0x3F93] =	sst lr;
	_ =	strace $0xD0000000  }
0x3: {  	_ = 	snop  }
0x4: {  	_ = 	snop  }
0x5: {  	_ = 	snop  }
0x6: {  	_ = 	snop  }
0x7: {  	_ = 	snop  }
__scs_overlays_trampoline_lowered:
0x8: {  	[smem:$0x3FA2] =	sst s0  }
0x9: {  	[smem:$0x3FA3] =	sst s1  }
0xa: {  	[smem:$0x3FA4] =	sst s2  }
0xb: {  	[smem:$0x3FA5] =	sst s3  }
0xc: {  	[smem:$0x3FA6] =	sst s4  }
0xd: {  	[smem:$0x3FA7] =	sst s5  }
0xe: {  	[smem:$0x3FA8] =	sst s6  }
0xf: {  	[smem:$0x3FA9] =	sst s7  }
0x10: {  	[smem:$0x3FAA] =	sst s8  }
0x11: {  	[smem:$0x3FAB] =	sst s9;
	s0 =	simm.s32 @!p0 $0x0  }
0x12: {  	s1 =	sld [smem:$0x3F91];
	s0 =	simm.s32 @p0 $0x1  }
0x13: {  	[smem:$0x3FAC] =	sst s0;
	s0 =	simm.s32 @!p1 $0x0  }
0x14: {  	s2 =	sld [smem:$0x3F90];
	s0 =	simm.s32 @p1 $0x1  }
0x15: {  	[smem:$0x3FAD] =	sst s0;
	s0 =	simm.s32 @!p2 $0x0  }
0x16: {  	s3 =	sld [smem:$0x3FDB];
	s0 =	simm.s32 @p2 $0x1  }
0x17: {  	s4 =	simm.s32 $0x1BF5;
	[smem:$0x3FAF] =	sst s0  }
0x18: {  	s0 =	sld [smem:$0x3F92];
	_ =	swait.ge [sflag:s4], $0x0  }
0x19: {  	s7 =	sld [smem:$0x3F93]  }
0x1a: {  	s8 =	sadd.s32 $0xFFFFE003, lr  }
0x1b: {  	s9 =	sadd.s32 $0xFFFFFEF7, lr;
	s5 =	simm.s32 $0xFFFFFFFF;
	p2 =	slt.u32 s8, $0xFFFFF086  }
0x1c: {  	p1 =	slt.u32 s9, $0xF7A;
	s5 =	simm.s32 @!p2 $0x0  }
0x1d: {  	s5 =	simm.s32 @p1 $0x1;
	p0 =	seq.s32 s7, s2  }
0x1e: {  	s7 =	smul.u32 @!p0 $0xF7A, s2;
	p2 =	seq.s32 @!p0 s5, $0x0  }
0x1f: {  	s9 =	smul.u32 $0xF7A, s1;
	s8 =	simm.s32 @!p0 $0x1BF5;
	p2 =	por !p2, p0  }
0x20: {  	[sflag:s8] =	ssyncset.s32 @!p0 $0xFFFFF086;
	s6 =	sadd.s32 @!p0 s3, s7;
	s7 =	simm.s32 @!p0 $0x108  }
0x21: {  	s3 =	sadd.s32 s3, s9;
	s6 =	sadd.s32 @!p0 $0x88, s6;
	s7 =	simm.s32 @p2 $0x1082  }
0x22: {  	[simem:s7], [sflag:s8] =	dma.local @!p0 [hbm:s6], $0xF7A  }
0x23: {  	s9 =	sor.u32 $0xD0000000, s2;
	s6 =	simm.s32 $0x108;
	_ =	swait.ge @!p0 [sflag:s8], $0x0  }
0x24: {  	s3 =	sadd.s32 $0x88, s3;
	s6 =	simm.s32 @!p1 $0x1082;
	[sflag:s4] =	ssyncset.s32 $0xFFFFF086  }
0x25: {  	[simem:s6], [sflag:s4] =	dma.local [hbm:s3], $0xF7A  }
0x26: {  	[smem:$0x3F93] =	sst s1;
	(tag) =	ssettag s2;
	_ =	strace s9  }
0x27: {  	s1 =	sld [smem:$0x3FA3]  }
0x28: {  	s2 =	sld [smem:$0x3FA4]  }
0x29: {  	s4 =	sld [smem:$0x3FA6]  }
0x2a: {  	p0 =	seq.s32 s5, $0x0;
	s5 =	sld [smem:$0x3FA7]  }
0x2b: {  	s6 =	sld [smem:$0x3FA8]  }
0x2c: {  	s7 =	sld [smem:$0x3FA9]  }
0x2d: {  	s3 =	simm.s32 $0x108;
	s8 =	sld [smem:$0x3FAA]  }
0x2e: {  	s3 =	simm.s32 @!p0 $0x1082;
	s9 =	sld [smem:$0x3FAB]  }
0x2f: {  	lr =	sadd.s32 s0, s3;
	s0 =	sld [smem:$0x3FA2]  }
0x30: {  	s3 =	sld [smem:$0x3FA5]  }
0x31: {  	[smem:$0x3FAE] =	sst s10  }
0x32: {  	s10 =	sld [smem:$0x3FAC];
	_ =	sdelay $0x3  }
0x33: {  	p0 =	seq.s32 s10, $0x1;
	s10 =	sld [smem:$0x3FAE];
	_ =	sdelay $0x3  }
0x34: {  	[smem:$0x3FAE] =	sst s10  }
0x35: {  	s10 =	sld [smem:$0x3FAD];
	_ =	sdelay $0x3  }
0x36: {  	p1 =	seq.s32 s10, $0x1;
	s10 =	sld [smem:$0x3FAE];
	_ =	sdelay $0x3  }
0x37: {  	[smem:$0x3FAE] =	sst s10  }
0x38: {  	s10 =	sld [smem:$0x3FAF]  }
0x39: {  	_ = 	snop;
	(pc) =	sbr.ind lr, $3  }
0x3a: {  	_ = 	snop  }
0x3b: {  	_ = 	snop  }
0x3c: {  	p2 =	seq.s32 s10, $0x1;
	s10 =	sld [smem:$0x3FAE]  }
0x3d: {  	_ =	shalt  }
0x3e: {  	_ =	shalt  }
0x3f: {  	_ =	shalt  }
0x40: {  	_ =	shalt  }
0x41: {  	_ =	shalt  }
0x42: {  	_ =	shalt  }
0x43: {  	_ =	shalt  }
0x44: {  	_ =	shalt  }
0x45: {  	_ =	shalt  }
0x46: {  	_ =	shalt  }
0x47: {  	_ =	shalt  }
0x48: {  	_ =	shalt  }
0x49: {  	_ =	shalt  }
0x4a: {  	_ =	shalt  }
0x4b: {  	_ =	shalt  }
0x4c: {  	_ =	shalt  }
0x4d: {  	_ =	shalt  }
0x4e: {  	_ =	shalt  }
0x4f: {  	_ =	shalt  }
0x50: {  	_ =	shalt  }
0x51: {  	_ =	shalt  }
0x52: {  	_ =	shalt  }
0x53: {  	_ =	shalt  }
0x54: {  	_ =	shalt  }
0x55: {  	_ =	shalt  }
0x56: {  	_ =	shalt  }
0x57: {  	_ =	shalt  }
0x58: {  	_ =	shalt  }
0x59: {  	_ =	shalt  }
0x5a: {  	_ =	shalt  }
0x5b: {  	_ =	shalt  }
0x5c: {  	_ =	shalt  }
0x5d: {  	_ =	shalt  }
0x5e: {  	_ =	shalt  }
0x5f: {  	_ =	shalt  }
0x60: {  	_ =	shalt  }
0x61: {  	_ =	shalt  }
0x62: {  	_ =	shalt  }
0x63: {  	_ =	shalt  }
0x64: {  	_ =	shalt  }
0x65: {  	_ =	shalt  }
0x66: {  	_ =	shalt  }
0x67: {  	_ =	shalt  }
0x68: {  	_ =	shalt  }
0x69: {  	_ =	shalt  }
0x6a: {  	_ =	shalt  }
0x6b: {  	_ =	shalt  }
0x6c: {  	_ =	shalt  }
0x6d: {  	_ =	shalt  }
0x6e: {  	_ =	shalt  }
0x6f: {  	_ =	shalt  }
0x70: {  	_ =	shalt  }
0x71: {  	_ =	shalt  }
0x72: {  	_ =	shalt  }
0x73: {  	_ =	shalt  }
0x74: {  	_ =	shalt  }
0x75: {  	_ =	shalt  }
0x76: {  	_ =	shalt  }
0x77: {  	_ =	shalt  }
0x78: {  	_ =	shalt  }
0x79: {  	_ =	shalt  }
0x7a: {  	_ =	shalt  }
0x7b: {  	_ =	shalt  }
0x7c: {  	_ =	shalt  }
0x7d: {  	_ =	shalt  }
0x7e: {  	_ =	shalt  }
0x7f: {  	_ =	shalt  }
0x80: {  	_ =	shalt  }
0x81: {  	_ =	shalt  }
0x82: {  	_ =	shalt  }
0x83: {  	_ =	shalt  }
0x84: {  	_ =	shalt  }
0x85: {  	_ =	shalt  }
0x86: {  	_ =	shalt  }
0x87: {  	_ =	shalt  }
.Lfunc_end0:
.L_simem_size_0:
called_computation.2_lowered:
.L_overlay_start_0:
0x88: {  	s2 =	sld [smem:$0x3FD9]  }
0x89: {  	s3 =	sld [smem:$0x3FFE];
	_ =	sdelay $0x1  }
0x8a: {  	s1 =	srdreg.scid  }
0x8b: {  	s0 =	sand.u32 $0x1, s1  }
0x8c: {  	s16 =	sshll.u32 s0, $0xA;
	s2 =	sadd.s32 s3, s2  }
0x8d: {  	s2 =	sadd.s32 s2, s16  }
0x8e: {  	[smem:$0x3FBA] =	sst s2  }
0x8f: {  	_ = 	snop  }
0x90: {  	(tm) =	ssettm $0x1  }
0x91: {  	s17 =	sld [smem:$0x3FFB];
	_ =	sdelay $0x3  }
0x92: {  	_ =	strace s17  }
0x93: {  	s2 =	sld [smem:$0x3FFC];
	_ =	sdelay $0x3  }
0x94: {  	_ =	strace s2  }
0x95: {  	s2 =	sld [smem:$0x3FFD];
	_ =	sdelay $0x3  }
0x96: {  	_ =	strace s2  }
0x97: {  	_ =	strace $0x8FFFFFFF  }
0x98: {  	s18 =	sld [smem:$0x3FDB];
	_ =	sdelay $0x1  }
0x99: {  	s19 =	simm.s32 $_scs_section_size  }
0x9a: {  	s4 =	simm.s32 $_size__tile_overlayer_lowered;
	s5 =	simm.s32 $_tile_overlayer_lowered  }
0x9b: {  	s22 =	simm.s32 $0x1BFF;
	s21 =	sshll.u32 s5, $0x1;
	s2 =	sadd.s32 s19, s18  }
0x9c: {  	s6 =	simm.s32 $0x0;
	s20 =	sshll.u32 s4, $0x1;
	s4 =	sadd.s32 s21, s2  }
0x9d: {  	[timem:s6], [sflag:s22] =	dma.local [hbm:s4], s20  }
0x9e: {  	_ =	swait.ge [sflag:s22], s20  }
0x9f: {  	s3 =	ssub.s32 $0x0, s20;
	[sflag:s22] =	ssyncset.done $0x0  }
0xa0: {  	[sflag:s22] =	ssyncadd.s32 s3;
	_ =	sdelay $0x1  }
0xa1: {  	s23 =	simm.s32 $0x1B8B  }
0xa2: {  	_ =	swait.ge [sflag:s23], $0x1  }
0xa3: {  	[sflag:s23] =	ssyncset.done $0x0  }
0xa4: {  	s25 =	simm.s32 $0x1B8E;
	s24 =	sld [smem:$0x3FFE];
	[sflag:s23] =	ssyncadd.s32 $0xFFFFFFFF  }
0xa5: {  	s26 =	simm.s32 $execute0_lowered;
	[smem:$0x3FD2] =	sst s25  }
0xa6: {  	s4 =	sshll.u32 s26, $0x1;
	_ =	strace $0x8000004C;
	[dreg:$0x1] =	wrdreg $0xFFFFFFFF  }
0xa7: {  	s28 =	simm.s32 $_size_execute0_lowered;
	s2 =	sadd.s32 s2, s4;
	[dreg:$0x0] =	wrdreg $0x0  }
0xa8: {  	s4 =	sshll.u32 s28, $0x1;
	[dreg:$0x2] =	wrdreg s2  }
0xa9: {  	[dreg:$0x3] =	wrdreg s4  }
0xaa: {  	[dreg:$0x4] =	wrdreg $0xC0  }
0xab: {  	_ =	task [dreg:s6], $0x5FFFF  }
0xac: {  	[dreg:$0x1] =	wrdreg $0xFFFFFFFF  }
0xad: {  	[dreg:$0x0] =	wrdreg $0x60  }
0xae: {  	[dreg:$0x2] =	wrdreg s24  }
0xaf: {  	[dreg:$0x3] =	wrdreg $0xD6800  }
0xb0: {  	[dreg:$0x4] =	wrdreg $0x9  }
0xb1: {  	_ =	task.clear_ibuf [dreg:s6], $0x5FFFF;
	_ =	strace $0x9000004C  }
0xb2: {  	s29 =	simm.s32 $0x9;
	_ =	strace $0x8000004E  }
0xb3: {  	_ =	swait.ge [sflag:s29], $0x1  }
0xb4: {  	[sflag:s29] =	ssyncadd.s32 $0xFFFFFFFF  }
0xb5: {  	_ =	strace $0x9000004E  }
0xb6: {  	_ =	sfence  }
0xb7: {  	s30 =	sld [smem:$0x0];
	_ =	sdelay $0x2  }
0xb8: {  	s31 =	sshll.u32 s1, $0xD;
	s1 =	sshrl.u32 s1, $0x2  }
0xb9: {  	s3 =	sand.u32 $0x4000, s31;
	s1 =	sadd.s32 s1, s30  }
0xba: {  	s0 =	sor.u32 s3, s0;
	s1 =	sshll.u32 s1, $0x11  }
0xbb: {  	s0 =	sor.u32 s1, s0  }
0xbc: {  	s0 =	sadd.s32 $0x8F2B, s0  }
0xbd: {  	[sflag:s0] =	ssyncadd.remote.s32 $0x1  }
0xbe: {  	_ =	sfence.sel $0xFFFF  }
0xbf: {  	[dreg:$0x0] =	wrdreg $0xFFFFFFFF;
	(pc) =	sbr.abs _section_cstart, $3  }
0xc0: {  	[dreg:$0x1] =	wrdreg $0xFFFFFFFF  }
0xc1: {  	_ =	task.clear_ibuf [dreg:s6], $0x2FFFF;
	_ =	strace $0x9FFFFFFF  }
0xc2: {  	(tm) =	ssettm $0x7FFFFFFF  }
0xc3: {  	_ =	shalt  }
tec
execute0_lowered:
.L_overlay_start_1:
0x0: {  	(tag) =	ssettag $0x1  }
0x1: {  	s0 =	srdreg.scid;
	s1 =	rddreg [dreg:$0x0]  }
0x2: {  	s9 =	stileid.u32;
	s2 =	rddreg [dreg:$0x1];
	s6 =	simm.s32 $0x0  }
0x3: {  	s14 =	simm.s32 $0x1A;
	s15 =	simm.s32 $0x1;
	s16 =	simm.s32 $0x80  }
0x4: {  	s29 =	simm.s32 $0x15;
	s30 =	simm.s32 $0x16;
	s31 =	simm.s32 $0x17  }
0x5: {  	s12 =	simm.s32 $0x19;
	s13 =	simm.s32 $0xE;
	s17 =	simm.s32 $0x10  }
0x6: {  	s18 =	simm.s32 $0x11;
	s19 =	simm.s32 $0x12;
	s20 =	simm.s32 $0x13  }
0x7: {  	s0 =	sand.u32 $0x1, s0;
	s3 =	smul.u32 $0x2780, s9;
	[smem:$0x7FF] =	sst s6  }
0x8: {  	s8 =	sadd.s32 $0x3A00, s1;
	s24 =	sshll.u32 s9, $0x4;
	s5 =	sshll.u32 s0, $0x4  }
0x9: {  	s4 =	smul.u32 $0x27800, s0;
	s0 =	ssub.s32 $0x2, s0;
	s21 =	sor.u32 s9, s5  }
0xa: {  	_ =	strace $0x8000004D;
	s25 =	sshrl.u32 s0, $0x1;
	s7 =	smul.u32 $0x2700, s21  }
0xb: {  	s9 =	sadd.s32 s3, s2;
	s4 =	sadd.s32 s3, s4;
	s0 =	ssub.s32 s0, s25  }
0xc: {  	s22 =	sshrl.u32 s4, $0x3;
	s0 =	smax.u32 s0, $0x1;
	s23 =	sshrl.u32 s7, $0x3  }
0xd: {  	s7 =	sadd.s32 s24, s8;
	[dreg:$0x8] =	wrdreg s0;
	s5 =	sadd.s32 s8, s23  }
0xe: {  	s4 =	sadd.s32 $0x17400, s1;
	s26 =	sadd.s32 $0x9C00, s7;
	[dreg:$0x3] =	wrdreg s5  }
0xf: {  	s1 =	sadd.s32 s22, s1;
	s28 =	sadd.s32 $0x13840, s7;
	[dreg:$0x5] =	wrdreg s26  }
0x10: {  	p0 =	sgt.u32 s21, $0x3;
	s1 =	sadd.s32 $0x1C400, s1;
	[dreg:$0x6] =	wrdreg s28  }
0x11: {  	s21 =	simm.s32 $0x0;
	s5 =	sadd.s32 $0x9C40, s5;
	[dreg:$0x7] =	wrdreg s1  }
0x12: {  	v0 =	vimm.f32 $0.0e+00;
	s0 =	simm.s32 $0xF;
	s1 =	simm.s32 $0x18;
	[dreg:$0x4] =	wrdreg s5  }
.LBB2_1:
0x13: {  	s3 =	simm.s32 $0x0;
	s5 =	rddreg [dreg:$0x3]  }
0x14: {  	[tilespmem:s3], [sflag:$0x1] =	stream.linear.gather [hbm4b:s5+s3], $0x2700, $0x38;
	[tilespmem:$0xFE00] =	vst v63  }
0x15: {  	s28 =	rddreg [dreg:$0x4];
	s6 =	simm.s32 $0x2780  }
0x16: {  	[tilespmem:s6], [sflag:$0x1] =	stream.linear.gather [hbm4b:s28+s3], $0x2700, $0x38;
	[tilespmem:$0xFE00] =	vst v63  }
0x17: {  	s5 =	rddreg [dreg:$0x5];
	s3 =	simm.s32 @!p0 $0x0;
	s6 =	simm.s32 @!p0 $0x2700  }
0x18: {  	[tilespmem:s6], [sflag:$0x1] =	stream.linear.gather @!p0 [hbm4b:s5+s3], $0x80, $0x38;
	[tilespmem:$0xFE00] =	vst v63  }
0x19: {  	s6 =	simm.s32 @!p0 $0x4E80;
	s5 =	rddreg [dreg:$0x6]  }
0x1a: {  	[tilespmem:s6], [sflag:$0x1] =	stream.linear.gather @!p0 [hbm4b:s5+s3], $0x80, $0x38;
	[tilespmem:$0xFE00] =	vst v63  }
0x1b: {  	s3 =	simm.s32 $0xAF40  }
0x1c: {  	[tilespmem:s3+$0xFFFFFFC0] =	vst v0  }
0x1d: {  	[tilespmem:s3+$0x30] =	vst v0  }
0x1e: {  	[tilespmem:s3+$0x20] =	vst v0  }
0x1f: {  	[tilespmem:s3+$0x10] =	vst v0  }
0x20: {  	[tilespmem:s3+$0x0] =	vst v0  }
0x21: {  	[tilespmem:s3+$0xFFFFFFF0] =	vst v0  }
0x22: {  	s6 =	simm.s32 $0x0;
	[tilespmem:s3+$0xFFFFFFE0] =	vst v0  }
.LBB2_2:
0x23: {  	s6 =	sadd.s32 $0x8, s6;
	[tilespmem:s3+$0xFFFFFFD0] =	vst v0;
	s3 =	sadd.s32 $0x80, s3  }
0x24: {  	[tilespmem:s3+$0xFFFFFFC0] =	vst v0;
	p1 =	slt.u32 s6, $0x270  }
0x25: {  	[tilespmem:s3+$0x30] =	vst v0  }
.Ltmp0:
0x26: {  	[tilespmem:s3+$0x20] =	vst v0;
	(pc) =	sbr.rel @p1 .LBB2_2-.Ltmp0, $4  }
0x27: {  	[tilespmem:s3+$0x10] =	vst v0  }
0x28: {  	[tilespmem:s3+$0x0] =	vst v0  }
0x29: {  	[tilespmem:s3+$0xFFFFFFF0] =	vst v0  }
0x2a: {  	[tilespmem:s3+$0xFFFFFFE0] =	vst v0  }
0x2b: {  	[tilespmem:s3+$0xFFFFFFD0] =	vst v0;
	s6 =	simm.s32 $0xAF00  }
0x2c: {  	[spmem:s9] =	stream.linear.scatter [tilespmem:s6], [sflag:$0x1A], $0x2780, $0x38;
	[tilespmem:$0xFE00] =	vst v63  }
0x2d: {  	_ =	swait.ge [sflag:s14], $0x2780  }
0x2e: {  	[sflag:s14] =	ssyncset.done $0x0  }
0x2f: {  	[sflag:s14] =	ssyncadd.s32 $0xFFFFD880  }
0x30: {  	_ =	swait.ge [sflag:s15], $0x2700  }
0x31: {  	[sflag:s15] =	ssyncset.done $0x0  }
0x32: {  	[sflag:s15] =	ssyncadd.s32 $0xFFFFD900  }
0x33: {  	_ =	swait.ge [sflag:s15], $0x2700  }
0x34: {  	[sflag:s15] =	ssyncset.done $0x0  }
0x35: {  	s3 =	simm.s32 @!p0 $0x1;
	[sflag:s15] =	ssyncadd.s32 $0xFFFFD900  }
0x36: {  	_ =	swait.ge @!p0 [sflag:s3], $0x80  }
0x37: {  	[sflag:s3] =	ssyncset.done @!p0 $0x0  }
0x38: {  	[sflag:s3] =	ssyncadd.s32 @!p0 $0xFFFFFF80  }
0x39: {  	_ =	swait.ge @!p0 [sflag:s3], $0x80  }
0x3a: {  	s7 =	simm.s32 $0x0;
	s5 =	simm.s32 $0x4F00;
	[sflag:s3] =	ssyncset.done @!p0 $0x0  }
0x3b: {  	s8 =	simm.s32 $0x5700;
	s10 =	simm.s32 $0x100;
	[sflag:s3] =	ssyncadd.s32 @!p0 $0xFFFFFF80  }
0x3c: {  	s11 =	simm.s32 $0x180;
	s3 =	smul.u32 $0xAB, s7;
	[bflag:$0x0] =	sbarrier.arrive $0xFFFF  }
0x3d: {  	[tilespmem:s5], [sflag:$0x2] =	stream.indirect.gather [hbm4b:s4+s16], $0x10, s7, s16, $0xb8;
	[tilespmem:$0xFE00] =	vst v63  }
0x3e: {  	s22 =	simm.s32 $0x6700;
	s23 =	simm.s32 $0x200;
	s3 =	sshrl.u32 s3, $0xB  }
0x3f: {  	s24 =	simm.s32 $0x6F00;
	s25 =	simm.s32 $0x280;
	s3 =	sand.u32 $0x1F, s3  }
0x40: {  	[tilespmem:s8], [sflag:$0x3] =	stream.indirect.gather [hbm4b:s4+s16], $0x10, s16, s16, $0xb8;
	[tilespmem:$0xFE00] =	vst v63  }
0x41: {  	s26 =	simm.s32 $0x7700;
	s6 =	simm.s32 $0x5F00;
	s3 =	smul.u32 $0xC, s3  }
0x42: {  	[tilespmem:s6], [sflag:$0x4] =	stream.indirect.gather [hbm4b:s4+s16], $0x10, s10, s16, $0xb8;
	[tilespmem:$0xFE00] =	vst v63  }
0x43: {  	p2 =	por $0x0, $0x0;
	s6 =	simm.s32 $0x6;
	s3 =	ssub.s32 $0x0, s3  }
0x44: {  	p1 =	por p2, p2;
	s6 =	smul.u32 @!p2 $0xAB, s6;
	s3 =	sand.u32 $0xFF, s3  }
0x45: {  	[tilespmem:s22], [sflag:$0x5] =	stream.indirect.gather [hbm4b:s4+s16], $0x10, s11, s16, $0xb8;
	[tilespmem:$0xFE00] =	vst v63  }
0x46: {  	s7 =	simm.s32 $0x2780;
	p2 =	por @!p2 $0x1, $0x1;
	s8 =	sadd.s32 $0x2, s3  }
0x47: {  	s10 =	sshll.u32 s3, $0xB;
	s22 =	simm.s32 $0x380;
	s6 =	sshrl.u32 @!p1 s6, $0xB  }
0x48: {  	[tilespmem:s24], [sflag:$0x6] =	stream.indirect.gather [hbm4b:s4+s16], $0x10, s23, s16, $0xb8;
	[tilespmem:$0xFE00] =	vst v63  }
0x49: {  	s3 =	sadd.s32 $0xE, s3;
	p2 =	por p2, p1;
	s6 =	sand.u32 @!p1 $0x1F, s6  }
0x4a: {  	s28 =	sadd.s32 $0x4F00, s10;
	s23 =	simm.s32 $0x1;
	s6 =	smul.u32 @!p1 $0xC, s6  }
0x4b: {  	[tilespmem:s26], [sflag:$0x7] =	stream.indirect.gather [hbm4b:s4+s16], $0x10, s25, s16, $0xb8;
	[tilespmem:$0xFE00] =	vst v63  }
0x4c: {  	s24 =	simm.s32 $0x2800;
	_ =	swait.ge [sflag:s8], $0x800;
	s6 =	ssub.s32 @!p1 $0x6, s6  }
0x4d: {  	s25 =	simm.s32 $0x300;
	[sflag:s8] =	ssyncset.done $0x0;
	s6 =	sand.u32 @!p1 $0xFF, s6  }
0x4e: {  	s26 =	simm.s32 $0x2;
	[sflag:s8] =	ssyncadd.s32 $0xFFFFF800;
	s8 =	sadd.s32 @!p2 $0xE, s6  }
0x4f: {  	[spmem:s2] =	stream.indirect.scatter.add.f32 [tilespmem:s28], [sflag:s3], $0x10, s7, s16, $0xb8;
	[tilespmem:$0xFE00] =	vst v63  }
0x50: {  	s10 =	sshll.u32 @!p1 s6, $0xB;
	s3 =	simm.s32 @!p1 $0x80;
	s7 =	smul.u32 $0xAB, s23  }
.LBB2_4:
0x51: {  	s11 =	sadd.s32 $0x6, s23;
	p4 =	sgt.u32 s23, $0x47  }
0x52: {  	_ =	swait.ge @!p2 [sflag:s8], $0x800;
	s5 =	smov.u32 s26;
	s28 =	smov.u32 s24  }
0x53: {  	s7 =	sshrl.u32 s7, $0xB;
	s10 =	sadd.s32 @!p1 $0x4F00, s10;
	[sflag:s8] =	ssyncset.done @!p2 $0x0  }
0x54: {  	s6 =	sadd.s32 @!p1 $0x2, s6;
	s7 =	sand.u32 $0x1F, s7;
	[sflag:s8] =	ssyncadd.s32 @!p2 $0xFFFFF800  }
0x55: {  	[tilespmem:s10], [sflag:s6] =	stream.indirect.gather @!p1 [hbm4b:s4+s3], $0x10, s25, s3, $0xb8;
	[tilespmem:$0xFE00] =	vst v63  }
0x56: {  	s26 =	sadd.s32 $0x1, s26;
	p2 =	slt.u32 @!p4 s23, $0x6;
	s3 =	smul.u32 $0xC, s7  }
0x57: {  	p3 =	sne.s32 s26, $0x4E;
	s6 =	smul.u32 @!p4 $0xAB, s11;
	s25 =	smov.u32 s22  }
0x58: {  	p1 =	por p4, p4;
	s3 =	ssub.s32 s23, s3;
	s23 =	smov.u32 s5  }
0x59: {  	s24 =	sadd.s32 $0x80, s24;
	s5 =	sand.u32 $0xFF, s3;
	s3 =	sshrl.u32 @!p1 s6, $0xB  }
0x5a: {  	s22 =	sadd.s32 $0x80, s22;
	s8 =	sshll.u32 s5, $0xB;
	s3 =	sand.u32 @!p1 $0x1F, s3  }
0x5b: {  	p2 =	por p2, p1;
	s6 =	sadd.s32 $0x2, s5;
	s10 =	smul.u32 @!p1 $0xC, s3  }
.Ltmp1:
0x5c: {  	s3 =	simm.s32 @!p1 $0x80;
	_ =	swait.ge [sflag:s6], $0x800;
	(pc) =	sbr.rel @p3 .LBB2_4-.Ltmp1, $4  }
0x5d: {  	s7 =	smul.u32 $0xAB, s23;
	s10 =	ssub.s32 @!p1 s11, s10;
	[sflag:s6] =	ssyncset.done $0x0  }
0x5e: {  	s5 =	sadd.s32 $0xE, s5;
	[sflag:s6] =	ssyncadd.s32 $0xFFFFF800;
	s6 =	sand.u32 @!p1 $0xFF, s10  }
0x5f: {  	s11 =	sadd.s32 $0x4F00, s8;
	s8 =	sadd.s32 @!p2 $0xE, s6;
	s10 =	sshll.u32 @!p1 s6, $0xB  }
0x60: {  	[spmem:s2] =	stream.indirect.scatter.add.f32 [tilespmem:s11], [sflag:s5], $0x10, s28, s16, $0xb8;
	[tilespmem:$0xFE00] =	vst v63  }
0x61: {  	_ =	swait.ge @!p2 [sflag:s8], $0x800;
	s5 =	sshrl.u32 s7, $0xB  }
0x62: {  	s7 =	sadd.s32 @!p1 $0x4F00, s10;
	[sflag:s8] =	ssyncset.done @!p2 $0x0;
	s5 =	sand.u32 $0x1F, s5  }
0x63: {  	s6 =	sadd.s32 @!p1 $0x2, s6;
	[sflag:s8] =	ssyncadd.s32 @!p2 $0xFFFFF800;
	s5 =	smul.u32 $0xC, s5  }
0x64: {  	[tilespmem:s7], [sflag:s6] =	stream.indirect.gather @!p1 [hbm4b:s4+s3], $0x10, s25, s3, $0xb8;
	[tilespmem:$0xFE00] =	vst v63  }
0x65: {  	p2 =	sgt.u32 s23, $0x47;
	s8 =	ssub.s32 s23, s5;
	s5 =	sadd.s32 $0x6, s23  }
0x66: {  	s3 =	sand.u32 $0xFF, s8;
	s6 =	smul.u32 @!p2 $0xAB, s5  }
0x67: {  	p1 =	por p2, p2;
	s10 =	sadd.s32 $0x2, s3  }
0x68: {  	s11 =	sshll.u32 s3, $0xB;
	_ =	swait.ge [sflag:s10], $0x800;
	s6 =	sshrl.u32 @!p1 s6, $0xB  }
0x69: {  	s3 =	sadd.s32 $0xE, s3;
	[sflag:s10] =	ssyncset.done $0x0;
	s6 =	sand.u32 @!p1 $0x1F, s6  }
0x6a: {  	s7 =	sadd.s32 $0x4F00, s11;
	[sflag:s10] =	ssyncadd.s32 $0xFFFFF800;
	s6 =	smul.u32 @!p1 $0xC, s6  }
0x6b: {  	[spmem:s2] =	stream.indirect.scatter.add.f32 [tilespmem:s7], [sflag:s3], $0x10, s24, s16, $0xb8;
	[tilespmem:$0xFE00] =	vst v63  }
0x6c: {  	p2 =	slt.u32 @!p2 s23, $0x6;
	s3 =	ssub.s32 @!p1 s5, s6  }
0x6d: {  	p2 =	por p2, p1;
	s3 =	sand.u32 @!p1 $0xFF, s3  }
0x6e: {  	s5 =	sadd.s32 @!p2 $0xE, s3  }
0x6f: {  	s23 =	simm.s32 $0x14;
	_ =	swait.ge @!p2 [sflag:s5], $0x800  }
0x70: {  	s6 =	sshll.u32 @!p1 s3, $0xB;
	s3 =	sadd.s32 @!p1 $0x2, s3;
	[sflag:s5] =	ssyncset.done @!p2 $0x0  }
0x71: {  	s6 =	sadd.s32 @!p1 $0x4F00, s6;
	[sflag:s5] =	ssyncadd.s32 @!p2 $0xFFFFF800;
	s5 =	simm.s32 @!p1 $0x80  }
0x72: {  	[tilespmem:s6], [sflag:s3] =	stream.indirect.gather @!p1 [hbm4b:s4+s5], $0x10, s22, s5, $0xb8;
	[tilespmem:$0xFE00] =	vst v63  }
0x73: {  	_ =	swait.ge [sflag:s23], $0x800  }
0x74: {  	[sflag:s23] =	ssyncset.done $0x0  }
0x75: {  	[sflag:s23] =	ssyncadd.s32 $0xFFFFF800  }
0x76: {  	_ =	swait.ge [sflag:s29], $0x800  }
0x77: {  	[sflag:s29] =	ssyncset.done $0x0  }
0x78: {  	[sflag:s29] =	ssyncadd.s32 $0xFFFFF800  }
0x79: {  	_ =	swait.ge [sflag:s30], $0x800  }
0x7a: {  	[sflag:s30] =	ssyncset.done $0x0  }
0x7b: {  	[sflag:s30] =	ssyncadd.s32 $0xFFFFF800  }
0x7c: {  	_ =	swait.ge [sflag:s31], $0x800  }
0x7d: {  	[sflag:s31] =	ssyncset.done $0x0  }
0x7e: {  	[sflag:s31] =	ssyncadd.s32 $0xFFFFF800  }
0x7f: {  	_ =	swait.ge [sflag:s1], $0x800  }
0x80: {  	[sflag:s1] =	ssyncset.done $0x0  }
0x81: {  	[sflag:s1] =	ssyncadd.s32 $0xFFFFF800  }
0x82: {  	_ =	swait.ge [sflag:s12], $0x800  }
0x83: {  	[sflag:s12] =	ssyncset.done $0x0  }
0x84: {  	[sflag:s12] =	ssyncadd.s32 $0xFFFFF800  }
0x85: {  	_ =	swait.ge [sflag:s13], $0x800  }
0x86: {  	[sflag:s13] =	ssyncset.done $0x0  }
0x87: {  	[sflag:s13] =	ssyncadd.s32 $0xFFFFF800  }
0x88: {  	_ =	swait.ge [sflag:s0], $0x800  }
0x89: {  	[sflag:s0] =	ssyncset.done $0x0  }
0x8a: {  	[sflag:s0] =	ssyncadd.s32 $0xFFFFF800  }
0x8b: {  	_ =	swait.ge [sflag:s17], $0x800  }
0x8c: {  	[sflag:s17] =	ssyncset.done $0x0  }
0x8d: {  	[sflag:s17] =	ssyncadd.s32 $0xFFFFF800  }
0x8e: {  	_ =	swait.ge [sflag:s18], $0x800  }
0x8f: {  	[sflag:s18] =	ssyncset.done $0x0  }
0x90: {  	[sflag:s18] =	ssyncadd.s32 $0xFFFFF800  }
0x91: {  	_ =	swait.ge [sflag:s19], $0x800  }
0x92: {  	[sflag:s19] =	ssyncset.done $0x0  }
0x93: {  	[sflag:s19] =	ssyncadd.s32 $0xFFFFF800  }
0x94: {  	_ =	swait.ge [sflag:s20], $0x800  }
0x95: {  	s3 =	simm.s32 @!p0 $0x80;
	[sflag:s20] =	ssyncset.done $0x0  }
0x96: {  	s5 =	simm.s32 @!p0 $0x2700;
	s6 =	simm.s32 @!p0 $0x4F00;
	[sflag:s20] =	ssyncadd.s32 $0xFFFFF800  }
0x97: {  	[tilespmem:s6], [sflag:$0x2] =	stream.indirect.gather @!p0 [hbm4b:s4+s3], $0x10, s5, s3, $0xb8;
	[tilespmem:$0xFE00] =	vst v63  }
0x98: {  	s5 =	simm.s32 @!p0 $0x2  }
0x99: {  	_ =	swait.ge @!p0 [sflag:s5], $0x800  }
0x9a: {  	[sflag:s5] =	ssyncset.done @!p0 $0x0  }
0x9b: {  	[sflag:s5] =	ssyncadd.s32 @!p0 $0xFFFFF800;
	s5 =	simm.s32 @!p0 $0x4E80  }
0x9c: {  	[spmem:s2] =	stream.indirect.scatter.add.f32 @!p0 [tilespmem:s6], [sflag:$0xE], $0x10, s5, s3, $0xb8;
	[tilespmem:$0xFE00] =	vst v63  }
0x9d: {  	s3 =	simm.s32 @!p0 $0xE  }
0x9e: {  	_ =	swait.ge @!p0 [sflag:s3], $0x800  }
0x9f: {  	[sflag:s3] =	ssyncset.done @!p0 $0x0  }
0xa0: {  	s24 =	stileid.u32;
	[sflag:s3] =	ssyncadd.s32 @!p0 $0xFFFFF800  }
0xa1: {  	s3 =	sshll.u32 s24, $0x6;
	[bflag:$0x0] =	sbarrier.arrive $0xFFFF  }
0xa2: {  	s25 =	sshrl.u32 s9, $0x3;
	s3 =	sor.u32 $0x1C1A, s3;
	s26 =	rddreg [dreg:$0x7]  }
0xa3: {  	[hbm:s26], [sflag:s3] =	dma.local [spmem:s25], $0x4F0  }
0xa4: {  	_ =	swait.ge [sflag:s14], $0x4F0  }
0xa5: {  	s21 =	sadd.s32 $0x1, s21;
	s28 =	rddreg [dreg:$0x8]  }
0xa6: {  	p1 =	sne.s32 s21, s28  }
.Ltmp2:
0xa7: {  	_ = 	snop;
	(pc) =	sbr.rel @p1 .LBB2_1-.Ltmp2, $3  }
0xa8: {  	_ =	sdelay $0x1  }
0xa9: {  	[sflag:s14] =	ssyncset.done $0x0  }
0xaa: {  	[sflag:s14] =	ssyncadd.s32 $0xFFFFFB10  }
0xab: {  	_ =	sfence.sel $0x180000  }
0xac: {  	[bflag:$0x0] =	sbarrier.arrive $0xFFFF  }
0xad: {  	_ =	strace $0x9000004D  }
0xae: {  	s0 =	stileid.u32;
	[bflag:$0x2] =	sbarrier.arrive $0xFFFF  }
0xaf: {  	p0 =	sne.s32 s0, $0x0;
	s0 =	rddreg [dreg:$0x2]  }
0xb0: {  	s0 =	sadd.s32 @!p0 $0x100000, s0  }
0xb1: {  	[sflag:s0] =	ssyncadd.tile.s32 @!p0 $0x1;
	_ =	shalt  }
.Lfunc_end2:
_tile_overlayer_lowered:
.L_overlay_start_2:
0xb2: {  	(tag) =	ssettag $0x2  }
0xb3: {  	s0 =	rddreg [dreg:$0x0];
	s2 =	stileid.u32  }
0xb4: {  	s1 =	rddreg [dreg:$0x1];
	p0 =	sne.s32 s2, $0x0  }
0xb5: {  	s3 =	rddreg [dreg:$0x2];
	[bflag:$0x3] =	sbarrier.arrive $0xFFFF;
	s2 =	simm.s32 @!p0 $0x1C1A  }
0xb6: {  	[timem:s3], [sflag:s2] =	dma.local @!p0 [hbm:s0], s1  }
0xb7: {  	s0 =	simm.s32 @!p0 $0x1A  }
0xb8: {  	_ =	swait.ge @!p0 [sflag:s0], s1  }
0xb9: {  	s1 =	ssub.s32 @!p0 $0x0, s1;
	[sflag:s0] =	ssyncset.done @!p0 $0x0  }
0xba: {  	[sflag:s0] =	ssyncadd.s32 @!p0 s1  }
0xbb: {  	[bflag:$0x3] =	sbarrier.arrive $0xFFFF  }
0xbc: {  	_ =	shalt  }

// kernel: kernel.9.cloned.1.call-start
scs
__scs_entry_jumppad:
0x0: {  	(pc) =	sbr.rel $0x88, $3  }
0x1: {  	(tag) =	ssettag $0x0;
	lr =	simm.s32 $0x1  }
0x2: {  	[smem:$0x3F93] =	sst lr;
	_ =	strace $0xD0000000  }
0x3: {  	_ = 	snop  }
0x4: {  	_ = 	snop  }
0x5: {  	_ = 	snop  }
0x6: {  	_ = 	snop  }
0x7: {  	_ = 	snop  }
__scs_overlays_trampoline_lowered:
0x8: {  	[smem:$0x3FA2] =	sst s0  }
0x9: {  	[smem:$0x3FA3] =	sst s1  }
0xa: {  	[smem:$0x3FA4] =	sst s2  }
0xb: {  	[smem:$0x3FA5] =	sst s3  }
0xc: {  	[smem:$0x3FA6] =	sst s4  }
0xd: {  	[smem:$0x3FA7] =	sst s5  }
0xe: {  	[smem:$0x3FA8] =	sst s6  }
0xf: {  	[smem:$0x3FA9] =	sst s7  }
0x10: {  	[smem:$0x3FAA] =	sst s8  }
0x11: {  	[smem:$0x3FAB] =	sst s9;
	s0 =	simm.s32 @!p0 $0x0  }
0x12: {  	s1 =	sld [smem:$0x3F91];
	s0 =	simm.s32 @p0 $0x1  }
0x13: {  	[smem:$0x3FAC] =	sst s0;
	s0 =	simm.s32 @!p1 $0x0  }
0x14: {  	s2 =	sld [smem:$0x3F90];
	s0 =	simm.s32 @p1 $0x1  }
0x15: {  	[smem:$0x3FAD] =	sst s0;
	s0 =	simm.s32 @!p2 $0x0  }
0x16: {  	s3 =	sld [smem:$0x3FDB];
	s0 =	simm.s32 @p2 $0x1  }
0x17: {  	s4 =	simm.s32 $0x1BF5;
	[smem:$0x3FAF] =	sst s0  }
0x18: {  	s0 =	sld [smem:$0x3F92];
	_ =	swait.ge [sflag:s4], $0x0  }
0x19: {  	s7 =	sld [smem:$0x3F93]  }
0x1a: {  	s8 =	sadd.s32 $0xFFFFE003, lr  }
0x1b: {  	s9 =	sadd.s32 $0xFFFFFEF7, lr;
	s5 =	simm.s32 $0xFFFFFFFF;
	p2 =	slt.u32 s8, $0xFFFFF086  }
0x1c: {  	p1 =	slt.u32 s9, $0xF7A;
	s5 =	simm.s32 @!p2 $0x0  }
0x1d: {  	s5 =	simm.s32 @p1 $0x1;
	p0 =	seq.s32 s7, s2  }
0x1e: {  	s7 =	smul.u32 @!p0 $0xF7A, s2;
	p2 =	seq.s32 @!p0 s5, $0x0  }
0x1f: {  	s9 =	smul.u32 $0xF7A, s1;
	s8 =	simm.s32 @!p0 $0x1BF5;
	p2 =	por !p2, p0  }
0x20: {  	[sflag:s8] =	ssyncset.s32 @!p0 $0xFFFFF086;
	s6 =	sadd.s32 @!p0 s3, s7;
	s7 =	simm.s32 @!p0 $0x108  }
0x21: {  	s3 =	sadd.s32 s3, s9;
	s6 =	sadd.s32 @!p0 $0x88, s6;
	s7 =	simm.s32 @p2 $0x1082  }
0x22: {  	[simem:s7], [sflag:s8] =	dma.local @!p0 [hbm:s6], $0xF7A  }
0x23: {  	s9 =	sor.u32 $0xD0000000, s2;
	s6 =	simm.s32 $0x108;
	_ =	swait.ge @!p0 [sflag:s8], $0x0  }
0x24: {  	s3 =	sadd.s32 $0x88, s3;
	s6 =	simm.s32 @!p1 $0x1082;
	[sflag:s4] =	ssyncset.s32 $0xFFFFF086  }
0x25: {  	[simem:s6], [sflag:s4] =	dma.local [hbm:s3], $0xF7A  }
0x26: {  	[smem:$0x3F93] =	sst s1;
	(tag) =	ssettag s2;
	_ =	strace s9  }
0x27: {  	s1 =	sld [smem:$0x3FA3]  }
0x28: {  	s2 =	sld [smem:$0x3FA4]  }
0x29: {  	s4 =	sld [smem:$0x3FA6]  }
0x2a: {  	p0 =	seq.s32 s5, $0x0;
	s5 =	sld [smem:$0x3FA7]  }
0x2b: {  	s6 =	sld [smem:$0x3FA8]  }
0x2c: {  	s7 =	sld [smem:$0x3FA9]  }
0x2d: {  	s3 =	simm.s32 $0x108;
	s8 =	sld [smem:$0x3FAA]  }
0x2e: {  	s3 =	simm.s32 @!p0 $0x1082;
	s9 =	sld [smem:$0x3FAB]  }
0x2f: {  	lr =	sadd.s32 s0, s3;
	s0 =	sld [smem:$0x3FA2]  }
0x30: {  	s3 =	sld [smem:$0x3FA5]  }
0x31: {  	[smem:$0x3FAE] =	sst s10  }
0x32: {  	s10 =	sld [smem:$0x3FAC];
	_ =	sdelay $0x3  }
0x33: {  	p0 =	seq.s32 s10, $0x1;
	s10 =	sld [smem:$0x3FAE];
	_ =	sdelay $0x3  }
0x34: {  	[smem:$0x3FAE] =	sst s10  }
0x35: {  	s10 =	sld [smem:$0x3FAD];
	_ =	sdelay $0x3  }
0x36: {  	p1 =	seq.s32 s10, $0x1;
	s10 =	sld [smem:$0x3FAE];
	_ =	sdelay $0x3  }
0x37: {  	[smem:$0x3FAE] =	sst s10  }
0x38: {  	s10 =	sld [smem:$0x3FAF]  }
0x39: {  	_ = 	snop;
	(pc) =	sbr.ind lr, $3  }
0x3a: {  	_ = 	snop  }
0x3b: {  	_ = 	snop  }
0x3c: {  	p2 =	seq.s32 s10, $0x1;
	s10 =	sld [smem:$0x3FAE]  }
0x3d: {  	_ =	shalt  }
0x3e: {  	_ =	shalt  }
0x3f: {  	_ =	shalt  }
0x40: {  	_ =	shalt  }
0x41: {  	_ =	shalt  }
0x42: {  	_ =	shalt  }
0x43: {  	_ =	shalt  }
0x44: {  	_ =	shalt  }
0x45: {  	_ =	shalt  }
0x46: {  	_ =	shalt  }
0x47: {  	_ =	shalt  }
0x48: {  	_ =	shalt  }
0x49: {  	_ =	shalt  }
0x4a: {  	_ =	shalt  }
0x4b: {  	_ =	shalt  }
0x4c: {  	_ =	shalt  }
0x4d: {  	_ =	shalt  }
0x4e: {  	_ =	shalt  }
0x4f: {  	_ =	shalt  }
0x50: {  	_ =	shalt  }
0x51: {  	_ =	shalt  }
0x52: {  	_ =	shalt  }
0x53: {  	_ =	shalt  }
0x54: {  	_ =	shalt  }
0x55: {  	_ =	shalt  }
0x56: {  	_ =	shalt  }
0x57: {  	_ =	shalt  }
0x58: {  	_ =	shalt  }
0x59: {  	_ =	shalt  }
0x5a: {  	_ =	shalt  }
0x5b: {  	_ =	shalt  }
0x5c: {  	_ =	shalt  }
0x5d: {  	_ =	shalt  }
0x5e: {  	_ =	shalt  }
0x5f: {  	_ =	shalt  }
0x60: {  	_ =	shalt  }
0x61: {  	_ =	shalt  }
0x62: {  	_ =	shalt  }
0x63: {  	_ =	shalt  }
0x64: {  	_ =	shalt  }
0x65: {  	_ =	shalt  }
0x66: {  	_ =	shalt  }
0x67: {  	_ =	shalt  }
0x68: {  	_ =	shalt  }
0x69: {  	_ =	shalt  }
0x6a: {  	_ =	shalt  }
0x6b: {  	_ =	shalt  }
0x6c: {  	_ =	shalt  }
0x6d: {  	_ =	shalt  }
0x6e: {  	_ =	shalt  }
0x6f: {  	_ =	shalt  }
0x70: {  	_ =	shalt  }
0x71: {  	_ =	shalt  }
0x72: {  	_ =	shalt  }
0x73: {  	_ =	shalt  }
0x74: {  	_ =	shalt  }
0x75: {  	_ =	shalt  }
0x76: {  	_ =	shalt  }
0x77: {  	_ =	shalt  }
0x78: {  	_ =	shalt  }
0x79: {  	_ =	shalt  }
0x7a: {  	_ =	shalt  }
0x7b: {  	_ =	shalt  }
0x7c: {  	_ =	shalt  }
0x7d: {  	_ =	shalt  }
0x7e: {  	_ =	shalt  }
0x7f: {  	_ =	shalt  }
0x80: {  	_ =	shalt  }
0x81: {  	_ =	shalt  }
0x82: {  	_ =	shalt  }
0x83: {  	_ =	shalt  }
0x84: {  	_ =	shalt  }
0x85: {  	_ =	shalt  }
0x86: {  	_ =	shalt  }
0x87: {  	_ =	shalt  }
.Lfunc_end0:
.L_simem_size_0:
called_computation_lowered:
.L_overlay_start_0:
0x88: {  	s2 =	sld [smem:$0x3FD9]  }
0x89: {  	s3 =	sld [smem:$0x3FFE];
	_ =	sdelay $0x1  }
0x8a: {  	s1 =	srdreg.scid  }
0x8b: {  	s0 =	sand.u32 $0x1, s1  }
0x8c: {  	s16 =	sshll.u32 s0, $0xA;
	s2 =	sadd.s32 s3, s2  }
0x8d: {  	s2 =	sadd.s32 s2, s16  }
0x8e: {  	[smem:$0x3FBA] =	sst s2  }
0x8f: {  	_ = 	snop  }
0x90: {  	(tm) =	ssettm $0x1  }
0x91: {  	s17 =	sld [smem:$0x3FFB];
	_ =	sdelay $0x3  }
0x92: {  	_ =	strace s17  }
0x93: {  	s2 =	sld [smem:$0x3FFC];
	_ =	sdelay $0x3  }
0x94: {  	_ =	strace s2  }
0x95: {  	s2 =	sld [smem:$0x3FFD];
	_ =	sdelay $0x3  }
0x96: {  	_ =	strace s2  }
0x97: {  	_ =	strace $0x8FFFFFFF  }
0x98: {  	s18 =	sld [smem:$0x3FDB];
	_ =	sdelay $0x1  }
0x99: {  	s19 =	simm.s32 $_scs_section_size  }
0x9a: {  	s4 =	simm.s32 $_size__tile_overlayer_lowered;
	s5 =	simm.s32 $_tile_overlayer_lowered  }
0x9b: {  	s22 =	simm.s32 $0x1BFF;
	s21 =	sshll.u32 s5, $0x1;
	s2 =	sadd.s32 s19, s18  }
0x9c: {  	s6 =	simm.s32 $0x0;
	s20 =	sshll.u32 s4, $0x1;
	s4 =	sadd.s32 s21, s2  }
0x9d: {  	[timem:s6], [sflag:s22] =	dma.local [hbm:s4], s20  }
0x9e: {  	_ =	swait.ge [sflag:s22], s20  }
0x9f: {  	s3 =	ssub.s32 $0x0, s20;
	[sflag:s22] =	ssyncset.done $0x0  }
0xa0: {  	[sflag:s22] =	ssyncadd.s32 s3;
	_ =	sdelay $0x1  }
0xa1: {  	s23 =	simm.s32 $0x1B8B  }
0xa2: {  	_ =	swait.ge [sflag:s23], $0x1  }
0xa3: {  	[sflag:s23] =	ssyncset.done $0x0  }
0xa4: {  	s25 =	simm.s32 $0x1B8E;
	s24 =	sld [smem:$0x3FFE];
	[sflag:s23] =	ssyncadd.s32 $0xFFFFFFFF  }
0xa5: {  	s26 =	simm.s32 $execute0_lowered;
	[smem:$0x3FD2] =	sst s25  }
0xa6: {  	s4 =	sshll.u32 s26, $0x1;
	_ =	strace $0x80000046;
	[dreg:$0x1] =	wrdreg $0xFFFFFFFF  }
0xa7: {  	s28 =	simm.s32 $_size_execute0_lowered;
	s2 =	sadd.s32 s2, s4;
	[dreg:$0x0] =	wrdreg $0x0  }
0xa8: {  	s4 =	sshll.u32 s28, $0x1;
	[dreg:$0x2] =	wrdreg s2  }
0xa9: {  	[dreg:$0x3] =	wrdreg s4  }
0xaa: {  	[dreg:$0x4] =	wrdreg $0xC0  }
0xab: {  	_ =	task [dreg:s6], $0x5FFFF  }
0xac: {  	[dreg:$0x1] =	wrdreg $0xFFFFFFFF  }
0xad: {  	[dreg:$0x0] =	wrdreg $0x60  }
0xae: {  	[dreg:$0x2] =	wrdreg s24  }
0xaf: {  	[dreg:$0x3] =	wrdreg $0xD6800  }
0xb0: {  	[dreg:$0x4] =	wrdreg $0x9  }
0xb1: {  	_ =	task.clear_ibuf [dreg:s6], $0x5FFFF;
	_ =	strace $0x90000046  }
0xb2: {  	s29 =	simm.s32 $0x9;
	_ =	strace $0x80000048  }
0xb3: {  	_ =	swait.ge [sflag:s29], $0x1  }
0xb4: {  	[sflag:s29] =	ssyncadd.s32 $0xFFFFFFFF  }
0xb5: {  	_ =	strace $0x90000048  }
0xb6: {  	_ =	sfence  }
0xb7: {  	s30 =	sld [smem:$0x0];
	_ =	sdelay $0x2  }
0xb8: {  	s31 =	sshll.u32 s1, $0xD;
	s1 =	sshrl.u32 s1, $0x2  }
0xb9: {  	s3 =	sand.u32 $0x4000, s31;
	s1 =	sadd.s32 s1, s30  }
0xba: {  	s0 =	sor.u32 s3, s0;
	s1 =	sshll.u32 s1, $0x11  }
0xbb: {  	s0 =	sor.u32 s1, s0  }
0xbc: {  	s0 =	sadd.s32 $0x8F2B, s0  }
0xbd: {  	[sflag:s0] =	ssyncadd.remote.s32 $0x1  }
0xbe: {  	_ =	sfence.sel $0xFFFF  }
0xbf: {  	[dreg:$0x0] =	wrdreg $0xFFFFFFFF;
	(pc) =	sbr.abs _section_cstart, $3  }
0xc0: {  	[dreg:$0x1] =	wrdreg $0xFFFFFFFF  }
0xc1: {  	_ =	task.clear_ibuf [dreg:s6], $0x2FFFF;
	_ =	strace $0x9FFFFFFF  }
0xc2: {  	(tm) =	ssettm $0x7FFFFFFF  }
0xc3: {  	_ =	shalt  }
tec
execute0_lowered:
.L_overlay_start_1:
0x0: {  	(tag) =	ssettag $0x1  }
0x1: {  	s0 =	srdreg.scid;
	s1 =	rddreg [dreg:$0x0]  }
0x2: {  	s9 =	stileid.u32;
	s2 =	rddreg [dreg:$0x1];
	s6 =	simm.s32 $0x0  }
0x3: {  	s14 =	simm.s32 $0x1A;
	s15 =	simm.s32 $0x1;
	s16 =	simm.s32 $0x80  }
0x4: {  	s29 =	simm.s32 $0x15;
	s30 =	simm.s32 $0x16;
	s31 =	simm.s32 $0x17  }
0x5: {  	s12 =	simm.s32 $0x19;
	s13 =	simm.s32 $0xE;
	s17 =	simm.s32 $0x10  }
0x6: {  	s18 =	simm.s32 $0x11;
	s19 =	simm.s32 $0x12;
	s20 =	simm.s32 $0x13  }
0x7: {  	s0 =	sand.u32 $0x1, s0;
	s3 =	smul.u32 $0x2780, s9;
	[smem:$0x7FF] =	sst s6  }
0x8: {  	s8 =	sadd.s32 $0x3A00, s1;
	s24 =	sshll.u32 s9, $0x4;
	s5 =	sshll.u32 s0, $0x4  }
0x9: {  	s4 =	smul.u32 $0x27800, s0;
	s0 =	ssub.s32 $0x2, s0;
	s21 =	sor.u32 s9, s5  }
0xa: {  	_ =	strace $0x80000047;
	s25 =	sshrl.u32 s0, $0x1;
	s7 =	smul.u32 $0x2700, s21  }
0xb: {  	s9 =	sadd.s32 s3, s2;
	s4 =	sadd.s32 s3, s4;
	s0 =	ssub.s32 s0, s25  }
0xc: {  	s22 =	sshrl.u32 s4, $0x3;
	s0 =	smax.u32 s0, $0x1;
	s23 =	sshrl.u32 s7, $0x3  }
0xd: {  	s7 =	sadd.s32 s24, s8;
	[dreg:$0x8] =	wrdreg s0;
	s5 =	sadd.s32 s8, s23  }
0xe: {  	s4 =	sadd.s32 $0x17400, s1;
	s26 =	sadd.s32 $0x9C00, s7;
	[dreg:$0x3] =	wrdreg s5  }
0xf: {  	s1 =	sadd.s32 s22, s1;
	s28 =	sadd.s32 $0x13840, s7;
	[dreg:$0x5] =	wrdreg s26  }
0x10: {  	p0 =	sgt.u32 s21, $0x3;
	s1 =	sadd.s32 $0x1C400, s1;
	[dreg:$0x6] =	wrdreg s28  }
0x11: {  	s21 =	simm.s32 $0x0;
	s5 =	sadd.s32 $0x9C40, s5;
	[dreg:$0x7] =	wrdreg s1  }
0x12: {  	v0 =	vimm.f32 $0.0e+00;
	s0 =	simm.s32 $0xF;
	s1 =	simm.s32 $0x18;
	[dreg:$0x4] =	wrdreg s5  }
.LBB2_1:
0x13: {  	s3 =	simm.s32 $0x0;
	s5 =	rddreg [dreg:$0x3]  }
0x14: {  	[tilespmem:s3], [sflag:$0x1] =	stream.linear.gather [hbm4b:s5+s3], $0x2700, $0x38;
	[tilespmem:$0xFE00] =	vst v63  }
0x15: {  	s28 =	rddreg [dreg:$0x4];
	s6 =	simm.s32 $0x2780  }
0x16: {  	[tilespmem:s6], [sflag:$0x1] =	stream.linear.gather [hbm4b:s28+s3], $0x2700, $0x38;
	[tilespmem:$0xFE00] =	vst v63  }
0x17: {  	s5 =	rddreg [dreg:$0x5];
	s3 =	simm.s32 @!p0 $0x0;
	s6 =	simm.s32 @!p0 $0x2700  }
0x18: {  	[tilespmem:s6], [sflag:$0x1] =	stream.linear.gather @!p0 [hbm4b:s5+s3], $0x80, $0x38;
	[tilespmem:$0xFE00] =	vst v63  }
0x19: {  	s6 =	simm.s32 @!p0 $0x4E80;
	s5 =	rddreg [dreg:$0x6]  }
0x1a: {  	[tilespmem:s6], [sflag:$0x1] =	stream.linear.gather @!p0 [hbm4b:s5+s3], $0x80, $0x38;
	[tilespmem:$0xFE00] =	vst v63  }
0x1b: {  	s3 =	simm.s32 $0xAF40  }
0x1c: {  	[tilespmem:s3+$0xFFFFFFC0] =	vst v0  }
0x1d: {  	[tilespmem:s3+$0x30] =	vst v0  }
0x1e: {  	[tilespmem:s3+$0x20] =	vst v0  }
0x1f: {  	[tilespmem:s3+$0x10] =	vst v0  }
0x20: {  	[tilespmem:s3+$0x0] =	vst v0  }
0x21: {  	[tilespmem:s3+$0xFFFFFFF0] =	vst v0  }
0x22: {  	s6 =	simm.s32 $0x0;
	[tilespmem:s3+$0xFFFFFFE0] =	vst v0  }
.LBB2_2:
0x23: {  	s6 =	sadd.s32 $0x8, s6;
	[tilespmem:s3+$0xFFFFFFD0] =	vst v0;
	s3 =	sadd.s32 $0x80, s3  }
0x24: {  	[tilespmem:s3+$0xFFFFFFC0] =	vst v0;
	p1 =	slt.u32 s6, $0x270  }
0x25: {  	[tilespmem:s3+$0x30] =	vst v0  }
.Ltmp0:
0x26: {  	[tilespmem:s3+$0x20] =	vst v0;
	(pc) =	sbr.rel @p1 .LBB2_2-.Ltmp0, $4  }
0x27: {  	[tilespmem:s3+$0x10] =	vst v0  }
0x28: {  	[tilespmem:s3+$0x0] =	vst v0  }
0x29: {  	[tilespmem:s3+$0xFFFFFFF0] =	vst v0  }
0x2a: {  	[tilespmem:s3+$0xFFFFFFE0] =	vst v0  }
0x2b: {  	[tilespmem:s3+$0xFFFFFFD0] =	vst v0;
	s6 =	simm.s32 $0xAF00  }
0x2c: {  	[spmem:s9] =	stream.linear.scatter [tilespmem:s6], [sflag:$0x1A], $0x2780, $0x38;
	[tilespmem:$0xFE00] =	vst v63  }
0x2d: {  	_ =	swait.ge [sflag:s14], $0x2780  }
0x2e: {  	[sflag:s14] =	ssyncset.done $0x0  }
0x2f: {  	[sflag:s14] =	ssyncadd.s32 $0xFFFFD880  }
0x30: {  	_ =	swait.ge [sflag:s15], $0x2700  }
0x31: {  	[sflag:s15] =	ssyncset.done $0x0  }
0x32: {  	[sflag:s15] =	ssyncadd.s32 $0xFFFFD900  }
0x33: {  	_ =	swait.ge [sflag:s15], $0x2700  }
0x34: {  	[sflag:s15] =	ssyncset.done $0x0  }
0x35: {  	s3 =	simm.s32 @!p0 $0x1;
	[sflag:s15] =	ssyncadd.s32 $0xFFFFD900  }
0x36: {  	_ =	swait.ge @!p0 [sflag:s3], $0x80  }
0x37: {  	[sflag:s3] =	ssyncset.done @!p0 $0x0  }
0x38: {  	[sflag:s3] =	ssyncadd.s32 @!p0 $0xFFFFFF80  }
0x39: {  	_ =	swait.ge @!p0 [sflag:s3], $0x80  }
0x3a: {  	s7 =	simm.s32 $0x0;
	s5 =	simm.s32 $0x4F00;
	[sflag:s3] =	ssyncset.done @!p0 $0x0  }
0x3b: {  	s8 =	simm.s32 $0x5700;
	s10 =	simm.s32 $0x100;
	[sflag:s3] =	ssyncadd.s32 @!p0 $0xFFFFFF80  }
0x3c: {  	s11 =	simm.s32 $0x180;
	s3 =	smul.u32 $0xAB, s7;
	[bflag:$0x0] =	sbarrier.arrive $0xFFFF  }
0x3d: {  	[tilespmem:s5], [sflag:$0x2] =	stream.indirect.gather [hbm4b:s4+s16], $0x10, s7, s16, $0xb8;
	[tilespmem:$0xFE00] =	vst v63  }
0x3e: {  	s22 =	simm.s32 $0x6700;
	s23 =	simm.s32 $0x200;
	s3 =	sshrl.u32 s3, $0xB  }
0x3f: {  	s24 =	simm.s32 $0x6F00;
	s25 =	simm.s32 $0x280;
	s3 =	sand.u32 $0x1F, s3  }
0x40: {  	[tilespmem:s8], [sflag:$0x3] =	stream.indirect.gather [hbm4b:s4+s16], $0x10, s16, s16, $0xb8;
	[tilespmem:$0xFE00] =	vst v63  }
0x41: {  	s26 =	simm.s32 $0x7700;
	s6 =	simm.s32 $0x5F00;
	s3 =	smul.u32 $0xC, s3  }
0x42: {  	[tilespmem:s6], [sflag:$0x4] =	stream.indirect.gather [hbm4b:s4+s16], $0x10, s10, s16, $0xb8;
	[tilespmem:$0xFE00] =	vst v63  }
0x43: {  	p2 =	por $0x0, $0x0;
	s6 =	simm.s32 $0x6;
	s3 =	ssub.s32 $0x0, s3  }
0x44: {  	p1 =	por p2, p2;
	s6 =	smul.u32 @!p2 $0xAB, s6;
	s3 =	sand.u32 $0xFF, s3  }
0x45: {  	[tilespmem:s22], [sflag:$0x5] =	stream.indirect.gather [hbm4b:s4+s16], $0x10, s11, s16, $0xb8;
	[tilespmem:$0xFE00] =	vst v63  }
0x46: {  	s7 =	simm.s32 $0x2780;
	p2 =	por @!p2 $0x1, $0x1;
	s8 =	sadd.s32 $0x2, s3  }
0x47: {  	s10 =	sshll.u32 s3, $0xB;
	s22 =	simm.s32 $0x380;
	s6 =	sshrl.u32 @!p1 s6, $0xB  }
0x48: {  	[tilespmem:s24], [sflag:$0x6] =	stream.indirect.gather [hbm4b:s4+s16], $0x10, s23, s16, $0xb8;
	[tilespmem:$0xFE00] =	vst v63  }
0x49: {  	s3 =	sadd.s32 $0xE, s3;
	p2 =	por p2, p1;
	s6 =	sand.u32 @!p1 $0x1F, s6  }
0x4a: {  	s28 =	sadd.s32 $0x4F00, s10;
	s23 =	simm.s32 $0x1;
	s6 =	smul.u32 @!p1 $0xC, s6  }
0x4b: {  	[tilespmem:s26], [sflag:$0x7] =	stream.indirect.gather [hbm4b:s4+s16], $0x10, s25, s16, $0xb8;
	[tilespmem:$0xFE00] =	vst v63  }
0x4c: {  	s24 =	simm.s32 $0x2800;
	_ =	swait.ge [sflag:s8], $0x800;
	s6 =	ssub.s32 @!p1 $0x6, s6  }
0x4d: {  	s25 =	simm.s32 $0x300;
	[sflag:s8] =	ssyncset.done $0x0;
	s6 =	sand.u32 @!p1 $0xFF, s6  }
0x4e: {  	s26 =	simm.s32 $0x2;
	[sflag:s8] =	ssyncadd.s32 $0xFFFFF800;
	s8 =	sadd.s32 @!p2 $0xE, s6  }
0x4f: {  	[spmem:s2] =	stream.indirect.scatter.add.f32 [tilespmem:s28], [sflag:s3], $0x10, s7, s16, $0xb8;
	[tilespmem:$0xFE00] =	vst v63  }
0x50: {  	s10 =	sshll.u32 @!p1 s6, $0xB;
	s3 =	simm.s32 @!p1 $0x80;
	s7 =	smul.u32 $0xAB, s23  }
.LBB2_4:
0x51: {  	s11 =	sadd.s32 $0x6, s23;
	p4 =	sgt.u32 s23, $0x47  }
0x52: {  	_ =	swait.ge @!p2 [sflag:s8], $0x800;
	s5 =	smov.u32 s26;
	s28 =	smov.u32 s24  }
0x53: {  	s7 =	sshrl.u32 s7, $0xB;
	s10 =	sadd.s32 @!p1 $0x4F00, s10;
	[sflag:s8] =	ssyncset.done @!p2 $0x0  }
0x54: {  	s6 =	sadd.s32 @!p1 $0x2, s6;
	s7 =	sand.u32 $0x1F, s7;
	[sflag:s8] =	ssyncadd.s32 @!p2 $0xFFFFF800  }
0x55: {  	[tilespmem:s10], [sflag:s6] =	stream.indirect.gather @!p1 [hbm4b:s4+s3], $0x10, s25, s3, $0xb8;
	[tilespmem:$0xFE00] =	vst v63  }
0x56: {  	s26 =	sadd.s32 $0x1, s26;
	p2 =	slt.u32 @!p4 s23, $0x6;
	s3 =	smul.u32 $0xC, s7  }
0x57: {  	p3 =	sne.s32 s26, $0x4E;
	s6 =	smul.u32 @!p4 $0xAB, s11;
	s25 =	smov.u32 s22  }
0x58: {  	p1 =	por p4, p4;
	s3 =	ssub.s32 s23, s3;
	s23 =	smov.u32 s5  }
0x59: {  	s24 =	sadd.s32 $0x80, s24;
	s5 =	sand.u32 $0xFF, s3;
	s3 =	sshrl.u32 @!p1 s6, $0xB  }
0x5a: {  	s22 =	sadd.s32 $0x80, s22;
	s8 =	sshll.u32 s5, $0xB;
	s3 =	sand.u32 @!p1 $0x1F, s3  }
0x5b: {  	p2 =	por p2, p1;
	s6 =	sadd.s32 $0x2, s5;
	s10 =	smul.u32 @!p1 $0xC, s3  }
.Ltmp1:
0x5c: {  	s3 =	simm.s32 @!p1 $0x80;
	_ =	swait.ge [sflag:s6], $0x800;
	(pc) =	sbr.rel @p3 .LBB2_4-.Ltmp1, $4  }
0x5d: {  	s7 =	smul.u32 $0xAB, s23;
	s10 =	ssub.s32 @!p1 s11, s10;
	[sflag:s6] =	ssyncset.done $0x0  }
0x5e: {  	s5 =	sadd.s32 $0xE, s5;
	[sflag:s6] =	ssyncadd.s32 $0xFFFFF800;
	s6 =	sand.u32 @!p1 $0xFF, s10  }
0x5f: {  	s11 =	sadd.s32 $0x4F00, s8;
	s8 =	sadd.s32 @!p2 $0xE, s6;
	s10 =	sshll.u32 @!p1 s6, $0xB  }
0x60: {  	[spmem:s2] =	stream.indirect.scatter.add.f32 [tilespmem:s11], [sflag:s5], $0x10, s28, s16, $0xb8;
	[tilespmem:$0xFE00] =	vst v63  }
0x61: {  	_ =	swait.ge @!p2 [sflag:s8], $0x800;
	s5 =	sshrl.u32 s7, $0xB  }
0x62: {  	s7 =	sadd.s32 @!p1 $0x4F00, s10;
	[sflag:s8] =	ssyncset.done @!p2 $0x0;
	s5 =	sand.u32 $0x1F, s5  }
0x63: {  	s6 =	sadd.s32 @!p1 $0x2, s6;
	[sflag:s8] =	ssyncadd.s32 @!p2 $0xFFFFF800;
	s5 =	smul.u32 $0xC, s5  }
0x64: {  	[tilespmem:s7], [sflag:s6] =	stream.indirect.gather @!p1 [hbm4b:s4+s3], $0x10, s25, s3, $0xb8;
	[tilespmem:$0xFE00] =	vst v63  }
0x65: {  	p2 =	sgt.u32 s23, $0x47;
	s8 =	ssub.s32 s23, s5;
	s5 =	sadd.s32 $0x6, s23  }
0x66: {  	s3 =	sand.u32 $0xFF, s8;
	s6 =	smul.u32 @!p2 $0xAB, s5  }
0x67: {  	p1 =	por p2, p2;
	s10 =	sadd.s32 $0x2, s3  }
0x68: {  	s11 =	sshll.u32 s3, $0xB;
	_ =	swait.ge [sflag:s10], $0x800;
	s6 =	sshrl.u32 @!p1 s6, $0xB  }
0x69: {  	s3 =	sadd.s32 $0xE, s3;
	[sflag:s10] =	ssyncset.done $0x0;
	s6 =	sand.u32 @!p1 $0x1F, s6  }
0x6a: {  	s7 =	sadd.s32 $0x4F00, s11;
	[sflag:s10] =	ssyncadd.s32 $0xFFFFF800;
	s6 =	smul.u32 @!p1 $0xC, s6  }
0x6b: {  	[spmem:s2] =	stream.indirect.scatter.add.f32 [tilespmem:s7], [sflag:s3], $0x10, s24, s16, $0xb8;
	[tilespmem:$0xFE00] =	vst v63  }
0x6c: {  	p2 =	slt.u32 @!p2 s23, $0x6;
	s3 =	ssub.s32 @!p1 s5, s6  }
0x6d: {  	p2 =	por p2, p1;
	s3 =	sand.u32 @!p1 $0xFF, s3  }
0x6e: {  	s5 =	sadd.s32 @!p2 $0xE, s3  }
0x6f: {  	s23 =	simm.s32 $0x14;
	_ =	swait.ge @!p2 [sflag:s5], $0x800  }
0x70: {  	s6 =	sshll.u32 @!p1 s3, $0xB;
	s3 =	sadd.s32 @!p1 $0x2, s3;
	[sflag:s5] =	ssyncset.done @!p2 $0x0  }
0x71: {  	s6 =	sadd.s32 @!p1 $0x4F00, s6;
	[sflag:s5] =	ssyncadd.s32 @!p2 $0xFFFFF800;
	s5 =	simm.s32 @!p1 $0x80  }
0x72: {  	[tilespmem:s6], [sflag:s3] =	stream.indirect.gather @!p1 [hbm4b:s4+s5], $0x10, s22, s5, $0xb8;
	[tilespmem:$0xFE00] =	vst v63  }
0x73: {  	_ =	swait.ge [sflag:s23], $0x800  }
0x74: {  	[sflag:s23] =	ssyncset.done $0x0  }
0x75: {  	[sflag:s23] =	ssyncadd.s32 $0xFFFFF800  }
0x76: {  	_ =	swait.ge [sflag:s29], $0x800  }
0x77: {  	[sflag:s29] =	ssyncset.done $0x0  }
0x78: {  	[sflag:s29] =	ssyncadd.s32 $0xFFFFF800  }
0x79: {  	_ =	swait.ge [sflag:s30], $0x800  }
0x7a: {  	[sflag:s30] =	ssyncset.done $0x0  }
0x7b: {  	[sflag:s30] =	ssyncadd.s32 $0xFFFFF800  }
0x7c: {  	_ =	swait.ge [sflag:s31], $0x800  }
0x7d: {  	[sflag:s31] =	ssyncset.done $0x0  }
0x7e: {  	[sflag:s31] =	ssyncadd.s32 $0xFFFFF800  }
0x7f: {  	_ =	swait.ge [sflag:s1], $0x800  }
0x80: {  	[sflag:s1] =	ssyncset.done $0x0  }
0x81: {  	[sflag:s1] =	ssyncadd.s32 $0xFFFFF800  }
0x82: {  	_ =	swait.ge [sflag:s12], $0x800  }
0x83: {  	[sflag:s12] =	ssyncset.done $0x0  }
0x84: {  	[sflag:s12] =	ssyncadd.s32 $0xFFFFF800  }
0x85: {  	_ =	swait.ge [sflag:s13], $0x800  }
0x86: {  	[sflag:s13] =	ssyncset.done $0x0  }
0x87: {  	[sflag:s13] =	ssyncadd.s32 $0xFFFFF800  }
0x88: {  	_ =	swait.ge [sflag:s0], $0x800  }
0x89: {  	[sflag:s0] =	ssyncset.done $0x0  }
0x8a: {  	[sflag:s0] =	ssyncadd.s32 $0xFFFFF800  }
0x8b: {  	_ =	swait.ge [sflag:s17], $0x800  }
0x8c: {  	[sflag:s17] =	ssyncset.done $0x0  }
0x8d: {  	[sflag:s17] =	ssyncadd.s32 $0xFFFFF800  }
0x8e: {  	_ =	swait.ge [sflag:s18], $0x800  }
0x8f: {  	[sflag:s18] =	ssyncset.done $0x0  }
0x90: {  	[sflag:s18] =	ssyncadd.s32 $0xFFFFF800  }
0x91: {  	_ =	swait.ge [sflag:s19], $0x800  }
0x92: {  	[sflag:s19] =	ssyncset.done $0x0  }
0x93: {  	[sflag:s19] =	ssyncadd.s32 $0xFFFFF800  }
0x94: {  	_ =	swait.ge [sflag:s20], $0x800  }
0x95: {  	s3 =	simm.s32 @!p0 $0x80;
	[sflag:s20] =	ssyncset.done $0x0  }
0x96: {  	s5 =	simm.s32 @!p0 $0x2700;
	s6 =	simm.s32 @!p0 $0x4F00;
	[sflag:s20] =	ssyncadd.s32 $0xFFFFF800  }
0x97: {  	[tilespmem:s6], [sflag:$0x2] =	stream.indirect.gather @!p0 [hbm4b:s4+s3], $0x10, s5, s3, $0xb8;
	[tilespmem:$0xFE00] =	vst v63  }
0x98: {  	s5 =	simm.s32 @!p0 $0x2  }
0x99: {  	_ =	swait.ge @!p0 [sflag:s5], $0x800  }
0x9a: {  	[sflag:s5] =	ssyncset.done @!p0 $0x0  }
0x9b: {  	[sflag:s5] =	ssyncadd.s32 @!p0 $0xFFFFF800;
	s5 =	simm.s32 @!p0 $0x4E80  }
0x9c: {  	[spmem:s2] =	stream.indirect.scatter.add.f32 @!p0 [tilespmem:s6], [sflag:$0xE], $0x10, s5, s3, $0xb8;
	[tilespmem:$0xFE00] =	vst v63  }
0x9d: {  	s3 =	simm.s32 @!p0 $0xE  }
0x9e: {  	_ =	swait.ge @!p0 [sflag:s3], $0x800  }
0x9f: {  	[sflag:s3] =	ssyncset.done @!p0 $0x0  }
0xa0: {  	s24 =	stileid.u32;
	[sflag:s3] =	ssyncadd.s32 @!p0 $0xFFFFF800  }
0xa1: {  	s3 =	sshll.u32 s24, $0x6;
	[bflag:$0x0] =	sbarrier.arrive $0xFFFF  }
0xa2: {  	s25 =	sshrl.u32 s9, $0x3;
	s3 =	sor.u32 $0x1C1A, s3;
	s26 =	rddreg [dreg:$0x7]  }
0xa3: {  	[hbm:s26], [sflag:s3] =	dma.local [spmem:s25], $0x4F0  }
0xa4: {  	_ =	swait.ge [sflag:s14], $0x4F0  }
0xa5: {  	s21 =	sadd.s32 $0x1, s21;
	s28 =	rddreg [dreg:$0x8]  }
0xa6: {  	p1 =	sne.s32 s21, s28  }
.Ltmp2:
0xa7: {  	_ = 	snop;
	(pc) =	sbr.rel @p1 .LBB2_1-.Ltmp2, $3  }
0xa8: {  	_ =	sdelay $0x1  }
0xa9: {  	[sflag:s14] =	ssyncset.done $0x0  }
0xaa: {  	[sflag:s14] =	ssyncadd.s32 $0xFFFFFB10  }
0xab: {  	_ =	sfence.sel $0x180000  }
0xac: {  	[bflag:$0x0] =	sbarrier.arrive $0xFFFF  }
0xad: {  	_ =	strace $0x90000047  }
0xae: {  	s0 =	stileid.u32;
	[bflag:$0x2] =	sbarrier.arrive $0xFFFF  }
0xaf: {  	p0 =	sne.s32 s0, $0x0;
	s0 =	rddreg [dreg:$0x2]  }
0xb0: {  	s0 =	sadd.s32 @!p0 $0x100000, s0  }
0xb1: {  	[sflag:s0] =	ssyncadd.tile.s32 @!p0 $0x1;
	_ =	shalt  }
.Lfunc_end2:
_tile_overlayer_lowered:
.L_overlay_start_2:
0xb2: {  	(tag) =	ssettag $0x2  }
0xb3: {  	s0 =	rddreg [dreg:$0x0];
	s2 =	stileid.u32  }
0xb4: {  	s1 =	rddreg [dreg:$0x1];
	p0 =	sne.s32 s2, $0x0  }
0xb5: {  	s3 =	rddreg [dreg:$0x2];
	[bflag:$0x3] =	sbarrier.arrive $0xFFFF;
	s2 =	simm.s32 @!p0 $0x1C1A  }
0xb6: {  	[timem:s3], [sflag:s2] =	dma.local @!p0 [hbm:s0], s1  }
0xb7: {  	s0 =	simm.s32 @!p0 $0x1A  }
0xb8: {  	_ =	swait.ge @!p0 [sflag:s0], s1  }
0xb9: {  	s1 =	ssub.s32 @!p0 $0x0, s1;
	[sflag:s0] =	ssyncset.done @!p0 $0x0  }
0xba: {  	[sflag:s0] =	ssyncadd.s32 @!p0 s1  }
0xbb: {  	[bflag:$0x3] =	sbarrier.arrive $0xFFFF  }
0xbc: {  	_ =	shalt  }

</sc_bundles>
